<compile_context>
chip_gen: v7x
topology: tpu7x:2x2x1
jax: 0.10.2.dev20260603
libtpu: 0.0.44.dev20260713+nightly
codegen_flags: <defaults>
</compile_context>

<pallas_src>
import functools

import jax
import jax.numpy as jnp
from jax import lax
from jax.experimental import pallas as pl
from jax.experimental.pallas import tpu as pltpu
from jax.experimental.pallas import tpu_sc as plsc

N = 10000
E = 320000
D = 128
H = 256
O = 128
HH = H // 2

NC = 2
NS = 16
LANES = 16

NPAD = 10240
RPT = NPAD // NS

SEG_C = 128
SEG_IBUF = 4
EPT = 20480
EP = EPT * NS
SEG_NCHUNK = EPT // SEG_C

DEG_E = E // (NC * NS)
DEG_C = 80
DEG_NCHUNK = DEG_E // DEG_C
DEG_NBUF = 5
DEG_NOUTER = DEG_NCHUNK // DEG_NBUF

_mesh = plsc.VectorSubcoreMesh(core_axis_name="c", subcore_axis_name="s")


def _zero_vmem_1d(ref, nwords):
    def body(i, _):
        ref[pl.ds(i * LANES, LANES)] = jnp.zeros((LANES,), jnp.float32)
        return 0
    lax.fori_loop(0, nwords // LANES, body, 0)


def _deg_body(dst_hbm, out_hbm, deg_sh,
              db0, db1, db2, db3, db4, ones, rbuf,
              ds0, ds1, ds2, ds3, ds4):
    c = lax.axis_index("c")
    s = lax.axis_index("s")
    tid = c * NS + s
    dibs = (db0, db1, db2, db3, db4)
    sems = (ds0, ds1, ds2, ds3, ds4)

    seg = NPAD // NS
    r0 = s * seg
    _zero_vmem_1d(rbuf, seg)
    pltpu.sync_copy(rbuf, deg_sh.at[pl.ds(r0, seg)])

    def fill_ones(i, _):
        ones[pl.ds(i * LANES, LANES)] = jnp.ones((LANES,), jnp.float32)
        return 0
    lax.fori_loop(0, DEG_C // LANES, fill_ones, 0)
    plsc.subcore_barrier()

    base = tid * DEG_E

    def load_idx(k, b):
        pltpu.async_copy(dst_hbm.at[pl.ds(base + k * DEG_C, DEG_C)],
                         dibs[b], sems[b])

    for b in range(DEG_NBUF):
        load_idx(b, b)

    def outer(ko, _):
        for b in range(DEG_NBUF):
            k = ko * DEG_NBUF + b
            pltpu.make_async_copy(
                dst_hbm.at[pl.ds(base + k * DEG_C, DEG_C)], dibs[b], sems[b]
            ).wait()
            pltpu.sync_copy(ones, deg_sh.at[dibs[b]], add=True)
            kp = k + DEG_NBUF

            @pl.when(kp < DEG_NCHUNK)
            def _():
                load_idx(kp, b)
        return 0

    lax.fori_loop(0, DEG_NOUTER, outer, 0)
    plsc.subcore_barrier()
    pltpu.sync_copy(deg_sh.at[pl.ds(r0, seg)], out_hbm.at[c, pl.ds(r0, seg)])


_deg_call = pl.kernel(
    _deg_body,
    out_type=jax.ShapeDtypeStruct((NC, NPAD), jnp.float32),
    mesh=_mesh,
    scratch_types=(
        [pltpu.VMEM_SHARED((NPAD,), jnp.float32)]
        + [pltpu.VMEM((DEG_C,), jnp.int32) for _ in range(DEG_NBUF)]
        + [pltpu.VMEM((DEG_C,), jnp.float32),
           pltpu.VMEM((NPAD // NS,), jnp.float32)]
        + [pltpu.SemaphoreType.DMA for _ in range(DEG_NBUF)]
    ),
)


def _seg_body(hp_hbm, src_hbm, dst_hbm, out_hbm, acc,
              sib0, sib1, sib2, sib3, dib0, dib1, dib2, dib3,
              rb0, rb1, gs0, gs1, is0, is1, is2, is3):
    c = lax.axis_index("c")
    s = lax.axis_index("s")
    sibs = (sib0, sib1, sib2, sib3)
    dibs = (dib0, dib1, dib2, dib3)
    rbs = (rb0, rb1)
    gsems = (gs0, gs1)
    isems = (is0, is1, is2, is3)

    def zrb(i, _):
        rb0[i // (HH // LANES),
            pl.ds((i % (HH // LANES)) * LANES, LANES)] = (
                jnp.zeros((LANES,), jnp.float32))
        return 0
    lax.fori_loop(0, SEG_C * HH // LANES, zrb, 0)
    r0 = s * RPT
    for j in range(RPT // SEG_C):
        pltpu.sync_copy(rb0, acc.at[pl.ds(r0 + j * SEG_C, SEG_C)])
    plsc.subcore_barrier()

    base = s * EPT
    off = c * N

    def idx_load(q, p):
        pltpu.async_copy(src_hbm.at[pl.ds(base + q * SEG_C, SEG_C)],
                         sibs[p], isems[p])
        pltpu.async_copy(dst_hbm.at[pl.ds(base + q * SEG_C, SEG_C)],
                         dibs[p], isems[p])

    def idx_wait(p):
        pltpu.make_async_copy(src_hbm.at[pl.ds(0, SEG_C)], sibs[p],
                              isems[p]).wait()
        pltpu.make_async_copy(dst_hbm.at[pl.ds(0, SEG_C)], dibs[p],
                              isems[p]).wait()

    def rebase_and_gather(p, b):
        for i in range(SEG_C // LANES):
            sl = pl.ds(i * LANES, LANES)
            sibs[p][sl] = sibs[p][sl] + off
        pltpu.async_copy(hp_hbm.at[sibs[p]], rbs[b], gsems[b])

    for q in range(SEG_IBUF):
        idx_load(q, q)
    for q in range(2):
        idx_wait(q)
        rebase_and_gather(q, q)

    def outer(ko, _):
        for u in range(SEG_IBUF):
            k = ko * SEG_IBUF + u
            b = u % 2
            pltpu.make_async_copy(hp_hbm.at[sibs[u]], rbs[b],
                                  gsems[b]).wait()
            pltpu.sync_copy(rbs[b], acc.at[dibs[u]], add=True)

            kf = k + SEG_IBUF

            @pl.when(kf < SEG_NCHUNK)
            def _():
                idx_load(kf, u)

            kp = k + 2
            up = (u + 2) % SEG_IBUF

            @pl.when(kp < SEG_NCHUNK)
            def _():
                idx_wait(up)
                rebase_and_gather(up, b)
        return 0

    lax.fori_loop(0, SEG_NCHUNK // SEG_IBUF, outer, 0)
    plsc.subcore_barrier()
    pltpu.sync_copy(acc.at[pl.ds(r0, RPT)],
                    out_hbm.at[pl.ds(c * NPAD + r0, RPT)])


_seg_call = pl.kernel(
    _seg_body,
    out_type=jax.ShapeDtypeStruct((2 * NPAD, HH), jnp.float32),
    mesh=_mesh,
    scratch_types=(
        [pltpu.VMEM_SHARED((NPAD, HH), jnp.float32)]
        + [pltpu.VMEM((SEG_C,), jnp.int32) for _ in range(2 * SEG_IBUF)]
        + [pltpu.VMEM((SEG_C, HH), jnp.float32) for _ in range(2)]
        + [pltpu.SemaphoreType.DMA for _ in range(2 + SEG_IBUF)]
    ),
)


BN = 1000
GRID = N // BN


def _dis_body(degp_ref, out_ref):
    deg = degp_ref[0] + degp_ref[1] + 1.0
    out_ref[...] = lax.rsqrt(deg)


def _dis_call(degp3):
    return pl.pallas_call(
        _dis_body,
        out_shape=jax.ShapeDtypeStruct((NPAD // 128, 128), jnp.float32),
    )(degp3)


def _tc1_body(x_ref, w1_ref, disb_ref, out_ref):
    xw = jnp.dot(x_ref[...], w1_ref[...], preferred_element_type=jnp.float32)
    d = disb_ref[...]
    out_ref[0] = d * xw[:, :HH]
    out_ref[1] = d * xw[:, HH:]


def _tc1_call(x, W1, disb):
    return pl.pallas_call(
        _tc1_body,
        grid=(GRID,),
        in_specs=[
            pl.BlockSpec((BN, D), lambda i: (i, 0)),
            pl.BlockSpec((D, H), lambda i: (0, 0)),
            pl.BlockSpec((BN, HH), lambda i: (i, 0)),
        ],
        out_specs=pl.BlockSpec((2, BN, HH), lambda i: (0, i, 0)),
        out_shape=jax.ShapeDtypeStruct((2, N, HH), jnp.float32),
    )(x, W1, disb)


def _tc2_body(a_ref, hp_ref, disb_ref, b1_ref, w2_ref, out_ref):
    d = disb_ref[...]
    b1 = b1_ref[...]
    h1l = jnp.maximum(d * (a_ref[0] + hp_ref[0]) + b1[0], 0.0)
    h1r = jnp.maximum(d * (a_ref[1] + hp_ref[1]) + b1[1], 0.0)
    w2 = w2_ref[...]
    g = (jnp.dot(h1l, w2[:HH, :], preferred_element_type=jnp.float32)
         + jnp.dot(h1r, w2[HH:, :], preferred_element_type=jnp.float32))
    out_ref[0] = d * g[:, :HH]
    out_ref[1] = d * g[:, HH:]


def _tc2_call(A1, hp, disb, b1r, W2):
    return pl.pallas_call(
        _tc2_body,
        grid=(GRID,),
        in_specs=[
            pl.BlockSpec((2, BN, HH), lambda i: (0, i, 0)),
            pl.BlockSpec((2, BN, HH), lambda i: (0, i, 0)),
            pl.BlockSpec((BN, HH), lambda i: (i, 0)),
            pl.BlockSpec((2, HH), lambda i: (0, 0)),
            pl.BlockSpec((H, H), lambda i: (0, 0)),
        ],
        out_specs=pl.BlockSpec((2, BN, HH), lambda i: (0, i, 0)),
        out_shape=jax.ShapeDtypeStruct((2, N, HH), jnp.float32),
    )(A1, hp, disb, b1r, W2)


def _tc3_body(a_ref, gp_ref, disb_ref, b2_ref, wf_ref, bf_ref, out_ref):
    d = disb_ref[...]
    b2 = b2_ref[...]
    h2l = jnp.maximum(d * (a_ref[0] + gp_ref[0]) + b2[0], 0.0)
    h2r = jnp.maximum(d * (a_ref[1] + gp_ref[1]) + b2[1], 0.0)
    wf = wf_ref[...]
    out_ref[...] = (jnp.dot(h2l, wf[:HH, :], preferred_element_type=jnp.float32)
                    + jnp.dot(h2r, wf[HH:, :], preferred_element_type=jnp.float32)
                    + bf_ref[...])


def _tc3_call(A2, gp, disb, b2r, Wf, bfr):
    return pl.pallas_call(
        _tc3_body,
        grid=(GRID,),
        in_specs=[
            pl.BlockSpec((2, BN, HH), lambda i: (0, i, 0)),
            pl.BlockSpec((2, BN, HH), lambda i: (0, i, 0)),
            pl.BlockSpec((BN, HH), lambda i: (i, 0)),
            pl.BlockSpec((2, HH), lambda i: (0, 0)),
            pl.BlockSpec((H, O), lambda i: (0, 0)),
            pl.BlockSpec((1, O), lambda i: (0, 0)),
        ],
        out_specs=pl.BlockSpec((BN, O), lambda i: (i, 0)),
        out_shape=jax.ShapeDtypeStruct((N, O), jnp.float32),
    )(A2, gp, disb, b2r, Wf, bfr)


def kernel(x, edge_index, edge_attr, W1, b1, W2, b2, We, be, Wf, bf):
    del edge_attr, We, be
    src = edge_index[0]
    dst = edge_index[1]

    degp = _deg_call(dst)
    disb2d = _dis_call(degp.reshape(NC, NPAD // 128, 128))
    dis = disb2d.reshape(NPAD)[:N]
    disb = jnp.broadcast_to(dis[:, None], (N, HH))

    pad_iota = jnp.arange(EP - E, dtype=jnp.int32)
    srcp = jnp.concatenate([src, pad_iota % N])
    dstp = jnp.concatenate([dst, N + pad_iota % (NPAD - N)])

    hp = _tc1_call(x, W1, disb)
    a1 = _seg_call(hp.reshape(2 * N, HH), srcp,
                   dstp).reshape(2, NPAD, HH)
    gp = _tc2_call(a1, hp, disb, b1.reshape(NC, HH), W2)
    a2 = _seg_call(gp.reshape(2 * N, HH), srcp,
                   dstp).reshape(2, NPAD, HH)
    return _tc3_call(a2, gp, disb, b2.reshape(NC, HH), Wf, bf.reshape(1, O))

# --- scband reference (transcript-rebuilt; emitter-appended) ---
"""Pipeline reference for scband-propagation-gnn-54666343743956 (READ-ONLY COPY).

The authoritative reference and input builder live on the scoring server;
editing this copy changes nothing except your own understanding.
"""

import jax, jax.numpy as jnp
import numpy as np

N = 10000
E = 320000
D = 128
ED = 16
H = 256
O = 128

def setup_inputs(seed: int = 0):
    key = jax.random.key(seed)
    ks = jax.random.split(key, 12)
    x = jax.random.normal(ks[0], (N, D), dtype=jnp.float32)
    edge_index = jax.random.randint(ks[1], (2, E), 0, N, dtype=jnp.int32)
    edge_attr = jax.random.normal(ks[2], (E, ED), dtype=jnp.float32)
    W1 = jax.random.normal(ks[3], (D, H), dtype=jnp.float32) * (1.0 / np.sqrt(D))
    b1 = jnp.zeros((H,), dtype=jnp.float32)
    W2 = jax.random.normal(ks[4], (H, H), dtype=jnp.float32) * (1.0 / np.sqrt(H))
    b2 = jnp.zeros((H,), dtype=jnp.float32)
    We = jax.random.normal(ks[5], (ED, H), dtype=jnp.float32) * (1.0 / np.sqrt(ED))
    be = jnp.zeros((H,), dtype=jnp.float32)
    Wf = jax.random.normal(ks[6], (H, O), dtype=jnp.float32) * (1.0 / np.sqrt(H))
    bf = jnp.zeros((O,), dtype=jnp.float32)
    return {"x": x, "edge_index": edge_index, "edge_attr": edge_attr,
            "W1": W1, "b1": b1, "W2": W2, "b2": b2,
            "We": We, "be": be, "Wf": Wf, "bf": bf}

def gcn_conv(x, edge_index, W, b):
    # PyG GCNConv: add self-loops, symmetric normalization D^-1/2 (A+I) D^-1/2 X W + b
    src = edge_index[0]
    dst = edge_index[1]
    loop = jnp.arange(N, dtype=src.dtype)
    src = jnp.concatenate([src, loop])
    dst = jnp.concatenate([dst, loop])
    deg = jnp.zeros((N,), dtype=jnp.float32).at[dst].add(1.0)
    dis = jax.lax.rsqrt(deg)  # deg >= 1 due to self-loops
    norm = dis[src] * dis[dst]
    h = x @ W
    msg = h[src] * norm[:, None]
    out = jax.ops.segment_sum(msg, dst, num_segments=N)
    return out + b

def reference(x, edge_index, edge_attr, W1, b1, W2, b2, We, be, Wf, bf):
    h = jax.nn.relu(gcn_conv(x, edge_index, W1, b1))
    edge_features = jax.nn.relu(edge_attr @ We + be)  # computed but unused, as in original
    h = jax.nn.relu(gcn_conv(h, edge_index, W2, b2))
    out = h @ Wf + bf
    return out

if __name__ == "__main__":
    import jax
    _d = setup_inputs()
    print(jax.jit(kernel)(*tuple(_d.values())))

</pallas_src>

<mosaic_0001>
#map = affine_map<(d0, d1) -> (0, 0)>
#map1 = affine_map<(d0, d1) -> (0)>
module attributes {stable_mosaic.version = 14 : i64} {
  func.func @_seg_body(%arg0: i32, %arg1: i32, %arg2: memref<20000x128xf32, #tpu.memory_space<hbm>>, %arg3: memref<327680xi32, #tpu.memory_space<hbm>>, %arg4: memref<327680xi32, #tpu.memory_space<hbm>>, %arg5: memref<20480x128xf32, #tpu.memory_space<hbm>>, %arg6: memref<10240x128xf32, #tpu.memory_space<vmem_shared>>, %arg7: memref<128xi32, #tpu.memory_space<vmem>>, %arg8: memref<128xi32, #tpu.memory_space<vmem>>, %arg9: memref<128xi32, #tpu.memory_space<vmem>>, %arg10: memref<128xi32, #tpu.memory_space<vmem>>, %arg11: memref<128xi32, #tpu.memory_space<vmem>>, %arg12: memref<128xi32, #tpu.memory_space<vmem>>, %arg13: memref<128xi32, #tpu.memory_space<vmem>>, %arg14: memref<128xi32, #tpu.memory_space<vmem>>, %arg15: memref<128x128xf32, #tpu.memory_space<vmem>>, %arg16: memref<128x128xf32, #tpu.memory_space<vmem>>, %arg17: memref<!tpu.dma_semaphore, #tpu.memory_space<semaphore_mem>>, %arg18: memref<!tpu.dma_semaphore, #tpu.memory_space<semaphore_mem>>, %arg19: memref<!tpu.dma_semaphore, #tpu.memory_space<semaphore_mem>>, %arg20: memref<!tpu.dma_semaphore, #tpu.memory_space<semaphore_mem>>, %arg21: memref<!tpu.dma_semaphore, #tpu.memory_space<semaphore_mem>>, %arg22: memref<!tpu.dma_semaphore, #tpu.memory_space<semaphore_mem>>) attributes {dimension_semantics = [#tpu.dimension_semantics<core_parallel>, #tpu.dimension_semantics<subcore_parallel>], iteration_bounds = array<i64: 2, 16>, scalar_prefetch = 0 : i64, scratch_operands = 17 : i64, tpu.core_type = #tpu.core_type<sc_vector_subcore>, window_params = [{transform_indices = #map}, {transform_indices = #map1}, {transform_indices = #map1}, {transform_indices = #map}]} {
    %scan3A = arith.constant 0 : i32
    %scan3A_0 = arith.constant 0 : i32
    %scan3A_1 = arith.constant 1024 : i32
    %scan3A_2 = arith.addi %scan3A_0, %scan3A_1 : i32
    %scan3A_3 = arith.constant 1 : i32
    %scan3A_4 = scf.for %scan3A_225 = %scan3A_0 to %scan3A_2 step %scan3A_3 iter_args(%scan3A_226 = %scan3A) -> (i32)  : i32 {
      %broadcast_in_dim3A = arith.constant 0.000000e+00 : f32
      %broadcast_in_dim3A_227 = vector.broadcast %broadcast_in_dim3A : f32 to vector<16xf32>
      %jit3A = arith.constant 8 : i32
      %div3A = arith.divsi %scan3A_225, %jit3A : i32
      %sign3A = arith.constant 0 : i32
      %sign3A_228 = arith.cmpi sgt, %scan3A_225, %sign3A : i32
      %sign3A_229 = arith.extui %sign3A_228 : i1 to i32
      %sign3A_230 = arith.constant 0 : i32
      %sign3A_231 = arith.cmpi slt, %scan3A_225, %sign3A_230 : i32
      %sign3A_232 = arith.extui %sign3A_231 : i1 to i32
      %sign3A_233 = arith.subi %sign3A_229, %sign3A_232 : i32
      %sign3A_234 = arith.constant 0 : i32
      %sign3A_235 = arith.cmpi sgt, %jit3A, %sign3A_234 : i32
      %sign3A_236 = arith.extui %sign3A_235 : i1 to i32
      %sign3A_237 = arith.constant 0 : i32
      %sign3A_238 = arith.cmpi slt, %jit3A, %sign3A_237 : i32
      %sign3A_239 = arith.extui %sign3A_238 : i1 to i32
      %sign3A_240 = arith.subi %sign3A_236, %sign3A_239 : i32
      %ne3A = arith.cmpi ne, %sign3A_233, %sign3A_240 : i32
      %rem3A = arith.remsi %scan3A_225, %jit3A : i32
      %ne3A_241 = arith.constant 0 : i32
      %ne3A_242 = arith.cmpi ne, %rem3A, %ne3A_241 : i32
      %and3A = arith.andi %ne3A, %ne3A_242 : i1
      %sub3A = arith.constant 1 : i32
      %sub3A_243 = arith.subi %div3A, %sub3A : i32
      %select_n3A = arith.select %and3A, %sub3A_243, %div3A : i32
      %jit3A_244 = arith.constant 8 : i32
      %eq3A = arith.constant 0 : i32
      %eq3A_245 = arith.cmpi eq, %jit3A_244, %eq3A : i32
      %jit3A_246 = arith.constant 1 : i32
      %select_n3A_247 = arith.select %eq3A_245, %jit3A_246, %jit3A_244 : i32
      %rem3A_248 = arith.remsi %scan3A_225, %select_n3A_247 : i32
      %ne3A_249 = arith.constant 0 : i32
      %ne3A_250 = arith.cmpi ne, %rem3A_248, %ne3A_249 : i32
      %lt3A = arith.constant 0 : i32
      %lt3A_251 = arith.cmpi slt, %rem3A_248, %lt3A : i32
      %lt3A_252 = arith.constant 0 : i32
      %lt3A_253 = arith.cmpi slt, %select_n3A_247, %lt3A_252 : i32
      %ne3A_254 = arith.xori %lt3A_251, %lt3A_253 : i1
      %and3A_255 = arith.andi %ne3A_254, %ne3A_250 : i1
      %add3A_256 = arith.addi %rem3A_248, %select_n3A_247 : i32
      %select_n3A_257 = arith.select %and3A_255, %add3A_256, %rem3A_248 : i32
      %mul3A_258 = arith.constant 16 : i32
      %mul3A_259 = arith.muli %select_n3A_257, %mul3A_258 : i32
      %swap3A_260 = arith.index_cast %select_n3A : i32 to index
      %swap3A_261 = arith.index_cast %mul3A_259 : i32 to index
      %swap3A_262 = tpu.vector_load %arg15[%swap3A_260, %swap3A_261] {strides = array<i32>} : memref<128x128xf32, #tpu.memory_space<vmem>>, vector<1x16xf32>,
      %swap3A_263 = vector.shape_cast %swap3A_262 : vector<1x16xf32> to vector<16xf32>
      %swap3A_264 = vector.shape_cast %broadcast_in_dim3A_227 : vector<16xf32> to vector<1x16xf32>
      tpu.vector_store %arg15[%swap3A_260, %swap3A_261], %swap3A_264 {strides = array<i32>} : memref<128x128xf32, #tpu.memory_space<vmem>>, vector<1x16xf32>,
      %scan3A_265 = arith.constant 0 : i32
      scf.yield %scan3A_265 : i32
    }
    %scan3A_5 = arith.constant 1024 : i32
    %mul3A = arith.constant 640 : i32
    %mul3A_6 = arith.muli %arg1, %mul3A : i32
    %add3A = arith.constant 0 : i32
    %add3A_7 = arith.addi %mul3A_6, %add3A : i32
    "tpu.region"() ({
      %run_scoped3A = tpu.sem_alloc : memref<!tpu.dma_semaphore, #tpu.memory_space<semaphore_mem>>
      %dma_start3A_225 = arith.constant 0 : i32
      %dma_start3A_226 = tpu.memref_slice %arg6[%add3A_7, %dma_start3A_225] : memref<10240x128xf32, #tpu.memory_space<vmem_shared>> -> memref<128x128xf32, #tpu.memory_space<vmem_shared>>
      %dma_start3A_227 = arith.constant 0 : i32
      %dma_start3A_228 = tpu.memref_slice %arg6[%add3A_7, %dma_start3A_227] : memref<10240x128xf32, #tpu.memory_space<vmem_shared>> -> memref<128x128xf32, #tpu.memory_space<vmem_shared>>
      tpu.enqueue_dma source(%arg15 : memref<128x128xf32, #tpu.memory_space<vmem>>) target(%dma_start3A_228 : memref<128x128xf32, #tpu.memory_space<vmem_shared>>) target_semaphore(%run_scoped3A : memref<!tpu.dma_semaphore, #tpu.memory_space<semaphore_mem>>)
      %dma_wait3A_229 = arith.constant 0 : i32
      %dma_wait3A_230 = tpu.memref_slice %arg6[%add3A_7, %dma_wait3A_229] : memref<10240x128xf32, #tpu.memory_space<vmem_shared>> -> memref<128x128xf32, #tpu.memory_space<vmem_shared>>
      %dma_wait3A_231 = arith.constant 0 : i32
      %dma_wait3A_232 = tpu.memref_slice %arg6[%add3A_7, %dma_wait3A_231] : memref<10240x128xf32, #tpu.memory_space<vmem_shared>> -> memref<128x128xf32, #tpu.memory_space<vmem_shared>>
      tpu.wait_dma2 semaphore(%run_scoped3A : memref<!tpu.dma_semaphore, #tpu.memory_space<semaphore_mem>>) src(%arg15 : memref<128x128xf32, #tpu.memory_space<vmem>>) dst(%dma_wait3A_232 : memref<128x128xf32, #tpu.memory_space<vmem_shared>>)
      tpu.yield
    }) : () -> ()
    %add3A_8 = arith.constant 128 : i32
    %add3A_9 = arith.addi %mul3A_6, %add3A_8 : i32
    "tpu.region"() ({
      %run_scoped3A = tpu.sem_alloc : memref<!tpu.dma_semaphore, #tpu.memory_space<semaphore_mem>>
      %dma_start3A_225 = arith.constant 0 : i32
      %dma_start3A_226 = tpu.memref_slice %arg6[%add3A_9, %dma_start3A_225] : memref<10240x128xf32, #tpu.memory_space<vmem_shared>> -> memref<128x128xf32, #tpu.memory_space<vmem_shared>>
      %dma_start3A_227 = arith.constant 0 : i32
      %dma_start3A_228 = tpu.memref_slice %arg6[%add3A_9, %dma_start3A_227] : memref<10240x128xf32, #tpu.memory_space<vmem_shared>> -> memref<128x128xf32, #tpu.memory_space<vmem_shared>>
      tpu.enqueue_dma source(%arg15 : memref<128x128xf32, #tpu.memory_space<vmem>>) target(%dma_start3A_228 : memref<128x128xf32, #tpu.memory_space<vmem_shared>>) target_semaphore(%run_scoped3A : memref<!tpu.dma_semaphore, #tpu.memory_space<semaphore_mem>>)
      %dma_wait3A_229 = arith.constant 0 : i32
      %dma_wait3A_230 = tpu.memref_slice %arg6[%add3A_9, %dma_wait3A_229] : memref<10240x128xf32, #tpu.memory_space<vmem_shared>> -> memref<128x128xf32, #tpu.memory_space<vmem_shared>>
      %dma_wait3A_231 = arith.constant 0 : i32
      %dma_wait3A_232 = tpu.memref_slice %arg6[%add3A_9, %dma_wait3A_231] : memref<10240x128xf32, #tpu.memory_space<vmem_shared>> -> memref<128x128xf32, #tpu.memory_space<vmem_shared>>
      tpu.wait_dma2 semaphore(%run_scoped3A : memref<!tpu.dma_semaphore, #tpu.memory_space<semaphore_mem>>) src(%arg15 : memref<128x128xf32, #tpu.memory_space<vmem>>) dst(%dma_wait3A_232 : memref<128x128xf32, #tpu.memory_space<vmem_shared>>)
      tpu.yield
    }) : () -> ()
    %add3A_10 = arith.constant 256 : i32
    %add3A_11 = arith.addi %mul3A_6, %add3A_10 : i32
    "tpu.region"() ({
      %run_scoped3A = tpu.sem_alloc : memref<!tpu.dma_semaphore, #tpu.memory_space<semaphore_mem>>
      %dma_start3A_225 = arith.constant 0 : i32
      %dma_start3A_226 = tpu.memref_slice %arg6[%add3A_11, %dma_start3A_225] : memref<10240x128xf32, #tpu.memory_space<vmem_shared>> -> memref<128x128xf32, #tpu.memory_space<vmem_shared>>
      %dma_start3A_227 = arith.constant 0 : i32
      %dma_start3A_228 = tpu.memref_slice %arg6[%add3A_11, %dma_start3A_227] : memref<10240x128xf32, #tpu.memory_space<vmem_shared>> -> memref<128x128xf32, #tpu.memory_space<vmem_shared>>
      tpu.enqueue_dma source(%arg15 : memref<128x128xf32, #tpu.memory_space<vmem>>) target(%dma_start3A_228 : memref<128x128xf32, #tpu.memory_space<vmem_shared>>) target_semaphore(%run_scoped3A : memref<!tpu.dma_semaphore, #tpu.memory_space<semaphore_mem>>)
      %dma_wait3A_229 = arith.constant 0 : i32
      %dma_wait3A_230 = tpu.memref_slice %arg6[%add3A_11, %dma_wait3A_229] : memref<10240x128xf32, #tpu.memory_space<vmem_shared>> -> memref<128x128xf32, #tpu.memory_space<vmem_shared>>
      %dma_wait3A_231 = arith.constant 0 : i32
      %dma_wait3A_232 = tpu.memref_slice %arg6[%add3A_11, %dma_wait3A_231] : memref<10240x128xf32, #tpu.memory_space<vmem_shared>> -> memref<128x128xf32, #tpu.memory_space<vmem_shared>>
      tpu.wait_dma2 semaphore(%run_scoped3A : memref<!tpu.dma_semaphore, #tpu.memory_space<semaphore_mem>>) src(%arg15 : memref<128x128xf32, #tpu.memory_space<vmem>>) dst(%dma_wait3A_232 : memref<128x128xf32, #tpu.memory_space<vmem_shared>>)
      tpu.yield
    }) : () -> ()
    %add3A_12 = arith.constant 384 : i32
    %add3A_13 = arith.addi %mul3A_6, %add3A_12 : i32
    "tpu.region"() ({
      %run_scoped3A = tpu.sem_alloc : memref<!tpu.dma_semaphore, #tpu.memory_space<semaphore_mem>>
      %dma_start3A_225 = arith.constant 0 : i32
      %dma_start3A_226 = tpu.memref_slice %arg6[%add3A_13, %dma_start3A_225] : memref<10240x128xf32, #tpu.memory_space<vmem_shared>> -> memref<128x128xf32, #tpu.memory_space<vmem_shared>>
      %dma_start3A_227 = arith.constant 0 : i32
      %dma_start3A_228 = tpu.memref_slice %arg6[%add3A_13, %dma_start3A_227] : memref<10240x128xf32, #tpu.memory_space<vmem_shared>> -> memref<128x128xf32, #tpu.memory_space<vmem_shared>>
      tpu.enqueue_dma source(%arg15 : memref<128x128xf32, #tpu.memory_space<vmem>>) target(%dma_start3A_228 : memref<128x128xf32, #tpu.memory_space<vmem_shared>>) target_semaphore(%run_scoped3A : memref<!tpu.dma_semaphore, #tpu.memory_space<semaphore_mem>>)
      %dma_wait3A_229 = arith.constant 0 : i32
      %dma_wait3A_230 = tpu.memref_slice %arg6[%add3A_13, %dma_wait3A_229] : memref<10240x128xf32, #tpu.memory_space<vmem_shared>> -> memref<128x128xf32, #tpu.memory_space<vmem_shared>>
      %dma_wait3A_231 = arith.constant 0 : i32
      %dma_wait3A_232 = tpu.memref_slice %arg6[%add3A_13, %dma_wait3A_231] : memref<10240x128xf32, #tpu.memory_space<vmem_shared>> -> memref<128x128xf32, #tpu.memory_space<vmem_shared>>
      tpu.wait_dma2 semaphore(%run_scoped3A : memref<!tpu.dma_semaphore, #tpu.memory_space<semaphore_mem>>) src(%arg15 : memref<128x128xf32, #tpu.memory_space<vmem>>) dst(%dma_wait3A_232 : memref<128x128xf32, #tpu.memory_space<vmem_shared>>)
      tpu.yield
    }) : () -> ()
    %add3A_14 = arith.constant 512 : i32
    %add3A_15 = arith.addi %mul3A_6, %add3A_14 : i32
    "tpu.region"() ({
      %run_scoped3A = tpu.sem_alloc : memref<!tpu.dma_semaphore, #tpu.memory_space<semaphore_mem>>
      %dma_start3A_225 = arith.constant 0 : i32
      %dma_start3A_226 = tpu.memref_slice %arg6[%add3A_15, %dma_start3A_225] : memref<10240x128xf32, #tpu.memory_space<vmem_shared>> -> memref<128x128xf32, #tpu.memory_space<vmem_shared>>
      %dma_start3A_227 = arith.constant 0 : i32
      %dma_start3A_228 = tpu.memref_slice %arg6[%add3A_15, %dma_start3A_227] : memref<10240x128xf32, #tpu.memory_space<vmem_shared>> -> memref<128x128xf32, #tpu.memory_space<vmem_shared>>
      tpu.enqueue_dma source(%arg15 : memref<128x128xf32, #tpu.memory_space<vmem>>) target(%dma_start3A_228 : memref<128x128xf32, #tpu.memory_space<vmem_shared>>) target_semaphore(%run_scoped3A : memref<!tpu.dma_semaphore, #tpu.memory_space<semaphore_mem>>)
      %dma_wait3A_229 = arith.constant 0 : i32
      %dma_wait3A_230 = tpu.memref_slice %arg6[%add3A_15, %dma_wait3A_229] : memref<10240x128xf32, #tpu.memory_space<vmem_shared>> -> memref<128x128xf32, #tpu.memory_space<vmem_shared>>
      %dma_wait3A_231 = arith.constant 0 : i32
      %dma_wait3A_232 = tpu.memref_slice %arg6[%add3A_15, %dma_wait3A_231] : memref<10240x128xf32, #tpu.memory_space<vmem_shared>> -> memref<128x128xf32, #tpu.memory_space<vmem_shared>>
      tpu.wait_dma2 semaphore(%run_scoped3A : memref<!tpu.dma_semaphore, #tpu.memory_space<semaphore_mem>>) src(%arg15 : memref<128x128xf32, #tpu.memory_space<vmem>>) dst(%dma_wait3A_232 : memref<128x128xf32, #tpu.memory_space<vmem_shared>>)
      tpu.yield
    }) : () -> ()
    %barrier3A = arith.constant 0 : index
    tpu.barrier barrier_id(%barrier3A)
    %mul3A_16 = arith.constant 20480 : i32
    %mul3A_17 = arith.muli %arg1, %mul3A_16 : i32
    %mul3A_18 = arith.constant 10000 : i32
    %mul3A_19 = arith.muli %arg0, %mul3A_18 : i32
    %add3A_20 = arith.constant 0 : i32
    %add3A_21 = arith.addi %mul3A_17, %add3A_20 : i32
    %dma_start3A = tpu.memref_slice %arg3[%add3A_21] : memref<327680xi32, #tpu.memory_space<hbm>> -> memref<128xi32, #tpu.memory_space<hbm>>
    %dma_start3A_22 = tpu.memref_slice %arg3[%add3A_21] : memref<327680xi32, #tpu.memory_space<hbm>> -> memref<128xi32, #tpu.memory_space<hbm>>
    tpu.enqueue_dma source(%dma_start3A_22 : memref<128xi32, #tpu.memory_space<hbm>>) target(%arg7 : memref<128xi32, #tpu.memory_space<vmem>>) target_semaphore(%arg19 : memref<!tpu.dma_semaphore, #tpu.memory_space<semaphore_mem>>)
    %add3A_23 = arith.constant 0 : i32
    %add3A_24 = arith.addi %mul3A_17, %add3A_23 : i32
    %dma_start3A_25 = tpu.memref_slice %arg4[%add3A_24] : memref<327680xi32, #tpu.memory_space<hbm>> -> memref<128xi32, #tpu.memory_space<hbm>>
    %dma_start3A_26 = tpu.memref_slice %arg4[%add3A_24] : memref<327680xi32, #tpu.memory_space<hbm>> -> memref<128xi32, #tpu.memory_space<hbm>>
    tpu.enqueue_dma source(%dma_start3A_26 : memref<128xi32, #tpu.memory_space<hbm>>) target(%arg11 : memref<128xi32, #tpu.memory_space<vmem>>) target_semaphore(%arg19 : memref<!tpu.dma_semaphore, #tpu.memory_space<semaphore_mem>>)
    %add3A_27 = arith.constant 128 : i32
    %add3A_28 = arith.addi %mul3A_17, %add3A_27 : i32
    %dma_start3A_29 = tpu.memref_slice %arg3[%add3A_28] : memref<327680xi32, #tpu.memory_space<hbm>> -> memref<128xi32, #tpu.memory_space<hbm>>
    %dma_start3A_30 = tpu.memref_slice %arg3[%add3A_28] : memref<327680xi32, #tpu.memory_space<hbm>> -> memref<128xi32, #tpu.memory_space<hbm>>
    tpu.enqueue_dma source(%dma_start3A_30 : memref<128xi32, #tpu.memory_space<hbm>>) target(%arg8 : memref<128xi32, #tpu.memory_space<vmem>>) target_semaphore(%arg20 : memref<!tpu.dma_semaphore, #tpu.memory_space<semaphore_mem>>)
    %add3A_31 = arith.constant 128 : i32
    %add3A_32 = arith.addi %mul3A_17, %add3A_31 : i32
    %dma_start3A_33 = tpu.memref_slice %arg4[%add3A_32] : memref<327680xi32, #tpu.memory_space<hbm>> -> memref<128xi32, #tpu.memory_space<hbm>>
    %dma_start3A_34 = tpu.memref_slice %arg4[%add3A_32] : memref<327680xi32, #tpu.memory_space<hbm>> -> memref<128xi32, #tpu.memory_space<hbm>>
    tpu.enqueue_dma source(%dma_start3A_34 : memref<128xi32, #tpu.memory_space<hbm>>) target(%arg12 : memref<128xi32, #tpu.memory_space<vmem>>) target_semaphore(%arg20 : memref<!tpu.dma_semaphore, #tpu.memory_space<semaphore_mem>>)
    %add3A_35 = arith.constant 256 : i32
    %add3A_36 = arith.addi %mul3A_17, %add3A_35 : i32
    %dma_start3A_37 = tpu.memref_slice %arg3[%add3A_36] : memref<327680xi32, #tpu.memory_space<hbm>> -> memref<128xi32, #tpu.memory_space<hbm>>
    %dma_start3A_38 = tpu.memref_slice %arg3[%add3A_36] : memref<327680xi32, #tpu.memory_space<hbm>> -> memref<128xi32, #tpu.memory_space<hbm>>
    tpu.enqueue_dma source(%dma_start3A_38 : memref<128xi32, #tpu.memory_space<hbm>>) target(%arg9 : memref<128xi32, #tpu.memory_space<vmem>>) target_semaphore(%arg21 : memref<!tpu.dma_semaphore, #tpu.memory_space<semaphore_mem>>)
    %add3A_39 = arith.constant 256 : i32
    %add3A_40 = arith.addi %mul3A_17, %add3A_39 : i32
    %dma_start3A_41 = tpu.memref_slice %arg4[%add3A_40] : memref<327680xi32, #tpu.memory_space<hbm>> -> memref<128xi32, #tpu.memory_space<hbm>>
    %dma_start3A_42 = tpu.memref_slice %arg4[%add3A_40] : memref<327680xi32, #tpu.memory_space<hbm>> -> memref<128xi32, #tpu.memory_space<hbm>>
    tpu.enqueue_dma source(%dma_start3A_42 : memref<128xi32, #tpu.memory_space<hbm>>) target(%arg13 : memref<128xi32, #tpu.memory_space<vmem>>) target_semaphore(%arg21 : memref<!tpu.dma_semaphore, #tpu.memory_space<semaphore_mem>>)
    %add3A_43 = arith.constant 384 : i32
    %add3A_44 = arith.addi %mul3A_17, %add3A_43 : i32
    %dma_start3A_45 = tpu.memref_slice %arg3[%add3A_44] : memref<327680xi32, #tpu.memory_space<hbm>> -> memref<128xi32, #tpu.memory_space<hbm>>
    %dma_start3A_46 = tpu.memref_slice %arg3[%add3A_44] : memref<327680xi32, #tpu.memory_space<hbm>> -> memref<128xi32, #tpu.memory_space<hbm>>
    tpu.enqueue_dma source(%dma_start3A_46 : memref<128xi32, #tpu.memory_space<hbm>>) target(%arg10 : memref<128xi32, #tpu.memory_space<vmem>>) target_semaphore(%arg22 : memref<!tpu.dma_semaphore, #tpu.memory_space<semaphore_mem>>)
    %add3A_47 = arith.constant 384 : i32
    %add3A_48 = arith.addi %mul3A_17, %add3A_47 : i32
    %dma_start3A_49 = tpu.memref_slice %arg4[%add3A_48] : memref<327680xi32, #tpu.memory_space<hbm>> -> memref<128xi32, #tpu.memory_space<hbm>>
    %dma_start3A_50 = tpu.memref_slice %arg4[%add3A_48] : memref<327680xi32, #tpu.memory_space<hbm>> -> memref<128xi32, #tpu.memory_space<hbm>>
    tpu.enqueue_dma source(%dma_start3A_50 : memref<128xi32, #tpu.memory_space<hbm>>) target(%arg14 : memref<128xi32, #tpu.memory_space<vmem>>) target_semaphore(%arg22 : memref<!tpu.dma_semaphore, #tpu.memory_space<semaphore_mem>>)
    %dma_wait3A = arith.constant 0 : i32
    %dma_wait3A_51 = tpu.memref_slice %arg3[%dma_wait3A] : memref<327680xi32, #tpu.memory_space<hbm>> -> memref<128xi32, #tpu.memory_space<hbm>>
    %dma_wait3A_52 = arith.constant 0 : i32
    %dma_wait3A_53 = tpu.memref_slice %arg3[%dma_wait3A_52] : memref<327680xi32, #tpu.memory_space<hbm>> -> memref<128xi32, #tpu.memory_space<hbm>>
    tpu.wait_dma2 semaphore(%arg19 : memref<!tpu.dma_semaphore, #tpu.memory_space<semaphore_mem>>) src(%dma_wait3A_53 : memref<128xi32, #tpu.memory_space<hbm>>) dst(%arg7 : memref<128xi32, #tpu.memory_space<vmem>>)
    %dma_wait3A_54 = arith.constant 0 : i32
    %dma_wait3A_55 = tpu.memref_slice %arg4[%dma_wait3A_54] : memref<327680xi32, #tpu.memory_space<hbm>> -> memref<128xi32, #tpu.memory_space<hbm>>
    %dma_wait3A_56 = arith.constant 0 : i32
    %dma_wait3A_57 = tpu.memref_slice %arg4[%dma_wait3A_56] : memref<327680xi32, #tpu.memory_space<hbm>> -> memref<128xi32, #tpu.memory_space<hbm>>
    tpu.wait_dma2 semaphore(%arg19 : memref<!tpu.dma_semaphore, #tpu.memory_space<semaphore_mem>>) src(%dma_wait3A_57 : memref<128xi32, #tpu.memory_space<hbm>>) dst(%arg11 : memref<128xi32, #tpu.memory_space<vmem>>)
    %get3A = arith.constant 0 : index
    %get3A_58 = tpu.vector_load %arg7[%get3A] {strides = array<i32>} : memref<128xi32, #tpu.memory_space<vmem>>, vector<16xi32>,
    %get3A_59 = vector.shape_cast %get3A_58 : vector<16xi32> to vector<16xi32>
    %add3A_60 = vector.broadcast %mul3A_19 : i32 to vector<16xi32>
    %add3A_61 = arith.addi %get3A_59, %add3A_60 : vector<16xi32>
    %swap3A = arith.constant 0 : index
    %swap3A_62 = tpu.vector_load %arg7[%swap3A] {strides = array<i32>} : memref<128xi32, #tpu.memory_space<vmem>>, vector<16xi32>,
    %swap3A_63 = vector.shape_cast %swap3A_62 : vector<16xi32> to vector<16xi32>
    %swap3A_64 = vector.shape_cast %add3A_61 : vector<16xi32> to vector<16xi32>
    tpu.vector_store %arg7[%swap3A], %swap3A_64 {strides = array<i32>} : memref<128xi32, #tpu.memory_space<vmem>>, vector<16xi32>,
    %get3A_65 = arith.constant 16 : index
    %get3A_66 = tpu.vector_load %arg7[%get3A_65] {strides = array<i32>} : memref<128xi32, #tpu.memory_space<vmem>>, vector<16xi32>,
    %get3A_67 = vector.shape_cast %get3A_66 : vector<16xi32> to vector<16xi32>
    %add3A_68 = vector.broadcast %mul3A_19 : i32 to vector<16xi32>
    %add3A_69 = arith.addi %get3A_67, %add3A_68 : vector<16xi32>
    %swap3A_70 = arith.constant 16 : index
    %swap3A_71 = tpu.vector_load %arg7[%swap3A_70] {strides = array<i32>} : memref<128xi32, #tpu.memory_space<vmem>>, vector<16xi32>,
    %swap3A_72 = vector.shape_cast %swap3A_71 : vector<16xi32> to vector<16xi32>
    %swap3A_73 = vector.shape_cast %add3A_69 : vector<16xi32> to vector<16xi32>
    tpu.vector_store %arg7[%swap3A_70], %swap3A_73 {strides = array<i32>} : memref<128xi32, #tpu.memory_space<vmem>>, vector<16xi32>,
    %get3A_74 = arith.constant 32 : index
    %get3A_75 = tpu.vector_load %arg7[%get3A_74] {strides = array<i32>} : memref<128xi32, #tpu.memory_space<vmem>>, vector<16xi32>,
    %get3A_76 = vector.shape_cast %get3A_75 : vector<16xi32> to vector<16xi32>
    %add3A_77 = vector.broadcast %mul3A_19 : i32 to vector<16xi32>
    %add3A_78 = arith.addi %get3A_76, %add3A_77 : vector<16xi32>
    %swap3A_79 = arith.constant 32 : index
    %swap3A_80 = tpu.vector_load %arg7[%swap3A_79] {strides = array<i32>} : memref<128xi32, #tpu.memory_space<vmem>>, vector<16xi32>,
    %swap3A_81 = vector.shape_cast %swap3A_80 : vector<16xi32> to vector<16xi32>
    %swap3A_82 = vector.shape_cast %add3A_78 : vector<16xi32> to vector<16xi32>
    tpu.vector_store %arg7[%swap3A_79], %swap3A_82 {strides = array<i32>} : memref<128xi32, #tpu.memory_space<vmem>>, vector<16xi32>,
    %get3A_83 = arith.constant 48 : index
    %get3A_84 = tpu.vector_load %arg7[%get3A_83] {strides = array<i32>} : memref<128xi32, #tpu.memory_space<vmem>>, vector<16xi32>,
    %get3A_85 = vector.shape_cast %get3A_84 : vector<16xi32> to vector<16xi32>
    %add3A_86 = vector.broadcast %mul3A_19 : i32 to vector<16xi32>
    %add3A_87 = arith.addi %get3A_85, %add3A_86 : vector<16xi32>
    %swap3A_88 = arith.constant 48 : index
    %swap3A_89 = tpu.vector_load %arg7[%swap3A_88] {strides = array<i32>} : memref<128xi32, #tpu.memory_space<vmem>>, vector<16xi32>,
    %swap3A_90 = vector.shape_cast %swap3A_89 : vector<16xi32> to vector<16xi32>
    %swap3A_91 = vector.shape_cast %add3A_87 : vector<16xi32> to vector<16xi32>
    tpu.vector_store %arg7[%swap3A_88], %swap3A_91 {strides = array<i32>} : memref<128xi32, #tpu.memory_space<vmem>>, vector<16xi32>,
    %get3A_92 = arith.constant 64 : index
    %get3A_93 = tpu.vector_load %arg7[%get3A_92] {strides = array<i32>} : memref<128xi32, #tpu.memory_space<vmem>>, vector<16xi32>,
    %get3A_94 = vector.shape_cast %get3A_93 : vector<16xi32> to vector<16xi32>
    %add3A_95 = vector.broadcast %mul3A_19 : i32 to vector<16xi32>
    %add3A_96 = arith.addi %get3A_94, %add3A_95 : vector<16xi32>
    %swap3A_97 = arith.constant 64 : index
    %swap3A_98 = tpu.vector_load %arg7[%swap3A_97] {strides = array<i32>} : memref<128xi32, #tpu.memory_space<vmem>>, vector<16xi32>,
    %swap3A_99 = vector.shape_cast %swap3A_98 : vector<16xi32> to vector<16xi32>
    %swap3A_100 = vector.shape_cast %add3A_96 : vector<16xi32> to vector<16xi32>
    tpu.vector_store %arg7[%swap3A_97], %swap3A_100 {strides = array<i32>} : memref<128xi32, #tpu.memory_space<vmem>>, vector<16xi32>,
    %get3A_101 = arith.constant 80 : index
    %get3A_102 = tpu.vector_load %arg7[%get3A_101] {strides = array<i32>} : memref<128xi32, #tpu.memory_space<vmem>>, vector<16xi32>,
    %get3A_103 = vector.shape_cast %get3A_102 : vector<16xi32> to vector<16xi32>
    %add3A_104 = vector.broadcast %mul3A_19 : i32 to vector<16xi32>
    %add3A_105 = arith.addi %get3A_103, %add3A_104 : vector<16xi32>
    %swap3A_106 = arith.constant 80 : index
    %swap3A_107 = tpu.vector_load %arg7[%swap3A_106] {strides = array<i32>} : memref<128xi32, #tpu.memory_space<vmem>>, vector<16xi32>,
    %swap3A_108 = vector.shape_cast %swap3A_107 : vector<16xi32> to vector<16xi32>
    %swap3A_109 = vector.shape_cast %add3A_105 : vector<16xi32> to vector<16xi32>
    tpu.vector_store %arg7[%swap3A_106], %swap3A_109 {strides = array<i32>} : memref<128xi32, #tpu.memory_space<vmem>>, vector<16xi32>,
    %get3A_110 = arith.constant 96 : index
    %get3A_111 = tpu.vector_load %arg7[%get3A_110] {strides = array<i32>} : memref<128xi32, #tpu.memory_space<vmem>>, vector<16xi32>,
    %get3A_112 = vector.shape_cast %get3A_111 : vector<16xi32> to vector<16xi32>
    %add3A_113 = vector.broadcast %mul3A_19 : i32 to vector<16xi32>
    %add3A_114 = arith.addi %get3A_112, %add3A_113 : vector<16xi32>
    %swap3A_115 = arith.constant 96 : index
    %swap3A_116 = tpu.vector_load %arg7[%swap3A_115] {strides = array<i32>} : memref<128xi32, #tpu.memory_space<vmem>>, vector<16xi32>,
    %swap3A_117 = vector.shape_cast %swap3A_116 : vector<16xi32> to vector<16xi32>
    %swap3A_118 = vector.shape_cast %add3A_114 : vector<16xi32> to vector<16xi32>
    tpu.vector_store %arg7[%swap3A_115], %swap3A_118 {strides = array<i32>} : memref<128xi32, #tpu.memory_space<vmem>>, vector<16xi32>,
    %get3A_119 = arith.constant 112 : index
    %get3A_120 = tpu.vector_load %arg7[%get3A_119] {strides = array<i32>} : memref<128xi32, #tpu.memory_space<vmem>>, vector<16xi32>,
    %get3A_121 = vector.shape_cast %get3A_120 : vector<16xi32> to vector<16xi32>
    %add3A_122 = vector.broadcast %mul3A_19 : i32 to vector<16xi32>
    %add3A_123 = arith.addi %get3A_121, %add3A_122 : vector<16xi32>
    %swap3A_124 = arith.constant 112 : index
    %swap3A_125 = tpu.vector_load %arg7[%swap3A_124] {strides = array<i32>} : memref<128xi32, #tpu.memory_space<vmem>>, vector<16xi32>,
    %swap3A_126 = vector.shape_cast %swap3A_125 : vector<16xi32> to vector<16xi32>
    %swap3A_127 = vector.shape_cast %add3A_123 : vector<16xi32> to vector<16xi32>
    tpu.vector_store %arg7[%swap3A_124], %swap3A_127 {strides = array<i32>} : memref<128xi32, #tpu.memory_space<vmem>>, vector<16xi32>,
    %dma_start3A_128 = arith.constant 0 : i32
    %dma_start3A_129 = arith.constant 0 : i32
    %dma_start3A_130 = tpu.memref_slice %arg2[%dma_start3A_128, %dma_start3A_129] : memref<20000x128xf32, #tpu.memory_space<hbm>> -> memref<20000x128xf32, #tpu.memory_space<hbm>>
    tpu.enqueue_indirect_dma source(%dma_start3A_130 : memref<20000x128xf32, #tpu.memory_space<hbm>>) target(%arg15 : memref<128x128xf32, #tpu.memory_space<vmem>>) offsets(%arg7 : memref<128xi32, #tpu.memory_space<vmem>>) semaphore(%arg17 : memref<!tpu.dma_semaphore, #tpu.memory_space<semaphore_mem>>)
    %dma_wait3A_131 = arith.constant 0 : i32
    %dma_wait3A_132 = tpu.memref_slice %arg3[%dma_wait3A_131] : memref<327680xi32, #tpu.memory_space<hbm>> -> memref<128xi32, #tpu.memory_space<hbm>>
    %dma_wait3A_133 = arith.constant 0 : i32
    %dma_wait3A_134 = tpu.memref_slice %arg3[%dma_wait3A_133] : memref<327680xi32, #tpu.memory_space<hbm>> -> memref<128xi32, #tpu.memory_space<hbm>>
    tpu.wait_dma2 semaphore(%arg20 : memref<!tpu.dma_semaphore, #tpu.memory_space<semaphore_mem>>) src(%dma_wait3A_134 : memref<128xi32, #tpu.memory_space<hbm>>) dst(%arg8 : memref<128xi32, #tpu.memory_space<vmem>>)
    %dma_wait3A_135 = arith.constant 0 : i32
    %dma_wait3A_136 = tpu.memref_slice %arg4[%dma_wait3A_135] : memref<327680xi32, #tpu.memory_space<hbm>> -> memref<128xi32, #tpu.memory_space<hbm>>
    %dma_wait3A_137 = arith.constant 0 : i32
    %dma_wait3A_138 = tpu.memref_slice %arg4[%dma_wait3A_137] : memref<327680xi32, #tpu.memory_space<hbm>> -> memref<128xi32, #tpu.memory_space<hbm>>
    tpu.wait_dma2 semaphore(%arg20 : memref<!tpu.dma_semaphore, #tpu.memory_space<semaphore_mem>>) src(%dma_wait3A_138 : memref<128xi32, #tpu.memory_space<hbm>>) dst(%arg12 : memref<128xi32, #tpu.memory_space<vmem>>)
    %get3A_139 = arith.constant 0 : index
    %get3A_140 = tpu.vector_load %arg8[%get3A_139] {strides = array<i32>} : memref<128xi32, #tpu.memory_space<vmem>>, vector<16xi32>,
    %get3A_141 = vector.shape_cast %get3A_140 : vector<16xi32> to vector<16xi32>
    %add3A_142 = vector.broadcast %mul3A_19 : i32 to vector<16xi32>
    %add3A_143 = arith.addi %get3A_141, %add3A_142 : vector<16xi32>
    %swap3A_144 = arith.constant 0 : index
    %swap3A_145 = tpu.vector_load %arg8[%swap3A_144] {strides = array<i32>} : memref<128xi32, #tpu.memory_space<vmem>>, vector<16xi32>,
    %swap3A_146 = vector.shape_cast %swap3A_145 : vector<16xi32> to vector<16xi32>
    %swap3A_147 = vector.shape_cast %add3A_143 : vector<16xi32> to vector<16xi32>
    tpu.vector_store %arg8[%swap3A_144], %swap3A_147 {strides = array<i32>} : memref<128xi32, #tpu.memory_space<vmem>>, vector<16xi32>,
    %get3A_148 = arith.constant 16 : index
    %get3A_149 = tpu.vector_load %arg8[%get3A_148] {strides = array<i32>} : memref<128xi32, #tpu.memory_space<vmem>>, vector<16xi32>,
    %get3A_150 = vector.shape_cast %get3A_149 : vector<16xi32> to vector<16xi32>
    %add3A_151 = vector.broadcast %mul3A_19 : i32 to vector<16xi32>
    %add3A_152 = arith.addi %get3A_150, %add3A_151 : vector<16xi32>
    %swap3A_153 = arith.constant 16 : index
    %swap3A_154 = tpu.vector_load %arg8[%swap3A_153] {strides = array<i32>} : memref<128xi32, #tpu.memory_space<vmem>>, vector<16xi32>,
    %swap3A_155 = vector.shape_cast %swap3A_154 : vector<16xi32> to vector<16xi32>
    %swap3A_156 = vector.shape_cast %add3A_152 : vector<16xi32> to vector<16xi32>
    tpu.vector_store %arg8[%swap3A_153], %swap3A_156 {strides = array<i32>} : memref<128xi32, #tpu.memory_space<vmem>>, vector<16xi32>,
    %get3A_157 = arith.constant 32 : index
    %get3A_158 = tpu.vector_load %arg8[%get3A_157] {strides = array<i32>} : memref<128xi32, #tpu.memory_space<vmem>>, vector<16xi32>,
    %get3A_159 = vector.shape_cast %get3A_158 : vector<16xi32> to vector<16xi32>
    %add3A_160 = vector.broadcast %mul3A_19 : i32 to vector<16xi32>
    %add3A_161 = arith.addi %get3A_159, %add3A_160 : vector<16xi32>
    %swap3A_162 = arith.constant 32 : index
    %swap3A_163 = tpu.vector_load %arg8[%swap3A_162] {strides = array<i32>} : memref<128xi32, #tpu.memory_space<vmem>>, vector<16xi32>,
    %swap3A_164 = vector.shape_cast %swap3A_163 : vector<16xi32> to vector<16xi32>
    %swap3A_165 = vector.shape_cast %add3A_161 : vector<16xi32> to vector<16xi32>
    tpu.vector_store %arg8[%swap3A_162], %swap3A_165 {strides = array<i32>} : memref<128xi32, #tpu.memory_space<vmem>>, vector<16xi32>,
    %get3A_166 = arith.constant 48 : index
    %get3A_167 = tpu.vector_load %arg8[%get3A_166] {strides = array<i32>} : memref<128xi32, #tpu.memory_space<vmem>>, vector<16xi32>,
    %get3A_168 = vector.shape_cast %get3A_167 : vector<16xi32> to vector<16xi32>
    %add3A_169 = vector.broadcast %mul3A_19 : i32 to vector<16xi32>
    %add3A_170 = arith.addi %get3A_168, %add3A_169 : vector<16xi32>
    %swap3A_171 = arith.constant 48 : index
    %swap3A_172 = tpu.vector_load %arg8[%swap3A_171] {strides = array<i32>} : memref<128xi32, #tpu.memory_space<vmem>>, vector<16xi32>,
    %swap3A_173 = vector.shape_cast %swap3A_172 : vector<16xi32> to vector<16xi32>
    %swap3A_174 = vector.shape_cast %add3A_170 : vector<16xi32> to vector<16xi32>
    tpu.vector_store %arg8[%swap3A_171], %swap3A_174 {strides = array<i32>} : memref<128xi32, #tpu.memory_space<vmem>>, vector<16xi32>,
    %get3A_175 = arith.constant 64 : index
    %get3A_176 = tpu.vector_load %arg8[%get3A_175] {strides = array<i32>} : memref<128xi32, #tpu.memory_space<vmem>>, vector<16xi32>,
    %get3A_177 = vector.shape_cast %get3A_176 : vector<16xi32> to vector<16xi32>
    %add3A_178 = vector.broadcast %mul3A_19 : i32 to vector<16xi32>
    %add3A_179 = arith.addi %get3A_177, %add3A_178 : vector<16xi32>
    %swap3A_180 = arith.constant 64 : index
    %swap3A_181 = tpu.vector_load %arg8[%swap3A_180] {strides = array<i32>} : memref<128xi32, #tpu.memory_space<vmem>>, vector<16xi32>,
    %swap3A_182 = vector.shape_cast %swap3A_181 : vector<16xi32> to vector<16xi32>
    %swap3A_183 = vector.shape_cast %add3A_179 : vector<16xi32> to vector<16xi32>
    tpu.vector_store %arg8[%swap3A_180], %swap3A_183 {strides = array<i32>} : memref<128xi32, #tpu.memory_space<vmem>>, vector<16xi32>,
    %get3A_184 = arith.constant 80 : index
    %get3A_185 = tpu.vector_load %arg8[%get3A_184] {strides = array<i32>} : memref<128xi32, #tpu.memory_space<vmem>>, vector<16xi32>,
    %get3A_186 = vector.shape_cast %get3A_185 : vector<16xi32> to vector<16xi32>
    %add3A_187 = vector.broadcast %mul3A_19 : i32 to vector<16xi32>
    %add3A_188 = arith.addi %get3A_186, %add3A_187 : vector<16xi32>
    %swap3A_189 = arith.constant 80 : index
    %swap3A_190 = tpu.vector_load %arg8[%swap3A_189] {strides = array<i32>} : memref<128xi32, #tpu.memory_space<vmem>>, vector<16xi32>,
    %swap3A_191 = vector.shape_cast %swap3A_190 : vector<16xi32> to vector<16xi32>
    %swap3A_192 = vector.shape_cast %add3A_188 : vector<16xi32> to vector<16xi32>
    tpu.vector_store %arg8[%swap3A_189], %swap3A_192 {strides = array<i32>} : memref<128xi32, #tpu.memory_space<vmem>>, vector<16xi32>,
    %get3A_193 = arith.constant 96 : index
    %get3A_194 = tpu.vector_load %arg8[%get3A_193] {strides = array<i32>} : memref<128xi32, #tpu.memory_space<vmem>>, vector<16xi32>,
    %get3A_195 = vector.shape_cast %get3A_194 : vector<16xi32> to vector<16xi32>
    %add3A_196 = vector.broadcast %mul3A_19 : i32 to vector<16xi32>
    %add3A_197 = arith.addi %get3A_195, %add3A_196 : vector<16xi32>
    %swap3A_198 = arith.constant 96 : index
    %swap3A_199 = tpu.vector_load %arg8[%swap3A_198] {strides = array<i32>} : memref<128xi32, #tpu.memory_space<vmem>>, vector<16xi32>,
    %swap3A_200 = vector.shape_cast %swap3A_199 : vector<16xi32> to vector<16xi32>
    %swap3A_201 = vector.shape_cast %add3A_197 : vector<16xi32> to vector<16xi32>
    tpu.vector_store %arg8[%swap3A_198], %swap3A_201 {strides = array<i32>} : memref<128xi32, #tpu.memory_space<vmem>>, vector<16xi32>,
    %get3A_202 = arith.constant 112 : index
    %get3A_203 = tpu.vector_load %arg8[%get3A_202] {strides = array<i32>} : memref<128xi32, #tpu.memory_space<vmem>>, vector<16xi32>,
    %get3A_204 = vector.shape_cast %get3A_203 : vector<16xi32> to vector<16xi32>
    %add3A_205 = vector.broadcast %mul3A_19 : i32 to vector<16xi32>
    %add3A_206 = arith.addi %get3A_204, %add3A_205 : vector<16xi32>
    %swap3A_207 = arith.constant 112 : index
    %swap3A_208 = tpu.vector_load %arg8[%swap3A_207] {strides = array<i32>} : memref<128xi32, #tpu.memory_space<vmem>>, vector<16xi32>,
    %swap3A_209 = vector.shape_cast %swap3A_208 : vector<16xi32> to vector<16xi32>
    %swap3A_210 = vector.shape_cast %add3A_206 : vector<16xi32> to vector<16xi32>
    tpu.vector_store %arg8[%swap3A_207], %swap3A_210 {strides = array<i32>} : memref<128xi32, #tpu.memory_space<vmem>>, vector<16xi32>,
    %dma_start3A_211 = arith.constant 0 : i32
    %dma_start3A_212 = arith.constant 0 : i32
    %dma_start3A_213 = tpu.memref_slice %arg2[%dma_start3A_211, %dma_start3A_212] : memref<20000x128xf32, #tpu.memory_space<hbm>> -> memref<20000x128xf32, #tpu.memory_space<hbm>>
    tpu.enqueue_indirect_dma source(%dma_start3A_213 : memref<20000x128xf32, #tpu.memory_space<hbm>>) target(%arg16 : memref<128x128xf32, #tpu.memory_space<vmem>>) offsets(%arg8 : memref<128xi32, #tpu.memory_space<vmem>>) semaphore(%arg18 : memref<!tpu.dma_semaphore, #tpu.memory_space<semaphore_mem>>)
    %scan3A_214 = arith.constant 0 : i32
    %scan3A_215 = arith.constant 0 : i32
    %scan3A_216 = arith.constant 40 : i32
    %scan3A_217 = arith.addi %scan3A_215, %scan3A_216 : i32
    %scan3A_218 = arith.constant 1 : i32
    %scan3A_219 = scf.for %scan3A_225 = %scan3A_215 to %scan3A_217 step %scan3A_218 iter_args(%scan3A_226 = %scan3A_214) -> (i32)  : i32 {
      %mul3A_227 = arith.constant 4 : i32
      %mul3A_228 = arith.muli %scan3A_225, %mul3A_227 : i32
      %add3A_229 = arith.constant 0 : i32
      %add3A_230 = arith.addi %mul3A_228, %add3A_229 : i32
      %dma_wait3A_231 = arith.constant 0 : i32
      %dma_wait3A_232 = arith.constant 0 : i32
      %dma_wait3A_233 = tpu.memref_slice %arg2[%dma_wait3A_231, %dma_wait3A_232] : memref<20000x128xf32, #tpu.memory_space<hbm>> -> memref<20000x128xf32, #tpu.memory_space<hbm>>
      tpu.wait_indirect_dma semaphore(%arg17 : memref<!tpu.dma_semaphore, #tpu.memory_space<semaphore_mem>>) src(%dma_wait3A_233 : memref<20000x128xf32, #tpu.memory_space<hbm>>) dst(%arg15 : memref<128x128xf32, #tpu.memory_space<vmem>>)
      "tpu.region"() ({
        %run_scoped3A = tpu.sem_alloc : memref<!tpu.dma_semaphore, #tpu.memory_space<semaphore_mem>>
        %dma_start3A_309 = arith.constant 0 : i32
        %dma_start3A_310 = arith.constant 0 : i32
        %dma_start3A_311 = tpu.memref_slice %arg6[%dma_start3A_309, %dma_start3A_310] : memref<10240x128xf32, #tpu.memory_space<vmem_shared>> -> memref<10240x128xf32, #tpu.memory_space<vmem_shared>>
        tpu.enqueue_indirect_dma source(%arg15 : memref<128x128xf32, #tpu.memory_space<vmem>>) target(%dma_start3A_311 : memref<10240x128xf32, #tpu.memory_space<vmem_shared>>) offsets(%arg11 : memref<128xi32, #tpu.memory_space<vmem>>) semaphore(%run_scoped3A : memref<!tpu.dma_semaphore, #tpu.memory_space<semaphore_mem>>) {add = true}
        %dma_wait3A_312 = arith.constant 0 : i32
        %dma_wait3A_313 = arith.constant 0 : i32
        %dma_wait3A_314 = tpu.memref_slice %arg6[%dma_wait3A_312, %dma_wait3A_313] : memref<10240x128xf32, #tpu.memory_space<vmem_shared>> -> memref<10240x128xf32, #tpu.memory_space<vmem_shared>>
        tpu.wait_indirect_dma semaphore(%run_scoped3A : memref<!tpu.dma_semaphore, #tpu.memory_space<semaphore_mem>>) src(%arg15 : memref<128x128xf32, #tpu.memory_space<vmem>>) dst(%dma_wait3A_314 : memref<10240x128xf32, #tpu.memory_space<vmem_shared>>)
        tpu.yield
      }) : () -> ()
      %add3A_234 = arith.constant 4 : i32
      %add3A_235 = arith.addi %add3A_230, %add3A_234 : i32
      %lt3A = arith.constant 160 : i32
      %lt3A_236 = arith.cmpi slt, %add3A_235, %lt3A : i32
      %convert_element_type3A = arith.extui %lt3A_236 : i1 to i32
      %cond3A = arith.constant 0 : i32
      %cond3A_237 = arith.cmpi ne, %convert_element_type3A, %cond3A : i32
      scf.if %cond3A_237 {
        %mul3A_309 = arith.constant 128 : i32
        %mul3A_310 = arith.muli %add3A_235, %mul3A_309 : i32
        %add3A_311 = arith.addi %mul3A_17, %mul3A_310 : i32
        %dma_start3A_312 = tpu.memref_slice %arg3[%add3A_311] : memref<327680xi32, #tpu.memory_space<hbm>> -> memref<128xi32, #tpu.memory_space<hbm>>
        %dma_start3A_313 = tpu.memref_slice %arg3[%add3A_311] : memref<327680xi32, #tpu.memory_space<hbm>> -> memref<128xi32, #tpu.memory_space<hbm>>
        tpu.enqueue_dma source(%dma_start3A_313 : memref<128xi32, #tpu.memory_space<hbm>>) target(%arg7 : memref<128xi32, #tpu.memory_space<vmem>>) target_semaphore(%arg19 : memref<!tpu.dma_semaphore, #tpu.memory_space<semaphore_mem>>)
        %mul3A_314 = arith.constant 128 : i32
        %mul3A_315 = arith.muli %add3A_235, %mul3A_314 : i32
        %add3A_316 = arith.addi %mul3A_17, %mul3A_315 : i32
        %dma_start3A_317 = tpu.memref_slice %arg4[%add3A_316] : memref<327680xi32, #tpu.memory_space<hbm>> -> memref<128xi32, #tpu.memory_space<hbm>>
        %dma_start3A_318 = tpu.memref_slice %arg4[%add3A_316] : memref<327680xi32, #tpu.memory_space<hbm>> -> memref<128xi32, #tpu.memory_space<hbm>>
        tpu.enqueue_dma source(%dma_start3A_318 : memref<128xi32, #tpu.memory_space<hbm>>) target(%arg11 : memref<128xi32, #tpu.memory_space<vmem>>) target_semaphore(%arg19 : memref<!tpu.dma_semaphore, #tpu.memory_space<semaphore_mem>>)
      } else {
      }
      %add3A_238 = arith.constant 2 : i32
      %add3A_239 = arith.addi %add3A_230, %add3A_238 : i32
      %lt3A_240 = arith.constant 160 : i32
      %lt3A_241 = arith.cmpi slt, %add3A_239, %lt3A_240 : i32
      %convert_element_type3A_242 = arith.extui %lt3A_241 : i1 to i32
      %cond3A_243 = arith.constant 0 : i32
      %cond3A_244 = arith.cmpi ne, %convert_element_type3A_242, %cond3A_243 : i32
      scf.if %cond3A_244 {
        %dma_wait3A_309 = arith.constant 0 : i32
        %dma_wait3A_310 = tpu.memref_slice %arg3[%dma_wait3A_309] : memref<327680xi32, #tpu.memory_space<hbm>> -> memref<128xi32, #tpu.memory_space<hbm>>
        %dma_wait3A_311 = arith.constant 0 : i32
        %dma_wait3A_312 = tpu.memref_slice %arg3[%dma_wait3A_311] : memref<327680xi32, #tpu.memory_space<hbm>> -> memref<128xi32, #tpu.memory_space<hbm>>
        tpu.wait_dma2 semaphore(%arg21 : memref<!tpu.dma_semaphore, #tpu.memory_space<semaphore_mem>>) src(%dma_wait3A_312 : memref<128xi32, #tpu.memory_space<hbm>>) dst(%arg9 : memref<128xi32, #tpu.memory_space<vmem>>)
        %dma_wait3A_313 = arith.constant 0 : i32
        %dma_wait3A_314 = tpu.memref_slice %arg4[%dma_wait3A_313] : memref<327680xi32, #tpu.memory_space<hbm>> -> memref<128xi32, #tpu.memory_space<hbm>>
        %dma_wait3A_315 = arith.constant 0 : i32
        %dma_wait3A_316 = tpu.memref_slice %arg4[%dma_wait3A_315] : memref<327680xi32, #tpu.memory_space<hbm>> -> memref<128xi32, #tpu.memory_space<hbm>>
        tpu.wait_dma2 semaphore(%arg21 : memref<!tpu.dma_semaphore, #tpu.memory_space<semaphore_mem>>) src(%dma_wait3A_316 : memref<128xi32, #tpu.memory_space<hbm>>) dst(%arg13 : memref<128xi32, #tpu.memory_space<vmem>>)
        %get3A_317 = arith.constant 0 : index
        %get3A_318 = tpu.vector_load %arg9[%get3A_317] {strides = array<i32>} : memref<128xi32, #tpu.memory_space<vmem>>, vector<16xi32>,
        %get3A_319 = vector.shape_cast %get3A_318 : vector<16xi32> to vector<16xi32>
        %add3A_320 = vector.broadcast %mul3A_19 : i32 to vector<16xi32>
        %add3A_321 = arith.addi %get3A_319, %add3A_320 : vector<16xi32>
        %swap3A_322 = arith.constant 0 : index
        %swap3A_323 = tpu.vector_load %arg9[%swap3A_322] {strides = array<i32>} : memref<128xi32, #tpu.memory_space<vmem>>, vector<16xi32>,
        %swap3A_324 = vector.shape_cast %swap3A_323 : vector<16xi32> to vector<16xi32>
        %swap3A_325 = vector.shape_cast %add3A_321 : vector<16xi32> to vector<16xi32>
        tpu.vector_store %arg9[%swap3A_322], %swap3A_325 {strides = array<i32>} : memref<128xi32, #tpu.memory_space<vmem>>, vector<16xi32>,
        %get3A_326 = arith.constant 16 : index
        %get3A_327 = tpu.vector_load %arg9[%get3A_326] {strides = array<i32>} : memref<128xi32, #tpu.memory_space<vmem>>, vector<16xi32>,
        %get3A_328 = vector.shape_cast %get3A_327 : vector<16xi32> to vector<16xi32>
        %add3A_329 = vector.broadcast %mul3A_19 : i32 to vector<16xi32>
        %add3A_330 = arith.addi %get3A_328, %add3A_329 : vector<16xi32>
        %swap3A_331 = arith.constant 16 : index
        %swap3A_332 = tpu.vector_load %arg9[%swap3A_331] {strides = array<i32>} : memref<128xi32, #tpu.memory_space<vmem>>, vector<16xi32>,
        %swap3A_333 = vector.shape_cast %swap3A_332 : vector<16xi32> to vector<16xi32>
        %swap3A_334 = vector.shape_cast %add3A_330 : vector<16xi32> to vector<16xi32>
        tpu.vector_store %arg9[%swap3A_331], %swap3A_334 {strides = array<i32>} : memref<128xi32, #tpu.memory_space<vmem>>, vector<16xi32>,
        %get3A_335 = arith.constant 32 : index
        %get3A_336 = tpu.vector_load %arg9[%get3A_335] {strides = array<i32>} : memref<128xi32, #tpu.memory_space<vmem>>, vector<16xi32>,
        %get3A_337 = vector.shape_cast %get3A_336 : vector<16xi32> to vector<16xi32>
        %add3A_338 = vector.broadcast %mul3A_19 : i32 to vector<16xi32>
        %add3A_339 = arith.addi %get3A_337, %add3A_338 : vector<16xi32>
        %swap3A_340 = arith.constant 32 : index
        %swap3A_341 = tpu.vector_load %arg9[%swap3A_340] {strides = array<i32>} : memref<128xi32, #tpu.memory_space<vmem>>, vector<16xi32>,
        %swap3A_342 = vector.shape_cast %swap3A_341 : vector<16xi32> to vector<16xi32>
        %swap3A_343 = vector.shape_cast %add3A_339 : vector<16xi32> to vector<16xi32>
        tpu.vector_store %arg9[%swap3A_340], %swap3A_343 {strides = array<i32>} : memref<128xi32, #tpu.memory_space<vmem>>, vector<16xi32>,
        %get3A_344 = arith.constant 48 : index
        %get3A_345 = tpu.vector_load %arg9[%get3A_344] {strides = array<i32>} : memref<128xi32, #tpu.memory_space<vmem>>, vector<16xi32>,
        %get3A_346 = vector.shape_cast %get3A_345 : vector<16xi32> to vector<16xi32>
        %add3A_347 = vector.broadcast %mul3A_19 : i32 to vector<16xi32>
        %add3A_348 = arith.addi %get3A_346, %add3A_347 : vector<16xi32>
        %swap3A_349 = arith.constant 48 : index
        %swap3A_350 = tpu.vector_load %arg9[%swap3A_349] {strides = array<i32>} : memref<128xi32, #tpu.memory_space<vmem>>, vector<16xi32>,
        %swap3A_351 = vector.shape_cast %swap3A_350 : vector<16xi32> to vector<16xi32>
        %swap3A_352 = vector.shape_cast %add3A_348 : vector<16xi32> to vector<16xi32>
        tpu.vector_store %arg9[%swap3A_349], %swap3A_352 {strides = array<i32>} : memref<128xi32, #tpu.memory_space<vmem>>, vector<16xi32>,
        %get3A_353 = arith.constant 64 : index
        %get3A_354 = tpu.vector_load %arg9[%get3A_353] {strides = array<i32>} : memref<128xi32, #tpu.memory_space<vmem>>, vector<16xi32>,
        %get3A_355 = vector.shape_cast %get3A_354 : vector<16xi32> to vector<16xi32>
        %add3A_356 = vector.broadcast %mul3A_19 : i32 to vector<16xi32>
        %add3A_357 = arith.addi %get3A_355, %add3A_356 : vector<16xi32>
        %swap3A_358 = arith.constant 64 : index
        %swap3A_359 = tpu.vector_load %arg9[%swap3A_358] {strides = array<i32>} : memref<128xi32, #tpu.memory_space<vmem>>, vector<16xi32>,
        %swap3A_360 = vector.shape_cast %swap3A_359 : vector<16xi32> to vector<16xi32>
        %swap3A_361 = vector.shape_cast %add3A_357 : vector<16xi32> to vector<16xi32>
        tpu.vector_store %arg9[%swap3A_358], %swap3A_361 {strides = array<i32>} : memref<128xi32, #tpu.memory_space<vmem>>, vector<16xi32>,
        %get3A_362 = arith.constant 80 : index
        %get3A_363 = tpu.vector_load %arg9[%get3A_362] {strides = array<i32>} : memref<128xi32, #tpu.memory_space<vmem>>, vector<16xi32>,
        %get3A_364 = vector.shape_cast %get3A_363 : vector<16xi32> to vector<16xi32>
        %add3A_365 = vector.broadcast %mul3A_19 : i32 to vector<16xi32>
        %add3A_366 = arith.addi %get3A_364, %add3A_365 : vector<16xi32>
        %swap3A_367 = arith.constant 80 : index
        %swap3A_368 = tpu.vector_load %arg9[%swap3A_367] {strides = array<i32>} : memref<128xi32, #tpu.memory_space<vmem>>, vector<16xi32>,
        %swap3A_369 = vector.shape_cast %swap3A_368 : vector<16xi32> to vector<16xi32>
        %swap3A_370 = vector.shape_cast %add3A_366 : vector<16xi32> to vector<16xi32>
        tpu.vector_store %arg9[%swap3A_367], %swap3A_370 {strides = array<i32>} : memref<128xi32, #tpu.memory_space<vmem>>, vector<16xi32>,
        %get3A_371 = arith.constant 96 : index
        %get3A_372 = tpu.vector_load %arg9[%get3A_371] {strides = array<i32>} : memref<128xi32, #tpu.memory_space<vmem>>, vector<16xi32>,
        %get3A_373 = vector.shape_cast %get3A_372 : vector<16xi32> to vector<16xi32>
        %add3A_374 = vector.broadcast %mul3A_19 : i32 to vector<16xi32>
        %add3A_375 = arith.addi %get3A_373, %add3A_374 : vector<16xi32>
        %swap3A_376 = arith.constant 96 : index
        %swap3A_377 = tpu.vector_load %arg9[%swap3A_376] {strides = array<i32>} : memref<128xi32, #tpu.memory_space<vmem>>, vector<16xi32>,
        %swap3A_378 = vector.shape_cast %swap3A_377 : vector<16xi32> to vector<16xi32>
        %swap3A_379 = vector.shape_cast %add3A_375 : vector<16xi32> to vector<16xi32>
        tpu.vector_store %arg9[%swap3A_376], %swap3A_379 {strides = array<i32>} : memref<128xi32, #tpu.memory_space<vmem>>, vector<16xi32>,
        %get3A_380 = arith.constant 112 : index
        %get3A_381 = tpu.vector_load %arg9[%get3A_380] {strides = array<i32>} : memref<128xi32, #tpu.memory_space<vmem>>, vector<16xi32>,
        %get3A_382 = vector.shape_cast %get3A_381 : vector<16xi32> to vector<16xi32>
        %add3A_383 = vector.broadcast %mul3A_19 : i32 to vector<16xi32>
        %add3A_384 = arith.addi %get3A_382, %add3A_383 : vector<16xi32>
        %swap3A_385 = arith.constant 112 : index
        %swap3A_386 = tpu.vector_load %arg9[%swap3A_385] {strides = array<i32>} : memref<128xi32, #tpu.memory_space<vmem>>, vector<16xi32>,
        %swap3A_387 = vector.shape_cast %swap3A_386 : vector<16xi32> to vector<16xi32>
        %swap3A_388 = vector.shape_cast %add3A_384 : vector<16xi32> to vector<16xi32>
        tpu.vector_store %arg9[%swap3A_385], %swap3A_388 {strides = array<i32>} : memref<128xi32, #tpu.memory_space<vmem>>, vector<16xi32>,
        %dma_start3A_389 = arith.constant 0 : i32
        %dma_start3A_390 = arith.constant 0 : i32
        %dma_start3A_391 = tpu.memref_slice %arg2[%dma_start3A_389, %dma_start3A_390] : memref<20000x128xf32, #tpu.memory_space<hbm>> -> memref<20000x128xf32, #tpu.memory_space<hbm>>
        tpu.enqueue_indirect_dma source(%dma_start3A_391 : memref<20000x128xf32, #tpu.memory_space<hbm>>) target(%arg15 : memref<128x128xf32, #tpu.memory_space<vmem>>) offsets(%arg9 : memref<128xi32, #tpu.memory_space<vmem>>) semaphore(%arg17 : memref<!tpu.dma_semaphore, #tpu.memory_space<semaphore_mem>>)
      } else {
      }
      %mul3A_245 = arith.constant 4 : i32
      %mul3A_246 = arith.muli %scan3A_225, %mul3A_245 : i32
      %add3A_247 = arith.constant 1 : i32
      %add3A_248 = arith.addi %mul3A_246, %add3A_247 : i32
      %dma_wait3A_249 = arith.constant 0 : i32
      %dma_wait3A_250 = arith.constant 0 : i32
      %dma_wait3A_251 = tpu.memref_slice %arg2[%dma_wait3A_249, %dma_wait3A_250] : memref<20000x128xf32, #tpu.memory_space<hbm>> -> memref<20000x128xf32, #tpu.memory_space<hbm>>
      tpu.wait_indirect_dma semaphore(%arg18 : memref<!tpu.dma_semaphore, #tpu.memory_space<semaphore_mem>>) src(%dma_wait3A_251 : memref<20000x128xf32, #tpu.memory_space<hbm>>) dst(%arg16 : memref<128x128xf32, #tpu.memory_space<vmem>>)
      "tpu.region"() ({
        %run_scoped3A = tpu.sem_alloc : memref<!tpu.dma_semaphore, #tpu.memory_space<semaphore_mem>>
        %dma_start3A_309 = arith.constant 0 : i32
        %dma_start3A_310 = arith.constant 0 : i32
        %dma_start3A_311 = tpu.memref_slice %arg6[%dma_start3A_309, %dma_start3A_310] : memref<10240x128xf32, #tpu.memory_space<vmem_shared>> -> memref<10240x128xf32, #tpu.memory_space<vmem_shared>>
        tpu.enqueue_indirect_dma source(%arg16 : memref<128x128xf32, #tpu.memory_space<vmem>>) target(%dma_start3A_311 : memref<10240x128xf32, #tpu.memory_space<vmem_shared>>) offsets(%arg12 : memref<128xi32, #tpu.memory_space<vmem>>) semaphore(%run_scoped3A : memref<!tpu.dma_semaphore, #tpu.memory_space<semaphore_mem>>) {add = true}
        %dma_wait3A_312 = arith.constant 0 : i32
        %dma_wait3A_313 = arith.constant 0 : i32
        %dma_wait3A_314 = tpu.memref_slice %arg6[%dma_wait3A_312, %dma_wait3A_313] : memref<10240x128xf32, #tpu.memory_space<vmem_shared>> -> memref<10240x128xf32, #tpu.memory_space<vmem_shared>>
        tpu.wait_indirect_dma semaphore(%run_scoped3A : memref<!tpu.dma_semaphore, #tpu.memory_space<semaphore_mem>>) src(%arg16 : memref<128x128xf32, #tpu.memory_space<vmem>>) dst(%dma_wait3A_314 : memref<10240x128xf32, #tpu.memory_space<vmem_shared>>)
        tpu.yield
      }) : () -> ()
      %add3A_252 = arith.constant 4 : i32
      %add3A_253 = arith.addi %add3A_248, %add3A_252 : i32
      %lt3A_254 = arith.constant 160 : i32
      %lt3A_255 = arith.cmpi slt, %add3A_253, %lt3A_254 : i32
      %convert_element_type3A_256 = arith.extui %lt3A_255 : i1 to i32
      %cond3A_257 = arith.constant 0 : i32
      %cond3A_258 = arith.cmpi ne, %convert_element_type3A_256, %cond3A_257 : i32
      scf.if %cond3A_258 {
        %mul3A_309 = arith.constant 128 : i32
        %mul3A_310 = arith.muli %add3A_253, %mul3A_309 : i32
        %add3A_311 = arith.addi %mul3A_17, %mul3A_310 : i32
        %dma_start3A_312 = tpu.memref_slice %arg3[%add3A_311] : memref<327680xi32, #tpu.memory_space<hbm>> -> memref<128xi32, #tpu.memory_space<hbm>>
        %dma_start3A_313 = tpu.memref_slice %arg3[%add3A_311] : memref<327680xi32, #tpu.memory_space<hbm>> -> memref<128xi32, #tpu.memory_space<hbm>>
        tpu.enqueue_dma source(%dma_start3A_313 : memref<128xi32, #tpu.memory_space<hbm>>) target(%arg8 : memref<128xi32, #tpu.memory_space<vmem>>) target_semaphore(%arg20 : memref<!tpu.dma_semaphore, #tpu.memory_space<semaphore_mem>>)
        %mul3A_314 = arith.constant 128 : i32
        %mul3A_315 = arith.muli %add3A_253, %mul3A_314 : i32
        %add3A_316 = arith.addi %mul3A_17, %mul3A_315 : i32
        %dma_start3A_317 = tpu.memref_slice %arg4[%add3A_316] : memref<327680xi32, #tpu.memory_space<hbm>> -> memref<128xi32, #tpu.memory_space<hbm>>
        %dma_start3A_318 = tpu.memref_slice %arg4[%add3A_316] : memref<327680xi32, #tpu.memory_space<hbm>> -> memref<128xi32, #tpu.memory_space<hbm>>
        tpu.enqueue_dma source(%dma_start3A_318 : memref<128xi32, #tpu.memory_space<hbm>>) target(%arg12 : memref<128xi32, #tpu.memory_space<vmem>>) target_semaphore(%arg20 : memref<!tpu.dma_semaphore, #tpu.memory_space<semaphore_mem>>)
      } else {
      }
      %add3A_259 = arith.constant 2 : i32
      %add3A_260 = arith.addi %add3A_248, %add3A_259 : i32
      %lt3A_261 = arith.constant 160 : i32
      %lt3A_262 = arith.cmpi slt, %add3A_260, %lt3A_261 : i32
      %convert_element_type3A_263 = arith.extui %lt3A_262 : i1 to i32
      %cond3A_264 = arith.constant 0 : i32
      %cond3A_265 = arith.cmpi ne, %convert_element_type3A_263, %cond3A_264 : i32
      scf.if %cond3A_265 {
        %dma_wait3A_309 = arith.constant 0 : i32
        %dma_wait3A_310 = tpu.memref_slice %arg3[%dma_wait3A_309] : memref<327680xi32, #tpu.memory_space<hbm>> -> memref<128xi32, #tpu.memory_space<hbm>>
        %dma_wait3A_311 = arith.constant 0 : i32
        %dma_wait3A_312 = tpu.memref_slice %arg3[%dma_wait3A_311] : memref<327680xi32, #tpu.memory_space<hbm>> -> memref<128xi32, #tpu.memory_space<hbm>>
        tpu.wait_dma2 semaphore(%arg22 : memref<!tpu.dma_semaphore, #tpu.memory_space<semaphore_mem>>) src(%dma_wait3A_312 : memref<128xi32, #tpu.memory_space<hbm>>) dst(%arg10 : memref<128xi32, #tpu.memory_space<vmem>>)
        %dma_wait3A_313 = arith.constant 0 : i32
        %dma_wait3A_314 = tpu.memref_slice %arg4[%dma_wait3A_313] : memref<327680xi32, #tpu.memory_space<hbm>> -> memref<128xi32, #tpu.memory_space<hbm>>
        %dma_wait3A_315 = arith.constant 0 : i32
        %dma_wait3A_316 = tpu.memref_slice %arg4[%dma_wait3A_315] : memref<327680xi32, #tpu.memory_space<hbm>> -> memref<128xi32, #tpu.memory_space<hbm>>
        tpu.wait_dma2 semaphore(%arg22 : memref<!tpu.dma_semaphore, #tpu.memory_space<semaphore_mem>>) src(%dma_wait3A_316 : memref<128xi32, #tpu.memory_space<hbm>>) dst(%arg14 : memref<128xi32, #tpu.memory_space<vmem>>)
        %get3A_317 = arith.constant 0 : index
        %get3A_318 = tpu.vector_load %arg10[%get3A_317] {strides = array<i32>} : memref<128xi32, #tpu.memory_space<vmem>>, vector<16xi32>,
        %get3A_319 = vector.shape_cast %get3A_318 : vector<16xi32> to vector<16xi32>
        %add3A_320 = vector.broadcast %mul3A_19 : i32 to vector<16xi32>
        %add3A_321 = arith.addi %get3A_319, %add3A_320 : vector<16xi32>
        %swap3A_322 = arith.constant 0 : index
        %swap3A_323 = tpu.vector_load %arg10[%swap3A_322] {strides = array<i32>} : memref<128xi32, #tpu.memory_space<vmem>>, vector<16xi32>,
        %swap3A_324 = vector.shape_cast %swap3A_323 : vector<16xi32> to vector<16xi32>
        %swap3A_325 = vector.shape_cast %add3A_321 : vector<16xi32> to vector<16xi32>
        tpu.vector_store %arg10[%swap3A_322], %swap3A_325 {strides = array<i32>} : memref<128xi32, #tpu.memory_space<vmem>>, vector<16xi32>,
        %get3A_326 = arith.constant 16 : index
        %get3A_327 = tpu.vector_load %arg10[%get3A_326] {strides = array<i32>} : memref<128xi32, #tpu.memory_space<vmem>>, vector<16xi32>,
        %get3A_328 = vector.shape_cast %get3A_327 : vector<16xi32> to vector<16xi32>
        %add3A_329 = vector.broadcast %mul3A_19 : i32 to vector<16xi32>
        %add3A_330 = arith.addi %get3A_328, %add3A_329 : vector<16xi32>
        %swap3A_331 = arith.constant 16 : index
        %swap3A_332 = tpu.vector_load %arg10[%swap3A_331] {strides = array<i32>} : memref<128xi32, #tpu.memory_space<vmem>>, vector<16xi32>,
        %swap3A_333 = vector.shape_cast %swap3A_332 : vector<16xi32> to vector<16xi32>
        %swap3A_334 = vector.shape_cast %add3A_330 : vector<16xi32> to vector<16xi32>
        tpu.vector_store %arg10[%swap3A_331], %swap3A_334 {strides = array<i32>} : memref<128xi32, #tpu.memory_space<vmem>>, vector<16xi32>,
        %get3A_335 = arith.constant 32 : index
        %get3A_336 = tpu.vector_load %arg10[%get3A_335] {strides = array<i32>} : memref<128xi32, #tpu.memory_space<vmem>>, vector<16xi32>,
        %get3A_337 = vector.shape_cast %get3A_336 : vector<16xi32> to vector<16xi32>
        %add3A_338 = vector.broadcast %mul3A_19 : i32 to vector<16xi32>
        %add3A_339 = arith.addi %get3A_337, %add3A_338 : vector<16xi32>
        %swap3A_340 = arith.constant 32 : index
        %swap3A_341 = tpu.vector_load %arg10[%swap3A_340] {strides = array<i32>} : memref<128xi32, #tpu.memory_space<vmem>>, vector<16xi32>,
        %swap3A_342 = vector.shape_cast %swap3A_341 : vector<16xi32> to vector<16xi32>
        %swap3A_343 = vector.shape_cast %add3A_339 : vector<16xi32> to vector<16xi32>
        tpu.vector_store %arg10[%swap3A_340], %swap3A_343 {strides = array<i32>} : memref<128xi32, #tpu.memory_space<vmem>>, vector<16xi32>,
        %get3A_344 = arith.constant 48 : index
        %get3A_345 = tpu.vector_load %arg10[%get3A_344] {strides = array<i32>} : memref<128xi32, #tpu.memory_space<vmem>>, vector<16xi32>,
        %get3A_346 = vector.shape_cast %get3A_345 : vector<16xi32> to vector<16xi32>
        %add3A_347 = vector.broadcast %mul3A_19 : i32 to vector<16xi32>
        %add3A_348 = arith.addi %get3A_346, %add3A_347 : vector<16xi32>
        %swap3A_349 = arith.constant 48 : index
        %swap3A_350 = tpu.vector_load %arg10[%swap3A_349] {strides = array<i32>} : memref<128xi32, #tpu.memory_space<vmem>>, vector<16xi32>,
        %swap3A_351 = vector.shape_cast %swap3A_350 : vector<16xi32> to vector<16xi32>
        %swap3A_352 = vector.shape_cast %add3A_348 : vector<16xi32> to vector<16xi32>
        tpu.vector_store %arg10[%swap3A_349], %swap3A_352 {strides = array<i32>} : memref<128xi32, #tpu.memory_space<vmem>>, vector<16xi32>,
        %get3A_353 = arith.constant 64 : index
        %get3A_354 = tpu.vector_load %arg10[%get3A_353] {strides = array<i32>} : memref<128xi32, #tpu.memory_space<vmem>>, vector<16xi32>,
        %get3A_355 = vector.shape_cast %get3A_354 : vector<16xi32> to vector<16xi32>
        %add3A_356 = vector.broadcast %mul3A_19 : i32 to vector<16xi32>
        %add3A_357 = arith.addi %get3A_355, %add3A_356 : vector<16xi32>
        %swap3A_358 = arith.constant 64 : index
        %swap3A_359 = tpu.vector_load %arg10[%swap3A_358] {strides = array<i32>} : memref<128xi32, #tpu.memory_space<vmem>>, vector<16xi32>,
        %swap3A_360 = vector.shape_cast %swap3A_359 : vector<16xi32> to vector<16xi32>
        %swap3A_361 = vector.shape_cast %add3A_357 : vector<16xi32> to vector<16xi32>
        tpu.vector_store %arg10[%swap3A_358], %swap3A_361 {strides = array<i32>} : memref<128xi32, #tpu.memory_space<vmem>>, vector<16xi32>,
        %get3A_362 = arith.constant 80 : index
        %get3A_363 = tpu.vector_load %arg10[%get3A_362] {strides = array<i32>} : memref<128xi32, #tpu.memory_space<vmem>>, vector<16xi32>,
        %get3A_364 = vector.shape_cast %get3A_363 : vector<16xi32> to vector<16xi32>
        %add3A_365 = vector.broadcast %mul3A_19 : i32 to vector<16xi32>
        %add3A_366 = arith.addi %get3A_364, %add3A_365 : vector<16xi32>
        %swap3A_367 = arith.constant 80 : index
        %swap3A_368 = tpu.vector_load %arg10[%swap3A_367] {strides = array<i32>} : memref<128xi32, #tpu.memory_space<vmem>>, vector<16xi32>,
        %swap3A_369 = vector.shape_cast %swap3A_368 : vector<16xi32> to vector<16xi32>
        %swap3A_370 = vector.shape_cast %add3A_366 : vector<16xi32> to vector<16xi32>
        tpu.vector_store %arg10[%swap3A_367], %swap3A_370 {strides = array<i32>} : memref<128xi32, #tpu.memory_space<vmem>>, vector<16xi32>,
        %get3A_371 = arith.constant 96 : index
        %get3A_372 = tpu.vector_load %arg10[%get3A_371] {strides = array<i32>} : memref<128xi32, #tpu.memory_space<vmem>>, vector<16xi32>,
        %get3A_373 = vector.shape_cast %get3A_372 : vector<16xi32> to vector<16xi32>
        %add3A_374 = vector.broadcast %mul3A_19 : i32 to vector<16xi32>
        %add3A_375 = arith.addi %get3A_373, %add3A_374 : vector<16xi32>
        %swap3A_376 = arith.constant 96 : index
        %swap3A_377 = tpu.vector_load %arg10[%swap3A_376] {strides = array<i32>} : memref<128xi32, #tpu.memory_space<vmem>>, vector<16xi32>,
        %swap3A_378 = vector.shape_cast %swap3A_377 : vector<16xi32> to vector<16xi32>
        %swap3A_379 = vector.shape_cast %add3A_375 : vector<16xi32> to vector<16xi32>
        tpu.vector_store %arg10[%swap3A_376], %swap3A_379 {strides = array<i32>} : memref<128xi32, #tpu.memory_space<vmem>>, vector<16xi32>,
        %get3A_380 = arith.constant 112 : index
        %get3A_381 = tpu.vector_load %arg10[%get3A_380] {strides = array<i32>} : memref<128xi32, #tpu.memory_space<vmem>>, vector<16xi32>,
        %get3A_382 = vector.shape_cast %get3A_381 : vector<16xi32> to vector<16xi32>
        %add3A_383 = vector.broadcast %mul3A_19 : i32 to vector<16xi32>
        %add3A_384 = arith.addi %get3A_382, %add3A_383 : vector<16xi32>
        %swap3A_385 = arith.constant 112 : index
        %swap3A_386 = tpu.vector_load %arg10[%swap3A_385] {strides = array<i32>} : memref<128xi32, #tpu.memory_space<vmem>>, vector<16xi32>,
        %swap3A_387 = vector.shape_cast %swap3A_386 : vector<16xi32> to vector<16xi32>
        %swap3A_388 = vector.shape_cast %add3A_384 : vector<16xi32> to vector<16xi32>
        tpu.vector_store %arg10[%swap3A_385], %swap3A_388 {strides = array<i32>} : memref<128xi32, #tpu.memory_space<vmem>>, vector<16xi32>,
        %dma_start3A_389 = arith.constant 0 : i32
        %dma_start3A_390 = arith.constant 0 : i32
        %dma_start3A_391 = tpu.memref_slice %arg2[%dma_start3A_389, %dma_start3A_390] : memref<20000x128xf32, #tpu.memory_space<hbm>> -> memref<20000x128xf32, #tpu.memory_space<hbm>>
        tpu.enqueue_indirect_dma source(%dma_start3A_391 : memref<20000x128xf32, #tpu.memory_space<hbm>>) target(%arg16 : memref<128x128xf32, #tpu.memory_space<vmem>>) offsets(%arg10 : memref<128xi32, #tpu.memory_space<vmem>>) semaphore(%arg18 : memref<!tpu.dma_semaphore, #tpu.memory_space<semaphore_mem>>)
      } else {
      }
      %mul3A_266 = arith.constant 4 : i32
      %mul3A_267 = arith.muli %scan3A_225, %mul3A_266 : i32
      %add3A_268 = arith.constant 2 : i32
      %add3A_269 = arith.addi %mul3A_267, %add3A_268 : i32
      %dma_wait3A_270 = arith.constant 0 : i32
      %dma_wait3A_271 = arith.constant 0 : i32
      %dma_wait3A_272 = tpu.memref_slice %arg2[%dma_wait3A_270, %dma_wait3A_271] : memref<20000x128xf32, #tpu.memory_space<hbm>> -> memref<20000x128xf32, #tpu.memory_space<hbm>>
      tpu.wait_indirect_dma semaphore(%arg17 : memref<!tpu.dma_semaphore, #tpu.memory_space<semaphore_mem>>) src(%dma_wait3A_272 : memref<20000x128xf32, #tpu.memory_space<hbm>>) dst(%arg15 : memref<128x128xf32, #tpu.memory_space<vmem>>)
      "tpu.region"() ({
        %run_scoped3A = tpu.sem_alloc : memref<!tpu.dma_semaphore, #tpu.memory_space<semaphore_mem>>
        %dma_start3A_309 = arith.constant 0 : i32
        %dma_start3A_310 = arith.constant 0 : i32
        %dma_start3A_311 = tpu.memref_slice %arg6[%dma_start3A_309, %dma_start3A_310] : memref<10240x128xf32, #tpu.memory_space<vmem_shared>> -> memref<10240x128xf32, #tpu.memory_space<vmem_shared>>
        tpu.enqueue_indirect_dma source(%arg15 : memref<128x128xf32, #tpu.memory_space<vmem>>) target(%dma_start3A_311 : memref<10240x128xf32, #tpu.memory_space<vmem_shared>>) offsets(%arg13 : memref<128xi32, #tpu.memory_space<vmem>>) semaphore(%run_scoped3A : memref<!tpu.dma_semaphore, #tpu.memory_space<semaphore_mem>>) {add = true}
        %dma_wait3A_312 = arith.constant 0 : i32
        %dma_wait3A_313 = arith.constant 0 : i32
        %dma_wait3A_314 = tpu.memref_slice %arg6[%dma_wait3A_312, %dma_wait3A_313] : memref<10240x128xf32, #tpu.memory_space<vmem_shared>> -> memref<10240x128xf32, #tpu.memory_space<vmem_shared>>
        tpu.wait_indirect_dma semaphore(%run_scoped3A : memref<!tpu.dma_semaphore, #tpu.memory_space<semaphore_mem>>) src(%arg15 : memref<128x128xf32, #tpu.memory_space<vmem>>) dst(%dma_wait3A_314 : memref<10240x128xf32, #tpu.memory_space<vmem_shared>>)
        tpu.yield
      }) : () -> ()
      %add3A_273 = arith.constant 4 : i32
      %add3A_274 = arith.addi %add3A_269, %add3A_273 : i32
      %lt3A_275 = arith.constant 160 : i32
      %lt3A_276 = arith.cmpi slt, %add3A_274, %lt3A_275 : i32
      %convert_element_type3A_277 = arith.extui %lt3A_276 : i1 to i32
      %cond3A_278 = arith.constant 0 : i32
      %cond3A_279 = arith.cmpi ne, %convert_element_type3A_277, %cond3A_278 : i32
      scf.if %cond3A_279 {
        %mul3A_309 = arith.constant 128 : i32
        %mul3A_310 = arith.muli %add3A_274, %mul3A_309 : i32
        %add3A_311 = arith.addi %mul3A_17, %mul3A_310 : i32
        %dma_start3A_312 = tpu.memref_slice %arg3[%add3A_311] : memref<327680xi32, #tpu.memory_space<hbm>> -> memref<128xi32, #tpu.memory_space<hbm>>
        %dma_start3A_313 = tpu.memref_slice %arg3[%add3A_311] : memref<327680xi32, #tpu.memory_space<hbm>> -> memref<128xi32, #tpu.memory_space<hbm>>
        tpu.enqueue_dma source(%dma_start3A_313 : memref<128xi32, #tpu.memory_space<hbm>>) target(%arg9 : memref<128xi32, #tpu.memory_space<vmem>>) target_semaphore(%arg21 : memref<!tpu.dma_semaphore, #tpu.memory_space<semaphore_mem>>)
        %mul3A_314 = arith.constant 128 : i32
        %mul3A_315 = arith.muli %add3A_274, %mul3A_314 : i32
        %add3A_316 = arith.addi %mul3A_17, %mul3A_315 : i32
        %dma_start3A_317 = tpu.memref_slice %arg4[%add3A_316] : memref<327680xi32, #tpu.memory_space<hbm>> -> memref<128xi32, #tpu.memory_space<hbm>>
        %dma_start3A_318 = tpu.memref_slice %arg4[%add3A_316] : memref<327680xi32, #tpu.memory_space<hbm>> -> memref<128xi32, #tpu.memory_space<hbm>>
        tpu.enqueue_dma source(%dma_start3A_318 : memref<128xi32, #tpu.memory_space<hbm>>) target(%arg13 : memref<128xi32, #tpu.memory_space<vmem>>) target_semaphore(%arg21 : memref<!tpu.dma_semaphore, #tpu.memory_space<semaphore_mem>>)
      } else {
      }
      %add3A_280 = arith.constant 2 : i32
      %add3A_281 = arith.addi %add3A_269, %add3A_280 : i32
      %lt3A_282 = arith.constant 160 : i32
      %lt3A_283 = arith.cmpi slt, %add3A_281, %lt3A_282 : i32
      %convert_element_type3A_284 = arith.extui %lt3A_283 : i1 to i32
      %cond3A_285 = arith.constant 0 : i32
      %cond3A_286 = arith.cmpi ne, %convert_element_type3A_284, %cond3A_285 : i32
      scf.if %cond3A_286 {
        %dma_wait3A_309 = arith.constant 0 : i32
        %dma_wait3A_310 = tpu.memref_slice %arg3[%dma_wait3A_309] : memref<327680xi32, #tpu.memory_space<hbm>> -> memref<128xi32, #tpu.memory_space<hbm>>
        %dma_wait3A_311 = arith.constant 0 : i32
        %dma_wait3A_312 = tpu.memref_slice %arg3[%dma_wait3A_311] : memref<327680xi32, #tpu.memory_space<hbm>> -> memref<128xi32, #tpu.memory_space<hbm>>
        tpu.wait_dma2 semaphore(%arg19 : memref<!tpu.dma_semaphore, #tpu.memory_space<semaphore_mem>>) src(%dma_wait3A_312 : memref<128xi32, #tpu.memory_space<hbm>>) dst(%arg7 : memref<128xi32, #tpu.memory_space<vmem>>)
        %dma_wait3A_313 = arith.constant 0 : i32
        %dma_wait3A_314 = tpu.memref_slice %arg4[%dma_wait3A_313] : memref<327680xi32, #tpu.memory_space<hbm>> -> memref<128xi32, #tpu.memory_space<hbm>>
        %dma_wait3A_315 = arith.constant 0 : i32
        %dma_wait3A_316 = tpu.memref_slice %arg4[%dma_wait3A_315] : memref<327680xi32, #tpu.memory_space<hbm>> -> memref<128xi32, #tpu.memory_space<hbm>>
        tpu.wait_dma2 semaphore(%arg19 : memref<!tpu.dma_semaphore, #tpu.memory_space<semaphore_mem>>) src(%dma_wait3A_316 : memref<128xi32, #tpu.memory_space<hbm>>) dst(%arg11 : memref<128xi32, #tpu.memory_space<vmem>>)
        %get3A_317 = arith.constant 0 : index
        %get3A_318 = tpu.vector_load %arg7[%get3A_317] {strides = array<i32>} : memref<128xi32, #tpu.memory_space<vmem>>, vector<16xi32>,
        %get3A_319 = vector.shape_cast %get3A_318 : vector<16xi32> to vector<16xi32>
        %add3A_320 = vector.broadcast %mul3A_19 : i32 to vector<16xi32>
        %add3A_321 = arith.addi %get3A_319, %add3A_320 : vector<16xi32>
        %swap3A_322 = arith.constant 0 : index
        %swap3A_323 = tpu.vector_load %arg7[%swap3A_322] {strides = array<i32>} : memref<128xi32, #tpu.memory_space<vmem>>, vector<16xi32>,
        %swap3A_324 = vector.shape_cast %swap3A_323 : vector<16xi32> to vector<16xi32>
        %swap3A_325 = vector.shape_cast %add3A_321 : vector<16xi32> to vector<16xi32>
        tpu.vector_store %arg7[%swap3A_322], %swap3A_325 {strides = array<i32>} : memref<128xi32, #tpu.memory_space<vmem>>, vector<16xi32>,
        %get3A_326 = arith.constant 16 : index
        %get3A_327 = tpu.vector_load %arg7[%get3A_326] {strides = array<i32>} : memref<128xi32, #tpu.memory_space<vmem>>, vector<16xi32>,
        %get3A_328 = vector.shape_cast %get3A_327 : vector<16xi32> to vector<16xi32>
        %add3A_329 = vector.broadcast %mul3A_19 : i32 to vector<16xi32>
        %add3A_330 = arith.addi %get3A_328, %add3A_329 : vector<16xi32>
        %swap3A_331 = arith.constant 16 : index
        %swap3A_332 = tpu.vector_load %arg7[%swap3A_331] {strides = array<i32>} : memref<128xi32, #tpu.memory_space<vmem>>, vector<16xi32>,
        %swap3A_333 = vector.shape_cast %swap3A_332 : vector<16xi32> to vector<16xi32>
        %swap3A_334 = vector.shape_cast %add3A_330 : vector<16xi32> to vector<16xi32>
        tpu.vector_store %arg7[%swap3A_331], %swap3A_334 {strides = array<i32>} : memref<128xi32, #tpu.memory_space<vmem>>, vector<16xi32>,
        %get3A_335 = arith.constant 32 : index
        %get3A_336 = tpu.vector_load %arg7[%get3A_335] {strides = array<i32>} : memref<128xi32, #tpu.memory_space<vmem>>, vector<16xi32>,
        %get3A_337 = vector.shape_cast %get3A_336 : vector<16xi32> to vector<16xi32>
        %add3A_338 = vector.broadcast %mul3A_19 : i32 to vector<16xi32>
        %add3A_339 = arith.addi %get3A_337, %add3A_338 : vector<16xi32>
        %swap3A_340 = arith.constant 32 : index
        %swap3A_341 = tpu.vector_load %arg7[%swap3A_340] {strides = array<i32>} : memref<128xi32, #tpu.memory_space<vmem>>, vector<16xi32>,
        %swap3A_342 = vector.shape_cast %swap3A_341 : vector<16xi32> to vector<16xi32>
        %swap3A_343 = vector.shape_cast %add3A_339 : vector<16xi32> to vector<16xi32>
        tpu.vector_store %arg7[%swap3A_340], %swap3A_343 {strides = array<i32>} : memref<128xi32, #tpu.memory_space<vmem>>, vector<16xi32>,
        %get3A_344 = arith.constant 48 : index
        %get3A_345 = tpu.vector_load %arg7[%get3A_344] {strides = array<i32>} : memref<128xi32, #tpu.memory_space<vmem>>, vector<16xi32>,
        %get3A_346 = vector.shape_cast %get3A_345 : vector<16xi32> to vector<16xi32>
        %add3A_347 = vector.broadcast %mul3A_19 : i32 to vector<16xi32>
        %add3A_348 = arith.addi %get3A_346, %add3A_347 : vector<16xi32>
        %swap3A_349 = arith.constant 48 : index
        %swap3A_350 = tpu.vector_load %arg7[%swap3A_349] {strides = array<i32>} : memref<128xi32, #tpu.memory_space<vmem>>, vector<16xi32>,
        %swap3A_351 = vector.shape_cast %swap3A_350 : vector<16xi32> to vector<16xi32>
        %swap3A_352 = vector.shape_cast %add3A_348 : vector<16xi32> to vector<16xi32>
        tpu.vector_store %arg7[%swap3A_349], %swap3A_352 {strides = array<i32>} : memref<128xi32, #tpu.memory_space<vmem>>, vector<16xi32>,
        %get3A_353 = arith.constant 64 : index
        %get3A_354 = tpu.vector_load %arg7[%get3A_353] {strides = array<i32>} : memref<128xi32, #tpu.memory_space<vmem>>, vector<16xi32>,
        %get3A_355 = vector.shape_cast %get3A_354 : vector<16xi32> to vector<16xi32>
        %add3A_356 = vector.broadcast %mul3A_19 : i32 to vector<16xi32>
        %add3A_357 = arith.addi %get3A_355, %add3A_356 : vector<16xi32>
        %swap3A_358 = arith.constant 64 : index
        %swap3A_359 = tpu.vector_load %arg7[%swap3A_358] {strides = array<i32>} : memref<128xi32, #tpu.memory_space<vmem>>, vector<16xi32>,
        %swap3A_360 = vector.shape_cast %swap3A_359 : vector<16xi32> to vector<16xi32>
        %swap3A_361 = vector.shape_cast %add3A_357 : vector<16xi32> to vector<16xi32>
        tpu.vector_store %arg7[%swap3A_358], %swap3A_361 {strides = array<i32>} : memref<128xi32, #tpu.memory_space<vmem>>, vector<16xi32>,
        %get3A_362 = arith.constant 80 : index
        %get3A_363 = tpu.vector_load %arg7[%get3A_362] {strides = array<i32>} : memref<128xi32, #tpu.memory_space<vmem>>, vector<16xi32>,
        %get3A_364 = vector.shape_cast %get3A_363 : vector<16xi32> to vector<16xi32>
        %add3A_365 = vector.broadcast %mul3A_19 : i32 to vector<16xi32>
        %add3A_366 = arith.addi %get3A_364, %add3A_365 : vector<16xi32>
        %swap3A_367 = arith.constant 80 : index
        %swap3A_368 = tpu.vector_load %arg7[%swap3A_367] {strides = array<i32>} : memref<128xi32, #tpu.memory_space<vmem>>, vector<16xi32>,
        %swap3A_369 = vector.shape_cast %swap3A_368 : vector<16xi32> to vector<16xi32>
        %swap3A_370 = vector.shape_cast %add3A_366 : vector<16xi32> to vector<16xi32>
        tpu.vector_store %arg7[%swap3A_367], %swap3A_370 {strides = array<i32>} : memref<128xi32, #tpu.memory_space<vmem>>, vector<16xi32>,
        %get3A_371 = arith.constant 96 : index
        %get3A_372 = tpu.vector_load %arg7[%get3A_371] {strides = array<i32>} : memref<128xi32, #tpu.memory_space<vmem>>, vector<16xi32>,
        %get3A_373 = vector.shape_cast %get3A_372 : vector<16xi32> to vector<16xi32>
        %add3A_374 = vector.broadcast %mul3A_19 : i32 to vector<16xi32>
        %add3A_375 = arith.addi %get3A_373, %add3A_374 : vector<16xi32>
        %swap3A_376 = arith.constant 96 : index
        %swap3A_377 = tpu.vector_load %arg7[%swap3A_376] {strides = array<i32>} : memref<128xi32, #tpu.memory_space<vmem>>, vector<16xi32>,
        %swap3A_378 = vector.shape_cast %swap3A_377 : vector<16xi32> to vector<16xi32>
        %swap3A_379 = vector.shape_cast %add3A_375 : vector<16xi32> to vector<16xi32>
        tpu.vector_store %arg7[%swap3A_376], %swap3A_379 {strides = array<i32>} : memref<128xi32, #tpu.memory_space<vmem>>, vector<16xi32>,
        %get3A_380 = arith.constant 112 : index
        %get3A_381 = tpu.vector_load %arg7[%get3A_380] {strides = array<i32>} : memref<128xi32, #tpu.memory_space<vmem>>, vector<16xi32>,
        %get3A_382 = vector.shape_cast %get3A_381 : vector<16xi32> to vector<16xi32>
        %add3A_383 = vector.broadcast %mul3A_19 : i32 to vector<16xi32>
        %add3A_384 = arith.addi %get3A_382, %add3A_383 : vector<16xi32>
        %swap3A_385 = arith.constant 112 : index
        %swap3A_386 = tpu.vector_load %arg7[%swap3A_385] {strides = array<i32>} : memref<128xi32, #tpu.memory_space<vmem>>, vector<16xi32>,
        %swap3A_387 = vector.shape_cast %swap3A_386 : vector<16xi32> to vector<16xi32>
        %swap3A_388 = vector.shape_cast %add3A_384 : vector<16xi32> to vector<16xi32>
        tpu.vector_store %arg7[%swap3A_385], %swap3A_388 {strides = array<i32>} : memref<128xi32, #tpu.memory_space<vmem>>, vector<16xi32>,
        %dma_start3A_389 = arith.constant 0 : i32
        %dma_start3A_390 = arith.constant 0 : i32
        %dma_start3A_391 = tpu.memref_slice %arg2[%dma_start3A_389, %dma_start3A_390] : memref<20000x128xf32, #tpu.memory_space<hbm>> -> memref<20000x128xf32, #tpu.memory_space<hbm>>
        tpu.enqueue_indirect_dma source(%dma_start3A_391 : memref<20000x128xf32, #tpu.memory_space<hbm>>) target(%arg15 : memref<128x128xf32, #tpu.memory_space<vmem>>) offsets(%arg7 : memref<128xi32, #tpu.memory_space<vmem>>) semaphore(%arg17 : memref<!tpu.dma_semaphore, #tpu.memory_space<semaphore_mem>>)
      } else {
      }
      %mul3A_287 = arith.constant 4 : i32
      %mul3A_288 = arith.muli %scan3A_225, %mul3A_287 : i32
      %add3A_289 = arith.constant 3 : i32
      %add3A_290 = arith.addi %mul3A_288, %add3A_289 : i32
      %dma_wait3A_291 = arith.constant 0 : i32
      %dma_wait3A_292 = arith.constant 0 : i32
      %dma_wait3A_293 = tpu.memref_slice %arg2[%dma_wait3A_291, %dma_wait3A_292] : memref<20000x128xf32, #tpu.memory_space<hbm>> -> memref<20000x128xf32, #tpu.memory_space<hbm>>
      tpu.wait_indirect_dma semaphore(%arg18 : memref<!tpu.dma_semaphore, #tpu.memory_space<semaphore_mem>>) src(%dma_wait3A_293 : memref<20000x128xf32, #tpu.memory_space<hbm>>) dst(%arg16 : memref<128x128xf32, #tpu.memory_space<vmem>>)
      "tpu.region"() ({
        %run_scoped3A = tpu.sem_alloc : memref<!tpu.dma_semaphore, #tpu.memory_space<semaphore_mem>>
        %dma_start3A_309 = arith.constant 0 : i32
        %dma_start3A_310 = arith.constant 0 : i32
        %dma_start3A_311 = tpu.memref_slice %arg6[%dma_start3A_309, %dma_start3A_310] : memref<10240x128xf32, #tpu.memory_space<vmem_shared>> -> memref<10240x128xf32, #tpu.memory_space<vmem_shared>>
        tpu.enqueue_indirect_dma source(%arg16 : memref<128x128xf32, #tpu.memory_space<vmem>>) target(%dma_start3A_311 : memref<10240x128xf32, #tpu.memory_space<vmem_shared>>) offsets(%arg14 : memref<128xi32, #tpu.memory_space<vmem>>) semaphore(%run_scoped3A : memref<!tpu.dma_semaphore, #tpu.memory_space<semaphore_mem>>) {add = true}
        %dma_wait3A_312 = arith.constant 0 : i32
        %dma_wait3A_313 = arith.constant 0 : i32
        %dma_wait3A_314 = tpu.memref_slice %arg6[%dma_wait3A_312, %dma_wait3A_313] : memref<10240x128xf32, #tpu.memory_space<vmem_shared>> -> memref<10240x128xf32, #tpu.memory_space<vmem_shared>>
        tpu.wait_indirect_dma semaphore(%run_scoped3A : memref<!tpu.dma_semaphore, #tpu.memory_space<semaphore_mem>>) src(%arg16 : memref<128x128xf32, #tpu.memory_space<vmem>>) dst(%dma_wait3A_314 : memref<10240x128xf32, #tpu.memory_space<vmem_shared>>)
        tpu.yield
      }) : () -> ()
      %add3A_294 = arith.constant 4 : i32
      %add3A_295 = arith.addi %add3A_290, %add3A_294 : i32
      %lt3A_296 = arith.constant 160 : i32
      %lt3A_297 = arith.cmpi slt, %add3A_295, %lt3A_296 : i32
      %convert_element_type3A_298 = arith.extui %lt3A_297 : i1 to i32
      %cond3A_299 = arith.constant 0 : i32
      %cond3A_300 = arith.cmpi ne, %convert_element_type3A_298, %cond3A_299 : i32
      scf.if %cond3A_300 {
        %mul3A_309 = arith.constant 128 : i32
        %mul3A_310 = arith.muli %add3A_295, %mul3A_309 : i32
        %add3A_311 = arith.addi %mul3A_17, %mul3A_310 : i32
        %dma_start3A_312 = tpu.memref_slice %arg3[%add3A_311] : memref<327680xi32, #tpu.memory_space<hbm>> -> memref<128xi32, #tpu.memory_space<hbm>>
        %dma_start3A_313 = tpu.memref_slice %arg3[%add3A_311] : memref<327680xi32, #tpu.memory_space<hbm>> -> memref<128xi32, #tpu.memory_space<hbm>>
        tpu.enqueue_dma source(%dma_start3A_313 : memref<128xi32, #tpu.memory_space<hbm>>) target(%arg10 : memref<128xi32, #tpu.memory_space<vmem>>) target_semaphore(%arg22 : memref<!tpu.dma_semaphore, #tpu.memory_space<semaphore_mem>>)
        %mul3A_314 = arith.constant 128 : i32
        %mul3A_315 = arith.muli %add3A_295, %mul3A_314 : i32
        %add3A_316 = arith.addi %mul3A_17, %mul3A_315 : i32
        %dma_start3A_317 = tpu.memref_slice %arg4[%add3A_316] : memref<327680xi32, #tpu.memory_space<hbm>> -> memref<128xi32, #tpu.memory_space<hbm>>
        %dma_start3A_318 = tpu.memref_slice %arg4[%add3A_316] : memref<327680xi32, #tpu.memory_space<hbm>> -> memref<128xi32, #tpu.memory_space<hbm>>
        tpu.enqueue_dma source(%dma_start3A_318 : memref<128xi32, #tpu.memory_space<hbm>>) target(%arg14 : memref<128xi32, #tpu.memory_space<vmem>>) target_semaphore(%arg22 : memref<!tpu.dma_semaphore, #tpu.memory_space<semaphore_mem>>)
      } else {
      }
      %add3A_301 = arith.constant 2 : i32
      %add3A_302 = arith.addi %add3A_290, %add3A_301 : i32
      %lt3A_303 = arith.constant 160 : i32
      %lt3A_304 = arith.cmpi slt, %add3A_302, %lt3A_303 : i32
      %convert_element_type3A_305 = arith.extui %lt3A_304 : i1 to i32
      %cond3A_306 = arith.constant 0 : i32
      %cond3A_307 = arith.cmpi ne, %convert_element_type3A_305, %cond3A_306 : i32
      scf.if %cond3A_307 {
        %dma_wait3A_309 = arith.constant 0 : i32
        %dma_wait3A_310 = tpu.memref_slice %arg3[%dma_wait3A_309] : memref<327680xi32, #tpu.memory_space<hbm>> -> memref<128xi32, #tpu.memory_space<hbm>>
        %dma_wait3A_311 = arith.constant 0 : i32
        %dma_wait3A_312 = tpu.memref_slice %arg3[%dma_wait3A_311] : memref<327680xi32, #tpu.memory_space<hbm>> -> memref<128xi32, #tpu.memory_space<hbm>>
        tpu.wait_dma2 semaphore(%arg20 : memref<!tpu.dma_semaphore, #tpu.memory_space<semaphore_mem>>) src(%dma_wait3A_312 : memref<128xi32, #tpu.memory_space<hbm>>) dst(%arg8 : memref<128xi32, #tpu.memory_space<vmem>>)
        %dma_wait3A_313 = arith.constant 0 : i32
        %dma_wait3A_314 = tpu.memref_slice %arg4[%dma_wait3A_313] : memref<327680xi32, #tpu.memory_space<hbm>> -> memref<128xi32, #tpu.memory_space<hbm>>
        %dma_wait3A_315 = arith.constant 0 : i32
        %dma_wait3A_316 = tpu.memref_slice %arg4[%dma_wait3A_315] : memref<327680xi32, #tpu.memory_space<hbm>> -> memref<128xi32, #tpu.memory_space<hbm>>
        tpu.wait_dma2 semaphore(%arg20 : memref<!tpu.dma_semaphore, #tpu.memory_space<semaphore_mem>>) src(%dma_wait3A_316 : memref<128xi32, #tpu.memory_space<hbm>>) dst(%arg12 : memref<128xi32, #tpu.memory_space<vmem>>)
        %get3A_317 = arith.constant 0 : index
        %get3A_318 = tpu.vector_load %arg8[%get3A_317] {strides = array<i32>} : memref<128xi32, #tpu.memory_space<vmem>>, vector<16xi32>,
        %get3A_319 = vector.shape_cast %get3A_318 : vector<16xi32> to vector<16xi32>
        %add3A_320 = vector.broadcast %mul3A_19 : i32 to vector<16xi32>
        %add3A_321 = arith.addi %get3A_319, %add3A_320 : vector<16xi32>
        %swap3A_322 = arith.constant 0 : index
        %swap3A_323 = tpu.vector_load %arg8[%swap3A_322] {strides = array<i32>} : memref<128xi32, #tpu.memory_space<vmem>>, vector<16xi32>,
        %swap3A_324 = vector.shape_cast %swap3A_323 : vector<16xi32> to vector<16xi32>
        %swap3A_325 = vector.shape_cast %add3A_321 : vector<16xi32> to vector<16xi32>
        tpu.vector_store %arg8[%swap3A_322], %swap3A_325 {strides = array<i32>} : memref<128xi32, #tpu.memory_space<vmem>>, vector<16xi32>,
        %get3A_326 = arith.constant 16 : index
        %get3A_327 = tpu.vector_load %arg8[%get3A_326] {strides = array<i32>} : memref<128xi32, #tpu.memory_space<vmem>>, vector<16xi32>,
        %get3A_328 = vector.shape_cast %get3A_327 : vector<16xi32> to vector<16xi32>
        %add3A_329 = vector.broadcast %mul3A_19 : i32 to vector<16xi32>
        %add3A_330 = arith.addi %get3A_328, %add3A_329 : vector<16xi32>
        %swap3A_331 = arith.constant 16 : index
        %swap3A_332 = tpu.vector_load %arg8[%swap3A_331] {strides = array<i32>} : memref<128xi32, #tpu.memory_space<vmem>>, vector<16xi32>,
        %swap3A_333 = vector.shape_cast %swap3A_332 : vector<16xi32> to vector<16xi32>
        %swap3A_334 = vector.shape_cast %add3A_330 : vector<16xi32> to vector<16xi32>
        tpu.vector_store %arg8[%swap3A_331], %swap3A_334 {strides = array<i32>} : memref<128xi32, #tpu.memory_space<vmem>>, vector<16xi32>,
        %get3A_335 = arith.constant 32 : index
        %get3A_336 = tpu.vector_load %arg8[%get3A_335] {strides = array<i32>} : memref<128xi32, #tpu.memory_space<vmem>>, vector<16xi32>,
        %get3A_337 = vector.shape_cast %get3A_336 : vector<16xi32> to vector<16xi32>
        %add3A_338 = vector.broadcast %mul3A_19 : i32 to vector<16xi32>
        %add3A_339 = arith.addi %get3A_337, %add3A_338 : vector<16xi32>
        %swap3A_340 = arith.constant 32 : index
        %swap3A_341 = tpu.vector_load %arg8[%swap3A_340] {strides = array<i32>} : memref<128xi32, #tpu.memory_space<vmem>>, vector<16xi32>,
        %swap3A_342 = vector.shape_cast %swap3A_341 : vector<16xi32> to vector<16xi32>
        %swap3A_343 = vector.shape_cast %add3A_339 : vector<16xi32> to vector<16xi32>
        tpu.vector_store %arg8[%swap3A_340], %swap3A_343 {strides = array<i32>} : memref<128xi32, #tpu.memory_space<vmem>>, vector<16xi32>,
        %get3A_344 = arith.constant 48 : index
        %get3A_345 = tpu.vector_load %arg8[%get3A_344] {strides = array<i32>} : memref<128xi32, #tpu.memory_space<vmem>>, vector<16xi32>,
        %get3A_346 = vector.shape_cast %get3A_345 : vector<16xi32> to vector<16xi32>
        %add3A_347 = vector.broadcast %mul3A_19 : i32 to vector<16xi32>
        %add3A_348 = arith.addi %get3A_346, %add3A_347 : vector<16xi32>
        %swap3A_349 = arith.constant 48 : index
        %swap3A_350 = tpu.vector_load %arg8[%swap3A_349] {strides = array<i32>} : memref<128xi32, #tpu.memory_space<vmem>>, vector<16xi32>,
        %swap3A_351 = vector.shape_cast %swap3A_350 : vector<16xi32> to vector<16xi32>
        %swap3A_352 = vector.shape_cast %add3A_348 : vector<16xi32> to vector<16xi32>
        tpu.vector_store %arg8[%swap3A_349], %swap3A_352 {strides = array<i32>} : memref<128xi32, #tpu.memory_space<vmem>>, vector<16xi32>,
        %get3A_353 = arith.constant 64 : index
        %get3A_354 = tpu.vector_load %arg8[%get3A_353] {strides = array<i32>} : memref<128xi32, #tpu.memory_space<vmem>>, vector<16xi32>,
        %get3A_355 = vector.shape_cast %get3A_354 : vector<16xi32> to vector<16xi32>
        %add3A_356 = vector.broadcast %mul3A_19 : i32 to vector<16xi32>
        %add3A_357 = arith.addi %get3A_355, %add3A_356 : vector<16xi32>
        %swap3A_358 = arith.constant 64 : index
        %swap3A_359 = tpu.vector_load %arg8[%swap3A_358] {strides = array<i32>} : memref<128xi32, #tpu.memory_space<vmem>>, vector<16xi32>,
        %swap3A_360 = vector.shape_cast %swap3A_359 : vector<16xi32> to vector<16xi32>
        %swap3A_361 = vector.shape_cast %add3A_357 : vector<16xi32> to vector<16xi32>
        tpu.vector_store %arg8[%swap3A_358], %swap3A_361 {strides = array<i32>} : memref<128xi32, #tpu.memory_space<vmem>>, vector<16xi32>,
        %get3A_362 = arith.constant 80 : index
        %get3A_363 = tpu.vector_load %arg8[%get3A_362] {strides = array<i32>} : memref<128xi32, #tpu.memory_space<vmem>>, vector<16xi32>,
        %get3A_364 = vector.shape_cast %get3A_363 : vector<16xi32> to vector<16xi32>
        %add3A_365 = vector.broadcast %mul3A_19 : i32 to vector<16xi32>
        %add3A_366 = arith.addi %get3A_364, %add3A_365 : vector<16xi32>
        %swap3A_367 = arith.constant 80 : index
        %swap3A_368 = tpu.vector_load %arg8[%swap3A_367] {strides = array<i32>} : memref<128xi32, #tpu.memory_space<vmem>>, vector<16xi32>,
        %swap3A_369 = vector.shape_cast %swap3A_368 : vector<16xi32> to vector<16xi32>
        %swap3A_370 = vector.shape_cast %add3A_366 : vector<16xi32> to vector<16xi32>
        tpu.vector_store %arg8[%swap3A_367], %swap3A_370 {strides = array<i32>} : memref<128xi32, #tpu.memory_space<vmem>>, vector<16xi32>,
        %get3A_371 = arith.constant 96 : index
        %get3A_372 = tpu.vector_load %arg8[%get3A_371] {strides = array<i32>} : memref<128xi32, #tpu.memory_space<vmem>>, vector<16xi32>,
        %get3A_373 = vector.shape_cast %get3A_372 : vector<16xi32> to vector<16xi32>
        %add3A_374 = vector.broadcast %mul3A_19 : i32 to vector<16xi32>
        %add3A_375 = arith.addi %get3A_373, %add3A_374 : vector<16xi32>
        %swap3A_376 = arith.constant 96 : index
        %swap3A_377 = tpu.vector_load %arg8[%swap3A_376] {strides = array<i32>} : memref<128xi32, #tpu.memory_space<vmem>>, vector<16xi32>,
        %swap3A_378 = vector.shape_cast %swap3A_377 : vector<16xi32> to vector<16xi32>
        %swap3A_379 = vector.shape_cast %add3A_375 : vector<16xi32> to vector<16xi32>
        tpu.vector_store %arg8[%swap3A_376], %swap3A_379 {strides = array<i32>} : memref<128xi32, #tpu.memory_space<vmem>>, vector<16xi32>,
        %get3A_380 = arith.constant 112 : index
        %get3A_381 = tpu.vector_load %arg8[%get3A_380] {strides = array<i32>} : memref<128xi32, #tpu.memory_space<vmem>>, vector<16xi32>,
        %get3A_382 = vector.shape_cast %get3A_381 : vector<16xi32> to vector<16xi32>
        %add3A_383 = vector.broadcast %mul3A_19 : i32 to vector<16xi32>
        %add3A_384 = arith.addi %get3A_382, %add3A_383 : vector<16xi32>
        %swap3A_385 = arith.constant 112 : index
        %swap3A_386 = tpu.vector_load %arg8[%swap3A_385] {strides = array<i32>} : memref<128xi32, #tpu.memory_space<vmem>>, vector<16xi32>,
        %swap3A_387 = vector.shape_cast %swap3A_386 : vector<16xi32> to vector<16xi32>
        %swap3A_388 = vector.shape_cast %add3A_384 : vector<16xi32> to vector<16xi32>
        tpu.vector_store %arg8[%swap3A_385], %swap3A_388 {strides = array<i32>} : memref<128xi32, #tpu.memory_space<vmem>>, vector<16xi32>,
        %dma_start3A_389 = arith.constant 0 : i32
        %dma_start3A_390 = arith.constant 0 : i32
        %dma_start3A_391 = tpu.memref_slice %arg2[%dma_start3A_389, %dma_start3A_390] : memref<20000x128xf32, #tpu.memory_space<hbm>> -> memref<20000x128xf32, #tpu.memory_space<hbm>>
        tpu.enqueue_indirect_dma source(%dma_start3A_391 : memref<20000x128xf32, #tpu.memory_space<hbm>>) target(%arg16 : memref<128x128xf32, #tpu.memory_space<vmem>>) offsets(%arg8 : memref<128xi32, #tpu.memory_space<vmem>>) semaphore(%arg18 : memref<!tpu.dma_semaphore, #tpu.memory_space<semaphore_mem>>)
      } else {
      }
      %scan3A_308 = arith.constant 0 : i32
      scf.yield %scan3A_308 : i32
    }
    %scan3A_220 = arith.constant 40 : i32
    %barrier3A_221 = arith.constant 0 : index
    tpu.barrier barrier_id(%barrier3A_221)
    %mul3A_222 = arith.constant 10240 : i32
    %mul3A_223 = arith.muli %arg0, %mul3A_222 : i32
    %add3A_224 = arith.addi %mul3A_223, %mul3A_6 : i32
    "tpu.region"() ({
      %run_scoped3A = tpu.sem_alloc : memref<!tpu.dma_semaphore, #tpu.memory_space<semaphore_mem>>
      %dma_start3A_225 = arith.constant 0 : i32
      %dma_start3A_226 = tpu.memref_slice %arg5[%add3A_224, %dma_start3A_225] : memref<20480x128xf32, #tpu.memory_space<hbm>> -> memref<640x128xf32, #tpu.memory_space<hbm>>
      %dma_start3A_227 = arith.constant 0 : i32
      %dma_start3A_228 = tpu.memref_slice %arg6[%mul3A_6, %dma_start3A_227] : memref<10240x128xf32, #tpu.memory_space<vmem_shared>> -> memref<640x128xf32, #tpu.memory_space<vmem_shared>>
      tpu.enqueue_dma source(%dma_start3A_228 : memref<640x128xf32, #tpu.memory_space<vmem_shared>>) target(%dma_start3A_226 : memref<640x128xf32, #tpu.memory_space<hbm>>) target_semaphore(%run_scoped3A : memref<!tpu.dma_semaphore, #tpu.memory_space<semaphore_mem>>)
      %dma_wait3A_229 = arith.constant 0 : i32
      %dma_wait3A_230 = tpu.memref_slice %arg5[%add3A_224, %dma_wait3A_229] : memref<20480x128xf32, #tpu.memory_space<hbm>> -> memref<640x128xf32, #tpu.memory_space<hbm>>
      %dma_wait3A_231 = arith.constant 0 : i32
      %dma_wait3A_232 = tpu.memref_slice %arg6[%mul3A_6, %dma_wait3A_231] : memref<10240x128xf32, #tpu.memory_space<vmem_shared>> -> memref<640x128xf32, #tpu.memory_space<vmem_shared>>
      tpu.wait_dma2 semaphore(%run_scoped3A : memref<!tpu.dma_semaphore, #tpu.memory_space<semaphore_mem>>) src(%dma_wait3A_232 : memref<640x128xf32, #tpu.memory_space<vmem_shared>>) dst(%dma_wait3A_230 : memref<640x128xf32, #tpu.memory_space<hbm>>)
      tpu.yield
    }) : () -> ()
    return
  }
}

#map = affine_map<(d0, d1) -> (0)>
#map1 = affine_map<(d0, d1) -> (0, 0)>
module attributes {stable_mosaic.version = 14 : i64} {
  func.func @_deg_body(%arg0: i32, %arg1: i32, %arg2: memref<320000xi32, #tpu.memory_space<hbm>>, %arg3: memref<2x10240xf32, #tpu.memory_space<hbm>>, %arg4: memref<10240xf32, #tpu.memory_space<vmem_shared>>, %arg5: memref<80xi32, #tpu.memory_space<vmem>>, %arg6: memref<80xi32, #tpu.memory_space<vmem>>, %arg7: memref<80xi32, #tpu.memory_space<vmem>>, %arg8: memref<80xi32, #tpu.memory_space<vmem>>, %arg9: memref<80xi32, #tpu.memory_space<vmem>>, %arg10: memref<80xf32, #tpu.memory_space<vmem>>, %arg11: memref<640xf32, #tpu.memory_space<vmem>>, %arg12: memref<!tpu.dma_semaphore, #tpu.memory_space<semaphore_mem>>, %arg13: memref<!tpu.dma_semaphore, #tpu.memory_space<semaphore_mem>>, %arg14: memref<!tpu.dma_semaphore, #tpu.memory_space<semaphore_mem>>, %arg15: memref<!tpu.dma_semaphore, #tpu.memory_space<semaphore_mem>>, %arg16: memref<!tpu.dma_semaphore, #tpu.memory_space<semaphore_mem>>) attributes {dimension_semantics = [#tpu.dimension_semantics<core_parallel>, #tpu.dimension_semantics<subcore_parallel>], iteration_bounds = array<i64: 2, 16>, scalar_prefetch = 0 : i64, scratch_operands = 13 : i64, tpu.core_type = #tpu.core_type<sc_vector_subcore>, window_params = [{transform_indices = #map}, {transform_indices = #map1}]} {
    %mul3A = arith.constant 16 : i32
    %mul3A_0 = arith.muli %arg0, %mul3A : i32
    %add3A = arith.addi %mul3A_0, %arg1 : i32
    %mul3A_1 = arith.constant 640 : i32
    %mul3A_2 = arith.muli %arg1, %mul3A_1 : i32
    %scan3A = arith.constant 0 : i32
    %scan3A_3 = arith.constant 0 : i32
    %scan3A_4 = arith.constant 40 : i32
    %scan3A_5 = arith.addi %scan3A_3, %scan3A_4 : i32
    %scan3A_6 = arith.constant 1 : i32
    %scan3A_7 = scf.for %scan3A_45 = %scan3A_3 to %scan3A_5 step %scan3A_6 iter_args(%scan3A_46 = %scan3A) -> (i32)  : i32 {
      %broadcast_in_dim3A = arith.constant 0.000000e+00 : f32
      %broadcast_in_dim3A_47 = vector.broadcast %broadcast_in_dim3A : f32 to vector<16xf32>
      %mul3A_48 = arith.constant 16 : i32
      %mul3A_49 = arith.muli %scan3A_45, %mul3A_48 : i32
      %swap3A = arith.index_cast %mul3A_49 : i32 to index
      %swap3A_50 = tpu.vector_load %arg11[%swap3A] {strides = array<i32>} : memref<640xf32, #tpu.memory_space<vmem>>, vector<16xf32>,
      %swap3A_51 = vector.shape_cast %swap3A_50 : vector<16xf32> to vector<16xf32>
      %swap3A_52 = vector.shape_cast %broadcast_in_dim3A_47 : vector<16xf32> to vector<16xf32>
      tpu.vector_store %arg11[%swap3A], %swap3A_52 {strides = array<i32>} : memref<640xf32, #tpu.memory_space<vmem>>, vector<16xf32>,
      %scan3A_53 = arith.constant 0 : i32
      scf.yield %scan3A_53 : i32
    }
    %scan3A_8 = arith.constant 40 : i32
    "tpu.region"() ({
      %run_scoped3A = tpu.sem_alloc : memref<!tpu.dma_semaphore, #tpu.memory_space<semaphore_mem>>
      %dma_start3A_45 = tpu.memref_slice %arg4[%mul3A_2] : memref<10240xf32, #tpu.memory_space<vmem_shared>> -> memref<640xf32, #tpu.memory_space<vmem_shared>>
      %dma_start3A_46 = tpu.memref_slice %arg4[%mul3A_2] : memref<10240xf32, #tpu.memory_space<vmem_shared>> -> memref<640xf32, #tpu.memory_space<vmem_shared>>
      tpu.enqueue_dma source(%arg11 : memref<640xf32, #tpu.memory_space<vmem>>) target(%dma_start3A_46 : memref<640xf32, #tpu.memory_space<vmem_shared>>) target_semaphore(%run_scoped3A : memref<!tpu.dma_semaphore, #tpu.memory_space<semaphore_mem>>)
      %dma_wait3A = tpu.memref_slice %arg4[%mul3A_2] : memref<10240xf32, #tpu.memory_space<vmem_shared>> -> memref<640xf32, #tpu.memory_space<vmem_shared>>
      %dma_wait3A_47 = tpu.memref_slice %arg4[%mul3A_2] : memref<10240xf32, #tpu.memory_space<vmem_shared>> -> memref<640xf32, #tpu.memory_space<vmem_shared>>
      tpu.wait_dma2 semaphore(%run_scoped3A : memref<!tpu.dma_semaphore, #tpu.memory_space<semaphore_mem>>) src(%arg11 : memref<640xf32, #tpu.memory_space<vmem>>) dst(%dma_wait3A_47 : memref<640xf32, #tpu.memory_space<vmem_shared>>)
      tpu.yield
    }) : () -> ()
    %scan3A_9 = arith.constant 0 : i32
    %scan3A_10 = arith.constant 0 : i32
    %scan3A_11 = arith.constant 5 : i32
    %scan3A_12 = arith.addi %scan3A_10, %scan3A_11 : i32
    %scan3A_13 = arith.constant 1 : i32
    %scan3A_14 = scf.for %scan3A_45 = %scan3A_10 to %scan3A_12 step %scan3A_13 iter_args(%scan3A_46 = %scan3A_9) -> (i32)  : i32 {
      %broadcast_in_dim3A = arith.constant 1.000000e+00 : f32
      %broadcast_in_dim3A_47 = vector.broadcast %broadcast_in_dim3A : f32 to vector<16xf32>
      %mul3A_48 = arith.constant 16 : i32
      %mul3A_49 = arith.muli %scan3A_45, %mul3A_48 : i32
      %swap3A = arith.index_cast %mul3A_49 : i32 to index
      %swap3A_50 = tpu.vector_load %arg10[%swap3A] {strides = array<i32>} : memref<80xf32, #tpu.memory_space<vmem>>, vector<16xf32>,
      %swap3A_51 = vector.shape_cast %swap3A_50 : vector<16xf32> to vector<16xf32>
      %swap3A_52 = vector.shape_cast %broadcast_in_dim3A_47 : vector<16xf32> to vector<16xf32>
      tpu.vector_store %arg10[%swap3A], %swap3A_52 {strides = array<i32>} : memref<80xf32, #tpu.memory_space<vmem>>, vector<16xf32>,
      %scan3A_53 = arith.constant 0 : i32
      scf.yield %scan3A_53 : i32
    }
    %scan3A_15 = arith.constant 5 : i32
    %barrier3A = arith.constant 0 : index
    tpu.barrier barrier_id(%barrier3A)
    %mul3A_16 = arith.constant 10000 : i32
    %mul3A_17 = arith.muli %add3A, %mul3A_16 : i32
    %add3A_18 = arith.constant 0 : i32
    %add3A_19 = arith.addi %mul3A_17, %add3A_18 : i32
    %dma_start3A = tpu.memref_slice %arg2[%add3A_19] : memref<320000xi32, #tpu.memory_space<hbm>> -> memref<80xi32, #tpu.memory_space<hbm>>
    %dma_start3A_20 = tpu.memref_slice %arg2[%add3A_19] : memref<320000xi32, #tpu.memory_space<hbm>> -> memref<80xi32, #tpu.memory_space<hbm>>
    tpu.enqueue_dma source(%dma_start3A_20 : memref<80xi32, #tpu.memory_space<hbm>>) target(%arg5 : memref<80xi32, #tpu.memory_space<vmem>>) target_semaphore(%arg12 : memref<!tpu.dma_semaphore, #tpu.memory_space<semaphore_mem>>)
    %add3A_21 = arith.constant 80 : i32
    %add3A_22 = arith.addi %mul3A_17, %add3A_21 : i32
    %dma_start3A_23 = tpu.memref_slice %arg2[%add3A_22] : memref<320000xi32, #tpu.memory_space<hbm>> -> memref<80xi32, #tpu.memory_space<hbm>>
    %dma_start3A_24 = tpu.memref_slice %arg2[%add3A_22] : memref<320000xi32, #tpu.memory_space<hbm>> -> memref<80xi32, #tpu.memory_space<hbm>>
    tpu.enqueue_dma source(%dma_start3A_24 : memref<80xi32, #tpu.memory_space<hbm>>) target(%arg6 : memref<80xi32, #tpu.memory_space<vmem>>) target_semaphore(%arg13 : memref<!tpu.dma_semaphore, #tpu.memory_space<semaphore_mem>>)
    %add3A_25 = arith.constant 160 : i32
    %add3A_26 = arith.addi %mul3A_17, %add3A_25 : i32
    %dma_start3A_27 = tpu.memref_slice %arg2[%add3A_26] : memref<320000xi32, #tpu.memory_space<hbm>> -> memref<80xi32, #tpu.memory_space<hbm>>
    %dma_start3A_28 = tpu.memref_slice %arg2[%add3A_26] : memref<320000xi32, #tpu.memory_space<hbm>> -> memref<80xi32, #tpu.memory_space<hbm>>
    tpu.enqueue_dma source(%dma_start3A_28 : memref<80xi32, #tpu.memory_space<hbm>>) target(%arg7 : memref<80xi32, #tpu.memory_space<vmem>>) target_semaphore(%arg14 : memref<!tpu.dma_semaphore, #tpu.memory_space<semaphore_mem>>)
    %add3A_29 = arith.constant 240 : i32
    %add3A_30 = arith.addi %mul3A_17, %add3A_29 : i32
    %dma_start3A_31 = tpu.memref_slice %arg2[%add3A_30] : memref<320000xi32, #tpu.memory_space<hbm>> -> memref<80xi32, #tpu.memory_space<hbm>>
    %dma_start3A_32 = tpu.memref_slice %arg2[%add3A_30] : memref<320000xi32, #tpu.memory_space<hbm>> -> memref<80xi32, #tpu.memory_space<hbm>>
    tpu.enqueue_dma source(%dma_start3A_32 : memref<80xi32, #tpu.memory_space<hbm>>) target(%arg8 : memref<80xi32, #tpu.memory_space<vmem>>) target_semaphore(%arg15 : memref<!tpu.dma_semaphore, #tpu.memory_space<semaphore_mem>>)
    %add3A_33 = arith.constant 320 : i32
    %add3A_34 = arith.addi %mul3A_17, %add3A_33 : i32
    %dma_start3A_35 = tpu.memref_slice %arg2[%add3A_34] : memref<320000xi32, #tpu.memory_space<hbm>> -> memref<80xi32, #tpu.memory_space<hbm>>
    %dma_start3A_36 = tpu.memref_slice %arg2[%add3A_34] : memref<320000xi32, #tpu.memory_space<hbm>> -> memref<80xi32, #tpu.memory_space<hbm>>
    tpu.enqueue_dma source(%dma_start3A_36 : memref<80xi32, #tpu.memory_space<hbm>>) target(%arg9 : memref<80xi32, #tpu.memory_space<vmem>>) target_semaphore(%arg16 : memref<!tpu.dma_semaphore, #tpu.memory_space<semaphore_mem>>)
    %scan3A_37 = arith.constant 0 : i32
    %scan3A_38 = arith.constant 0 : i32
    %scan3A_39 = arith.constant 25 : i32
    %scan3A_40 = arith.addi %scan3A_38, %scan3A_39 : i32
    %scan3A_41 = arith.constant 1 : i32
    %scan3A_42 = scf.for %scan3A_45 = %scan3A_38 to %scan3A_40 step %scan3A_41 iter_args(%scan3A_46 = %scan3A_37) -> (i32)  : i32 {
      %mul3A_47 = arith.constant 5 : i32
      %mul3A_48 = arith.muli %scan3A_45, %mul3A_47 : i32
      %add3A_49 = arith.constant 0 : i32
      %add3A_50 = arith.addi %mul3A_48, %add3A_49 : i32
      %mul3A_51 = arith.constant 80 : i32
      %mul3A_52 = arith.muli %add3A_50, %mul3A_51 : i32
      %add3A_53 = arith.addi %mul3A_17, %mul3A_52 : i32
      %dma_wait3A = tpu.memref_slice %arg2[%add3A_53] : memref<320000xi32, #tpu.memory_space<hbm>> -> memref<80xi32, #tpu.memory_space<hbm>>
      %dma_wait3A_54 = tpu.memref_slice %arg2[%add3A_53] : memref<320000xi32, #tpu.memory_space<hbm>> -> memref<80xi32, #tpu.memory_space<hbm>>
      tpu.wait_dma2 semaphore(%arg12 : memref<!tpu.dma_semaphore, #tpu.memory_space<semaphore_mem>>) src(%dma_wait3A_54 : memref<80xi32, #tpu.memory_space<hbm>>) dst(%arg5 : memref<80xi32, #tpu.memory_space<vmem>>)
      "tpu.region"() ({
        %run_scoped3A = tpu.sem_alloc : memref<!tpu.dma_semaphore, #tpu.memory_space<semaphore_mem>>
        %dma_start3A_124 = arith.constant 0 : i32
        %dma_start3A_125 = tpu.memref_slice %arg4[%dma_start3A_124] : memref<10240xf32, #tpu.memory_space<vmem_shared>> -> memref<10240xf32, #tpu.memory_space<vmem_shared>>
        tpu.enqueue_indirect_dma source(%arg10 : memref<80xf32, #tpu.memory_space<vmem>>) target(%dma_start3A_125 : memref<10240xf32, #tpu.memory_space<vmem_shared>>) offsets(%arg5 : memref<80xi32, #tpu.memory_space<vmem>>) semaphore(%run_scoped3A : memref<!tpu.dma_semaphore, #tpu.memory_space<semaphore_mem>>) {add = true}
        %dma_wait3A_126 = arith.constant 0 : i32
        %dma_wait3A_127 = tpu.memref_slice %arg4[%dma_wait3A_126] : memref<10240xf32, #tpu.memory_space<vmem_shared>> -> memref<10240xf32, #tpu.memory_space<vmem_shared>>
        tpu.wait_indirect_dma semaphore(%run_scoped3A : memref<!tpu.dma_semaphore, #tpu.memory_space<semaphore_mem>>) src(%arg10 : memref<80xf32, #tpu.memory_space<vmem>>) dst(%dma_wait3A_127 : memref<10240xf32, #tpu.memory_space<vmem_shared>>)
        tpu.yield
      }) : () -> ()
      %add3A_55 = arith.constant 5 : i32
      %add3A_56 = arith.addi %add3A_50, %add3A_55 : i32
      %lt3A = arith.constant 125 : i32
      %lt3A_57 = arith.cmpi slt, %add3A_56, %lt3A : i32
      %convert_element_type3A = arith.extui %lt3A_57 : i1 to i32
      %cond3A = arith.constant 0 : i32
      %cond3A_58 = arith.cmpi ne, %convert_element_type3A, %cond3A : i32
      scf.if %cond3A_58 {
        %mul3A_124 = arith.constant 80 : i32
        %mul3A_125 = arith.muli %add3A_56, %mul3A_124 : i32
        %add3A_126 = arith.addi %mul3A_17, %mul3A_125 : i32
        %dma_start3A_127 = tpu.memref_slice %arg2[%add3A_126] : memref<320000xi32, #tpu.memory_space<hbm>> -> memref<80xi32, #tpu.memory_space<hbm>>
        %dma_start3A_128 = tpu.memref_slice %arg2[%add3A_126] : memref<320000xi32, #tpu.memory_space<hbm>> -> memref<80xi32, #tpu.memory_space<hbm>>
        tpu.enqueue_dma source(%dma_start3A_128 : memref<80xi32, #tpu.memory_space<hbm>>) target(%arg5 : memref<80xi32, #tpu.memory_space<vmem>>) target_semaphore(%arg12 : memref<!tpu.dma_semaphore, #tpu.memory_space<semaphore_mem>>)
      } else {
      }
      %mul3A_59 = arith.constant 5 : i32
      %mul3A_60 = arith.muli %scan3A_45, %mul3A_59 : i32
      %add3A_61 = arith.constant 1 : i32
      %add3A_62 = arith.addi %mul3A_60, %add3A_61 : i32
      %mul3A_63 = arith.constant 80 : i32
      %mul3A_64 = arith.muli %add3A_62, %mul3A_63 : i32
      %add3A_65 = arith.addi %mul3A_17, %mul3A_64 : i32
      %dma_wait3A_66 = tpu.memref_slice %arg2[%add3A_65] : memref<320000xi32, #tpu.memory_space<hbm>> -> memref<80xi32, #tpu.memory_space<hbm>>
      %dma_wait3A_67 = tpu.memref_slice %arg2[%add3A_65] : memref<320000xi32, #tpu.memory_space<hbm>> -> memref<80xi32, #tpu.memory_space<hbm>>
      tpu.wait_dma2 semaphore(%arg13 : memref<!tpu.dma_semaphore, #tpu.memory_space<semaphore_mem>>) src(%dma_wait3A_67 : memref<80xi32, #tpu.memory_space<hbm>>) dst(%arg6 : memref<80xi32, #tpu.memory_space<vmem>>)
      "tpu.region"() ({
        %run_scoped3A = tpu.sem_alloc : memref<!tpu.dma_semaphore, #tpu.memory_space<semaphore_mem>>
        %dma_start3A_124 = arith.constant 0 : i32
        %dma_start3A_125 = tpu.memref_slice %arg4[%dma_start3A_124] : memref<10240xf32, #tpu.memory_space<vmem_shared>> -> memref<10240xf32, #tpu.memory_space<vmem_shared>>
        tpu.enqueue_indirect_dma source(%arg10 : memref<80xf32, #tpu.memory_space<vmem>>) target(%dma_start3A_125 : memref<10240xf32, #tpu.memory_space<vmem_shared>>) offsets(%arg6 : memref<80xi32, #tpu.memory_space<vmem>>) semaphore(%run_scoped3A : memref<!tpu.dma_semaphore, #tpu.memory_space<semaphore_mem>>) {add = true}
        %dma_wait3A_126 = arith.constant 0 : i32
        %dma_wait3A_127 = tpu.memref_slice %arg4[%dma_wait3A_126] : memref<10240xf32, #tpu.memory_space<vmem_shared>> -> memref<10240xf32, #tpu.memory_space<vmem_shared>>
        tpu.wait_indirect_dma semaphore(%run_scoped3A : memref<!tpu.dma_semaphore, #tpu.memory_space<semaphore_mem>>) src(%arg10 : memref<80xf32, #tpu.memory_space<vmem>>) dst(%dma_wait3A_127 : memref<10240xf32, #tpu.memory_space<vmem_shared>>)
        tpu.yield
      }) : () -> ()
      %add3A_68 = arith.constant 5 : i32
      %add3A_69 = arith.addi %add3A_62, %add3A_68 : i32
      %lt3A_70 = arith.constant 125 : i32
      %lt3A_71 = arith.cmpi slt, %add3A_69, %lt3A_70 : i32
      %convert_element_type3A_72 = arith.extui %lt3A_71 : i1 to i32
      %cond3A_73 = arith.constant 0 : i32
      %cond3A_74 = arith.cmpi ne, %convert_element_type3A_72, %cond3A_73 : i32
      scf.if %cond3A_74 {
        %mul3A_124 = arith.constant 80 : i32
        %mul3A_125 = arith.muli %add3A_69, %mul3A_124 : i32
        %add3A_126 = arith.addi %mul3A_17, %mul3A_125 : i32
        %dma_start3A_127 = tpu.memref_slice %arg2[%add3A_126] : memref<320000xi32, #tpu.memory_space<hbm>> -> memref<80xi32, #tpu.memory_space<hbm>>
        %dma_start3A_128 = tpu.memref_slice %arg2[%add3A_126] : memref<320000xi32, #tpu.memory_space<hbm>> -> memref<80xi32, #tpu.memory_space<hbm>>
        tpu.enqueue_dma source(%dma_start3A_128 : memref<80xi32, #tpu.memory_space<hbm>>) target(%arg6 : memref<80xi32, #tpu.memory_space<vmem>>) target_semaphore(%arg13 : memref<!tpu.dma_semaphore, #tpu.memory_space<semaphore_mem>>)
      } else {
      }
      %mul3A_75 = arith.constant 5 : i32
      %mul3A_76 = arith.muli %scan3A_45, %mul3A_75 : i32
      %add3A_77 = arith.constant 2 : i32
      %add3A_78 = arith.addi %mul3A_76, %add3A_77 : i32
      %mul3A_79 = arith.constant 80 : i32
      %mul3A_80 = arith.muli %add3A_78, %mul3A_79 : i32
      %add3A_81 = arith.addi %mul3A_17, %mul3A_80 : i32
      %dma_wait3A_82 = tpu.memref_slice %arg2[%add3A_81] : memref<320000xi32, #tpu.memory_space<hbm>> -> memref<80xi32, #tpu.memory_space<hbm>>
      %dma_wait3A_83 = tpu.memref_slice %arg2[%add3A_81] : memref<320000xi32, #tpu.memory_space<hbm>> -> memref<80xi32, #tpu.memory_space<hbm>>
      tpu.wait_dma2 semaphore(%arg14 : memref<!tpu.dma_semaphore, #tpu.memory_space<semaphore_mem>>) src(%dma_wait3A_83 : memref<80xi32, #tpu.memory_space<hbm>>) dst(%arg7 : memref<80xi32, #tpu.memory_space<vmem>>)
      "tpu.region"() ({
        %run_scoped3A = tpu.sem_alloc : memref<!tpu.dma_semaphore, #tpu.memory_space<semaphore_mem>>
        %dma_start3A_124 = arith.constant 0 : i32
        %dma_start3A_125 = tpu.memref_slice %arg4[%dma_start3A_124] : memref<10240xf32, #tpu.memory_space<vmem_shared>> -> memref<10240xf32, #tpu.memory_space<vmem_shared>>
        tpu.enqueue_indirect_dma source(%arg10 : memref<80xf32, #tpu.memory_space<vmem>>) target(%dma_start3A_125 : memref<10240xf32, #tpu.memory_space<vmem_shared>>) offsets(%arg7 : memref<80xi32, #tpu.memory_space<vmem>>) semaphore(%run_scoped3A : memref<!tpu.dma_semaphore, #tpu.memory_space<semaphore_mem>>) {add = true}
        %dma_wait3A_126 = arith.constant 0 : i32
        %dma_wait3A_127 = tpu.memref_slice %arg4[%dma_wait3A_126] : memref<10240xf32, #tpu.memory_space<vmem_shared>> -> memref<10240xf32, #tpu.memory_space<vmem_shared>>
        tpu.wait_indirect_dma semaphore(%run_scoped3A : memref<!tpu.dma_semaphore, #tpu.memory_space<semaphore_mem>>) src(%arg10 : memref<80xf32, #tpu.memory_space<vmem>>) dst(%dma_wait3A_127 : memref<10240xf32, #tpu.memory_space<vmem_shared>>)
        tpu.yield
      }) : () -> ()
      %add3A_84 = arith.constant 5 : i32
      %add3A_85 = arith.addi %add3A_78, %add3A_84 : i32
      %lt3A_86 = arith.constant 125 : i32
      %lt3A_87 = arith.cmpi slt, %add3A_85, %lt3A_86 : i32
      %convert_element_type3A_88 = arith.extui %lt3A_87 : i1 to i32
      %cond3A_89 = arith.constant 0 : i32
      %cond3A_90 = arith.cmpi ne, %convert_element_type3A_88, %cond3A_89 : i32
      scf.if %cond3A_90 {
        %mul3A_124 = arith.constant 80 : i32
        %mul3A_125 = arith.muli %add3A_85, %mul3A_124 : i32
        %add3A_126 = arith.addi %mul3A_17, %mul3A_125 : i32
        %dma_start3A_127 = tpu.memref_slice %arg2[%add3A_126] : memref<320000xi32, #tpu.memory_space<hbm>> -> memref<80xi32, #tpu.memory_space<hbm>>
        %dma_start3A_128 = tpu.memref_slice %arg2[%add3A_126] : memref<320000xi32, #tpu.memory_space<hbm>> -> memref<80xi32, #tpu.memory_space<hbm>>
        tpu.enqueue_dma source(%dma_start3A_128 : memref<80xi32, #tpu.memory_space<hbm>>) target(%arg7 : memref<80xi32, #tpu.memory_space<vmem>>) target_semaphore(%arg14 : memref<!tpu.dma_semaphore, #tpu.memory_space<semaphore_mem>>)
      } else {
      }
      %mul3A_91 = arith.constant 5 : i32
      %mul3A_92 = arith.muli %scan3A_45, %mul3A_91 : i32
      %add3A_93 = arith.constant 3 : i32
      %add3A_94 = arith.addi %mul3A_92, %add3A_93 : i32
      %mul3A_95 = arith.constant 80 : i32
      %mul3A_96 = arith.muli %add3A_94, %mul3A_95 : i32
      %add3A_97 = arith.addi %mul3A_17, %mul3A_96 : i32
      %dma_wait3A_98 = tpu.memref_slice %arg2[%add3A_97] : memref<320000xi32, #tpu.memory_space<hbm>> -> memref<80xi32, #tpu.memory_space<hbm>>
      %dma_wait3A_99 = tpu.memref_slice %arg2[%add3A_97] : memref<320000xi32, #tpu.memory_space<hbm>> -> memref<80xi32, #tpu.memory_space<hbm>>
      tpu.wait_dma2 semaphore(%arg15 : memref<!tpu.dma_semaphore, #tpu.memory_space<semaphore_mem>>) src(%dma_wait3A_99 : memref<80xi32, #tpu.memory_space<hbm>>) dst(%arg8 : memref<80xi32, #tpu.memory_space<vmem>>)
      "tpu.region"() ({
        %run_scoped3A = tpu.sem_alloc : memref<!tpu.dma_semaphore, #tpu.memory_space<semaphore_mem>>
        %dma_start3A_124 = arith.constant 0 : i32
        %dma_start3A_125 = tpu.memref_slice %arg4[%dma_start3A_124] : memref<10240xf32, #tpu.memory_space<vmem_shared>> -> memref<10240xf32, #tpu.memory_space<vmem_shared>>
        tpu.enqueue_indirect_dma source(%arg10 : memref<80xf32, #tpu.memory_space<vmem>>) target(%dma_start3A_125 : memref<10240xf32, #tpu.memory_space<vmem_shared>>) offsets(%arg8 : memref<80xi32, #tpu.memory_space<vmem>>) semaphore(%run_scoped3A : memref<!tpu.dma_semaphore, #tpu.memory_space<semaphore_mem>>) {add = true}
        %dma_wait3A_126 = arith.constant 0 : i32
        %dma_wait3A_127 = tpu.memref_slice %arg4[%dma_wait3A_126] : memref<10240xf32, #tpu.memory_space<vmem_shared>> -> memref<10240xf32, #tpu.memory_space<vmem_shared>>
        tpu.wait_indirect_dma semaphore(%run_scoped3A : memref<!tpu.dma_semaphore, #tpu.memory_space<semaphore_mem>>) src(%arg10 : memref<80xf32, #tpu.memory_space<vmem>>) dst(%dma_wait3A_127 : memref<10240xf32, #tpu.memory_space<vmem_shared>>)
        tpu.yield
      }) : () -> ()
      %add3A_100 = arith.constant 5 : i32
      %add3A_101 = arith.addi %add3A_94, %add3A_100 : i32
      %lt3A_102 = arith.constant 125 : i32
      %lt3A_103 = arith.cmpi slt, %add3A_101, %lt3A_102 : i32
      %convert_element_type3A_104 = arith.extui %lt3A_103 : i1 to i32
      %cond3A_105 = arith.constant 0 : i32
      %cond3A_106 = arith.cmpi ne, %convert_element_type3A_104, %cond3A_105 : i32
      scf.if %cond3A_106 {
        %mul3A_124 = arith.constant 80 : i32
        %mul3A_125 = arith.muli %add3A_101, %mul3A_124 : i32
        %add3A_126 = arith.addi %mul3A_17, %mul3A_125 : i32
        %dma_start3A_127 = tpu.memref_slice %arg2[%add3A_126] : memref<320000xi32, #tpu.memory_space<hbm>> -> memref<80xi32, #tpu.memory_space<hbm>>
        %dma_start3A_128 = tpu.memref_slice %arg2[%add3A_126] : memref<320000xi32, #tpu.memory_space<hbm>> -> memref<80xi32, #tpu.memory_space<hbm>>
        tpu.enqueue_dma source(%dma_start3A_128 : memref<80xi32, #tpu.memory_space<hbm>>) target(%arg8 : memref<80xi32, #tpu.memory_space<vmem>>) target_semaphore(%arg15 : memref<!tpu.dma_semaphore, #tpu.memory_space<semaphore_mem>>)
      } else {
      }
      %mul3A_107 = arith.constant 5 : i32
      %mul3A_108 = arith.muli %scan3A_45, %mul3A_107 : i32
      %add3A_109 = arith.constant 4 : i32
      %add3A_110 = arith.addi %mul3A_108, %add3A_109 : i32
      %mul3A_111 = arith.constant 80 : i32
      %mul3A_112 = arith.muli %add3A_110, %mul3A_111 : i32
      %add3A_113 = arith.addi %mul3A_17, %mul3A_112 : i32
      %dma_wait3A_114 = tpu.memref_slice %arg2[%add3A_113] : memref<320000xi32, #tpu.memory_space<hbm>> -> memref<80xi32, #tpu.memory_space<hbm>>
      %dma_wait3A_115 = tpu.memref_slice %arg2[%add3A_113] : memref<320000xi32, #tpu.memory_space<hbm>> -> memref<80xi32, #tpu.memory_space<hbm>>
      tpu.wait_dma2 semaphore(%arg16 : memref<!tpu.dma_semaphore, #tpu.memory_space<semaphore_mem>>) src(%dma_wait3A_115 : memref<80xi32, #tpu.memory_space<hbm>>) dst(%arg9 : memref<80xi32, #tpu.memory_space<vmem>>)
      "tpu.region"() ({
        %run_scoped3A = tpu.sem_alloc : memref<!tpu.dma_semaphore, #tpu.memory_space<semaphore_mem>>
        %dma_start3A_124 = arith.constant 0 : i32
        %dma_start3A_125 = tpu.memref_slice %arg4[%dma_start3A_124] : memref<10240xf32, #tpu.memory_space<vmem_shared>> -> memref<10240xf32, #tpu.memory_space<vmem_shared>>
        tpu.enqueue_indirect_dma source(%arg10 : memref<80xf32, #tpu.memory_space<vmem>>) target(%dma_start3A_125 : memref<10240xf32, #tpu.memory_space<vmem_shared>>) offsets(%arg9 : memref<80xi32, #tpu.memory_space<vmem>>) semaphore(%run_scoped3A : memref<!tpu.dma_semaphore, #tpu.memory_space<semaphore_mem>>) {add = true}
        %dma_wait3A_126 = arith.constant 0 : i32
        %dma_wait3A_127 = tpu.memref_slice %arg4[%dma_wait3A_126] : memref<10240xf32, #tpu.memory_space<vmem_shared>> -> memref<10240xf32, #tpu.memory_space<vmem_shared>>
        tpu.wait_indirect_dma semaphore(%run_scoped3A : memref<!tpu.dma_semaphore, #tpu.memory_space<semaphore_mem>>) src(%arg10 : memref<80xf32, #tpu.memory_space<vmem>>) dst(%dma_wait3A_127 : memref<10240xf32, #tpu.memory_space<vmem_shared>>)
        tpu.yield
      }) : () -> ()
      %add3A_116 = arith.constant 5 : i32
      %add3A_117 = arith.addi %add3A_110, %add3A_116 : i32
      %lt3A_118 = arith.constant 125 : i32
      %lt3A_119 = arith.cmpi slt, %add3A_117, %lt3A_118 : i32
      %convert_element_type3A_120 = arith.extui %lt3A_119 : i1 to i32
      %cond3A_121 = arith.constant 0 : i32
      %cond3A_122 = arith.cmpi ne, %convert_element_type3A_120, %cond3A_121 : i32
      scf.if %cond3A_122 {
        %mul3A_124 = arith.constant 80 : i32
        %mul3A_125 = arith.muli %add3A_117, %mul3A_124 : i32
        %add3A_126 = arith.addi %mul3A_17, %mul3A_125 : i32
        %dma_start3A_127 = tpu.memref_slice %arg2[%add3A_126] : memref<320000xi32, #tpu.memory_space<hbm>> -> memref<80xi32, #tpu.memory_space<hbm>>
        %dma_start3A_128 = tpu.memref_slice %arg2[%add3A_126] : memref<320000xi32, #tpu.memory_space<hbm>> -> memref<80xi32, #tpu.memory_space<hbm>>
        tpu.enqueue_dma source(%dma_start3A_128 : memref<80xi32, #tpu.memory_space<hbm>>) target(%arg9 : memref<80xi32, #tpu.memory_space<vmem>>) target_semaphore(%arg16 : memref<!tpu.dma_semaphore, #tpu.memory_space<semaphore_mem>>)
      } else {
      }
      %scan3A_123 = arith.constant 0 : i32
      scf.yield %scan3A_123 : i32
    }
    %scan3A_43 = arith.constant 25 : i32
    %barrier3A_44 = arith.constant 0 : index
    tpu.barrier barrier_id(%barrier3A_44)
    "tpu.region"() ({
      %run_scoped3A = tpu.sem_alloc : memref<!tpu.dma_semaphore, #tpu.memory_space<semaphore_mem>>
      %dma_start3A_45 = tpu.memref_slice %arg3[%arg0, %mul3A_2] : memref<2x10240xf32, #tpu.memory_space<hbm>> -> memref<1x640xf32, #tpu.memory_space<hbm>>
      %dma_start3A_46 = tpu.memref_squeeze %dma_start3A_45 : memref<1x640xf32, #tpu.memory_space<hbm>> -> memref<640xf32, #tpu.memory_space<hbm>>
      %dma_start3A_47 = tpu.memref_slice %arg4[%mul3A_2] : memref<10240xf32, #tpu.memory_space<vmem_shared>> -> memref<640xf32, #tpu.memory_space<vmem_shared>>
      tpu.enqueue_dma source(%dma_start3A_47 : memref<640xf32, #tpu.memory_space<vmem_shared>>) target(%dma_start3A_46 : memref<640xf32, #tpu.memory_space<hbm>>) target_semaphore(%run_scoped3A : memref<!tpu.dma_semaphore, #tpu.memory_space<semaphore_mem>>)
      %dma_wait3A = tpu.memref_slice %arg3[%arg0, %mul3A_2] : memref<2x10240xf32, #tpu.memory_space<hbm>> -> memref<1x640xf32, #tpu.memory_space<hbm>>
      %dma_wait3A_48 = tpu.memref_squeeze %dma_wait3A : memref<1x640xf32, #tpu.memory_space<hbm>> -> memref<640xf32, #tpu.memory_space<hbm>>
      %dma_wait3A_49 = tpu.memref_slice %arg4[%mul3A_2] : memref<10240xf32, #tpu.memory_space<vmem_shared>> -> memref<640xf32, #tpu.memory_space<vmem_shared>>
      tpu.wait_dma2 semaphore(%run_scoped3A : memref<!tpu.dma_semaphore, #tpu.memory_space<semaphore_mem>>) src(%dma_wait3A_49 : memref<640xf32, #tpu.memory_space<vmem_shared>>) dst(%dma_wait3A_48 : memref<640xf32, #tpu.memory_space<hbm>>)
      tpu.yield
    }) : () -> ()
    return
  }
}

#map = affine_map<(d0, d1) -> (0, 0)>
#map1 = affine_map<(d0, d1) -> (0)>
module attributes {stable_mosaic.version = 14 : i64} {
  func.func @_seg_body(%arg0: i32, %arg1: i32, %arg2: memref<20000x128xf32, #tpu.memory_space<hbm>>, %arg3: memref<327680xi32, #tpu.memory_space<hbm>>, %arg4: memref<327680xi32, #tpu.memory_space<hbm>>, %arg5: memref<20480x128xf32, #tpu.memory_space<hbm>>, %arg6: memref<10240x128xf32, #tpu.memory_space<vmem_shared>>, %arg7: memref<128xi32, #tpu.memory_space<vmem>>, %arg8: memref<128xi32, #tpu.memory_space<vmem>>, %arg9: memref<128xi32, #tpu.memory_space<vmem>>, %arg10: memref<128xi32, #tpu.memory_space<vmem>>, %arg11: memref<128xi32, #tpu.memory_space<vmem>>, %arg12: memref<128xi32, #tpu.memory_space<vmem>>, %arg13: memref<128xi32, #tpu.memory_space<vmem>>, %arg14: memref<128xi32, #tpu.memory_space<vmem>>, %arg15: memref<128x128xf32, #tpu.memory_space<vmem>>, %arg16: memref<128x128xf32, #tpu.memory_space<vmem>>, %arg17: memref<!tpu.dma_semaphore, #tpu.memory_space<semaphore_mem>>, %arg18: memref<!tpu.dma_semaphore, #tpu.memory_space<semaphore_mem>>, %arg19: memref<!tpu.dma_semaphore, #tpu.memory_space<semaphore_mem>>, %arg20: memref<!tpu.dma_semaphore, #tpu.memory_space<semaphore_mem>>, %arg21: memref<!tpu.dma_semaphore, #tpu.memory_space<semaphore_mem>>, %arg22: memref<!tpu.dma_semaphore, #tpu.memory_space<semaphore_mem>>) attributes {dimension_semantics = [#tpu.dimension_semantics<core_parallel>, #tpu.dimension_semantics<subcore_parallel>], iteration_bounds = array<i64: 2, 16>, scalar_prefetch = 0 : i64, scratch_operands = 17 : i64, tpu.core_type = #tpu.core_type<sc_vector_subcore>, window_params = [{transform_indices = #map}, {transform_indices = #map1}, {transform_indices = #map1}, {transform_indices = #map}]} {
    %scan3A = arith.constant 0 : i32
    %scan3A_0 = arith.constant 0 : i32
    %scan3A_1 = arith.constant 1024 : i32
    %scan3A_2 = arith.addi %scan3A_0, %scan3A_1 : i32
    %scan3A_3 = arith.constant 1 : i32
    %scan3A_4 = scf.for %scan3A_225 = %scan3A_0 to %scan3A_2 step %scan3A_3 iter_args(%scan3A_226 = %scan3A) -> (i32)  : i32 {
      %broadcast_in_dim3A = arith.constant 0.000000e+00 : f32
      %broadcast_in_dim3A_227 = vector.broadcast %broadcast_in_dim3A : f32 to vector<16xf32>
      %jit3A = arith.constant 8 : i32
      %div3A = arith.divsi %scan3A_225, %jit3A : i32
      %sign3A = arith.constant 0 : i32
      %sign3A_228 = arith.cmpi sgt, %scan3A_225, %sign3A : i32
      %sign3A_229 = arith.extui %sign3A_228 : i1 to i32
      %sign3A_230 = arith.constant 0 : i32
      %sign3A_231 = arith.cmpi slt, %scan3A_225, %sign3A_230 : i32
      %sign3A_232 = arith.extui %sign3A_231 : i1 to i32
      %sign3A_233 = arith.subi %sign3A_229, %sign3A_232 : i32
      %sign3A_234 = arith.constant 0 : i32
      %sign3A_235 = arith.cmpi sgt, %jit3A, %sign3A_234 : i32
      %sign3A_236 = arith.extui %sign3A_235 : i1 to i32
      %sign3A_237 = arith.constant 0 : i32
      %sign3A_238 = arith.cmpi slt, %jit3A, %sign3A_237 : i32
      %sign3A_239 = arith.extui %sign3A_238 : i1 to i32
      %sign3A_240 = arith.subi %sign3A_236, %sign3A_239 : i32
      %ne3A = arith.cmpi ne, %sign3A_233, %sign3A_240 : i32
      %rem3A = arith.remsi %scan3A_225, %jit3A : i32
      %ne3A_241 = arith.constant 0 : i32
      %ne3A_242 = arith.cmpi ne, %rem3A, %ne3A_241 : i32
      %and3A = arith.andi %ne3A, %ne3A_242 : i1
      %sub3A = arith.constant 1 : i32
      %sub3A_243 = arith.subi %div3A, %sub3A : i32
      %select_n3A = arith.select %and3A, %sub3A_243, %div3A : i32
      %jit3A_244 = arith.constant 8 : i32
      %eq3A = arith.constant 0 : i32
      %eq3A_245 = arith.cmpi eq, %jit3A_244, %eq3A : i32
      %jit3A_246 = arith.constant 1 : i32
      %select_n3A_247 = arith.select %eq3A_245, %jit3A_246, %jit3A_244 : i32
      %rem3A_248 = arith.remsi %scan3A_225, %select_n3A_247 : i32
      %ne3A_249 = arith.constant 0 : i32
      %ne3A_250 = arith.cmpi ne, %rem3A_248, %ne3A_249 : i32
      %lt3A = arith.constant 0 : i32
      %lt3A_251 = arith.cmpi slt, %rem3A_248, %lt3A : i32
      %lt3A_252 = arith.constant 0 : i32
      %lt3A_253 = arith.cmpi slt, %select_n3A_247, %lt3A_252 : i32
      %ne3A_254 = arith.xori %lt3A_251, %lt3A_253 : i1
      %and3A_255 = arith.andi %ne3A_254, %ne3A_250 : i1
      %add3A_256 = arith.addi %rem3A_248, %select_n3A_247 : i32
      %select_n3A_257 = arith.select %and3A_255, %add3A_256, %rem3A_248 : i32
      %mul3A_258 = arith.constant 16 : i32
      %mul3A_259 = arith.muli %select_n3A_257, %mul3A_258 : i32
      %swap3A_260 = arith.index_cast %select_n3A : i32 to index
      %swap3A_261 = arith.index_cast %mul3A_259 : i32 to index
      %swap3A_262 = tpu.vector_load %arg15[%swap3A_260, %swap3A_261] {strides = array<i32>} : memref<128x128xf32, #tpu.memory_space<vmem>>, vector<1x16xf32>,
      %swap3A_263 = vector.shape_cast %swap3A_262 : vector<1x16xf32> to vector<16xf32>
      %swap3A_264 = vector.shape_cast %broadcast_in_dim3A_227 : vector<16xf32> to vector<1x16xf32>
      tpu.vector_store %arg15[%swap3A_260, %swap3A_261], %swap3A_264 {strides = array<i32>} : memref<128x128xf32, #tpu.memory_space<vmem>>, vector<1x16xf32>,
      %scan3A_265 = arith.constant 0 : i32
      scf.yield %scan3A_265 : i32
    }
    %scan3A_5 = arith.constant 1024 : i32
    %mul3A = arith.constant 640 : i32
    %mul3A_6 = arith.muli %arg1, %mul3A : i32
    %add3A = arith.constant 0 : i32
    %add3A_7 = arith.addi %mul3A_6, %add3A : i32
    "tpu.region"() ({
      %run_scoped3A = tpu.sem_alloc : memref<!tpu.dma_semaphore, #tpu.memory_space<semaphore_mem>>
      %dma_start3A_225 = arith.constant 0 : i32
      %dma_start3A_226 = tpu.memref_slice %arg6[%add3A_7, %dma_start3A_225] : memref<10240x128xf32, #tpu.memory_space<vmem_shared>> -> memref<128x128xf32, #tpu.memory_space<vmem_shared>>
      %dma_start3A_227 = arith.constant 0 : i32
      %dma_start3A_228 = tpu.memref_slice %arg6[%add3A_7, %dma_start3A_227] : memref<10240x128xf32, #tpu.memory_space<vmem_shared>> -> memref<128x128xf32, #tpu.memory_space<vmem_shared>>
      tpu.enqueue_dma source(%arg15 : memref<128x128xf32, #tpu.memory_space<vmem>>) target(%dma_start3A_228 : memref<128x128xf32, #tpu.memory_space<vmem_shared>>) target_semaphore(%run_scoped3A : memref<!tpu.dma_semaphore, #tpu.memory_space<semaphore_mem>>)
      %dma_wait3A_229 = arith.constant 0 : i32
      %dma_wait3A_230 = tpu.memref_slice %arg6[%add3A_7, %dma_wait3A_229] : memref<10240x128xf32, #tpu.memory_space<vmem_shared>> -> memref<128x128xf32, #tpu.memory_space<vmem_shared>>
      %dma_wait3A_231 = arith.constant 0 : i32
      %dma_wait3A_232 = tpu.memref_slice %arg6[%add3A_7, %dma_wait3A_231] : memref<10240x128xf32, #tpu.memory_space<vmem_shared>> -> memref<128x128xf32, #tpu.memory_space<vmem_shared>>
      tpu.wait_dma2 semaphore(%run_scoped3A : memref<!tpu.dma_semaphore, #tpu.memory_space<semaphore_mem>>) src(%arg15 : memref<128x128xf32, #tpu.memory_space<vmem>>) dst(%dma_wait3A_232 : memref<128x128xf32, #tpu.memory_space<vmem_shared>>)
      tpu.yield
    }) : () -> ()
    %add3A_8 = arith.constant 128 : i32
    %add3A_9 = arith.addi %mul3A_6, %add3A_8 : i32
    "tpu.region"() ({
      %run_scoped3A = tpu.sem_alloc : memref<!tpu.dma_semaphore, #tpu.memory_space<semaphore_mem>>
      %dma_start3A_225 = arith.constant 0 : i32
      %dma_start3A_226 = tpu.memref_slice %arg6[%add3A_9, %dma_start3A_225] : memref<10240x128xf32, #tpu.memory_space<vmem_shared>> -> memref<128x128xf32, #tpu.memory_space<vmem_shared>>
      %dma_start3A_227 = arith.constant 0 : i32
      %dma_start3A_228 = tpu.memref_slice %arg6[%add3A_9, %dma_start3A_227] : memref<10240x128xf32, #tpu.memory_space<vmem_shared>> -> memref<128x128xf32, #tpu.memory_space<vmem_shared>>
      tpu.enqueue_dma source(%arg15 : memref<128x128xf32, #tpu.memory_space<vmem>>) target(%dma_start3A_228 : memref<128x128xf32, #tpu.memory_space<vmem_shared>>) target_semaphore(%run_scoped3A : memref<!tpu.dma_semaphore, #tpu.memory_space<semaphore_mem>>)
      %dma_wait3A_229 = arith.constant 0 : i32
      %dma_wait3A_230 = tpu.memref_slice %arg6[%add3A_9, %dma_wait3A_229] : memref<10240x128xf32, #tpu.memory_space<vmem_shared>> -> memref<128x128xf32, #tpu.memory_space<vmem_shared>>
      %dma_wait3A_231 = arith.constant 0 : i32
      %dma_wait3A_232 = tpu.memref_slice %arg6[%add3A_9, %dma_wait3A_231] : memref<10240x128xf32, #tpu.memory_space<vmem_shared>> -> memref<128x128xf32, #tpu.memory_space<vmem_shared>>
      tpu.wait_dma2 semaphore(%run_scoped3A : memref<!tpu.dma_semaphore, #tpu.memory_space<semaphore_mem>>) src(%arg15 : memref<128x128xf32, #tpu.memory_space<vmem>>) dst(%dma_wait3A_232 : memref<128x128xf32, #tpu.memory_space<vmem_shared>>)
      tpu.yield
    }) : () -> ()
    %add3A_10 = arith.constant 256 : i32
    %add3A_11 = arith.addi %mul3A_6, %add3A_10 : i32
    "tpu.region"() ({
      %run_scoped3A = tpu.sem_alloc : memref<!tpu.dma_semaphore, #tpu.memory_space<semaphore_mem>>
      %dma_start3A_225 = arith.constant 0 : i32
      %dma_start3A_226 = tpu.memref_slice %arg6[%add3A_11, %dma_start3A_225] : memref<10240x128xf32, #tpu.memory_space<vmem_shared>> -> memref<128x128xf32, #tpu.memory_space<vmem_shared>>
      %dma_start3A_227 = arith.constant 0 : i32
      %dma_start3A_228 = tpu.memref_slice %arg6[%add3A_11, %dma_start3A_227] : memref<10240x128xf32, #tpu.memory_space<vmem_shared>> -> memref<128x128xf32, #tpu.memory_space<vmem_shared>>
      tpu.enqueue_dma source(%arg15 : memref<128x128xf32, #tpu.memory_space<vmem>>) target(%dma_start3A_228 : memref<128x128xf32, #tpu.memory_space<vmem_shared>>) target_semaphore(%run_scoped3A : memref<!tpu.dma_semaphore, #tpu.memory_space<semaphore_mem>>)
      %dma_wait3A_229 = arith.constant 0 : i32
      %dma_wait3A_230 = tpu.memref_slice %arg6[%add3A_11, %dma_wait3A_229] : memref<10240x128xf32, #tpu.memory_space<vmem_shared>> -> memref<128x128xf32, #tpu.memory_space<vmem_shared>>
      %dma_wait3A_231 = arith.constant 0 : i32
      %dma_wait3A_232 = tpu.memref_slice %arg6[%add3A_11, %dma_wait3A_231] : memref<10240x128xf32, #tpu.memory_space<vmem_shared>> -> memref<128x128xf32, #tpu.memory_space<vmem_shared>>
      tpu.wait_dma2 semaphore(%run_scoped3A : memref<!tpu.dma_semaphore, #tpu.memory_space<semaphore_mem>>) src(%arg15 : memref<128x128xf32, #tpu.memory_space<vmem>>) dst(%dma_wait3A_232 : memref<128x128xf32, #tpu.memory_space<vmem_shared>>)
      tpu.yield
    }) : () -> ()
    %add3A_12 = arith.constant 384 : i32
    %add3A_13 = arith.addi %mul3A_6, %add3A_12 : i32
    "tpu.region"() ({
      %run_scoped3A = tpu.sem_alloc : memref<!tpu.dma_semaphore, #tpu.memory_space<semaphore_mem>>
      %dma_start3A_225 = arith.constant 0 : i32
      %dma_start3A_226 = tpu.memref_slice %arg6[%add3A_13, %dma_start3A_225] : memref<10240x128xf32, #tpu.memory_space<vmem_shared>> -> memref<128x128xf32, #tpu.memory_space<vmem_shared>>
      %dma_start3A_227 = arith.constant 0 : i32
      %dma_start3A_228 = tpu.memref_slice %arg6[%add3A_13, %dma_start3A_227] : memref<10240x128xf32, #tpu.memory_space<vmem_shared>> -> memref<128x128xf32, #tpu.memory_space<vmem_shared>>
      tpu.enqueue_dma source(%arg15 : memref<128x128xf32, #tpu.memory_space<vmem>>) target(%dma_start3A_228 : memref<128x128xf32, #tpu.memory_space<vmem_shared>>) target_semaphore(%run_scoped3A : memref<!tpu.dma_semaphore, #tpu.memory_space<semaphore_mem>>)
      %dma_wait3A_229 = arith.constant 0 : i32
      %dma_wait3A_230 = tpu.memref_slice %arg6[%add3A_13, %dma_wait3A_229] : memref<10240x128xf32, #tpu.memory_space<vmem_shared>> -> memref<128x128xf32, #tpu.memory_space<vmem_shared>>
      %dma_wait3A_231 = arith.constant 0 : i32
      %dma_wait3A_232 = tpu.memref_slice %arg6[%add3A_13, %dma_wait3A_231] : memref<10240x128xf32, #tpu.memory_space<vmem_shared>> -> memref<128x128xf32, #tpu.memory_space<vmem_shared>>
      tpu.wait_dma2 semaphore(%run_scoped3A : memref<!tpu.dma_semaphore, #tpu.memory_space<semaphore_mem>>) src(%arg15 : memref<128x128xf32, #tpu.memory_space<vmem>>) dst(%dma_wait3A_232 : memref<128x128xf32, #tpu.memory_space<vmem_shared>>)
      tpu.yield
    }) : () -> ()
    %add3A_14 = arith.constant 512 : i32
    %add3A_15 = arith.addi %mul3A_6, %add3A_14 : i32
    "tpu.region"() ({
      %run_scoped3A = tpu.sem_alloc : memref<!tpu.dma_semaphore, #tpu.memory_space<semaphore_mem>>
      %dma_start3A_225 = arith.constant 0 : i32
      %dma_start3A_226 = tpu.memref_slice %arg6[%add3A_15, %dma_start3A_225] : memref<10240x128xf32, #tpu.memory_space<vmem_shared>> -> memref<128x128xf32, #tpu.memory_space<vmem_shared>>
      %dma_start3A_227 = arith.constant 0 : i32
      %dma_start3A_228 = tpu.memref_slice %arg6[%add3A_15, %dma_start3A_227] : memref<10240x128xf32, #tpu.memory_space<vmem_shared>> -> memref<128x128xf32, #tpu.memory_space<vmem_shared>>
      tpu.enqueue_dma source(%arg15 : memref<128x128xf32, #tpu.memory_space<vmem>>) target(%dma_start3A_228 : memref<128x128xf32, #tpu.memory_space<vmem_shared>>) target_semaphore(%run_scoped3A : memref<!tpu.dma_semaphore, #tpu.memory_space<semaphore_mem>>)
      %dma_wait3A_229 = arith.constant 0 : i32
      %dma_wait3A_230 = tpu.memref_slice %arg6[%add3A_15, %dma_wait3A_229] : memref<10240x128xf32, #tpu.memory_space<vmem_shared>> -> memref<128x128xf32, #tpu.memory_space<vmem_shared>>
      %dma_wait3A_231 = arith.constant 0 : i32
      %dma_wait3A_232 = tpu.memref_slice %arg6[%add3A_15, %dma_wait3A_231] : memref<10240x128xf32, #tpu.memory_space<vmem_shared>> -> memref<128x128xf32, #tpu.memory_space<vmem_shared>>
      tpu.wait_dma2 semaphore(%run_scoped3A : memref<!tpu.dma_semaphore, #tpu.memory_space<semaphore_mem>>) src(%arg15 : memref<128x128xf32, #tpu.memory_space<vmem>>) dst(%dma_wait3A_232 : memref<128x128xf32, #tpu.memory_space<vmem_shared>>)
      tpu.yield
    }) : () -> ()
    %barrier3A = arith.constant 0 : index
    tpu.barrier barrier_id(%barrier3A)
    %mul3A_16 = arith.constant 20480 : i32
    %mul3A_17 = arith.muli %arg1, %mul3A_16 : i32
    %mul3A_18 = arith.constant 10000 : i32
    %mul3A_19 = arith.muli %arg0, %mul3A_18 : i32
    %add3A_20 = arith.constant 0 : i32
    %add3A_21 = arith.addi %mul3A_17, %add3A_20 : i32
    %dma_start3A = tpu.memref_slice %arg3[%add3A_21] : memref<327680xi32, #tpu.memory_space<hbm>> -> memref<128xi32, #tpu.memory_space<hbm>>
    %dma_start3A_22 = tpu.memref_slice %arg3[%add3A_21] : memref<327680xi32, #tpu.memory_space<hbm>> -> memref<128xi32, #tpu.memory_space<hbm>>
    tpu.enqueue_dma source(%dma_start3A_22 : memref<128xi32, #tpu.memory_space<hbm>>) target(%arg7 : memref<128xi32, #tpu.memory_space<vmem>>) target_semaphore(%arg19 : memref<!tpu.dma_semaphore, #tpu.memory_space<semaphore_mem>>)
    %add3A_23 = arith.constant 0 : i32
    %add3A_24 = arith.addi %mul3A_17, %add3A_23 : i32
    %dma_start3A_25 = tpu.memref_slice %arg4[%add3A_24] : memref<327680xi32, #tpu.memory_space<hbm>> -> memref<128xi32, #tpu.memory_space<hbm>>
    %dma_start3A_26 = tpu.memref_slice %arg4[%add3A_24] : memref<327680xi32, #tpu.memory_space<hbm>> -> memref<128xi32, #tpu.memory_space<hbm>>
    tpu.enqueue_dma source(%dma_start3A_26 : memref<128xi32, #tpu.memory_space<hbm>>) target(%arg11 : memref<128xi32, #tpu.memory_space<vmem>>) target_semaphore(%arg19 : memref<!tpu.dma_semaphore, #tpu.memory_space<semaphore_mem>>)
    %add3A_27 = arith.constant 128 : i32
    %add3A_28 = arith.addi %mul3A_17, %add3A_27 : i32
    %dma_start3A_29 = tpu.memref_slice %arg3[%add3A_28] : memref<327680xi32, #tpu.memory_space<hbm>> -> memref<128xi32, #tpu.memory_space<hbm>>
    %dma_start3A_30 = tpu.memref_slice %arg3[%add3A_28] : memref<327680xi32, #tpu.memory_space<hbm>> -> memref<128xi32, #tpu.memory_space<hbm>>
    tpu.enqueue_dma source(%dma_start3A_30 : memref<128xi32, #tpu.memory_space<hbm>>) target(%arg8 : memref<128xi32, #tpu.memory_space<vmem>>) target_semaphore(%arg20 : memref<!tpu.dma_semaphore, #tpu.memory_space<semaphore_mem>>)
    %add3A_31 = arith.constant 128 : i32
    %add3A_32 = arith.addi %mul3A_17, %add3A_31 : i32
    %dma_start3A_33 = tpu.memref_slice %arg4[%add3A_32] : memref<327680xi32, #tpu.memory_space<hbm>> -> memref<128xi32, #tpu.memory_space<hbm>>
    %dma_start3A_34 = tpu.memref_slice %arg4[%add3A_32] : memref<327680xi32, #tpu.memory_space<hbm>> -> memref<128xi32, #tpu.memory_space<hbm>>
    tpu.enqueue_dma source(%dma_start3A_34 : memref<128xi32, #tpu.memory_space<hbm>>) target(%arg12 : memref<128xi32, #tpu.memory_space<vmem>>) target_semaphore(%arg20 : memref<!tpu.dma_semaphore, #tpu.memory_space<semaphore_mem>>)
    %add3A_35 = arith.constant 256 : i32
    %add3A_36 = arith.addi %mul3A_17, %add3A_35 : i32
    %dma_start3A_37 = tpu.memref_slice %arg3[%add3A_36] : memref<327680xi32, #tpu.memory_space<hbm>> -> memref<128xi32, #tpu.memory_space<hbm>>
    %dma_start3A_38 = tpu.memref_slice %arg3[%add3A_36] : memref<327680xi32, #tpu.memory_space<hbm>> -> memref<128xi32, #tpu.memory_space<hbm>>
    tpu.enqueue_dma source(%dma_start3A_38 : memref<128xi32, #tpu.memory_space<hbm>>) target(%arg9 : memref<128xi32, #tpu.memory_space<vmem>>) target_semaphore(%arg21 : memref<!tpu.dma_semaphore, #tpu.memory_space<semaphore_mem>>)
    %add3A_39 = arith.constant 256 : i32
    %add3A_40 = arith.addi %mul3A_17, %add3A_39 : i32
    %dma_start3A_41 = tpu.memref_slice %arg4[%add3A_40] : memref<327680xi32, #tpu.memory_space<hbm>> -> memref<128xi32, #tpu.memory_space<hbm>>
    %dma_start3A_42 = tpu.memref_slice %arg4[%add3A_40] : memref<327680xi32, #tpu.memory_space<hbm>> -> memref<128xi32, #tpu.memory_space<hbm>>
    tpu.enqueue_dma source(%dma_start3A_42 : memref<128xi32, #tpu.memory_space<hbm>>) target(%arg13 : memref<128xi32, #tpu.memory_space<vmem>>) target_semaphore(%arg21 : memref<!tpu.dma_semaphore, #tpu.memory_space<semaphore_mem>>)
    %add3A_43 = arith.constant 384 : i32
    %add3A_44 = arith.addi %mul3A_17, %add3A_43 : i32
    %dma_start3A_45 = tpu.memref_slice %arg3[%add3A_44] : memref<327680xi32, #tpu.memory_space<hbm>> -> memref<128xi32, #tpu.memory_space<hbm>>
    %dma_start3A_46 = tpu.memref_slice %arg3[%add3A_44] : memref<327680xi32, #tpu.memory_space<hbm>> -> memref<128xi32, #tpu.memory_space<hbm>>
    tpu.enqueue_dma source(%dma_start3A_46 : memref<128xi32, #tpu.memory_space<hbm>>) target(%arg10 : memref<128xi32, #tpu.memory_space<vmem>>) target_semaphore(%arg22 : memref<!tpu.dma_semaphore, #tpu.memory_space<semaphore_mem>>)
    %add3A_47 = arith.constant 384 : i32
    %add3A_48 = arith.addi %mul3A_17, %add3A_47 : i32
    %dma_start3A_49 = tpu.memref_slice %arg4[%add3A_48] : memref<327680xi32, #tpu.memory_space<hbm>> -> memref<128xi32, #tpu.memory_space<hbm>>
    %dma_start3A_50 = tpu.memref_slice %arg4[%add3A_48] : memref<327680xi32, #tpu.memory_space<hbm>> -> memref<128xi32, #tpu.memory_space<hbm>>
    tpu.enqueue_dma source(%dma_start3A_50 : memref<128xi32, #tpu.memory_space<hbm>>) target(%arg14 : memref<128xi32, #tpu.memory_space<vmem>>) target_semaphore(%arg22 : memref<!tpu.dma_semaphore, #tpu.memory_space<semaphore_mem>>)
    %dma_wait3A = arith.constant 0 : i32
    %dma_wait3A_51 = tpu.memref_slice %arg3[%dma_wait3A] : memref<327680xi32, #tpu.memory_space<hbm>> -> memref<128xi32, #tpu.memory_space<hbm>>
    %dma_wait3A_52 = arith.constant 0 : i32
    %dma_wait3A_53 = tpu.memref_slice %arg3[%dma_wait3A_52] : memref<327680xi32, #tpu.memory_space<hbm>> -> memref<128xi32, #tpu.memory_space<hbm>>
    tpu.wait_dma2 semaphore(%arg19 : memref<!tpu.dma_semaphore, #tpu.memory_space<semaphore_mem>>) src(%dma_wait3A_53 : memref<128xi32, #tpu.memory_space<hbm>>) dst(%arg7 : memref<128xi32, #tpu.memory_space<vmem>>)
    %dma_wait3A_54 = arith.constant 0 : i32
    %dma_wait3A_55 = tpu.memref_slice %arg4[%dma_wait3A_54] : memref<327680xi32, #tpu.memory_space<hbm>> -> memref<128xi32, #tpu.memory_space<hbm>>
    %dma_wait3A_56 = arith.constant 0 : i32
    %dma_wait3A_57 = tpu.memref_slice %arg4[%dma_wait3A_56] : memref<327680xi32, #tpu.memory_space<hbm>> -> memref<128xi32, #tpu.memory_space<hbm>>
    tpu.wait_dma2 semaphore(%arg19 : memref<!tpu.dma_semaphore, #tpu.memory_space<semaphore_mem>>) src(%dma_wait3A_57 : memref<128xi32, #tpu.memory_space<hbm>>) dst(%arg11 : memref<128xi32, #tpu.memory_space<vmem>>)
    %get3A = arith.constant 0 : index
    %get3A_58 = tpu.vector_load %arg7[%get3A] {strides = array<i32>} : memref<128xi32, #tpu.memory_space<vmem>>, vector<16xi32>,
    %get3A_59 = vector.shape_cast %get3A_58 : vector<16xi32> to vector<16xi32>
    %add3A_60 = vector.broadcast %mul3A_19 : i32 to vector<16xi32>
    %add3A_61 = arith.addi %get3A_59, %add3A_60 : vector<16xi32>
    %swap3A = arith.constant 0 : index
    %swap3A_62 = tpu.vector_load %arg7[%swap3A] {strides = array<i32>} : memref<128xi32, #tpu.memory_space<vmem>>, vector<16xi32>,
    %swap3A_63 = vector.shape_cast %swap3A_62 : vector<16xi32> to vector<16xi32>
    %swap3A_64 = vector.shape_cast %add3A_61 : vector<16xi32> to vector<16xi32>
    tpu.vector_store %arg7[%swap3A], %swap3A_64 {strides = array<i32>} : memref<128xi32, #tpu.memory_space<vmem>>, vector<16xi32>,
    %get3A_65 = arith.constant 16 : index
    %get3A_66 = tpu.vector_load %arg7[%get3A_65] {strides = array<i32>} : memref<128xi32, #tpu.memory_space<vmem>>, vector<16xi32>,
    %get3A_67 = vector.shape_cast %get3A_66 : vector<16xi32> to vector<16xi32>
    %add3A_68 = vector.broadcast %mul3A_19 : i32 to vector<16xi32>
    %add3A_69 = arith.addi %get3A_67, %add3A_68 : vector<16xi32>
    %swap3A_70 = arith.constant 16 : index
    %swap3A_71 = tpu.vector_load %arg7[%swap3A_70] {strides = array<i32>} : memref<128xi32, #tpu.memory_space<vmem>>, vector<16xi32>,
    %swap3A_72 = vector.shape_cast %swap3A_71 : vector<16xi32> to vector<16xi32>
    %swap3A_73 = vector.shape_cast %add3A_69 : vector<16xi32> to vector<16xi32>
    tpu.vector_store %arg7[%swap3A_70], %swap3A_73 {strides = array<i32>} : memref<128xi32, #tpu.memory_space<vmem>>, vector<16xi32>,
    %get3A_74 = arith.constant 32 : index
    %get3A_75 = tpu.vector_load %arg7[%get3A_74] {strides = array<i32>} : memref<128xi32, #tpu.memory_space<vmem>>, vector<16xi32>,
    %get3A_76 = vector.shape_cast %get3A_75 : vector<16xi32> to vector<16xi32>
    %add3A_77 = vector.broadcast %mul3A_19 : i32 to vector<16xi32>
    %add3A_78 = arith.addi %get3A_76, %add3A_77 : vector<16xi32>
    %swap3A_79 = arith.constant 32 : index
    %swap3A_80 = tpu.vector_load %arg7[%swap3A_79] {strides = array<i32>} : memref<128xi32, #tpu.memory_space<vmem>>, vector<16xi32>,
    %swap3A_81 = vector.shape_cast %swap3A_80 : vector<16xi32> to vector<16xi32>
    %swap3A_82 = vector.shape_cast %add3A_78 : vector<16xi32> to vector<16xi32>
    tpu.vector_store %arg7[%swap3A_79], %swap3A_82 {strides = array<i32>} : memref<128xi32, #tpu.memory_space<vmem>>, vector<16xi32>,
    %get3A_83 = arith.constant 48 : index
    %get3A_84 = tpu.vector_load %arg7[%get3A_83] {strides = array<i32>} : memref<128xi32, #tpu.memory_space<vmem>>, vector<16xi32>,
    %get3A_85 = vector.shape_cast %get3A_84 : vector<16xi32> to vector<16xi32>
    %add3A_86 = vector.broadcast %mul3A_19 : i32 to vector<16xi32>
    %add3A_87 = arith.addi %get3A_85, %add3A_86 : vector<16xi32>
    %swap3A_88 = arith.constant 48 : index
    %swap3A_89 = tpu.vector_load %arg7[%swap3A_88] {strides = array<i32>} : memref<128xi32, #tpu.memory_space<vmem>>, vector<16xi32>,
    %swap3A_90 = vector.shape_cast %swap3A_89 : vector<16xi32> to vector<16xi32>
    %swap3A_91 = vector.shape_cast %add3A_87 : vector<16xi32> to vector<16xi32>
    tpu.vector_store %arg7[%swap3A_88], %swap3A_91 {strides = array<i32>} : memref<128xi32, #tpu.memory_space<vmem>>, vector<16xi32>,
    %get3A_92 = arith.constant 64 : index
    %get3A_93 = tpu.vector_load %arg7[%get3A_92] {strides = array<i32>} : memref<128xi32, #tpu.memory_space<vmem>>, vector<16xi32>,
    %get3A_94 = vector.shape_cast %get3A_93 : vector<16xi32> to vector<16xi32>
    %add3A_95 = vector.broadcast %mul3A_19 : i32 to vector<16xi32>
    %add3A_96 = arith.addi %get3A_94, %add3A_95 : vector<16xi32>
    %swap3A_97 = arith.constant 64 : index
    %swap3A_98 = tpu.vector_load %arg7[%swap3A_97] {strides = array<i32>} : memref<128xi32, #tpu.memory_space<vmem>>, vector<16xi32>,
    %swap3A_99 = vector.shape_cast %swap3A_98 : vector<16xi32> to vector<16xi32>
    %swap3A_100 = vector.shape_cast %add3A_96 : vector<16xi32> to vector<16xi32>
    tpu.vector_store %arg7[%swap3A_97], %swap3A_100 {strides = array<i32>} : memref<128xi32, #tpu.memory_space<vmem>>, vector<16xi32>,
    %get3A_101 = arith.constant 80 : index
    %get3A_102 = tpu.vector_load %arg7[%get3A_101] {strides = array<i32>} : memref<128xi32, #tpu.memory_space<vmem>>, vector<16xi32>,
    %get3A_103 = vector.shape_cast %get3A_102 : vector<16xi32> to vector<16xi32>
    %add3A_104 = vector.broadcast %mul3A_19 : i32 to vector<16xi32>
    %add3A_105 = arith.addi %get3A_103, %add3A_104 : vector<16xi32>
    %swap3A_106 = arith.constant 80 : index
    %swap3A_107 = tpu.vector_load %arg7[%swap3A_106] {strides = array<i32>} : memref<128xi32, #tpu.memory_space<vmem>>, vector<16xi32>,
    %swap3A_108 = vector.shape_cast %swap3A_107 : vector<16xi32> to vector<16xi32>
    %swap3A_109 = vector.shape_cast %add3A_105 : vector<16xi32> to vector<16xi32>
    tpu.vector_store %arg7[%swap3A_106], %swap3A_109 {strides = array<i32>} : memref<128xi32, #tpu.memory_space<vmem>>, vector<16xi32>,
    %get3A_110 = arith.constant 96 : index
    %get3A_111 = tpu.vector_load %arg7[%get3A_110] {strides = array<i32>} : memref<128xi32, #tpu.memory_space<vmem>>, vector<16xi32>,
    %get3A_112 = vector.shape_cast %get3A_111 : vector<16xi32> to vector<16xi32>
    %add3A_113 = vector.broadcast %mul3A_19 : i32 to vector<16xi32>
    %add3A_114 = arith.addi %get3A_112, %add3A_113 : vector<16xi32>
    %swap3A_115 = arith.constant 96 : index
    %swap3A_116 = tpu.vector_load %arg7[%swap3A_115] {strides = array<i32>} : memref<128xi32, #tpu.memory_space<vmem>>, vector<16xi32>,
    %swap3A_117 = vector.shape_cast %swap3A_116 : vector<16xi32> to vector<16xi32>
    %swap3A_118 = vector.shape_cast %add3A_114 : vector<16xi32> to vector<16xi32>
    tpu.vector_store %arg7[%swap3A_115], %swap3A_118 {strides = array<i32>} : memref<128xi32, #tpu.memory_space<vmem>>, vector<16xi32>,
    %get3A_119 = arith.constant 112 : index
    %get3A_120 = tpu.vector_load %arg7[%get3A_119] {strides = array<i32>} : memref<128xi32, #tpu.memory_space<vmem>>, vector<16xi32>,
    %get3A_121 = vector.shape_cast %get3A_120 : vector<16xi32> to vector<16xi32>
    %add3A_122 = vector.broadcast %mul3A_19 : i32 to vector<16xi32>
    %add3A_123 = arith.addi %get3A_121, %add3A_122 : vector<16xi32>
    %swap3A_124 = arith.constant 112 : index
    %swap3A_125 = tpu.vector_load %arg7[%swap3A_124] {strides = array<i32>} : memref<128xi32, #tpu.memory_space<vmem>>, vector<16xi32>,
    %swap3A_126 = vector.shape_cast %swap3A_125 : vector<16xi32> to vector<16xi32>
    %swap3A_127 = vector.shape_cast %add3A_123 : vector<16xi32> to vector<16xi32>
    tpu.vector_store %arg7[%swap3A_124], %swap3A_127 {strides = array<i32>} : memref<128xi32, #tpu.memory_space<vmem>>, vector<16xi32>,
    %dma_start3A_128 = arith.constant 0 : i32
    %dma_start3A_129 = arith.constant 0 : i32
    %dma_start3A_130 = tpu.memref_slice %arg2[%dma_start3A_128, %dma_start3A_129] : memref<20000x128xf32, #tpu.memory_space<hbm>> -> memref<20000x128xf32, #tpu.memory_space<hbm>>
    tpu.enqueue_indirect_dma source(%dma_start3A_130 : memref<20000x128xf32, #tpu.memory_space<hbm>>) target(%arg15 : memref<128x128xf32, #tpu.memory_space<vmem>>) offsets(%arg7 : memref<128xi32, #tpu.memory_space<vmem>>) semaphore(%arg17 : memref<!tpu.dma_semaphore, #tpu.memory_space<semaphore_mem>>)
    %dma_wait3A_131 = arith.constant 0 : i32
    %dma_wait3A_132 = tpu.memref_slice %arg3[%dma_wait3A_131] : memref<327680xi32, #tpu.memory_space<hbm>> -> memref<128xi32, #tpu.memory_space<hbm>>
    %dma_wait3A_133 = arith.constant 0 : i32
    %dma_wait3A_134 = tpu.memref_slice %arg3[%dma_wait3A_133] : memref<327680xi32, #tpu.memory_space<hbm>> -> memref<128xi32, #tpu.memory_space<hbm>>
    tpu.wait_dma2 semaphore(%arg20 : memref<!tpu.dma_semaphore, #tpu.memory_space<semaphore_mem>>) src(%dma_wait3A_134 : memref<128xi32, #tpu.memory_space<hbm>>) dst(%arg8 : memref<128xi32, #tpu.memory_space<vmem>>)
    %dma_wait3A_135 = arith.constant 0 : i32
    %dma_wait3A_136 = tpu.memref_slice %arg4[%dma_wait3A_135] : memref<327680xi32, #tpu.memory_space<hbm>> -> memref<128xi32, #tpu.memory_space<hbm>>
    %dma_wait3A_137 = arith.constant 0 : i32
    %dma_wait3A_138 = tpu.memref_slice %arg4[%dma_wait3A_137] : memref<327680xi32, #tpu.memory_space<hbm>> -> memref<128xi32, #tpu.memory_space<hbm>>
    tpu.wait_dma2 semaphore(%arg20 : memref<!tpu.dma_semaphore, #tpu.memory_space<semaphore_mem>>) src(%dma_wait3A_138 : memref<128xi32, #tpu.memory_space<hbm>>) dst(%arg12 : memref<128xi32, #tpu.memory_space<vmem>>)
    %get3A_139 = arith.constant 0 : index
    %get3A_140 = tpu.vector_load %arg8[%get3A_139] {strides = array<i32>} : memref<128xi32, #tpu.memory_space<vmem>>, vector<16xi32>,
    %get3A_141 = vector.shape_cast %get3A_140 : vector<16xi32> to vector<16xi32>
    %add3A_142 = vector.broadcast %mul3A_19 : i32 to vector<16xi32>
    %add3A_143 = arith.addi %get3A_141, %add3A_142 : vector<16xi32>
    %swap3A_144 = arith.constant 0 : index
    %swap3A_145 = tpu.vector_load %arg8[%swap3A_144] {strides = array<i32>} : memref<128xi32, #tpu.memory_space<vmem>>, vector<16xi32>,
    %swap3A_146 = vector.shape_cast %swap3A_145 : vector<16xi32> to vector<16xi32>
    %swap3A_147 = vector.shape_cast %add3A_143 : vector<16xi32> to vector<16xi32>
    tpu.vector_store %arg8[%swap3A_144], %swap3A_147 {strides = array<i32>} : memref<128xi32, #tpu.memory_space<vmem>>, vector<16xi32>,
    %get3A_148 = arith.constant 16 : index
    %get3A_149 = tpu.vector_load %arg8[%get3A_148] {strides = array<i32>} : memref<128xi32, #tpu.memory_space<vmem>>, vector<16xi32>,
    %get3A_150 = vector.shape_cast %get3A_149 : vector<16xi32> to vector<16xi32>
    %add3A_151 = vector.broadcast %mul3A_19 : i32 to vector<16xi32>
    %add3A_152 = arith.addi %get3A_150, %add3A_151 : vector<16xi32>
    %swap3A_153 = arith.constant 16 : index
    %swap3A_154 = tpu.vector_load %arg8[%swap3A_153] {strides = array<i32>} : memref<128xi32, #tpu.memory_space<vmem>>, vector<16xi32>,
    %swap3A_155 = vector.shape_cast %swap3A_154 : vector<16xi32> to vector<16xi32>
    %swap3A_156 = vector.shape_cast %add3A_152 : vector<16xi32> to vector<16xi32>
    tpu.vector_store %arg8[%swap3A_153], %swap3A_156 {strides = array<i32>} : memref<128xi32, #tpu.memory_space<vmem>>, vector<16xi32>,
    %get3A_157 = arith.constant 32 : index
    %get3A_158 = tpu.vector_load %arg8[%get3A_157] {strides = array<i32>} : memref<128xi32, #tpu.memory_space<vmem>>, vector<16xi32>,
    %get3A_159 = vector.shape_cast %get3A_158 : vector<16xi32> to vector<16xi32>
    %add3A_160 = vector.broadcast %mul3A_19 : i32 to vector<16xi32>
    %add3A_161 = arith.addi %get3A_159, %add3A_160 : vector<16xi32>
    %swap3A_162 = arith.constant 32 : index
    %swap3A_163 = tpu.vector_load %arg8[%swap3A_162] {strides = array<i32>} : memref<128xi32, #tpu.memory_space<vmem>>, vector<16xi32>,
    %swap3A_164 = vector.shape_cast %swap3A_163 : vector<16xi32> to vector<16xi32>
    %swap3A_165 = vector.shape_cast %add3A_161 : vector<16xi32> to vector<16xi32>
    tpu.vector_store %arg8[%swap3A_162], %swap3A_165 {strides = array<i32>} : memref<128xi32, #tpu.memory_space<vmem>>, vector<16xi32>,
    %get3A_166 = arith.constant 48 : index
    %get3A_167 = tpu.vector_load %arg8[%get3A_166] {strides = array<i32>} : memref<128xi32, #tpu.memory_space<vmem>>, vector<16xi32>,
    %get3A_168 = vector.shape_cast %get3A_167 : vector<16xi32> to vector<16xi32>
    %add3A_169 = vector.broadcast %mul3A_19 : i32 to vector<16xi32>
    %add3A_170 = arith.addi %get3A_168, %add3A_169 : vector<16xi32>
    %swap3A_171 = arith.constant 48 : index
    %swap3A_172 = tpu.vector_load %arg8[%swap3A_171] {strides = array<i32>} : memref<128xi32, #tpu.memory_space<vmem>>, vector<16xi32>,
    %swap3A_173 = vector.shape_cast %swap3A_172 : vector<16xi32> to vector<16xi32>
    %swap3A_174 = vector.shape_cast %add3A_170 : vector<16xi32> to vector<16xi32>
    tpu.vector_store %arg8[%swap3A_171], %swap3A_174 {strides = array<i32>} : memref<128xi32, #tpu.memory_space<vmem>>, vector<16xi32>,
    %get3A_175 = arith.constant 64 : index
    %get3A_176 = tpu.vector_load %arg8[%get3A_175] {strides = array<i32>} : memref<128xi32, #tpu.memory_space<vmem>>, vector<16xi32>,
    %get3A_177 = vector.shape_cast %get3A_176 : vector<16xi32> to vector<16xi32>
    %add3A_178 = vector.broadcast %mul3A_19 : i32 to vector<16xi32>
    %add3A_179 = arith.addi %get3A_177, %add3A_178 : vector<16xi32>
    %swap3A_180 = arith.constant 64 : index
    %swap3A_181 = tpu.vector_load %arg8[%swap3A_180] {strides = array<i32>} : memref<128xi32, #tpu.memory_space<vmem>>, vector<16xi32>,
    %swap3A_182 = vector.shape_cast %swap3A_181 : vector<16xi32> to vector<16xi32>
    %swap3A_183 = vector.shape_cast %add3A_179 : vector<16xi32> to vector<16xi32>
    tpu.vector_store %arg8[%swap3A_180], %swap3A_183 {strides = array<i32>} : memref<128xi32, #tpu.memory_space<vmem>>, vector<16xi32>,
    %get3A_184 = arith.constant 80 : index
    %get3A_185 = tpu.vector_load %arg8[%get3A_184] {strides = array<i32>} : memref<128xi32, #tpu.memory_space<vmem>>, vector<16xi32>,
    %get3A_186 = vector.shape_cast %get3A_185 : vector<16xi32> to vector<16xi32>
    %add3A_187 = vector.broadcast %mul3A_19 : i32 to vector<16xi32>
    %add3A_188 = arith.addi %get3A_186, %add3A_187 : vector<16xi32>
    %swap3A_189 = arith.constant 80 : index
    %swap3A_190 = tpu.vector_load %arg8[%swap3A_189] {strides = array<i32>} : memref<128xi32, #tpu.memory_space<vmem>>, vector<16xi32>,
    %swap3A_191 = vector.shape_cast %swap3A_190 : vector<16xi32> to vector<16xi32>
    %swap3A_192 = vector.shape_cast %add3A_188 : vector<16xi32> to vector<16xi32>
    tpu.vector_store %arg8[%swap3A_189], %swap3A_192 {strides = array<i32>} : memref<128xi32, #tpu.memory_space<vmem>>, vector<16xi32>,
    %get3A_193 = arith.constant 96 : index
    %get3A_194 = tpu.vector_load %arg8[%get3A_193] {strides = array<i32>} : memref<128xi32, #tpu.memory_space<vmem>>, vector<16xi32>,
    %get3A_195 = vector.shape_cast %get3A_194 : vector<16xi32> to vector<16xi32>
    %add3A_196 = vector.broadcast %mul3A_19 : i32 to vector<16xi32>
    %add3A_197 = arith.addi %get3A_195, %add3A_196 : vector<16xi32>
    %swap3A_198 = arith.constant 96 : index
    %swap3A_199 = tpu.vector_load %arg8[%swap3A_198] {strides = array<i32>} : memref<128xi32, #tpu.memory_space<vmem>>, vector<16xi32>,
    %swap3A_200 = vector.shape_cast %swap3A_199 : vector<16xi32> to vector<16xi32>
    %swap3A_201 = vector.shape_cast %add3A_197 : vector<16xi32> to vector<16xi32>
    tpu.vector_store %arg8[%swap3A_198], %swap3A_201 {strides = array<i32>} : memref<128xi32, #tpu.memory_space<vmem>>, vector<16xi32>,
    %get3A_202 = arith.constant 112 : index
    %get3A_203 = tpu.vector_load %arg8[%get3A_202] {strides = array<i32>} : memref<128xi32, #tpu.memory_space<vmem>>, vector<16xi32>,
    %get3A_204 = vector.shape_cast %get3A_203 : vector<16xi32> to vector<16xi32>
    %add3A_205 = vector.broadcast %mul3A_19 : i32 to vector<16xi32>
    %add3A_206 = arith.addi %get3A_204, %add3A_205 : vector<16xi32>
    %swap3A_207 = arith.constant 112 : index
    %swap3A_208 = tpu.vector_load %arg8[%swap3A_207] {strides = array<i32>} : memref<128xi32, #tpu.memory_space<vmem>>, vector<16xi32>,
    %swap3A_209 = vector.shape_cast %swap3A_208 : vector<16xi32> to vector<16xi32>
    %swap3A_210 = vector.shape_cast %add3A_206 : vector<16xi32> to vector<16xi32>
    tpu.vector_store %arg8[%swap3A_207], %swap3A_210 {strides = array<i32>} : memref<128xi32, #tpu.memory_space<vmem>>, vector<16xi32>,
    %dma_start3A_211 = arith.constant 0 : i32
    %dma_start3A_212 = arith.constant 0 : i32
    %dma_start3A_213 = tpu.memref_slice %arg2[%dma_start3A_211, %dma_start3A_212] : memref<20000x128xf32, #tpu.memory_space<hbm>> -> memref<20000x128xf32, #tpu.memory_space<hbm>>
    tpu.enqueue_indirect_dma source(%dma_start3A_213 : memref<20000x128xf32, #tpu.memory_space<hbm>>) target(%arg16 : memref<128x128xf32, #tpu.memory_space<vmem>>) offsets(%arg8 : memref<128xi32, #tpu.memory_space<vmem>>) semaphore(%arg18 : memref<!tpu.dma_semaphore, #tpu.memory_space<semaphore_mem>>)
    %scan3A_214 = arith.constant 0 : i32
    %scan3A_215 = arith.constant 0 : i32
    %scan3A_216 = arith.constant 40 : i32
    %scan3A_217 = arith.addi %scan3A_215, %scan3A_216 : i32
    %scan3A_218 = arith.constant 1 : i32
    %scan3A_219 = scf.for %scan3A_225 = %scan3A_215 to %scan3A_217 step %scan3A_218 iter_args(%scan3A_226 = %scan3A_214) -> (i32)  : i32 {
      %mul3A_227 = arith.constant 4 : i32
      %mul3A_228 = arith.muli %scan3A_225, %mul3A_227 : i32
      %add3A_229 = arith.constant 0 : i32
      %add3A_230 = arith.addi %mul3A_228, %add3A_229 : i32
      %dma_wait3A_231 = arith.constant 0 : i32
      %dma_wait3A_232 = arith.constant 0 : i32
      %dma_wait3A_233 = tpu.memref_slice %arg2[%dma_wait3A_231, %dma_wait3A_232] : memref<20000x128xf32, #tpu.memory_space<hbm>> -> memref<20000x128xf32, #tpu.memory_space<hbm>>
      tpu.wait_indirect_dma semaphore(%arg17 : memref<!tpu.dma_semaphore, #tpu.memory_space<semaphore_mem>>) src(%dma_wait3A_233 : memref<20000x128xf32, #tpu.memory_space<hbm>>) dst(%arg15 : memref<128x128xf32, #tpu.memory_space<vmem>>)
      "tpu.region"() ({
        %run_scoped3A = tpu.sem_alloc : memref<!tpu.dma_semaphore, #tpu.memory_space<semaphore_mem>>
        %dma_start3A_309 = arith.constant 0 : i32
        %dma_start3A_310 = arith.constant 0 : i32
        %dma_start3A_311 = tpu.memref_slice %arg6[%dma_start3A_309, %dma_start3A_310] : memref<10240x128xf32, #tpu.memory_space<vmem_shared>> -> memref<10240x128xf32, #tpu.memory_space<vmem_shared>>
        tpu.enqueue_indirect_dma source(%arg15 : memref<128x128xf32, #tpu.memory_space<vmem>>) target(%dma_start3A_311 : memref<10240x128xf32, #tpu.memory_space<vmem_shared>>) offsets(%arg11 : memref<128xi32, #tpu.memory_space<vmem>>) semaphore(%run_scoped3A : memref<!tpu.dma_semaphore, #tpu.memory_space<semaphore_mem>>) {add = true}
        %dma_wait3A_312 = arith.constant 0 : i32
        %dma_wait3A_313 = arith.constant 0 : i32
        %dma_wait3A_314 = tpu.memref_slice %arg6[%dma_wait3A_312, %dma_wait3A_313] : memref<10240x128xf32, #tpu.memory_space<vmem_shared>> -> memref<10240x128xf32, #tpu.memory_space<vmem_shared>>
        tpu.wait_indirect_dma semaphore(%run_scoped3A : memref<!tpu.dma_semaphore, #tpu.memory_space<semaphore_mem>>) src(%arg15 : memref<128x128xf32, #tpu.memory_space<vmem>>) dst(%dma_wait3A_314 : memref<10240x128xf32, #tpu.memory_space<vmem_shared>>)
        tpu.yield
      }) : () -> ()
      %add3A_234 = arith.constant 4 : i32
      %add3A_235 = arith.addi %add3A_230, %add3A_234 : i32
      %lt3A = arith.constant 160 : i32
      %lt3A_236 = arith.cmpi slt, %add3A_235, %lt3A : i32
      %convert_element_type3A = arith.extui %lt3A_236 : i1 to i32
      %cond3A = arith.constant 0 : i32
      %cond3A_237 = arith.cmpi ne, %convert_element_type3A, %cond3A : i32
      scf.if %cond3A_237 {
        %mul3A_309 = arith.constant 128 : i32
        %mul3A_310 = arith.muli %add3A_235, %mul3A_309 : i32
        %add3A_311 = arith.addi %mul3A_17, %mul3A_310 : i32
        %dma_start3A_312 = tpu.memref_slice %arg3[%add3A_311] : memref<327680xi32, #tpu.memory_space<hbm>> -> memref<128xi32, #tpu.memory_space<hbm>>
        %dma_start3A_313 = tpu.memref_slice %arg3[%add3A_311] : memref<327680xi32, #tpu.memory_space<hbm>> -> memref<128xi32, #tpu.memory_space<hbm>>
        tpu.enqueue_dma source(%dma_start3A_313 : memref<128xi32, #tpu.memory_space<hbm>>) target(%arg7 : memref<128xi32, #tpu.memory_space<vmem>>) target_semaphore(%arg19 : memref<!tpu.dma_semaphore, #tpu.memory_space<semaphore_mem>>)
        %mul3A_314 = arith.constant 128 : i32
        %mul3A_315 = arith.muli %add3A_235, %mul3A_314 : i32
        %add3A_316 = arith.addi %mul3A_17, %mul3A_315 : i32
        %dma_start3A_317 = tpu.memref_slice %arg4[%add3A_316] : memref<327680xi32, #tpu.memory_space<hbm>> -> memref<128xi32, #tpu.memory_space<hbm>>
        %dma_start3A_318 = tpu.memref_slice %arg4[%add3A_316] : memref<327680xi32, #tpu.memory_space<hbm>> -> memref<128xi32, #tpu.memory_space<hbm>>
        tpu.enqueue_dma source(%dma_start3A_318 : memref<128xi32, #tpu.memory_space<hbm>>) target(%arg11 : memref<128xi32, #tpu.memory_space<vmem>>) target_semaphore(%arg19 : memref<!tpu.dma_semaphore, #tpu.memory_space<semaphore_mem>>)
      } else {
      }
      %add3A_238 = arith.constant 2 : i32
      %add3A_239 = arith.addi %add3A_230, %add3A_238 : i32
      %lt3A_240 = arith.constant 160 : i32
      %lt3A_241 = arith.cmpi slt, %add3A_239, %lt3A_240 : i32
      %convert_element_type3A_242 = arith.extui %lt3A_241 : i1 to i32
      %cond3A_243 = arith.constant 0 : i32
      %cond3A_244 = arith.cmpi ne, %convert_element_type3A_242, %cond3A_243 : i32
      scf.if %cond3A_244 {
        %dma_wait3A_309 = arith.constant 0 : i32
        %dma_wait3A_310 = tpu.memref_slice %arg3[%dma_wait3A_309] : memref<327680xi32, #tpu.memory_space<hbm>> -> memref<128xi32, #tpu.memory_space<hbm>>
        %dma_wait3A_311 = arith.constant 0 : i32
        %dma_wait3A_312 = tpu.memref_slice %arg3[%dma_wait3A_311] : memref<327680xi32, #tpu.memory_space<hbm>> -> memref<128xi32, #tpu.memory_space<hbm>>
        tpu.wait_dma2 semaphore(%arg21 : memref<!tpu.dma_semaphore, #tpu.memory_space<semaphore_mem>>) src(%dma_wait3A_312 : memref<128xi32, #tpu.memory_space<hbm>>) dst(%arg9 : memref<128xi32, #tpu.memory_space<vmem>>)
        %dma_wait3A_313 = arith.constant 0 : i32
        %dma_wait3A_314 = tpu.memref_slice %arg4[%dma_wait3A_313] : memref<327680xi32, #tpu.memory_space<hbm>> -> memref<128xi32, #tpu.memory_space<hbm>>
        %dma_wait3A_315 = arith.constant 0 : i32
        %dma_wait3A_316 = tpu.memref_slice %arg4[%dma_wait3A_315] : memref<327680xi32, #tpu.memory_space<hbm>> -> memref<128xi32, #tpu.memory_space<hbm>>
        tpu.wait_dma2 semaphore(%arg21 : memref<!tpu.dma_semaphore, #tpu.memory_space<semaphore_mem>>) src(%dma_wait3A_316 : memref<128xi32, #tpu.memory_space<hbm>>) dst(%arg13 : memref<128xi32, #tpu.memory_space<vmem>>)
        %get3A_317 = arith.constant 0 : index
        %get3A_318 = tpu.vector_load %arg9[%get3A_317] {strides = array<i32>} : memref<128xi32, #tpu.memory_space<vmem>>, vector<16xi32>,
        %get3A_319 = vector.shape_cast %get3A_318 : vector<16xi32> to vector<16xi32>
        %add3A_320 = vector.broadcast %mul3A_19 : i32 to vector<16xi32>
        %add3A_321 = arith.addi %get3A_319, %add3A_320 : vector<16xi32>
        %swap3A_322 = arith.constant 0 : index
        %swap3A_323 = tpu.vector_load %arg9[%swap3A_322] {strides = array<i32>} : memref<128xi32, #tpu.memory_space<vmem>>, vector<16xi32>,
        %swap3A_324 = vector.shape_cast %swap3A_323 : vector<16xi32> to vector<16xi32>
        %swap3A_325 = vector.shape_cast %add3A_321 : vector<16xi32> to vector<16xi32>
        tpu.vector_store %arg9[%swap3A_322], %swap3A_325 {strides = array<i32>} : memref<128xi32, #tpu.memory_space<vmem>>, vector<16xi32>,
        %get3A_326 = arith.constant 16 : index
        %get3A_327 = tpu.vector_load %arg9[%get3A_326] {strides = array<i32>} : memref<128xi32, #tpu.memory_space<vmem>>, vector<16xi32>,
        %get3A_328 = vector.shape_cast %get3A_327 : vector<16xi32> to vector<16xi32>
        %add3A_329 = vector.broadcast %mul3A_19 : i32 to vector<16xi32>
        %add3A_330 = arith.addi %get3A_328, %add3A_329 : vector<16xi32>
        %swap3A_331 = arith.constant 16 : index
        %swap3A_332 = tpu.vector_load %arg9[%swap3A_331] {strides = array<i32>} : memref<128xi32, #tpu.memory_space<vmem>>, vector<16xi32>,
        %swap3A_333 = vector.shape_cast %swap3A_332 : vector<16xi32> to vector<16xi32>
        %swap3A_334 = vector.shape_cast %add3A_330 : vector<16xi32> to vector<16xi32>
        tpu.vector_store %arg9[%swap3A_331], %swap3A_334 {strides = array<i32>} : memref<128xi32, #tpu.memory_space<vmem>>, vector<16xi32>,
        %get3A_335 = arith.constant 32 : index
        %get3A_336 = tpu.vector_load %arg9[%get3A_335] {strides = array<i32>} : memref<128xi32, #tpu.memory_space<vmem>>, vector<16xi32>,
        %get3A_337 = vector.shape_cast %get3A_336 : vector<16xi32> to vector<16xi32>
        %add3A_338 = vector.broadcast %mul3A_19 : i32 to vector<16xi32>
        %add3A_339 = arith.addi %get3A_337, %add3A_338 : vector<16xi32>
        %swap3A_340 = arith.constant 32 : index
        %swap3A_341 = tpu.vector_load %arg9[%swap3A_340] {strides = array<i32>} : memref<128xi32, #tpu.memory_space<vmem>>, vector<16xi32>,
        %swap3A_342 = vector.shape_cast %swap3A_341 : vector<16xi32> to vector<16xi32>
        %swap3A_343 = vector.shape_cast %add3A_339 : vector<16xi32> to vector<16xi32>
        tpu.vector_store %arg9[%swap3A_340], %swap3A_343 {strides = array<i32>} : memref<128xi32, #tpu.memory_space<vmem>>, vector<16xi32>,
        %get3A_344 = arith.constant 48 : index
        %get3A_345 = tpu.vector_load %arg9[%get3A_344] {strides = array<i32>} : memref<128xi32, #tpu.memory_space<vmem>>, vector<16xi32>,
        %get3A_346 = vector.shape_cast %get3A_345 : vector<16xi32> to vector<16xi32>
        %add3A_347 = vector.broadcast %mul3A_19 : i32 to vector<16xi32>
        %add3A_348 = arith.addi %get3A_346, %add3A_347 : vector<16xi32>
        %swap3A_349 = arith.constant 48 : index
        %swap3A_350 = tpu.vector_load %arg9[%swap3A_349] {strides = array<i32>} : memref<128xi32, #tpu.memory_space<vmem>>, vector<16xi32>,
        %swap3A_351 = vector.shape_cast %swap3A_350 : vector<16xi32> to vector<16xi32>
        %swap3A_352 = vector.shape_cast %add3A_348 : vector<16xi32> to vector<16xi32>
        tpu.vector_store %arg9[%swap3A_349], %swap3A_352 {strides = array<i32>} : memref<128xi32, #tpu.memory_space<vmem>>, vector<16xi32>,
        %get3A_353 = arith.constant 64 : index
        %get3A_354 = tpu.vector_load %arg9[%get3A_353] {strides = array<i32>} : memref<128xi32, #tpu.memory_space<vmem>>, vector<16xi32>,
        %get3A_355 = vector.shape_cast %get3A_354 : vector<16xi32> to vector<16xi32>
        %add3A_356 = vector.broadcast %mul3A_19 : i32 to vector<16xi32>
        %add3A_357 = arith.addi %get3A_355, %add3A_356 : vector<16xi32>
        %swap3A_358 = arith.constant 64 : index
        %swap3A_359 = tpu.vector_load %arg9[%swap3A_358] {strides = array<i32>} : memref<128xi32, #tpu.memory_space<vmem>>, vector<16xi32>,
        %swap3A_360 = vector.shape_cast %swap3A_359 : vector<16xi32> to vector<16xi32>
        %swap3A_361 = vector.shape_cast %add3A_357 : vector<16xi32> to vector<16xi32>
        tpu.vector_store %arg9[%swap3A_358], %swap3A_361 {strides = array<i32>} : memref<128xi32, #tpu.memory_space<vmem>>, vector<16xi32>,
        %get3A_362 = arith.constant 80 : index
        %get3A_363 = tpu.vector_load %arg9[%get3A_362] {strides = array<i32>} : memref<128xi32, #tpu.memory_space<vmem>>, vector<16xi32>,
        %get3A_364 = vector.shape_cast %get3A_363 : vector<16xi32> to vector<16xi32>
        %add3A_365 = vector.broadcast %mul3A_19 : i32 to vector<16xi32>
        %add3A_366 = arith.addi %get3A_364, %add3A_365 : vector<16xi32>
        %swap3A_367 = arith.constant 80 : index
        %swap3A_368 = tpu.vector_load %arg9[%swap3A_367] {strides = array<i32>} : memref<128xi32, #tpu.memory_space<vmem>>, vector<16xi32>,
        %swap3A_369 = vector.shape_cast %swap3A_368 : vector<16xi32> to vector<16xi32>
        %swap3A_370 = vector.shape_cast %add3A_366 : vector<16xi32> to vector<16xi32>
        tpu.vector_store %arg9[%swap3A_367], %swap3A_370 {strides = array<i32>} : memref<128xi32, #tpu.memory_space<vmem>>, vector<16xi32>,
        %get3A_371 = arith.constant 96 : index
        %get3A_372 = tpu.vector_load %arg9[%get3A_371] {strides = array<i32>} : memref<128xi32, #tpu.memory_space<vmem>>, vector<16xi32>,
        %get3A_373 = vector.shape_cast %get3A_372 : vector<16xi32> to vector<16xi32>
        %add3A_374 = vector.broadcast %mul3A_19 : i32 to vector<16xi32>
        %add3A_375 = arith.addi %get3A_373, %add3A_374 : vector<16xi32>
        %swap3A_376 = arith.constant 96 : index
        %swap3A_377 = tpu.vector_load %arg9[%swap3A_376] {strides = array<i32>} : memref<128xi32, #tpu.memory_space<vmem>>, vector<16xi32>,
        %swap3A_378 = vector.shape_cast %swap3A_377 : vector<16xi32> to vector<16xi32>
        %swap3A_379 = vector.shape_cast %add3A_375 : vector<16xi32> to vector<16xi32>
        tpu.vector_store %arg9[%swap3A_376], %swap3A_379 {strides = array<i32>} : memref<128xi32, #tpu.memory_space<vmem>>, vector<16xi32>,
        %get3A_380 = arith.constant 112 : index
        %get3A_381 = tpu.vector_load %arg9[%get3A_380] {strides = array<i32>} : memref<128xi32, #tpu.memory_space<vmem>>, vector<16xi32>,
        %get3A_382 = vector.shape_cast %get3A_381 : vector<16xi32> to vector<16xi32>
        %add3A_383 = vector.broadcast %mul3A_19 : i32 to vector<16xi32>
        %add3A_384 = arith.addi %get3A_382, %add3A_383 : vector<16xi32>
        %swap3A_385 = arith.constant 112 : index
        %swap3A_386 = tpu.vector_load %arg9[%swap3A_385] {strides = array<i32>} : memref<128xi32, #tpu.memory_space<vmem>>, vector<16xi32>,
        %swap3A_387 = vector.shape_cast %swap3A_386 : vector<16xi32> to vector<16xi32>
        %swap3A_388 = vector.shape_cast %add3A_384 : vector<16xi32> to vector<16xi32>
        tpu.vector_store %arg9[%swap3A_385], %swap3A_388 {strides = array<i32>} : memref<128xi32, #tpu.memory_space<vmem>>, vector<16xi32>,
        %dma_start3A_389 = arith.constant 0 : i32
        %dma_start3A_390 = arith.constant 0 : i32
        %dma_start3A_391 = tpu.memref_slice %arg2[%dma_start3A_389, %dma_start3A_390] : memref<20000x128xf32, #tpu.memory_space<hbm>> -> memref<20000x128xf32, #tpu.memory_space<hbm>>
        tpu.enqueue_indirect_dma source(%dma_start3A_391 : memref<20000x128xf32, #tpu.memory_space<hbm>>) target(%arg15 : memref<128x128xf32, #tpu.memory_space<vmem>>) offsets(%arg9 : memref<128xi32, #tpu.memory_space<vmem>>) semaphore(%arg17 : memref<!tpu.dma_semaphore, #tpu.memory_space<semaphore_mem>>)
      } else {
      }
      %mul3A_245 = arith.constant 4 : i32
      %mul3A_246 = arith.muli %scan3A_225, %mul3A_245 : i32
      %add3A_247 = arith.constant 1 : i32
      %add3A_248 = arith.addi %mul3A_246, %add3A_247 : i32
      %dma_wait3A_249 = arith.constant 0 : i32
      %dma_wait3A_250 = arith.constant 0 : i32
      %dma_wait3A_251 = tpu.memref_slice %arg2[%dma_wait3A_249, %dma_wait3A_250] : memref<20000x128xf32, #tpu.memory_space<hbm>> -> memref<20000x128xf32, #tpu.memory_space<hbm>>
      tpu.wait_indirect_dma semaphore(%arg18 : memref<!tpu.dma_semaphore, #tpu.memory_space<semaphore_mem>>) src(%dma_wait3A_251 : memref<20000x128xf32, #tpu.memory_space<hbm>>) dst(%arg16 : memref<128x128xf32, #tpu.memory_space<vmem>>)
      "tpu.region"() ({
        %run_scoped3A = tpu.sem_alloc : memref<!tpu.dma_semaphore, #tpu.memory_space<semaphore_mem>>
        %dma_start3A_309 = arith.constant 0 : i32
        %dma_start3A_310 = arith.constant 0 : i32
        %dma_start3A_311 = tpu.memref_slice %arg6[%dma_start3A_309, %dma_start3A_310] : memref<10240x128xf32, #tpu.memory_space<vmem_shared>> -> memref<10240x128xf32, #tpu.memory_space<vmem_shared>>
        tpu.enqueue_indirect_dma source(%arg16 : memref<128x128xf32, #tpu.memory_space<vmem>>) target(%dma_start3A_311 : memref<10240x128xf32, #tpu.memory_space<vmem_shared>>) offsets(%arg12 : memref<128xi32, #tpu.memory_space<vmem>>) semaphore(%run_scoped3A : memref<!tpu.dma_semaphore, #tpu.memory_space<semaphore_mem>>) {add = true}
        %dma_wait3A_312 = arith.constant 0 : i32
        %dma_wait3A_313 = arith.constant 0 : i32
        %dma_wait3A_314 = tpu.memref_slice %arg6[%dma_wait3A_312, %dma_wait3A_313] : memref<10240x128xf32, #tpu.memory_space<vmem_shared>> -> memref<10240x128xf32, #tpu.memory_space<vmem_shared>>
        tpu.wait_indirect_dma semaphore(%run_scoped3A : memref<!tpu.dma_semaphore, #tpu.memory_space<semaphore_mem>>) src(%arg16 : memref<128x128xf32, #tpu.memory_space<vmem>>) dst(%dma_wait3A_314 : memref<10240x128xf32, #tpu.memory_space<vmem_shared>>)
        tpu.yield
      }) : () -> ()
      %add3A_252 = arith.constant 4 : i32
      %add3A_253 = arith.addi %add3A_248, %add3A_252 : i32
      %lt3A_254 = arith.constant 160 : i32
      %lt3A_255 = arith.cmpi slt, %add3A_253, %lt3A_254 : i32
      %convert_element_type3A_256 = arith.extui %lt3A_255 : i1 to i32
      %cond3A_257 = arith.constant 0 : i32
      %cond3A_258 = arith.cmpi ne, %convert_element_type3A_256, %cond3A_257 : i32
      scf.if %cond3A_258 {
        %mul3A_309 = arith.constant 128 : i32
        %mul3A_310 = arith.muli %add3A_253, %mul3A_309 : i32
        %add3A_311 = arith.addi %mul3A_17, %mul3A_310 : i32
        %dma_start3A_312 = tpu.memref_slice %arg3[%add3A_311] : memref<327680xi32, #tpu.memory_space<hbm>> -> memref<128xi32, #tpu.memory_space<hbm>>
        %dma_start3A_313 = tpu.memref_slice %arg3[%add3A_311] : memref<327680xi32, #tpu.memory_space<hbm>> -> memref<128xi32, #tpu.memory_space<hbm>>
        tpu.enqueue_dma source(%dma_start3A_313 : memref<128xi32, #tpu.memory_space<hbm>>) target(%arg8 : memref<128xi32, #tpu.memory_space<vmem>>) target_semaphore(%arg20 : memref<!tpu.dma_semaphore, #tpu.memory_space<semaphore_mem>>)
        %mul3A_314 = arith.constant 128 : i32
        %mul3A_315 = arith.muli %add3A_253, %mul3A_314 : i32
        %add3A_316 = arith.addi %mul3A_17, %mul3A_315 : i32
        %dma_start3A_317 = tpu.memref_slice %arg4[%add3A_316] : memref<327680xi32, #tpu.memory_space<hbm>> -> memref<128xi32, #tpu.memory_space<hbm>>
        %dma_start3A_318 = tpu.memref_slice %arg4[%add3A_316] : memref<327680xi32, #tpu.memory_space<hbm>> -> memref<128xi32, #tpu.memory_space<hbm>>
        tpu.enqueue_dma source(%dma_start3A_318 : memref<128xi32, #tpu.memory_space<hbm>>) target(%arg12 : memref<128xi32, #tpu.memory_space<vmem>>) target_semaphore(%arg20 : memref<!tpu.dma_semaphore, #tpu.memory_space<semaphore_mem>>)
      } else {
      }
      %add3A_259 = arith.constant 2 : i32
      %add3A_260 = arith.addi %add3A_248, %add3A_259 : i32
      %lt3A_261 = arith.constant 160 : i32
      %lt3A_262 = arith.cmpi slt, %add3A_260, %lt3A_261 : i32
      %convert_element_type3A_263 = arith.extui %lt3A_262 : i1 to i32
      %cond3A_264 = arith.constant 0 : i32
      %cond3A_265 = arith.cmpi ne, %convert_element_type3A_263, %cond3A_264 : i32
      scf.if %cond3A_265 {
        %dma_wait3A_309 = arith.constant 0 : i32
        %dma_wait3A_310 = tpu.memref_slice %arg3[%dma_wait3A_309] : memref<327680xi32, #tpu.memory_space<hbm>> -> memref<128xi32, #tpu.memory_space<hbm>>
        %dma_wait3A_311 = arith.constant 0 : i32
        %dma_wait3A_312 = tpu.memref_slice %arg3[%dma_wait3A_311] : memref<327680xi32, #tpu.memory_space<hbm>> -> memref<128xi32, #tpu.memory_space<hbm>>
        tpu.wait_dma2 semaphore(%arg22 : memref<!tpu.dma_semaphore, #tpu.memory_space<semaphore_mem>>) src(%dma_wait3A_312 : memref<128xi32, #tpu.memory_space<hbm>>) dst(%arg10 : memref<128xi32, #tpu.memory_space<vmem>>)
        %dma_wait3A_313 = arith.constant 0 : i32
        %dma_wait3A_314 = tpu.memref_slice %arg4[%dma_wait3A_313] : memref<327680xi32, #tpu.memory_space<hbm>> -> memref<128xi32, #tpu.memory_space<hbm>>
        %dma_wait3A_315 = arith.constant 0 : i32
        %dma_wait3A_316 = tpu.memref_slice %arg4[%dma_wait3A_315] : memref<327680xi32, #tpu.memory_space<hbm>> -> memref<128xi32, #tpu.memory_space<hbm>>
        tpu.wait_dma2 semaphore(%arg22 : memref<!tpu.dma_semaphore, #tpu.memory_space<semaphore_mem>>) src(%dma_wait3A_316 : memref<128xi32, #tpu.memory_space<hbm>>) dst(%arg14 : memref<128xi32, #tpu.memory_space<vmem>>)
        %get3A_317 = arith.constant 0 : index
        %get3A_318 = tpu.vector_load %arg10[%get3A_317] {strides = array<i32>} : memref<128xi32, #tpu.memory_space<vmem>>, vector<16xi32>,
        %get3A_319 = vector.shape_cast %get3A_318 : vector<16xi32> to vector<16xi32>
        %add3A_320 = vector.broadcast %mul3A_19 : i32 to vector<16xi32>
        %add3A_321 = arith.addi %get3A_319, %add3A_320 : vector<16xi32>
        %swap3A_322 = arith.constant 0 : index
        %swap3A_323 = tpu.vector_load %arg10[%swap3A_322] {strides = array<i32>} : memref<128xi32, #tpu.memory_space<vmem>>, vector<16xi32>,
        %swap3A_324 = vector.shape_cast %swap3A_323 : vector<16xi32> to vector<16xi32>
        %swap3A_325 = vector.shape_cast %add3A_321 : vector<16xi32> to vector<16xi32>
        tpu.vector_store %arg10[%swap3A_322], %swap3A_325 {strides = array<i32>} : memref<128xi32, #tpu.memory_space<vmem>>, vector<16xi32>,
        %get3A_326 = arith.constant 16 : index
        %get3A_327 = tpu.vector_load %arg10[%get3A_326] {strides = array<i32>} : memref<128xi32, #tpu.memory_space<vmem>>, vector<16xi32>,
        %get3A_328 = vector.shape_cast %get3A_327 : vector<16xi32> to vector<16xi32>
        %add3A_329 = vector.broadcast %mul3A_19 : i32 to vector<16xi32>
        %add3A_330 = arith.addi %get3A_328, %add3A_329 : vector<16xi32>
        %swap3A_331 = arith.constant 16 : index
        %swap3A_332 = tpu.vector_load %arg10[%swap3A_331] {strides = array<i32>} : memref<128xi32, #tpu.memory_space<vmem>>, vector<16xi32>,
        %swap3A_333 = vector.shape_cast %swap3A_332 : vector<16xi32> to vector<16xi32>
        %swap3A_334 = vector.shape_cast %add3A_330 : vector<16xi32> to vector<16xi32>
        tpu.vector_store %arg10[%swap3A_331], %swap3A_334 {strides = array<i32>} : memref<128xi32, #tpu.memory_space<vmem>>, vector<16xi32>,
        %get3A_335 = arith.constant 32 : index
        %get3A_336 = tpu.vector_load %arg10[%get3A_335] {strides = array<i32>} : memref<128xi32, #tpu.memory_space<vmem>>, vector<16xi32>,
        %get3A_337 = vector.shape_cast %get3A_336 : vector<16xi32> to vector<16xi32>
        %add3A_338 = vector.broadcast %mul3A_19 : i32 to vector<16xi32>
        %add3A_339 = arith.addi %get3A_337, %add3A_338 : vector<16xi32>
        %swap3A_340 = arith.constant 32 : index
        %swap3A_341 = tpu.vector_load %arg10[%swap3A_340] {strides = array<i32>} : memref<128xi32, #tpu.memory_space<vmem>>, vector<16xi32>,
        %swap3A_342 = vector.shape_cast %swap3A_341 : vector<16xi32> to vector<16xi32>
        %swap3A_343 = vector.shape_cast %add3A_339 : vector<16xi32> to vector<16xi32>
        tpu.vector_store %arg10[%swap3A_340], %swap3A_343 {strides = array<i32>} : memref<128xi32, #tpu.memory_space<vmem>>, vector<16xi32>,
        %get3A_344 = arith.constant 48 : index
        %get3A_345 = tpu.vector_load %arg10[%get3A_344] {strides = array<i32>} : memref<128xi32, #tpu.memory_space<vmem>>, vector<16xi32>,
        %get3A_346 = vector.shape_cast %get3A_345 : vector<16xi32> to vector<16xi32>
        %add3A_347 = vector.broadcast %mul3A_19 : i32 to vector<16xi32>
        %add3A_348 = arith.addi %get3A_346, %add3A_347 : vector<16xi32>
        %swap3A_349 = arith.constant 48 : index
        %swap3A_350 = tpu.vector_load %arg10[%swap3A_349] {strides = array<i32>} : memref<128xi32, #tpu.memory_space<vmem>>, vector<16xi32>,
        %swap3A_351 = vector.shape_cast %swap3A_350 : vector<16xi32> to vector<16xi32>
        %swap3A_352 = vector.shape_cast %add3A_348 : vector<16xi32> to vector<16xi32>
        tpu.vector_store %arg10[%swap3A_349], %swap3A_352 {strides = array<i32>} : memref<128xi32, #tpu.memory_space<vmem>>, vector<16xi32>,
        %get3A_353 = arith.constant 64 : index
        %get3A_354 = tpu.vector_load %arg10[%get3A_353] {strides = array<i32>} : memref<128xi32, #tpu.memory_space<vmem>>, vector<16xi32>,
        %get3A_355 = vector.shape_cast %get3A_354 : vector<16xi32> to vector<16xi32>
        %add3A_356 = vector.broadcast %mul3A_19 : i32 to vector<16xi32>
        %add3A_357 = arith.addi %get3A_355, %add3A_356 : vector<16xi32>
        %swap3A_358 = arith.constant 64 : index
        %swap3A_359 = tpu.vector_load %arg10[%swap3A_358] {strides = array<i32>} : memref<128xi32, #tpu.memory_space<vmem>>, vector<16xi32>,
        %swap3A_360 = vector.shape_cast %swap3A_359 : vector<16xi32> to vector<16xi32>
        %swap3A_361 = vector.shape_cast %add3A_357 : vector<16xi32> to vector<16xi32>
        tpu.vector_store %arg10[%swap3A_358], %swap3A_361 {strides = array<i32>} : memref<128xi32, #tpu.memory_space<vmem>>, vector<16xi32>,
        %get3A_362 = arith.constant 80 : index
        %get3A_363 = tpu.vector_load %arg10[%get3A_362] {strides = array<i32>} : memref<128xi32, #tpu.memory_space<vmem>>, vector<16xi32>,
        %get3A_364 = vector.shape_cast %get3A_363 : vector<16xi32> to vector<16xi32>
        %add3A_365 = vector.broadcast %mul3A_19 : i32 to vector<16xi32>
        %add3A_366 = arith.addi %get3A_364, %add3A_365 : vector<16xi32>
        %swap3A_367 = arith.constant 80 : index
        %swap3A_368 = tpu.vector_load %arg10[%swap3A_367] {strides = array<i32>} : memref<128xi32, #tpu.memory_space<vmem>>, vector<16xi32>,
        %swap3A_369 = vector.shape_cast %swap3A_368 : vector<16xi32> to vector<16xi32>
        %swap3A_370 = vector.shape_cast %add3A_366 : vector<16xi32> to vector<16xi32>
        tpu.vector_store %arg10[%swap3A_367], %swap3A_370 {strides = array<i32>} : memref<128xi32, #tpu.memory_space<vmem>>, vector<16xi32>,
        %get3A_371 = arith.constant 96 : index
        %get3A_372 = tpu.vector_load %arg10[%get3A_371] {strides = array<i32>} : memref<128xi32, #tpu.memory_space<vmem>>, vector<16xi32>,
        %get3A_373 = vector.shape_cast %get3A_372 : vector<16xi32> to vector<16xi32>
        %add3A_374 = vector.broadcast %mul3A_19 : i32 to vector<16xi32>
        %add3A_375 = arith.addi %get3A_373, %add3A_374 : vector<16xi32>
        %swap3A_376 = arith.constant 96 : index
        %swap3A_377 = tpu.vector_load %arg10[%swap3A_376] {strides = array<i32>} : memref<128xi32, #tpu.memory_space<vmem>>, vector<16xi32>,
        %swap3A_378 = vector.shape_cast %swap3A_377 : vector<16xi32> to vector<16xi32>
        %swap3A_379 = vector.shape_cast %add3A_375 : vector<16xi32> to vector<16xi32>
        tpu.vector_store %arg10[%swap3A_376], %swap3A_379 {strides = array<i32>} : memref<128xi32, #tpu.memory_space<vmem>>, vector<16xi32>,
        %get3A_380 = arith.constant 112 : index
        %get3A_381 = tpu.vector_load %arg10[%get3A_380] {strides = array<i32>} : memref<128xi32, #tpu.memory_space<vmem>>, vector<16xi32>,
        %get3A_382 = vector.shape_cast %get3A_381 : vector<16xi32> to vector<16xi32>
        %add3A_383 = vector.broadcast %mul3A_19 : i32 to vector<16xi32>
        %add3A_384 = arith.addi %get3A_382, %add3A_383 : vector<16xi32>
        %swap3A_385 = arith.constant 112 : index
        %swap3A_386 = tpu.vector_load %arg10[%swap3A_385] {strides = array<i32>} : memref<128xi32, #tpu.memory_space<vmem>>, vector<16xi32>,
        %swap3A_387 = vector.shape_cast %swap3A_386 : vector<16xi32> to vector<16xi32>
        %swap3A_388 = vector.shape_cast %add3A_384 : vector<16xi32> to vector<16xi32>
        tpu.vector_store %arg10[%swap3A_385], %swap3A_388 {strides = array<i32>} : memref<128xi32, #tpu.memory_space<vmem>>, vector<16xi32>,
        %dma_start3A_389 = arith.constant 0 : i32
        %dma_start3A_390 = arith.constant 0 : i32
        %dma_start3A_391 = tpu.memref_slice %arg2[%dma_start3A_389, %dma_start3A_390] : memref<20000x128xf32, #tpu.memory_space<hbm>> -> memref<20000x128xf32, #tpu.memory_space<hbm>>
        tpu.enqueue_indirect_dma source(%dma_start3A_391 : memref<20000x128xf32, #tpu.memory_space<hbm>>) target(%arg16 : memref<128x128xf32, #tpu.memory_space<vmem>>) offsets(%arg10 : memref<128xi32, #tpu.memory_space<vmem>>) semaphore(%arg18 : memref<!tpu.dma_semaphore, #tpu.memory_space<semaphore_mem>>)
      } else {
      }
      %mul3A_266 = arith.constant 4 : i32
      %mul3A_267 = arith.muli %scan3A_225, %mul3A_266 : i32
      %add3A_268 = arith.constant 2 : i32
      %add3A_269 = arith.addi %mul3A_267, %add3A_268 : i32
      %dma_wait3A_270 = arith.constant 0 : i32
      %dma_wait3A_271 = arith.constant 0 : i32
      %dma_wait3A_272 = tpu.memref_slice %arg2[%dma_wait3A_270, %dma_wait3A_271] : memref<20000x128xf32, #tpu.memory_space<hbm>> -> memref<20000x128xf32, #tpu.memory_space<hbm>>
      tpu.wait_indirect_dma semaphore(%arg17 : memref<!tpu.dma_semaphore, #tpu.memory_space<semaphore_mem>>) src(%dma_wait3A_272 : memref<20000x128xf32, #tpu.memory_space<hbm>>) dst(%arg15 : memref<128x128xf32, #tpu.memory_space<vmem>>)
      "tpu.region"() ({
        %run_scoped3A = tpu.sem_alloc : memref<!tpu.dma_semaphore, #tpu.memory_space<semaphore_mem>>
        %dma_start3A_309 = arith.constant 0 : i32
        %dma_start3A_310 = arith.constant 0 : i32
        %dma_start3A_311 = tpu.memref_slice %arg6[%dma_start3A_309, %dma_start3A_310] : memref<10240x128xf32, #tpu.memory_space<vmem_shared>> -> memref<10240x128xf32, #tpu.memory_space<vmem_shared>>
        tpu.enqueue_indirect_dma source(%arg15 : memref<128x128xf32, #tpu.memory_space<vmem>>) target(%dma_start3A_311 : memref<10240x128xf32, #tpu.memory_space<vmem_shared>>) offsets(%arg13 : memref<128xi32, #tpu.memory_space<vmem>>) semaphore(%run_scoped3A : memref<!tpu.dma_semaphore, #tpu.memory_space<semaphore_mem>>) {add = true}
        %dma_wait3A_312 = arith.constant 0 : i32
        %dma_wait3A_313 = arith.constant 0 : i32
        %dma_wait3A_314 = tpu.memref_slice %arg6[%dma_wait3A_312, %dma_wait3A_313] : memref<10240x128xf32, #tpu.memory_space<vmem_shared>> -> memref<10240x128xf32, #tpu.memory_space<vmem_shared>>
        tpu.wait_indirect_dma semaphore(%run_scoped3A : memref<!tpu.dma_semaphore, #tpu.memory_space<semaphore_mem>>) src(%arg15 : memref<128x128xf32, #tpu.memory_space<vmem>>) dst(%dma_wait3A_314 : memref<10240x128xf32, #tpu.memory_space<vmem_shared>>)
        tpu.yield
      }) : () -> ()
      %add3A_273 = arith.constant 4 : i32
      %add3A_274 = arith.addi %add3A_269, %add3A_273 : i32
      %lt3A_275 = arith.constant 160 : i32
      %lt3A_276 = arith.cmpi slt, %add3A_274, %lt3A_275 : i32
      %convert_element_type3A_277 = arith.extui %lt3A_276 : i1 to i32
      %cond3A_278 = arith.constant 0 : i32
      %cond3A_279 = arith.cmpi ne, %convert_element_type3A_277, %cond3A_278 : i32
      scf.if %cond3A_279 {
        %mul3A_309 = arith.constant 128 : i32
        %mul3A_310 = arith.muli %add3A_274, %mul3A_309 : i32
        %add3A_311 = arith.addi %mul3A_17, %mul3A_310 : i32
        %dma_start3A_312 = tpu.memref_slice %arg3[%add3A_311] : memref<327680xi32, #tpu.memory_space<hbm>> -> memref<128xi32, #tpu.memory_space<hbm>>
        %dma_start3A_313 = tpu.memref_slice %arg3[%add3A_311] : memref<327680xi32, #tpu.memory_space<hbm>> -> memref<128xi32, #tpu.memory_space<hbm>>
        tpu.enqueue_dma source(%dma_start3A_313 : memref<128xi32, #tpu.memory_space<hbm>>) target(%arg9 : memref<128xi32, #tpu.memory_space<vmem>>) target_semaphore(%arg21 : memref<!tpu.dma_semaphore, #tpu.memory_space<semaphore_mem>>)
        %mul3A_314 = arith.constant 128 : i32
        %mul3A_315 = arith.muli %add3A_274, %mul3A_314 : i32
        %add3A_316 = arith.addi %mul3A_17, %mul3A_315 : i32
        %dma_start3A_317 = tpu.memref_slice %arg4[%add3A_316] : memref<327680xi32, #tpu.memory_space<hbm>> -> memref<128xi32, #tpu.memory_space<hbm>>
        %dma_start3A_318 = tpu.memref_slice %arg4[%add3A_316] : memref<327680xi32, #tpu.memory_space<hbm>> -> memref<128xi32, #tpu.memory_space<hbm>>
        tpu.enqueue_dma source(%dma_start3A_318 : memref<128xi32, #tpu.memory_space<hbm>>) target(%arg13 : memref<128xi32, #tpu.memory_space<vmem>>) target_semaphore(%arg21 : memref<!tpu.dma_semaphore, #tpu.memory_space<semaphore_mem>>)
      } else {
      }
      %add3A_280 = arith.constant 2 : i32
      %add3A_281 = arith.addi %add3A_269, %add3A_280 : i32
      %lt3A_282 = arith.constant 160 : i32
      %lt3A_283 = arith.cmpi slt, %add3A_281, %lt3A_282 : i32
      %convert_element_type3A_284 = arith.extui %lt3A_283 : i1 to i32
      %cond3A_285 = arith.constant 0 : i32
      %cond3A_286 = arith.cmpi ne, %convert_element_type3A_284, %cond3A_285 : i32
      scf.if %cond3A_286 {
        %dma_wait3A_309 = arith.constant 0 : i32
        %dma_wait3A_310 = tpu.memref_slice %arg3[%dma_wait3A_309] : memref<327680xi32, #tpu.memory_space<hbm>> -> memref<128xi32, #tpu.memory_space<hbm>>
        %dma_wait3A_311 = arith.constant 0 : i32
        %dma_wait3A_312 = tpu.memref_slice %arg3[%dma_wait3A_311] : memref<327680xi32, #tpu.memory_space<hbm>> -> memref<128xi32, #tpu.memory_space<hbm>>
        tpu.wait_dma2 semaphore(%arg19 : memref<!tpu.dma_semaphore, #tpu.memory_space<semaphore_mem>>) src(%dma_wait3A_312 : memref<128xi32, #tpu.memory_space<hbm>>) dst(%arg7 : memref<128xi32, #tpu.memory_space<vmem>>)
        %dma_wait3A_313 = arith.constant 0 : i32
        %dma_wait3A_314 = tpu.memref_slice %arg4[%dma_wait3A_313] : memref<327680xi32, #tpu.memory_space<hbm>> -> memref<128xi32, #tpu.memory_space<hbm>>
        %dma_wait3A_315 = arith.constant 0 : i32
        %dma_wait3A_316 = tpu.memref_slice %arg4[%dma_wait3A_315] : memref<327680xi32, #tpu.memory_space<hbm>> -> memref<128xi32, #tpu.memory_space<hbm>>
        tpu.wait_dma2 semaphore(%arg19 : memref<!tpu.dma_semaphore, #tpu.memory_space<semaphore_mem>>) src(%dma_wait3A_316 : memref<128xi32, #tpu.memory_space<hbm>>) dst(%arg11 : memref<128xi32, #tpu.memory_space<vmem>>)
        %get3A_317 = arith.constant 0 : index
        %get3A_318 = tpu.vector_load %arg7[%get3A_317] {strides = array<i32>} : memref<128xi32, #tpu.memory_space<vmem>>, vector<16xi32>,
        %get3A_319 = vector.shape_cast %get3A_318 : vector<16xi32> to vector<16xi32>
        %add3A_320 = vector.broadcast %mul3A_19 : i32 to vector<16xi32>
        %add3A_321 = arith.addi %get3A_319, %add3A_320 : vector<16xi32>
        %swap3A_322 = arith.constant 0 : index
        %swap3A_323 = tpu.vector_load %arg7[%swap3A_322] {strides = array<i32>} : memref<128xi32, #tpu.memory_space<vmem>>, vector<16xi32>,
        %swap3A_324 = vector.shape_cast %swap3A_323 : vector<16xi32> to vector<16xi32>
        %swap3A_325 = vector.shape_cast %add3A_321 : vector<16xi32> to vector<16xi32>
        tpu.vector_store %arg7[%swap3A_322], %swap3A_325 {strides = array<i32>} : memref<128xi32, #tpu.memory_space<vmem>>, vector<16xi32>,
        %get3A_326 = arith.constant 16 : index
        %get3A_327 = tpu.vector_load %arg7[%get3A_326] {strides = array<i32>} : memref<128xi32, #tpu.memory_space<vmem>>, vector<16xi32>,
        %get3A_328 = vector.shape_cast %get3A_327 : vector<16xi32> to vector<16xi32>
        %add3A_329 = vector.broadcast %mul3A_19 : i32 to vector<16xi32>
        %add3A_330 = arith.addi %get3A_328, %add3A_329 : vector<16xi32>
        %swap3A_331 = arith.constant 16 : index
        %swap3A_332 = tpu.vector_load %arg7[%swap3A_331] {strides = array<i32>} : memref<128xi32, #tpu.memory_space<vmem>>, vector<16xi32>,
        %swap3A_333 = vector.shape_cast %swap3A_332 : vector<16xi32> to vector<16xi32>
        %swap3A_334 = vector.shape_cast %add3A_330 : vector<16xi32> to vector<16xi32>
        tpu.vector_store %arg7[%swap3A_331], %swap3A_334 {strides = array<i32>} : memref<128xi32, #tpu.memory_space<vmem>>, vector<16xi32>,
        %get3A_335 = arith.constant 32 : index
        %get3A_336 = tpu.vector_load %arg7[%get3A_335] {strides = array<i32>} : memref<128xi32, #tpu.memory_space<vmem>>, vector<16xi32>,
        %get3A_337 = vector.shape_cast %get3A_336 : vector<16xi32> to vector<16xi32>
        %add3A_338 = vector.broadcast %mul3A_19 : i32 to vector<16xi32>
        %add3A_339 = arith.addi %get3A_337, %add3A_338 : vector<16xi32>
        %swap3A_340 = arith.constant 32 : index
        %swap3A_341 = tpu.vector_load %arg7[%swap3A_340] {strides = array<i32>} : memref<128xi32, #tpu.memory_space<vmem>>, vector<16xi32>,
        %swap3A_342 = vector.shape_cast %swap3A_341 : vector<16xi32> to vector<16xi32>
        %swap3A_343 = vector.shape_cast %add3A_339 : vector<16xi32> to vector<16xi32>
        tpu.vector_store %arg7[%swap3A_340], %swap3A_343 {strides = array<i32>} : memref<128xi32, #tpu.memory_space<vmem>>, vector<16xi32>,
        %get3A_344 = arith.constant 48 : index
        %get3A_345 = tpu.vector_load %arg7[%get3A_344] {strides = array<i32>} : memref<128xi32, #tpu.memory_space<vmem>>, vector<16xi32>,
        %get3A_346 = vector.shape_cast %get3A_345 : vector<16xi32> to vector<16xi32>
        %add3A_347 = vector.broadcast %mul3A_19 : i32 to vector<16xi32>
        %add3A_348 = arith.addi %get3A_346, %add3A_347 : vector<16xi32>
        %swap3A_349 = arith.constant 48 : index
        %swap3A_350 = tpu.vector_load %arg7[%swap3A_349] {strides = array<i32>} : memref<128xi32, #tpu.memory_space<vmem>>, vector<16xi32>,
        %swap3A_351 = vector.shape_cast %swap3A_350 : vector<16xi32> to vector<16xi32>
        %swap3A_352 = vector.shape_cast %add3A_348 : vector<16xi32> to vector<16xi32>
        tpu.vector_store %arg7[%swap3A_349], %swap3A_352 {strides = array<i32>} : memref<128xi32, #tpu.memory_space<vmem>>, vector<16xi32>,
        %get3A_353 = arith.constant 64 : index
        %get3A_354 = tpu.vector_load %arg7[%get3A_353] {strides = array<i32>} : memref<128xi32, #tpu.memory_space<vmem>>, vector<16xi32>,
        %get3A_355 = vector.shape_cast %get3A_354 : vector<16xi32> to vector<16xi32>
        %add3A_356 = vector.broadcast %mul3A_19 : i32 to vector<16xi32>
        %add3A_357 = arith.addi %get3A_355, %add3A_356 : vector<16xi32>
        %swap3A_358 = arith.constant 64 : index
        %swap3A_359 = tpu.vector_load %arg7[%swap3A_358] {strides = array<i32>} : memref<128xi32, #tpu.memory_space<vmem>>, vector<16xi32>,
        %swap3A_360 = vector.shape_cast %swap3A_359 : vector<16xi32> to vector<16xi32>
        %swap3A_361 = vector.shape_cast %add3A_357 : vector<16xi32> to vector<16xi32>
        tpu.vector_store %arg7[%swap3A_358], %swap3A_361 {strides = array<i32>} : memref<128xi32, #tpu.memory_space<vmem>>, vector<16xi32>,
        %get3A_362 = arith.constant 80 : index
        %get3A_363 = tpu.vector_load %arg7[%get3A_362] {strides = array<i32>} : memref<128xi32, #tpu.memory_space<vmem>>, vector<16xi32>,
        %get3A_364 = vector.shape_cast %get3A_363 : vector<16xi32> to vector<16xi32>
        %add3A_365 = vector.broadcast %mul3A_19 : i32 to vector<16xi32>
        %add3A_366 = arith.addi %get3A_364, %add3A_365 : vector<16xi32>
        %swap3A_367 = arith.constant 80 : index
        %swap3A_368 = tpu.vector_load %arg7[%swap3A_367] {strides = array<i32>} : memref<128xi32, #tpu.memory_space<vmem>>, vector<16xi32>,
        %swap3A_369 = vector.shape_cast %swap3A_368 : vector<16xi32> to vector<16xi32>
        %swap3A_370 = vector.shape_cast %add3A_366 : vector<16xi32> to vector<16xi32>
        tpu.vector_store %arg7[%swap3A_367], %swap3A_370 {strides = array<i32>} : memref<128xi32, #tpu.memory_space<vmem>>, vector<16xi32>,
        %get3A_371 = arith.constant 96 : index
        %get3A_372 = tpu.vector_load %arg7[%get3A_371] {strides = array<i32>} : memref<128xi32, #tpu.memory_space<vmem>>, vector<16xi32>,
        %get3A_373 = vector.shape_cast %get3A_372 : vector<16xi32> to vector<16xi32>
        %add3A_374 = vector.broadcast %mul3A_19 : i32 to vector<16xi32>
        %add3A_375 = arith.addi %get3A_373, %add3A_374 : vector<16xi32>
        %swap3A_376 = arith.constant 96 : index
        %swap3A_377 = tpu.vector_load %arg7[%swap3A_376] {strides = array<i32>} : memref<128xi32, #tpu.memory_space<vmem>>, vector<16xi32>,
        %swap3A_378 = vector.shape_cast %swap3A_377 : vector<16xi32> to vector<16xi32>
        %swap3A_379 = vector.shape_cast %add3A_375 : vector<16xi32> to vector<16xi32>
        tpu.vector_store %arg7[%swap3A_376], %swap3A_379 {strides = array<i32>} : memref<128xi32, #tpu.memory_space<vmem>>, vector<16xi32>,
        %get3A_380 = arith.constant 112 : index
        %get3A_381 = tpu.vector_load %arg7[%get3A_380] {strides = array<i32>} : memref<128xi32, #tpu.memory_space<vmem>>, vector<16xi32>,
        %get3A_382 = vector.shape_cast %get3A_381 : vector<16xi32> to vector<16xi32>
        %add3A_383 = vector.broadcast %mul3A_19 : i32 to vector<16xi32>
        %add3A_384 = arith.addi %get3A_382, %add3A_383 : vector<16xi32>
        %swap3A_385 = arith.constant 112 : index
        %swap3A_386 = tpu.vector_load %arg7[%swap3A_385] {strides = array<i32>} : memref<128xi32, #tpu.memory_space<vmem>>, vector<16xi32>,
        %swap3A_387 = vector.shape_cast %swap3A_386 : vector<16xi32> to vector<16xi32>
        %swap3A_388 = vector.shape_cast %add3A_384 : vector<16xi32> to vector<16xi32>
        tpu.vector_store %arg7[%swap3A_385], %swap3A_388 {strides = array<i32>} : memref<128xi32, #tpu.memory_space<vmem>>, vector<16xi32>,
        %dma_start3A_389 = arith.constant 0 : i32
        %dma_start3A_390 = arith.constant 0 : i32
        %dma_start3A_391 = tpu.memref_slice %arg2[%dma_start3A_389, %dma_start3A_390] : memref<20000x128xf32, #tpu.memory_space<hbm>> -> memref<20000x128xf32, #tpu.memory_space<hbm>>
        tpu.enqueue_indirect_dma source(%dma_start3A_391 : memref<20000x128xf32, #tpu.memory_space<hbm>>) target(%arg15 : memref<128x128xf32, #tpu.memory_space<vmem>>) offsets(%arg7 : memref<128xi32, #tpu.memory_space<vmem>>) semaphore(%arg17 : memref<!tpu.dma_semaphore, #tpu.memory_space<semaphore_mem>>)
      } else {
      }
      %mul3A_287 = arith.constant 4 : i32
      %mul3A_288 = arith.muli %scan3A_225, %mul3A_287 : i32
      %add3A_289 = arith.constant 3 : i32
      %add3A_290 = arith.addi %mul3A_288, %add3A_289 : i32
      %dma_wait3A_291 = arith.constant 0 : i32
      %dma_wait3A_292 = arith.constant 0 : i32
      %dma_wait3A_293 = tpu.memref_slice %arg2[%dma_wait3A_291, %dma_wait3A_292] : memref<20000x128xf32, #tpu.memory_space<hbm>> -> memref<20000x128xf32, #tpu.memory_space<hbm>>
      tpu.wait_indirect_dma semaphore(%arg18 : memref<!tpu.dma_semaphore, #tpu.memory_space<semaphore_mem>>) src(%dma_wait3A_293 : memref<20000x128xf32, #tpu.memory_space<hbm>>) dst(%arg16 : memref<128x128xf32, #tpu.memory_space<vmem>>)
      "tpu.region"() ({
        %run_scoped3A = tpu.sem_alloc : memref<!tpu.dma_semaphore, #tpu.memory_space<semaphore_mem>>
        %dma_start3A_309 = arith.constant 0 : i32
        %dma_start3A_310 = arith.constant 0 : i32
        %dma_start3A_311 = tpu.memref_slice %arg6[%dma_start3A_309, %dma_start3A_310] : memref<10240x128xf32, #tpu.memory_space<vmem_shared>> -> memref<10240x128xf32, #tpu.memory_space<vmem_shared>>
        tpu.enqueue_indirect_dma source(%arg16 : memref<128x128xf32, #tpu.memory_space<vmem>>) target(%dma_start3A_311 : memref<10240x128xf32, #tpu.memory_space<vmem_shared>>) offsets(%arg14 : memref<128xi32, #tpu.memory_space<vmem>>) semaphore(%run_scoped3A : memref<!tpu.dma_semaphore, #tpu.memory_space<semaphore_mem>>) {add = true}
        %dma_wait3A_312 = arith.constant 0 : i32
        %dma_wait3A_313 = arith.constant 0 : i32
        %dma_wait3A_314 = tpu.memref_slice %arg6[%dma_wait3A_312, %dma_wait3A_313] : memref<10240x128xf32, #tpu.memory_space<vmem_shared>> -> memref<10240x128xf32, #tpu.memory_space<vmem_shared>>
        tpu.wait_indirect_dma semaphore(%run_scoped3A : memref<!tpu.dma_semaphore, #tpu.memory_space<semaphore_mem>>) src(%arg16 : memref<128x128xf32, #tpu.memory_space<vmem>>) dst(%dma_wait3A_314 : memref<10240x128xf32, #tpu.memory_space<vmem_shared>>)
        tpu.yield
      }) : () -> ()
      %add3A_294 = arith.constant 4 : i32
      %add3A_295 = arith.addi %add3A_290, %add3A_294 : i32
      %lt3A_296 = arith.constant 160 : i32
      %lt3A_297 = arith.cmpi slt, %add3A_295, %lt3A_296 : i32
      %convert_element_type3A_298 = arith.extui %lt3A_297 : i1 to i32
      %cond3A_299 = arith.constant 0 : i32
      %cond3A_300 = arith.cmpi ne, %convert_element_type3A_298, %cond3A_299 : i32
      scf.if %cond3A_300 {
        %mul3A_309 = arith.constant 128 : i32
        %mul3A_310 = arith.muli %add3A_295, %mul3A_309 : i32
        %add3A_311 = arith.addi %mul3A_17, %mul3A_310 : i32
        %dma_start3A_312 = tpu.memref_slice %arg3[%add3A_311] : memref<327680xi32, #tpu.memory_space<hbm>> -> memref<128xi32, #tpu.memory_space<hbm>>
        %dma_start3A_313 = tpu.memref_slice %arg3[%add3A_311] : memref<327680xi32, #tpu.memory_space<hbm>> -> memref<128xi32, #tpu.memory_space<hbm>>
        tpu.enqueue_dma source(%dma_start3A_313 : memref<128xi32, #tpu.memory_space<hbm>>) target(%arg10 : memref<128xi32, #tpu.memory_space<vmem>>) target_semaphore(%arg22 : memref<!tpu.dma_semaphore, #tpu.memory_space<semaphore_mem>>)
        %mul3A_314 = arith.constant 128 : i32
        %mul3A_315 = arith.muli %add3A_295, %mul3A_314 : i32
        %add3A_316 = arith.addi %mul3A_17, %mul3A_315 : i32
        %dma_start3A_317 = tpu.memref_slice %arg4[%add3A_316] : memref<327680xi32, #tpu.memory_space<hbm>> -> memref<128xi32, #tpu.memory_space<hbm>>
        %dma_start3A_318 = tpu.memref_slice %arg4[%add3A_316] : memref<327680xi32, #tpu.memory_space<hbm>> -> memref<128xi32, #tpu.memory_space<hbm>>
        tpu.enqueue_dma source(%dma_start3A_318 : memref<128xi32, #tpu.memory_space<hbm>>) target(%arg14 : memref<128xi32, #tpu.memory_space<vmem>>) target_semaphore(%arg22 : memref<!tpu.dma_semaphore, #tpu.memory_space<semaphore_mem>>)
      } else {
      }
      %add3A_301 = arith.constant 2 : i32
      %add3A_302 = arith.addi %add3A_290, %add3A_301 : i32
      %lt3A_303 = arith.constant 160 : i32
      %lt3A_304 = arith.cmpi slt, %add3A_302, %lt3A_303 : i32
      %convert_element_type3A_305 = arith.extui %lt3A_304 : i1 to i32
      %cond3A_306 = arith.constant 0 : i32
      %cond3A_307 = arith.cmpi ne, %convert_element_type3A_305, %cond3A_306 : i32
      scf.if %cond3A_307 {
        %dma_wait3A_309 = arith.constant 0 : i32
        %dma_wait3A_310 = tpu.memref_slice %arg3[%dma_wait3A_309] : memref<327680xi32, #tpu.memory_space<hbm>> -> memref<128xi32, #tpu.memory_space<hbm>>
        %dma_wait3A_311 = arith.constant 0 : i32
        %dma_wait3A_312 = tpu.memref_slice %arg3[%dma_wait3A_311] : memref<327680xi32, #tpu.memory_space<hbm>> -> memref<128xi32, #tpu.memory_space<hbm>>
        tpu.wait_dma2 semaphore(%arg20 : memref<!tpu.dma_semaphore, #tpu.memory_space<semaphore_mem>>) src(%dma_wait3A_312 : memref<128xi32, #tpu.memory_space<hbm>>) dst(%arg8 : memref<128xi32, #tpu.memory_space<vmem>>)
        %dma_wait3A_313 = arith.constant 0 : i32
        %dma_wait3A_314 = tpu.memref_slice %arg4[%dma_wait3A_313] : memref<327680xi32, #tpu.memory_space<hbm>> -> memref<128xi32, #tpu.memory_space<hbm>>
        %dma_wait3A_315 = arith.constant 0 : i32
        %dma_wait3A_316 = tpu.memref_slice %arg4[%dma_wait3A_315] : memref<327680xi32, #tpu.memory_space<hbm>> -> memref<128xi32, #tpu.memory_space<hbm>>
        tpu.wait_dma2 semaphore(%arg20 : memref<!tpu.dma_semaphore, #tpu.memory_space<semaphore_mem>>) src(%dma_wait3A_316 : memref<128xi32, #tpu.memory_space<hbm>>) dst(%arg12 : memref<128xi32, #tpu.memory_space<vmem>>)
        %get3A_317 = arith.constant 0 : index
        %get3A_318 = tpu.vector_load %arg8[%get3A_317] {strides = array<i32>} : memref<128xi32, #tpu.memory_space<vmem>>, vector<16xi32>,
        %get3A_319 = vector.shape_cast %get3A_318 : vector<16xi32> to vector<16xi32>
        %add3A_320 = vector.broadcast %mul3A_19 : i32 to vector<16xi32>
        %add3A_321 = arith.addi %get3A_319, %add3A_320 : vector<16xi32>
        %swap3A_322 = arith.constant 0 : index
        %swap3A_323 = tpu.vector_load %arg8[%swap3A_322] {strides = array<i32>} : memref<128xi32, #tpu.memory_space<vmem>>, vector<16xi32>,
        %swap3A_324 = vector.shape_cast %swap3A_323 : vector<16xi32> to vector<16xi32>
        %swap3A_325 = vector.shape_cast %add3A_321 : vector<16xi32> to vector<16xi32>
        tpu.vector_store %arg8[%swap3A_322], %swap3A_325 {strides = array<i32>} : memref<128xi32, #tpu.memory_space<vmem>>, vector<16xi32>,
        %get3A_326 = arith.constant 16 : index
        %get3A_327 = tpu.vector_load %arg8[%get3A_326] {strides = array<i32>} : memref<128xi32, #tpu.memory_space<vmem>>, vector<16xi32>,
        %get3A_328 = vector.shape_cast %get3A_327 : vector<16xi32> to vector<16xi32>
        %add3A_329 = vector.broadcast %mul3A_19 : i32 to vector<16xi32>
        %add3A_330 = arith.addi %get3A_328, %add3A_329 : vector<16xi32>
        %swap3A_331 = arith.constant 16 : index
        %swap3A_332 = tpu.vector_load %arg8[%swap3A_331] {strides = array<i32>} : memref<128xi32, #tpu.memory_space<vmem>>, vector<16xi32>,
        %swap3A_333 = vector.shape_cast %swap3A_332 : vector<16xi32> to vector<16xi32>
        %swap3A_334 = vector.shape_cast %add3A_330 : vector<16xi32> to vector<16xi32>
        tpu.vector_store %arg8[%swap3A_331], %swap3A_334 {strides = array<i32>} : memref<128xi32, #tpu.memory_space<vmem>>, vector<16xi32>,
        %get3A_335 = arith.constant 32 : index
        %get3A_336 = tpu.vector_load %arg8[%get3A_335] {strides = array<i32>} : memref<128xi32, #tpu.memory_space<vmem>>, vector<16xi32>,
        %get3A_337 = vector.shape_cast %get3A_336 : vector<16xi32> to vector<16xi32>
        %add3A_338 = vector.broadcast %mul3A_19 : i32 to vector<16xi32>
        %add3A_339 = arith.addi %get3A_337, %add3A_338 : vector<16xi32>
        %swap3A_340 = arith.constant 32 : index
        %swap3A_341 = tpu.vector_load %arg8[%swap3A_340] {strides = array<i32>} : memref<128xi32, #tpu.memory_space<vmem>>, vector<16xi32>,
        %swap3A_342 = vector.shape_cast %swap3A_341 : vector<16xi32> to vector<16xi32>
        %swap3A_343 = vector.shape_cast %add3A_339 : vector<16xi32> to vector<16xi32>
        tpu.vector_store %arg8[%swap3A_340], %swap3A_343 {strides = array<i32>} : memref<128xi32, #tpu.memory_space<vmem>>, vector<16xi32>,
        %get3A_344 = arith.constant 48 : index
        %get3A_345 = tpu.vector_load %arg8[%get3A_344] {strides = array<i32>} : memref<128xi32, #tpu.memory_space<vmem>>, vector<16xi32>,
        %get3A_346 = vector.shape_cast %get3A_345 : vector<16xi32> to vector<16xi32>
        %add3A_347 = vector.broadcast %mul3A_19 : i32 to vector<16xi32>
        %add3A_348 = arith.addi %get3A_346, %add3A_347 : vector<16xi32>
        %swap3A_349 = arith.constant 48 : index
        %swap3A_350 = tpu.vector_load %arg8[%swap3A_349] {strides = array<i32>} : memref<128xi32, #tpu.memory_space<vmem>>, vector<16xi32>,
        %swap3A_351 = vector.shape_cast %swap3A_350 : vector<16xi32> to vector<16xi32>
        %swap3A_352 = vector.shape_cast %add3A_348 : vector<16xi32> to vector<16xi32>
        tpu.vector_store %arg8[%swap3A_349], %swap3A_352 {strides = array<i32>} : memref<128xi32, #tpu.memory_space<vmem>>, vector<16xi32>,
        %get3A_353 = arith.constant 64 : index
        %get3A_354 = tpu.vector_load %arg8[%get3A_353] {strides = array<i32>} : memref<128xi32, #tpu.memory_space<vmem>>, vector<16xi32>,
        %get3A_355 = vector.shape_cast %get3A_354 : vector<16xi32> to vector<16xi32>
        %add3A_356 = vector.broadcast %mul3A_19 : i32 to vector<16xi32>
        %add3A_357 = arith.addi %get3A_355, %add3A_356 : vector<16xi32>
        %swap3A_358 = arith.constant 64 : index
        %swap3A_359 = tpu.vector_load %arg8[%swap3A_358] {strides = array<i32>} : memref<128xi32, #tpu.memory_space<vmem>>, vector<16xi32>,
        %swap3A_360 = vector.shape_cast %swap3A_359 : vector<16xi32> to vector<16xi32>
        %swap3A_361 = vector.shape_cast %add3A_357 : vector<16xi32> to vector<16xi32>
        tpu.vector_store %arg8[%swap3A_358], %swap3A_361 {strides = array<i32>} : memref<128xi32, #tpu.memory_space<vmem>>, vector<16xi32>,
        %get3A_362 = arith.constant 80 : index
        %get3A_363 = tpu.vector_load %arg8[%get3A_362] {strides = array<i32>} : memref<128xi32, #tpu.memory_space<vmem>>, vector<16xi32>,
        %get3A_364 = vector.shape_cast %get3A_363 : vector<16xi32> to vector<16xi32>
        %add3A_365 = vector.broadcast %mul3A_19 : i32 to vector<16xi32>
        %add3A_366 = arith.addi %get3A_364, %add3A_365 : vector<16xi32>
        %swap3A_367 = arith.constant 80 : index
        %swap3A_368 = tpu.vector_load %arg8[%swap3A_367] {strides = array<i32>} : memref<128xi32, #tpu.memory_space<vmem>>, vector<16xi32>,
        %swap3A_369 = vector.shape_cast %swap3A_368 : vector<16xi32> to vector<16xi32>
        %swap3A_370 = vector.shape_cast %add3A_366 : vector<16xi32> to vector<16xi32>
        tpu.vector_store %arg8[%swap3A_367], %swap3A_370 {strides = array<i32>} : memref<128xi32, #tpu.memory_space<vmem>>, vector<16xi32>,
        %get3A_371 = arith.constant 96 : index
        %get3A_372 = tpu.vector_load %arg8[%get3A_371] {strides = array<i32>} : memref<128xi32, #tpu.memory_space<vmem>>, vector<16xi32>,
        %get3A_373 = vector.shape_cast %get3A_372 : vector<16xi32> to vector<16xi32>
        %add3A_374 = vector.broadcast %mul3A_19 : i32 to vector<16xi32>
        %add3A_375 = arith.addi %get3A_373, %add3A_374 : vector<16xi32>
        %swap3A_376 = arith.constant 96 : index
        %swap3A_377 = tpu.vector_load %arg8[%swap3A_376] {strides = array<i32>} : memref<128xi32, #tpu.memory_space<vmem>>, vector<16xi32>,
        %swap3A_378 = vector.shape_cast %swap3A_377 : vector<16xi32> to vector<16xi32>
        %swap3A_379 = vector.shape_cast %add3A_375 : vector<16xi32> to vector<16xi32>
        tpu.vector_store %arg8[%swap3A_376], %swap3A_379 {strides = array<i32>} : memref<128xi32, #tpu.memory_space<vmem>>, vector<16xi32>,
        %get3A_380 = arith.constant 112 : index
        %get3A_381 = tpu.vector_load %arg8[%get3A_380] {strides = array<i32>} : memref<128xi32, #tpu.memory_space<vmem>>, vector<16xi32>,
        %get3A_382 = vector.shape_cast %get3A_381 : vector<16xi32> to vector<16xi32>
        %add3A_383 = vector.broadcast %mul3A_19 : i32 to vector<16xi32>
        %add3A_384 = arith.addi %get3A_382, %add3A_383 : vector<16xi32>
        %swap3A_385 = arith.constant 112 : index
        %swap3A_386 = tpu.vector_load %arg8[%swap3A_385] {strides = array<i32>} : memref<128xi32, #tpu.memory_space<vmem>>, vector<16xi32>,
        %swap3A_387 = vector.shape_cast %swap3A_386 : vector<16xi32> to vector<16xi32>
        %swap3A_388 = vector.shape_cast %add3A_384 : vector<16xi32> to vector<16xi32>
        tpu.vector_store %arg8[%swap3A_385], %swap3A_388 {strides = array<i32>} : memref<128xi32, #tpu.memory_space<vmem>>, vector<16xi32>,
        %dma_start3A_389 = arith.constant 0 : i32
        %dma_start3A_390 = arith.constant 0 : i32
        %dma_start3A_391 = tpu.memref_slice %arg2[%dma_start3A_389, %dma_start3A_390] : memref<20000x128xf32, #tpu.memory_space<hbm>> -> memref<20000x128xf32, #tpu.memory_space<hbm>>
        tpu.enqueue_indirect_dma source(%dma_start3A_391 : memref<20000x128xf32, #tpu.memory_space<hbm>>) target(%arg16 : memref<128x128xf32, #tpu.memory_space<vmem>>) offsets(%arg8 : memref<128xi32, #tpu.memory_space<vmem>>) semaphore(%arg18 : memref<!tpu.dma_semaphore, #tpu.memory_space<semaphore_mem>>)
      } else {
      }
      %scan3A_308 = arith.constant 0 : i32
      scf.yield %scan3A_308 : i32
    }
    %scan3A_220 = arith.constant 40 : i32
    %barrier3A_221 = arith.constant 0 : index
    tpu.barrier barrier_id(%barrier3A_221)
    %mul3A_222 = arith.constant 10240 : i32
    %mul3A_223 = arith.muli %arg0, %mul3A_222 : i32
    %add3A_224 = arith.addi %mul3A_223, %mul3A_6 : i32
    "tpu.region"() ({
      %run_scoped3A = tpu.sem_alloc : memref<!tpu.dma_semaphore, #tpu.memory_space<semaphore_mem>>
      %dma_start3A_225 = arith.constant 0 : i32
      %dma_start3A_226 = tpu.memref_slice %arg5[%add3A_224, %dma_start3A_225] : memref<20480x128xf32, #tpu.memory_space<hbm>> -> memref<640x128xf32, #tpu.memory_space<hbm>>
      %dma_start3A_227 = arith.constant 0 : i32
      %dma_start3A_228 = tpu.memref_slice %arg6[%mul3A_6, %dma_start3A_227] : memref<10240x128xf32, #tpu.memory_space<vmem_shared>> -> memref<640x128xf32, #tpu.memory_space<vmem_shared>>
      tpu.enqueue_dma source(%dma_start3A_228 : memref<640x128xf32, #tpu.memory_space<vmem_shared>>) target(%dma_start3A_226 : memref<640x128xf32, #tpu.memory_space<hbm>>) target_semaphore(%run_scoped3A : memref<!tpu.dma_semaphore, #tpu.memory_space<semaphore_mem>>)
      %dma_wait3A_229 = arith.constant 0 : i32
      %dma_wait3A_230 = tpu.memref_slice %arg5[%add3A_224, %dma_wait3A_229] : memref<20480x128xf32, #tpu.memory_space<hbm>> -> memref<640x128xf32, #tpu.memory_space<hbm>>
      %dma_wait3A_231 = arith.constant 0 : i32
      %dma_wait3A_232 = tpu.memref_slice %arg6[%mul3A_6, %dma_wait3A_231] : memref<10240x128xf32, #tpu.memory_space<vmem_shared>> -> memref<640x128xf32, #tpu.memory_space<vmem_shared>>
      tpu.wait_dma2 semaphore(%run_scoped3A : memref<!tpu.dma_semaphore, #tpu.memory_space<semaphore_mem>>) src(%dma_wait3A_232 : memref<640x128xf32, #tpu.memory_space<vmem_shared>>) dst(%dma_wait3A_230 : memref<640x128xf32, #tpu.memory_space<hbm>>)
      tpu.yield
    }) : () -> ()
    return
  }
}

module attributes {stable_mosaic.version = 14 : i64} {
  func.func @_dis_body(%arg0: memref<2x80x128xf32, #tpu.memory_space<vmem>>, %arg1: memref<80x128xf32, #tpu.memory_space<vmem>>) attributes {dimension_semantics = [], scalar_prefetch = 0 : i64, scratch_operands = 0 : i64, tpu.core_type = #tpu.core_type<tc>} {
    %get3A = arith.constant 0 : index
    %get3A_0 = arith.constant 0 : index
    %get3A_1 = arith.constant 0 : index
    %get3A_2 = vector.load %arg0[%get3A, %get3A_0, %get3A_1] : memref<2x80x128xf32, #tpu.memory_space<vmem>>, vector<1x80x128xf32>
    %get3A_3 = vector.shape_cast %get3A_2 : vector<1x80x128xf32> to vector<80x128xf32>
    %get3A_4 = arith.constant 1 : index
    %get3A_5 = arith.constant 0 : index
    %get3A_6 = arith.constant 0 : index
    %get3A_7 = vector.load %arg0[%get3A_4, %get3A_5, %get3A_6] : memref<2x80x128xf32, #tpu.memory_space<vmem>>, vector<1x80x128xf32>
    %get3A_8 = vector.shape_cast %get3A_7 : vector<1x80x128xf32> to vector<80x128xf32>
    %add3A = arith.addf %get3A_3, %get3A_8 : vector<80x128xf32>
    %add3A_9 = arith.constant 1.000000e+00 : f32
    %add3A_10 = vector.broadcast %add3A_9 : f32 to vector<80x128xf32>
    %add3A_11 = arith.addf %add3A, %add3A_10 : vector<80x128xf32>
    %rsqrt3A = math.rsqrt %add3A_11 : vector<80x128xf32>
    %swap3A = arith.constant 0 : index
    %swap3A_12 = arith.constant 0 : index
    %swap3A_13 = vector.load %arg1[%swap3A, %swap3A_12] : memref<80x128xf32, #tpu.memory_space<vmem>>, vector<80x128xf32>
    tpu.vector_store %arg1[%swap3A, %swap3A_12], %rsqrt3A {strides = array<i32>} : memref<80x128xf32, #tpu.memory_space<vmem>>, vector<80x128xf32>,
    return
  }
}

module attributes {stable_mosaic.version = 14 : i64} {
  func.func @_tc1_body(%arg0: i32, %arg1: memref<1000x128xf32, #tpu.memory_space<vmem>>, %arg2: memref<128x256xf32, #tpu.memory_space<vmem>>, %arg3: memref<1000x128xf32, #tpu.memory_space<vmem>>, %arg4: memref<2x1000x128xf32, #tpu.memory_space<vmem>>) attributes {dimension_semantics = [#tpu.dimension_semantics<arbitrary>], iteration_bounds = array<i64: 10>, scalar_prefetch = 0 : i64, scratch_operands = 0 : i64, tpu.core_type = #tpu.core_type<tc>, window_params = [{transform_indices = @transform_0, window_bounds = array<i64: 1000, 128>}, {pipeline_mode = #tpu.pipeline_mode<synchronous>, transform_indices = @transform_1, window_bounds = array<i64: 128, 256>}, {transform_indices = @transform_2, window_bounds = array<i64: 1000, 128>}, {transform_indices = @transform_3, window_bounds = array<i64: 2, 1000, 128>}]} {
    %get3A = arith.constant 0 : index
    %get3A_0 = arith.constant 0 : index
    %get3A_1 = vector.load %arg1[%get3A, %get3A_0] : memref<1000x128xf32, #tpu.memory_space<vmem>>, vector<1000x128xf32>
    %get3A_2 = arith.constant 0 : index
    %get3A_3 = arith.constant 0 : index
    %get3A_4 = vector.load %arg2[%get3A_2, %get3A_3] : memref<128x256xf32, #tpu.memory_space<vmem>>, vector<128x256xf32>
    %dot_general3A = arith.constant dense<0.000000e+00> : vector<1000x256xf32>
    %dot_general3A_5 = tpu.matmul %get3A_1, %get3A_4, %dot_general3A {dimension_numbers = #tpu.dot_dimension_numbers<[1], [0], [0], [1], [0, 0, 1, 1], [], []>, transpose_lhs_hint = false} : vector<1000x128xf32>, vector<128x256xf32>, vector<1000x256xf32> -> vector<1000x256xf32>
    %get3A_6 = arith.constant 0 : index
    %get3A_7 = arith.constant 0 : index
    %get3A_8 = vector.load %arg3[%get3A_6, %get3A_7] : memref<1000x128xf32, #tpu.memory_space<vmem>>, vector<1000x128xf32>
    %slice3A = vector.extract_strided_slice %dot_general3A_5 {offsets = [0, 0], sizes = [1000, 128], strides = [1, 1]} : vector<1000x256xf32> to vector<1000x128xf32>
    %mul3A = arith.mulf %get3A_8, %slice3A : vector<1000x128xf32>
    %swap3A = arith.constant 0 : index
    %swap3A_9 = arith.constant 0 : index
    %swap3A_10 = arith.constant 0 : index
    %swap3A_11 = vector.load %arg4[%swap3A, %swap3A_9, %swap3A_10] : memref<2x1000x128xf32, #tpu.memory_space<vmem>>, vector<1x1000x128xf32>
    %swap3A_12 = vector.shape_cast %swap3A_11 : vector<1x1000x128xf32> to vector<1000x128xf32>
    %swap3A_13 = vector.shape_cast %mul3A : vector<1000x128xf32> to vector<1x1000x128xf32>
    tpu.vector_store %arg4[%swap3A, %swap3A_9, %swap3A_10], %swap3A_13 {strides = array<i32>} : memref<2x1000x128xf32, #tpu.memory_space<vmem>>, vector<1x1000x128xf32>,
    %slice3A_14 = vector.extract_strided_slice %dot_general3A_5 {offsets = [0, 128], sizes = [1000, 128], strides = [1, 1]} : vector<1000x256xf32> to vector<1000x128xf32>
    %mul3A_15 = arith.mulf %get3A_8, %slice3A_14 : vector<1000x128xf32>
    %swap3A_16 = arith.constant 1 : index
    %swap3A_17 = arith.constant 0 : index
    %swap3A_18 = arith.constant 0 : index
    %swap3A_19 = vector.load %arg4[%swap3A_16, %swap3A_17, %swap3A_18] : memref<2x1000x128xf32, #tpu.memory_space<vmem>>, vector<1x1000x128xf32>
    %swap3A_20 = vector.shape_cast %swap3A_19 : vector<1x1000x128xf32> to vector<1000x128xf32>
    %swap3A_21 = vector.shape_cast %mul3A_15 : vector<1000x128xf32> to vector<1x1000x128xf32>
    tpu.vector_store %arg4[%swap3A_16, %swap3A_17, %swap3A_18], %swap3A_21 {strides = array<i32>} : memref<2x1000x128xf32, #tpu.memory_space<vmem>>, vector<1x1000x128xf32>,
    return
  }
  func.func @transform_0(%arg0: i32) -> (i32, i32) {
    %c0_i32 = arith.constant 0 : i32
    %c0_i32_0 = arith.constant 0 : i32
    return %arg0, %c0_i32 : i32, i32
  }
  func.func @transform_1(%arg0: i32) -> (i32, i32) {
    %c0_i32 = arith.constant 0 : i32
    %c0_i32_0 = arith.constant 0 : i32
    %c0_i32_1 = arith.constant 0 : i32
    return %c0_i32, %c0_i32_0 : i32, i32
  }
  func.func @transform_2(%arg0: i32) -> (i32, i32) {
    %c0_i32 = arith.constant 0 : i32
    %c0_i32_0 = arith.constant 0 : i32
    return %arg0, %c0_i32 : i32, i32
  }
  func.func @transform_3(%arg0: i32) -> (i32, i32, i32) {
    %c0_i32 = arith.constant 0 : i32
    %c0_i32_0 = arith.constant 0 : i32
    %c0_i32_1 = arith.constant 0 : i32
    return %c0_i32, %arg0, %c0_i32_0 : i32, i32, i32
  }
}

module attributes {stable_mosaic.version = 14 : i64} {
  func.func @_tc2_body(%arg0: i32, %arg1: memref<2x1000x128xf32, #tpu.memory_space<vmem>>, %arg2: memref<2x1000x128xf32, #tpu.memory_space<vmem>>, %arg3: memref<1000x128xf32, #tpu.memory_space<vmem>>, %arg4: memref<2x128xf32, #tpu.memory_space<vmem>>, %arg5: memref<256x256xf32, #tpu.memory_space<vmem>>, %arg6: memref<2x1000x128xf32, #tpu.memory_space<vmem>>) attributes {dimension_semantics = [#tpu.dimension_semantics<arbitrary>], iteration_bounds = array<i64: 10>, scalar_prefetch = 0 : i64, scratch_operands = 0 : i64, tpu.core_type = #tpu.core_type<tc>, window_params = [{transform_indices = @transform_0, window_bounds = array<i64: 2, 1000, 128>}, {transform_indices = @transform_1, window_bounds = array<i64: 2, 1000, 128>}, {transform_indices = @transform_2, window_bounds = array<i64: 1000, 128>}, {pipeline_mode = #tpu.pipeline_mode<synchronous>, transform_indices = @transform_3, window_bounds = array<i64: 2, 128>}, {pipeline_mode = #tpu.pipeline_mode<synchronous>, transform_indices = @transform_4, window_bounds = array<i64: 256, 256>}, {transform_indices = @transform_5, window_bounds = array<i64: 2, 1000, 128>}]} {
    %get3A = arith.constant 0 : index
    %get3A_0 = arith.constant 0 : index
    %get3A_1 = vector.load %arg3[%get3A, %get3A_0] : memref<1000x128xf32, #tpu.memory_space<vmem>>, vector<1000x128xf32>
    %get3A_2 = arith.constant 0 : index
    %get3A_3 = arith.constant 0 : index
    %get3A_4 = vector.load %arg4[%get3A_2, %get3A_3] : memref<2x128xf32, #tpu.memory_space<vmem>>, vector<2x128xf32>
    %get3A_5 = arith.constant 0 : index
    %get3A_6 = arith.constant 0 : index
    %get3A_7 = arith.constant 0 : index
    %get3A_8 = vector.load %arg1[%get3A_5, %get3A_6, %get3A_7] : memref<2x1000x128xf32, #tpu.memory_space<vmem>>, vector<1x1000x128xf32>
    %get3A_9 = vector.shape_cast %get3A_8 : vector<1x1000x128xf32> to vector<1000x128xf32>
    %get3A_10 = arith.constant 0 : index
    %get3A_11 = arith.constant 0 : index
    %get3A_12 = arith.constant 0 : index
    %get3A_13 = vector.load %arg2[%get3A_10, %get3A_11, %get3A_12] : memref<2x1000x128xf32, #tpu.memory_space<vmem>>, vector<1x1000x128xf32>
    %get3A_14 = vector.shape_cast %get3A_13 : vector<1x1000x128xf32> to vector<1000x128xf32>
    %add3A = arith.addf %get3A_9, %get3A_14 : vector<1000x128xf32>
    %mul3A = arith.mulf %get3A_1, %add3A : vector<1000x128xf32>
    %slice3A = vector.extract_strided_slice %get3A_4 {offsets = [0, 0], sizes = [1, 128], strides = [1, 1]} : vector<2x128xf32> to vector<1x128xf32>
    %squeeze3A = vector.shape_cast %slice3A : vector<1x128xf32> to vector<128xf32>
    %broadcast_in_dim3A = vector.shape_cast %squeeze3A : vector<128xf32> to vector<1x128xf32>
    %add3A_15 = vector.broadcast %broadcast_in_dim3A : vector<1x128xf32> to vector<1000x128xf32>
    %add3A_16 = arith.addf %mul3A, %add3A_15 : vector<1000x128xf32>
    %max3A = arith.constant 0.000000e+00 : f32
    %max3A_17 = vector.broadcast %max3A : f32 to vector<1000x128xf32>
    %max3A_18 = arith.maximumf %add3A_16, %max3A_17 : vector<1000x128xf32>
    %get3A_19 = arith.constant 1 : index
    %get3A_20 = arith.constant 0 : index
    %get3A_21 = arith.constant 0 : index
    %get3A_22 = vector.load %arg1[%get3A_19, %get3A_20, %get3A_21] : memref<2x1000x128xf32, #tpu.memory_space<vmem>>, vector<1x1000x128xf32>
    %get3A_23 = vector.shape_cast %get3A_22 : vector<1x1000x128xf32> to vector<1000x128xf32>
    %get3A_24 = arith.constant 1 : index
    %get3A_25 = arith.constant 0 : index
    %get3A_26 = arith.constant 0 : index
    %get3A_27 = vector.load %arg2[%get3A_24, %get3A_25, %get3A_26] : memref<2x1000x128xf32, #tpu.memory_space<vmem>>, vector<1x1000x128xf32>
    %get3A_28 = vector.shape_cast %get3A_27 : vector<1x1000x128xf32> to vector<1000x128xf32>
    %add3A_29 = arith.addf %get3A_23, %get3A_28 : vector<1000x128xf32>
    %mul3A_30 = arith.mulf %get3A_1, %add3A_29 : vector<1000x128xf32>
    %slice3A_31 = vector.extract_strided_slice %get3A_4 {offsets = [1, 0], sizes = [1, 128], strides = [1, 1]} : vector<2x128xf32> to vector<1x128xf32>
    %squeeze3A_32 = vector.shape_cast %slice3A_31 : vector<1x128xf32> to vector<128xf32>
    %broadcast_in_dim3A_33 = vector.shape_cast %squeeze3A_32 : vector<128xf32> to vector<1x128xf32>
    %add3A_34 = vector.broadcast %broadcast_in_dim3A_33 : vector<1x128xf32> to vector<1000x128xf32>
    %add3A_35 = arith.addf %mul3A_30, %add3A_34 : vector<1000x128xf32>
    %max3A_36 = arith.constant 0.000000e+00 : f32
    %max3A_37 = vector.broadcast %max3A_36 : f32 to vector<1000x128xf32>
    %max3A_38 = arith.maximumf %add3A_35, %max3A_37 : vector<1000x128xf32>
    %get3A_39 = arith.constant 0 : index
    %get3A_40 = arith.constant 0 : index
    %get3A_41 = vector.load %arg5[%get3A_39, %get3A_40] : memref<256x256xf32, #tpu.memory_space<vmem>>, vector<256x256xf32>
    %slice3A_42 = vector.extract_strided_slice %get3A_41 {offsets = [0, 0], sizes = [128, 256], strides = [1, 1]} : vector<256x256xf32> to vector<128x256xf32>
    %dot_general3A = arith.constant dense<0.000000e+00> : vector<1000x256xf32>
    %dot_general3A_43 = tpu.matmul %max3A_18, %slice3A_42, %dot_general3A {dimension_numbers = #tpu.dot_dimension_numbers<[1], [0], [0], [1], [0, 0, 1, 1], [], []>, transpose_lhs_hint = false} : vector<1000x128xf32>, vector<128x256xf32>, vector<1000x256xf32> -> vector<1000x256xf32>
    %slice3A_44 = vector.extract_strided_slice %get3A_41 {offsets = [128, 0], sizes = [128, 256], strides = [1, 1]} : vector<256x256xf32> to vector<128x256xf32>
    %dot_general3A_45 = arith.constant dense<0.000000e+00> : vector<1000x256xf32>
    %dot_general3A_46 = tpu.matmul %max3A_38, %slice3A_44, %dot_general3A_45 {dimension_numbers = #tpu.dot_dimension_numbers<[1], [0], [0], [1], [0, 0, 1, 1], [], []>, transpose_lhs_hint = false} : vector<1000x128xf32>, vector<128x256xf32>, vector<1000x256xf32> -> vector<1000x256xf32>
    %add3A_47 = arith.addf %dot_general3A_43, %dot_general3A_46 : vector<1000x256xf32>
    %slice3A_48 = vector.extract_strided_slice %add3A_47 {offsets = [0, 0], sizes = [1000, 128], strides = [1, 1]} : vector<1000x256xf32> to vector<1000x128xf32>
    %mul3A_49 = arith.mulf %get3A_1, %slice3A_48 : vector<1000x128xf32>
    %swap3A = arith.constant 0 : index
    %swap3A_50 = arith.constant 0 : index
    %swap3A_51 = arith.constant 0 : index
    %swap3A_52 = vector.load %arg6[%swap3A, %swap3A_50, %swap3A_51] : memref<2x1000x128xf32, #tpu.memory_space<vmem>>, vector<1x1000x128xf32>
    %swap3A_53 = vector.shape_cast %swap3A_52 : vector<1x1000x128xf32> to vector<1000x128xf32>
    %swap3A_54 = vector.shape_cast %mul3A_49 : vector<1000x128xf32> to vector<1x1000x128xf32>
    tpu.vector_store %arg6[%swap3A, %swap3A_50, %swap3A_51], %swap3A_54 {strides = array<i32>} : memref<2x1000x128xf32, #tpu.memory_space<vmem>>, vector<1x1000x128xf32>,
    %slice3A_55 = vector.extract_strided_slice %add3A_47 {offsets = [0, 128], sizes = [1000, 128], strides = [1, 1]} : vector<1000x256xf32> to vector<1000x128xf32>
    %mul3A_56 = arith.mulf %get3A_1, %slice3A_55 : vector<1000x128xf32>
    %swap3A_57 = arith.constant 1 : index
    %swap3A_58 = arith.constant 0 : index
    %swap3A_59 = arith.constant 0 : index
    %swap3A_60 = vector.load %arg6[%swap3A_57, %swap3A_58, %swap3A_59] : memref<2x1000x128xf32, #tpu.memory_space<vmem>>, vector<1x1000x128xf32>
    %swap3A_61 = vector.shape_cast %swap3A_60 : vector<1x1000x128xf32> to vector<1000x128xf32>
    %swap3A_62 = vector.shape_cast %mul3A_56 : vector<1000x128xf32> to vector<1x1000x128xf32>
    tpu.vector_store %arg6[%swap3A_57, %swap3A_58, %swap3A_59], %swap3A_62 {strides = array<i32>} : memref<2x1000x128xf32, #tpu.memory_space<vmem>>, vector<1x1000x128xf32>,
    return
  }
  func.func @transform_0(%arg0: i32) -> (i32, i32, i32) {
    %c0_i32 = arith.constant 0 : i32
    %c0_i32_0 = arith.constant 0 : i32
    %c0_i32_1 = arith.constant 0 : i32
    return %c0_i32, %arg0, %c0_i32_0 : i32, i32, i32
  }
  func.func @transform_1(%arg0: i32) -> (i32, i32, i32) {
    %c0_i32 = arith.constant 0 : i32
    %c0_i32_0 = arith.constant 0 : i32
    %c0_i32_1 = arith.constant 0 : i32
    return %c0_i32, %arg0, %c0_i32_0 : i32, i32, i32
  }
  func.func @transform_2(%arg0: i32) -> (i32, i32) {
    %c0_i32 = arith.constant 0 : i32
    %c0_i32_0 = arith.constant 0 : i32
    return %arg0, %c0_i32 : i32, i32
  }
  func.func @transform_3(%arg0: i32) -> (i32, i32) {
    %c0_i32 = arith.constant 0 : i32
    %c0_i32_0 = arith.constant 0 : i32
    %c0_i32_1 = arith.constant 0 : i32
    return %c0_i32, %c0_i32_0 : i32, i32
  }
  func.func @transform_4(%arg0: i32) -> (i32, i32) {
    %c0_i32 = arith.constant 0 : i32
    %c0_i32_0 = arith.constant 0 : i32
    %c0_i32_1 = arith.constant 0 : i32
    return %c0_i32, %c0_i32_0 : i32, i32
  }
  func.func @transform_5(%arg0: i32) -> (i32, i32, i32) {
    %c0_i32 = arith.constant 0 : i32
    %c0_i32_0 = arith.constant 0 : i32
    %c0_i32_1 = arith.constant 0 : i32
    return %c0_i32, %arg0, %c0_i32_0 : i32, i32, i32
  }
}

module attributes {stable_mosaic.version = 14 : i64} {
  func.func @_tc3_body(%arg0: i32, %arg1: memref<2x1000x128xf32, #tpu.memory_space<vmem>>, %arg2: memref<2x1000x128xf32, #tpu.memory_space<vmem>>, %arg3: memref<1000x128xf32, #tpu.memory_space<vmem>>, %arg4: memref<2x128xf32, #tpu.memory_space<vmem>>, %arg5: memref<256x128xf32, #tpu.memory_space<vmem>>, %arg6: memref<1x128xf32, #tpu.memory_space<vmem>>, %arg7: memref<1000x128xf32, #tpu.memory_space<vmem>>) attributes {dimension_semantics = [#tpu.dimension_semantics<arbitrary>], iteration_bounds = array<i64: 10>, scalar_prefetch = 0 : i64, scratch_operands = 0 : i64, tpu.core_type = #tpu.core_type<tc>, window_params = [{transform_indices = @transform_0, window_bounds = array<i64: 2, 1000, 128>}, {transform_indices = @transform_1, window_bounds = array<i64: 2, 1000, 128>}, {transform_indices = @transform_2, window_bounds = array<i64: 1000, 128>}, {pipeline_mode = #tpu.pipeline_mode<synchronous>, transform_indices = @transform_3, window_bounds = array<i64: 2, 128>}, {pipeline_mode = #tpu.pipeline_mode<synchronous>, transform_indices = @transform_4, window_bounds = array<i64: 256, 128>}, {pipeline_mode = #tpu.pipeline_mode<synchronous>, transform_indices = @transform_5, window_bounds = array<i64: 1, 128>}, {transform_indices = @transform_6, window_bounds = array<i64: 1000, 128>}]} {
    %get3A = arith.constant 0 : index
    %get3A_0 = arith.constant 0 : index
    %get3A_1 = vector.load %arg3[%get3A, %get3A_0] : memref<1000x128xf32, #tpu.memory_space<vmem>>, vector<1000x128xf32>
    %get3A_2 = arith.constant 0 : index
    %get3A_3 = arith.constant 0 : index
    %get3A_4 = vector.load %arg4[%get3A_2, %get3A_3] : memref<2x128xf32, #tpu.memory_space<vmem>>, vector<2x128xf32>
    %get3A_5 = arith.constant 0 : index
    %get3A_6 = arith.constant 0 : index
    %get3A_7 = arith.constant 0 : index
    %get3A_8 = vector.load %arg1[%get3A_5, %get3A_6, %get3A_7] : memref<2x1000x128xf32, #tpu.memory_space<vmem>>, vector<1x1000x128xf32>
    %get3A_9 = vector.shape_cast %get3A_8 : vector<1x1000x128xf32> to vector<1000x128xf32>
    %get3A_10 = arith.constant 0 : index
    %get3A_11 = arith.constant 0 : index
    %get3A_12 = arith.constant 0 : index
    %get3A_13 = vector.load %arg2[%get3A_10, %get3A_11, %get3A_12] : memref<2x1000x128xf32, #tpu.memory_space<vmem>>, vector<1x1000x128xf32>
    %get3A_14 = vector.shape_cast %get3A_13 : vector<1x1000x128xf32> to vector<1000x128xf32>
    %add3A = arith.addf %get3A_9, %get3A_14 : vector<1000x128xf32>
    %mul3A = arith.mulf %get3A_1, %add3A : vector<1000x128xf32>
    %slice3A = vector.extract_strided_slice %get3A_4 {offsets = [0, 0], sizes = [1, 128], strides = [1, 1]} : vector<2x128xf32> to vector<1x128xf32>
    %squeeze3A = vector.shape_cast %slice3A : vector<1x128xf32> to vector<128xf32>
    %broadcast_in_dim3A = vector.shape_cast %squeeze3A : vector<128xf32> to vector<1x128xf32>
    %add3A_15 = vector.broadcast %broadcast_in_dim3A : vector<1x128xf32> to vector<1000x128xf32>
    %add3A_16 = arith.addf %mul3A, %add3A_15 : vector<1000x128xf32>
    %max3A = arith.constant 0.000000e+00 : f32
    %max3A_17 = vector.broadcast %max3A : f32 to vector<1000x128xf32>
    %max3A_18 = arith.maximumf %add3A_16, %max3A_17 : vector<1000x128xf32>
    %get3A_19 = arith.constant 1 : index
    %get3A_20 = arith.constant 0 : index
    %get3A_21 = arith.constant 0 : index
    %get3A_22 = vector.load %arg1[%get3A_19, %get3A_20, %get3A_21] : memref<2x1000x128xf32, #tpu.memory_space<vmem>>, vector<1x1000x128xf32>
    %get3A_23 = vector.shape_cast %get3A_22 : vector<1x1000x128xf32> to vector<1000x128xf32>
    %get3A_24 = arith.constant 1 : index
    %get3A_25 = arith.constant 0 : index
    %get3A_26 = arith.constant 0 : index
    %get3A_27 = vector.load %arg2[%get3A_24, %get3A_25, %get3A_26] : memref<2x1000x128xf32, #tpu.memory_space<vmem>>, vector<1x1000x128xf32>
    %get3A_28 = vector.shape_cast %get3A_27 : vector<1x1000x128xf32> to vector<1000x128xf32>
    %add3A_29 = arith.addf %get3A_23, %get3A_28 : vector<1000x128xf32>
    %mul3A_30 = arith.mulf %get3A_1, %add3A_29 : vector<1000x128xf32>
    %slice3A_31 = vector.extract_strided_slice %get3A_4 {offsets = [1, 0], sizes = [1, 128], strides = [1, 1]} : vector<2x128xf32> to vector<1x128xf32>
    %squeeze3A_32 = vector.shape_cast %slice3A_31 : vector<1x128xf32> to vector<128xf32>
    %broadcast_in_dim3A_33 = vector.shape_cast %squeeze3A_32 : vector<128xf32> to vector<1x128xf32>
    %add3A_34 = vector.broadcast %broadcast_in_dim3A_33 : vector<1x128xf32> to vector<1000x128xf32>
    %add3A_35 = arith.addf %mul3A_30, %add3A_34 : vector<1000x128xf32>
    %max3A_36 = arith.constant 0.000000e+00 : f32
    %max3A_37 = vector.broadcast %max3A_36 : f32 to vector<1000x128xf32>
    %max3A_38 = arith.maximumf %add3A_35, %max3A_37 : vector<1000x128xf32>
    %get3A_39 = arith.constant 0 : index
    %get3A_40 = arith.constant 0 : index
    %get3A_41 = vector.load %arg5[%get3A_39, %get3A_40] : memref<256x128xf32, #tpu.memory_space<vmem>>, vector<256x128xf32>
    %slice3A_42 = vector.extract_strided_slice %get3A_41 {offsets = [0, 0], sizes = [128, 128], strides = [1, 1]} : vector<256x128xf32> to vector<128x128xf32>
    %dot_general3A = arith.constant dense<0.000000e+00> : vector<1000x128xf32>
    %dot_general3A_43 = tpu.matmul %max3A_18, %slice3A_42, %dot_general3A {dimension_numbers = #tpu.dot_dimension_numbers<[1], [0], [0], [1], [0, 0, 1, 1], [], []>, transpose_lhs_hint = false} : vector<1000x128xf32>, vector<128x128xf32>, vector<1000x128xf32> -> vector<1000x128xf32>
    %slice3A_44 = vector.extract_strided_slice %get3A_41 {offsets = [128, 0], sizes = [128, 128], strides = [1, 1]} : vector<256x128xf32> to vector<128x128xf32>
    %dot_general3A_45 = arith.constant dense<0.000000e+00> : vector<1000x128xf32>
    %dot_general3A_46 = tpu.matmul %max3A_38, %slice3A_44, %dot_general3A_45 {dimension_numbers = #tpu.dot_dimension_numbers<[1], [0], [0], [1], [0, 0, 1, 1], [], []>, transpose_lhs_hint = false} : vector<1000x128xf32>, vector<128x128xf32>, vector<1000x128xf32> -> vector<1000x128xf32>
    %add3A_47 = arith.addf %dot_general3A_43, %dot_general3A_46 : vector<1000x128xf32>
    %get3A_48 = arith.constant 0 : index
    %get3A_49 = arith.constant 0 : index
    %get3A_50 = vector.load %arg6[%get3A_48, %get3A_49] : memref<1x128xf32, #tpu.memory_space<vmem>>, vector<1x128xf32>
    %add3A_51 = vector.broadcast %get3A_50 : vector<1x128xf32> to vector<1000x128xf32>
    %add3A_52 = arith.addf %add3A_47, %add3A_51 : vector<1000x128xf32>
    %swap3A = arith.constant 0 : index
    %swap3A_53 = arith.constant 0 : index
    %swap3A_54 = vector.load %arg7[%swap3A, %swap3A_53] : memref<1000x128xf32, #tpu.memory_space<vmem>>, vector<1000x128xf32>
    tpu.vector_store %arg7[%swap3A, %swap3A_53], %add3A_52 {strides = array<i32>} : memref<1000x128xf32, #tpu.memory_space<vmem>>, vector<1000x128xf32>,
    return
  }
  func.func @transform_0(%arg0: i32) -> (i32, i32, i32) {
    %c0_i32 = arith.constant 0 : i32
    %c0_i32_0 = arith.constant 0 : i32
    %c0_i32_1 = arith.constant 0 : i32
    return %c0_i32, %arg0, %c0_i32_0 : i32, i32, i32
  }
  func.func @transform_1(%arg0: i32) -> (i32, i32, i32) {
    %c0_i32 = arith.constant 0 : i32
    %c0_i32_0 = arith.constant 0 : i32
    %c0_i32_1 = arith.constant 0 : i32
    return %c0_i32, %arg0, %c0_i32_0 : i32, i32, i32
  }
  func.func @transform_2(%arg0: i32) -> (i32, i32) {
    %c0_i32 = arith.constant 0 : i32
    %c0_i32_0 = arith.constant 0 : i32
    return %arg0, %c0_i32 : i32, i32
  }
  func.func @transform_3(%arg0: i32) -> (i32, i32) {
    %c0_i32 = arith.constant 0 : i32
    %c0_i32_0 = arith.constant 0 : i32
    %c0_i32_1 = arith.constant 0 : i32
    return %c0_i32, %c0_i32_0 : i32, i32
  }
  func.func @transform_4(%arg0: i32) -> (i32, i32) {
    %c0_i32 = arith.constant 0 : i32
    %c0_i32_0 = arith.constant 0 : i32
    %c0_i32_1 = arith.constant 0 : i32
    return %c0_i32, %c0_i32_0 : i32, i32
  }
  func.func @transform_5(%arg0: i32) -> (i32, i32) {
    %c0_i32 = arith.constant 0 : i32
    %c0_i32_0 = arith.constant 0 : i32
    %c0_i32_1 = arith.constant 0 : i32
    return %c0_i32, %c0_i32_0 : i32, i32
  }
  func.func @transform_6(%arg0: i32) -> (i32, i32) {
    %c0_i32 = arith.constant 0 : i32
    %c0_i32_0 = arith.constant 0 : i32
    return %arg0, %c0_i32 : i32, i32
  }
}

</mosaic_0001>

<sc_bundles>
// kernel: kernel.12.cloned.1.call-start
scs
__scs_entry_jumppad:
0x0: {  	(pc) =	sbr.rel $0x88, $3  }
0x1: {  	(tag) =	ssettag $0x0;
	lr =	simm.s32 $0x1  }
0x2: {  	[smem:$0x3F99] =	sst lr;
	_ =	strace $0xD0000000  }
0x3: {  	_ = 	snop  }
0x4: {  	_ = 	snop  }
0x5: {  	_ = 	snop  }
0x6: {  	_ = 	snop  }
0x7: {  	_ = 	snop  }
__scs_overlays_trampoline_lowered:
0x8: {  	[smem:$0x3FA8] =	sst s0  }
0x9: {  	[smem:$0x3FA9] =	sst s1  }
0xa: {  	[smem:$0x3FAA] =	sst s2  }
0xb: {  	[smem:$0x3FAB] =	sst s3  }
0xc: {  	[smem:$0x3FAC] =	sst s4  }
0xd: {  	[smem:$0x3FAD] =	sst s5  }
0xe: {  	[smem:$0x3FAE] =	sst s6  }
0xf: {  	[smem:$0x3FAF] =	sst s7  }
0x10: {  	[smem:$0x3FB0] =	sst s8  }
0x11: {  	[smem:$0x3FB1] =	sst s9;
	s0 =	simm.s32 @!p0 $0x0  }
0x12: {  	s1 =	sld [smem:$0x3F97];
	s0 =	simm.s32 @p0 $0x1  }
0x13: {  	[smem:$0x3FB2] =	sst s0;
	s0 =	simm.s32 @!p1 $0x0  }
0x14: {  	s2 =	sld [smem:$0x3F96];
	s0 =	simm.s32 @p1 $0x1  }
0x15: {  	[smem:$0x3FB3] =	sst s0;
	s0 =	simm.s32 @!p2 $0x0  }
0x16: {  	s3 =	sld [smem:$0x3FDB];
	s0 =	simm.s32 @p2 $0x1  }
0x17: {  	s4 =	simm.s32 $0x1BF5;
	[smem:$0x3FB5] =	sst s0  }
0x18: {  	s0 =	sld [smem:$0x3F98];
	_ =	swait.ge [sflag:s4], $0x0  }
0x19: {  	s7 =	sld [smem:$0x3F99]  }
0x1a: {  	s8 =	sadd.s32 $0xFFFFE003, lr  }
0x1b: {  	s9 =	sadd.s32 $0xFFFFFEF7, lr;
	s5 =	simm.s32 $0xFFFFFFFF;
	p2 =	slt.u32 s8, $0xFFFFF086  }
0x1c: {  	p1 =	slt.u32 s9, $0xF7A;
	s5 =	simm.s32 @!p2 $0x0  }
0x1d: {  	s5 =	simm.s32 @p1 $0x1;
	p0 =	seq.s32 s7, s2  }
0x1e: {  	s7 =	smul.u32 @!p0 $0xF7A, s2;
	p2 =	seq.s32 @!p0 s5, $0x0  }
0x1f: {  	s9 =	smul.u32 $0xF7A, s1;
	s8 =	simm.s32 @!p0 $0x1BF5;
	p2 =	por !p2, p0  }
0x20: {  	[sflag:s8] =	ssyncset.s32 @!p0 $0xFFFFF086;
	s6 =	sadd.s32 @!p0 s3, s7;
	s7 =	simm.s32 @!p0 $0x108  }
0x21: {  	s3 =	sadd.s32 s3, s9;
	s6 =	sadd.s32 @!p0 $0x88, s6;
	s7 =	simm.s32 @p2 $0x1082  }
0x22: {  	[simem:s7], [sflag:s8] =	dma.local @!p0 [hbm:s6], $0xF7A  }
0x23: {  	s9 =	sor.u32 $0xD0000000, s2;
	s6 =	simm.s32 $0x108;
	_ =	swait.ge @!p0 [sflag:s8], $0x0  }
0x24: {  	s3 =	sadd.s32 $0x88, s3;
	s6 =	simm.s32 @!p1 $0x1082;
	[sflag:s4] =	ssyncset.s32 $0xFFFFF086  }
0x25: {  	[simem:s6], [sflag:s4] =	dma.local [hbm:s3], $0xF7A  }
0x26: {  	[smem:$0x3F99] =	sst s1;
	(tag) =	ssettag s2;
	_ =	strace s9  }
0x27: {  	s1 =	sld [smem:$0x3FA9]  }
0x28: {  	s2 =	sld [smem:$0x3FAA]  }
0x29: {  	s4 =	sld [smem:$0x3FAC]  }
0x2a: {  	p0 =	seq.s32 s5, $0x0;
	s5 =	sld [smem:$0x3FAD]  }
0x2b: {  	s6 =	sld [smem:$0x3FAE]  }
0x2c: {  	s7 =	sld [smem:$0x3FAF]  }
0x2d: {  	s3 =	simm.s32 $0x108;
	s8 =	sld [smem:$0x3FB0]  }
0x2e: {  	s3 =	simm.s32 @!p0 $0x1082;
	s9 =	sld [smem:$0x3FB1]  }
0x2f: {  	lr =	sadd.s32 s0, s3;
	s0 =	sld [smem:$0x3FA8]  }
0x30: {  	s3 =	sld [smem:$0x3FAB]  }
0x31: {  	[smem:$0x3FB4] =	sst s10  }
0x32: {  	s10 =	sld [smem:$0x3FB2];
	_ =	sdelay $0x3  }
0x33: {  	p0 =	seq.s32 s10, $0x1;
	s10 =	sld [smem:$0x3FB4];
	_ =	sdelay $0x3  }
0x34: {  	[smem:$0x3FB4] =	sst s10  }
0x35: {  	s10 =	sld [smem:$0x3FB3];
	_ =	sdelay $0x3  }
0x36: {  	p1 =	seq.s32 s10, $0x1;
	s10 =	sld [smem:$0x3FB4];
	_ =	sdelay $0x3  }
0x37: {  	[smem:$0x3FB4] =	sst s10  }
0x38: {  	s10 =	sld [smem:$0x3FB5]  }
0x39: {  	_ = 	snop;
	(pc) =	sbr.ind lr, $3  }
0x3a: {  	_ = 	snop  }
0x3b: {  	_ = 	snop  }
0x3c: {  	p2 =	seq.s32 s10, $0x1;
	s10 =	sld [smem:$0x3FB4]  }
0x3d: {  	_ =	shalt  }
0x3e: {  	_ =	shalt  }
0x3f: {  	_ =	shalt  }
0x40: {  	_ =	shalt  }
0x41: {  	_ =	shalt  }
0x42: {  	_ =	shalt  }
0x43: {  	_ =	shalt  }
0x44: {  	_ =	shalt  }
0x45: {  	_ =	shalt  }
0x46: {  	_ =	shalt  }
0x47: {  	_ =	shalt  }
0x48: {  	_ =	shalt  }
0x49: {  	_ =	shalt  }
0x4a: {  	_ =	shalt  }
0x4b: {  	_ =	shalt  }
0x4c: {  	_ =	shalt  }
0x4d: {  	_ =	shalt  }
0x4e: {  	_ =	shalt  }
0x4f: {  	_ =	shalt  }
0x50: {  	_ =	shalt  }
0x51: {  	_ =	shalt  }
0x52: {  	_ =	shalt  }
0x53: {  	_ =	shalt  }
0x54: {  	_ =	shalt  }
0x55: {  	_ =	shalt  }
0x56: {  	_ =	shalt  }
0x57: {  	_ =	shalt  }
0x58: {  	_ =	shalt  }
0x59: {  	_ =	shalt  }
0x5a: {  	_ =	shalt  }
0x5b: {  	_ =	shalt  }
0x5c: {  	_ =	shalt  }
0x5d: {  	_ =	shalt  }
0x5e: {  	_ =	shalt  }
0x5f: {  	_ =	shalt  }
0x60: {  	_ =	shalt  }
0x61: {  	_ =	shalt  }
0x62: {  	_ =	shalt  }
0x63: {  	_ =	shalt  }
0x64: {  	_ =	shalt  }
0x65: {  	_ =	shalt  }
0x66: {  	_ =	shalt  }
0x67: {  	_ =	shalt  }
0x68: {  	_ =	shalt  }
0x69: {  	_ =	shalt  }
0x6a: {  	_ =	shalt  }
0x6b: {  	_ =	shalt  }
0x6c: {  	_ =	shalt  }
0x6d: {  	_ =	shalt  }
0x6e: {  	_ =	shalt  }
0x6f: {  	_ =	shalt  }
0x70: {  	_ =	shalt  }
0x71: {  	_ =	shalt  }
0x72: {  	_ =	shalt  }
0x73: {  	_ =	shalt  }
0x74: {  	_ =	shalt  }
0x75: {  	_ =	shalt  }
0x76: {  	_ =	shalt  }
0x77: {  	_ =	shalt  }
0x78: {  	_ =	shalt  }
0x79: {  	_ =	shalt  }
0x7a: {  	_ =	shalt  }
0x7b: {  	_ =	shalt  }
0x7c: {  	_ =	shalt  }
0x7d: {  	_ =	shalt  }
0x7e: {  	_ =	shalt  }
0x7f: {  	_ =	shalt  }
0x80: {  	_ =	shalt  }
0x81: {  	_ =	shalt  }
0x82: {  	_ =	shalt  }
0x83: {  	_ =	shalt  }
0x84: {  	_ =	shalt  }
0x85: {  	_ =	shalt  }
0x86: {  	_ =	shalt  }
0x87: {  	_ =	shalt  }
.Lfunc_end0:
.L_simem_size_0:
called_computation.1_lowered:
.L_overlay_start_0:
0x88: {  	s2 =	sld [smem:$0x3FD9]  }
0x89: {  	s3 =	sld [smem:$0x3FFE];
	_ =	sdelay $0x1  }
0x8a: {  	s1 =	srdreg.scid  }
0x8b: {  	s0 =	sand.u32 $0x1, s1  }
0x8c: {  	s17 =	sshll.u32 s0, $0xA;
	s2 =	sadd.s32 s3, s2  }
0x8d: {  	s2 =	sadd.s32 s2, s17  }
0x8e: {  	[smem:$0x3FC0] =	sst s2  }
0x8f: {  	_ = 	snop  }
0x90: {  	s2 =	sld [smem:$0x3FD0];
	(tm) =	ssettm $0x1  }
0x91: {  	s18 =	sld [smem:$0x3FFB];
	_ =	sdelay $0x3  }
0x92: {  	_ =	strace s18  }
0x93: {  	s3 =	sld [smem:$0x3FFC];
	_ =	sdelay $0x3  }
0x94: {  	_ =	strace s3  }
0x95: {  	s3 =	sld [smem:$0x3FFD];
	_ =	sdelay $0x3  }
0x96: {  	_ =	strace s3  }
0x97: {  	_ =	strace $0x8FFFFFFF  }
0x98: {  	s19 =	sld [smem:$0x3FDB];
	_ =	sdelay $0x1  }
0x99: {  	s4 =	simm.s32 $_scs_section_size  }
0x9a: {  	s5 =	simm.s32 $_size__tile_overlayer_lowered;
	s6 =	simm.s32 $_tile_overlayer_lowered  }
0x9b: {  	s22 =	simm.s32 $0x1BFF;
	s21 =	sshll.u32 s6, $0x1;
	s3 =	sadd.s32 s4, s19  }
0x9c: {  	s7 =	simm.s32 $0x0;
	s20 =	sshll.u32 s5, $0x1;
	s5 =	sadd.s32 s21, s3  }
0x9d: {  	[timem:s7], [sflag:s22] =	dma.local [hbm:s5], s20  }
0x9e: {  	_ =	swait.ge [sflag:s22], s20  }
0x9f: {  	s4 =	ssub.s32 $0x0, s20;
	[sflag:s22] =	ssyncset.done $0x0  }
0xa0: {  	[sflag:s22] =	ssyncadd.s32 s4;
	_ =	sdelay $0x1  }
0xa1: {  	s23 =	simm.s32 $0x1B8B  }
0xa2: {  	_ =	swait.ge [sflag:s23], $0x1  }
0xa3: {  	[sflag:s23] =	ssyncset.done $0x0  }
0xa4: {  	s25 =	simm.s32 $0x1B8E;
	s24 =	sld [smem:$0x3FFE];
	[sflag:s23] =	ssyncadd.s32 $0xFFFFFFFF  }
0xa5: {  	s26 =	simm.s32 $execute0_lowered;
	[smem:$0x3FD2] =	sst s25  }
0xa6: {  	s5 =	sshll.u32 s26, $0x1;
	_ =	strace $0x80000049;
	[dreg:$0x1] =	wrdreg $0xFFFFFFFF  }
0xa7: {  	s28 =	simm.s32 $_size_execute0_lowered;
	s3 =	sadd.s32 s3, s5;
	[dreg:$0x0] =	wrdreg $0x0  }
0xa8: {  	s5 =	sshll.u32 s28, $0x1;
	[dreg:$0x2] =	wrdreg s3  }
0xa9: {  	[dreg:$0x3] =	wrdreg s5  }
0xaa: {  	[dreg:$0x4] =	wrdreg $0xC0  }
0xab: {  	_ =	task [dreg:s7], $0x5FFFF  }
0xac: {  	[dreg:$0x1] =	wrdreg $0xFFFFFFFF  }
0xad: {  	[dreg:$0x0] =	wrdreg $0x60  }
0xae: {  	[dreg:$0x2] =	wrdreg s24  }
0xaf: {  	[dreg:$0x3] =	wrdreg s2  }
0xb0: {  	[dreg:$0x4] =	wrdreg $0x0  }
0xb1: {  	[dreg:$0x5] =	wrdreg $0x9  }
0xb2: {  	_ =	task.clear_ibuf [dreg:s7], $0x6FFFF;
	_ =	strace $0x90000049  }
0xb3: {  	s29 =	simm.s32 $0x9;
	_ =	strace $0x8000004B  }
0xb4: {  	_ =	swait.ge [sflag:s29], $0x1  }
0xb5: {  	[sflag:s29] =	ssyncadd.s32 $0xFFFFFFFF  }
0xb6: {  	_ =	strace $0x9000004B  }
0xb7: {  	_ =	sfence  }
0xb8: {  	s30 =	sld [smem:$0x0];
	_ =	sdelay $0x2  }
0xb9: {  	s31 =	sshll.u32 s1, $0xD;
	s1 =	sshrl.u32 s1, $0x2  }
0xba: {  	s3 =	sand.u32 $0x4000, s31;
	s1 =	sadd.s32 s1, s30  }
0xbb: {  	s0 =	sor.u32 s3, s0;
	s1 =	sshll.u32 s1, $0x11  }
0xbc: {  	s0 =	sor.u32 s1, s0  }
0xbd: {  	s0 =	sadd.s32 $0x8F2B, s0  }
0xbe: {  	[sflag:s0] =	ssyncadd.remote.s32 $0x1  }
0xbf: {  	_ =	sfence.sel $0xFFFF  }
0xc0: {  	[dreg:$0x0] =	wrdreg $0xFFFFFFFF;
	(pc) =	sbr.abs _section_cstart, $3  }
0xc1: {  	[dreg:$0x1] =	wrdreg $0xFFFFFFFF  }
0xc2: {  	_ =	task.clear_ibuf [dreg:s7], $0x2FFFF;
	_ =	strace $0x9FFFFFFF  }
0xc3: {  	(tm) =	ssettm $0x7FFFFFFF  }
tec
execute0_lowered:
.L_overlay_start_1:
0x0: {  	(tag) =	ssettag $0x1  }
0x1: {  	s0 =	rddreg [dreg:$0x0]  }
0x2: {  	s1 =	rddreg [dreg:$0x1]  }
0x3: {  	s2 =	rddreg [dreg:$0x2]  }
0x4: {  	s4 =	srdreg.scid;
	s12 =	stileid.u32;
	s3 =	simm.s32 $0x0  }
0x5: {  	s28 =	simm.s32 $0x14280;
	s29 =	simm.s32 $0x14100;
	s5 =	smul.u32 $0x2800, s12  }
0x6: {  	s30 =	simm.s32 $0x14300;
	s31 =	simm.s32 $0x14180;
	s8 =	smul.u32 $0x50000, s12  }
0x7: {  	s6 =	sand.u32 $0x1, s4;
	[smem:$0x7FF] =	sst s3;
	s10 =	smul.u32 $0x5000, s12  }
0x8: {  	s4 =	sadd.s32 $0x17200, s0;
	s9 =	sadd.s32 $0xD200, s0;
	s7 =	smul.u32 $0x28000, s6  }
0x9: {  	_ =	strace $0x8000004A;
	s24 =	ssub.s32 $0x2, s6;
	s25 =	sshrl.u32 s8, $0x2  }
0xa: {  	s26 =	sshrl.u32 s24, $0x1;
	s16 =	sshrl.u32 s10, $0x3;
	s8 =	simm.s32 $0x18400  }
0xb: {  	s5 =	sadd.s32 s5, s7;
	s7 =	ssub.s32 s24, s26;
	s17 =	sadd.s32 s1, s16  }
0xc: {  	s18 =	sor.u32 $0x10, s16;
	s10 =	sadd.s32 s9, s16;
	s20 =	sor.u32 $0x20, s16  }
0xd: {  	s22 =	sor.u32 $0x30, s16;
	s0 =	sadd.s32 s5, s0;
	[dreg:$0x8] =	wrdreg s17  }
0xe: {  	s5 =	sadd.s32 s25, s2;
	[dreg:$0x9] =	wrdreg s10;
	s19 =	sadd.s32 s1, s18  }
0xf: {  	s21 =	sadd.s32 s1, s20;
	s23 =	sadd.s32 s9, s20;
	[dreg:$0xa] =	wrdreg s19  }
0x10: {  	s24 =	sadd.s32 s1, s22;
	s25 =	smul.u32 $0xA00, s12;
	[dreg:$0xc] =	wrdreg s21  }
0x11: {  	s26 =	smax.u32 s7, $0x1;
	s7 =	simm.s32 $0x4;
	[dreg:$0xd] =	wrdreg s23  }
0x12: {  	s10 =	simm.s32 $0x5;
	s12 =	simm.s32 $0x6;
	[dreg:$0xe] =	wrdreg s24  }
0x13: {  	s11 =	sadd.s32 $0x4000, s5;
	s13 =	sadd.s32 $0x8000, s5;
	[dreg:$0x11] =	wrdreg s26  }
0x14: {  	s14 =	sadd.s32 $0xC000, s5;
	s15 =	sadd.s32 $0x10000, s5;
	[dreg:$0x4] =	wrdreg s11  }
0x15: {  	s0 =	sadd.s32 $0x65400, s0;
	s23 =	simm.s32 $0x7;
	[dreg:$0x5] =	wrdreg s13  }
0x16: {  	s24 =	simm.s32 $0x14000;
	s26 =	simm.s32 $0x14080;
	[dreg:$0x6] =	wrdreg s14  }
0x17: {  	[dreg:$0x7] =	wrdreg s15;
	s11 =	smul.u32 $0x2710, s6;
	s6 =	sadd.s32 s9, s18  }
.Ltmp0:
0x18: {  	[dreg:$0x10] =	wrdreg s0;
	s20 =	sadd.s32 s25, s9;
	(pc) =	sbr.rel .LBB2_1-.Ltmp0, $4  }
0x19: {  	s21 =	sadd.s32 s25, s1;
	s25 =	simm.s32 $0x14200;
	s0 =	simm.s32 $0x14380  }
0x1a: {  	s1 =	simm.s32 $0x3;
	s13 =	simm.s32 $0x0;
	[dreg:$0xb] =	wrdreg s6  }
0x1b: {  	s6 =	sadd.s32 s9, s22;
	s22 =	simm.s32 $0x14400;
	s9 =	simm.s32 $0x1  }
0x1c: {  	v1 =	vimm.f32 $0.0e+00;
	[dreg:$0xf] =	wrdreg s6;
	s6 =	simm.s32 $0x80;
	v0 =	vmov s11;
	s11 =	simm.s32 $0x2  }
.LBB2_6:
0x1d: {  	_ =	swait.ge [sflag:s11], $0x4000  }
0x1e: {  	[sflag:s11] =	ssyncset.done $0x0  }
0x1f: {  	[sflag:s11] =	ssyncadd.s32 $0xFFFFC000  }
0x20: {  	[spmem:s2] =	stream.indirect.scatter.add.f32 [tilespmem:s8], [sflag:$0x7], $0x80, s0, s6, $0xb8;
	[tilespmem:$0x1C400] =	vst v63  }
0x21: {  	_ =	swait.ge [sflag:s23], $0x4000  }
0x22: {  	[sflag:s23] =	ssyncset.done $0x0  }
0x23: {  	s14 =	stileid.u32;
	[sflag:s23] =	ssyncadd.s32 $0xFFFFC000  }
0x24: {  	s14 =	sshll.u32 s14, $0x6;
	[bflag:$0x0] =	sbarrier.arrive $0xFFFF  }
0x25: {  	s15 =	sshrl.u32 s5, $0x3;
	s14 =	sor.u32 $0x1C07, s14;
	s16 =	rddreg [dreg:$0x10]  }
0x26: {  	[hbm:s16], [sflag:s14] =	dma.local [spmem:s15], $0x2800  }
0x27: {  	_ =	swait.ge [sflag:s23], $0x2800  }
0x28: {  	s13 =	sadd.s32 $0x1, s13;
	s19 =	rddreg [dreg:$0x11]  }
0x29: {  	p0 =	sne.s32 s13, s19  }
.Ltmp1:
0x2a: {  	_ = 	snop;
	(pc) =	sbr.rel @!p0 .LBB2_7-.Ltmp1, $3  }
0x2b: {  	_ =	sdelay $0x1  }
0x2c: {  	[sflag:s23] =	ssyncset.done $0x0  }
0x2d: {  	[sflag:s23] =	ssyncadd.s32 $0xFFFFD800  }
.LBB2_1:
0x2e: {  	s14 =	sand.u32 $0xFE00, s3  }
0x2f: {  	s15 =	sand.u32 $0x70, s3;
	s16 =	sshrl.u32 s14, $0x2  }
0x30: {  	s14 =	simm.s32 $0x40;
	s16 =	sor.u32 s15, s16;
	s15 =	simm.s32 $0x0  }
.LBB2_2:
0x31: {  	p0 =	sne.s32 s14, $0xFFC0  }
0x32: {  	[tilespmem:s16+$0x14400] =	vst v1;
	s15 =	sadd.s32 $0x10, s15;
	s16 =	smov.u32 s14;
	s14 =	sadd.s32 $0x40, s14  }
.Ltmp2:
0x33: {  	(pc) =	sbr.rel @p0 .LBB2_2-.Ltmp2, $4  }
0x34: {  	_ = 	snop  }
0x35: {  	s16 =	sand.u32 $0xFE00, s16  }
0x36: {  	s17 =	sand.u32 $0x70, s15;
	s16 =	sshrl.u32 s16, $0x2  }
0x37: {  	s16 =	sor.u32 s17, s16  }
0x38: {  	[tilespmem:s16+$0x14400] =	vst v1  }
0x39: {  	[spmem:s5] =	stream.linear.scatter [tilespmem:s22], [sflag:$0x7], $0x4000, $0x38;
	[tilespmem:$0x1C400] =	vst v63  }
0x3a: {  	_ =	swait.ge [sflag:s23], $0x4000  }
0x3b: {  	[sflag:s23] =	ssyncset.done $0x0  }
0x3c: {  	s14 =	rddreg [dreg:$0x4];
	[sflag:s23] =	ssyncadd.s32 $0xFFFFC000  }
0x3d: {  	[spmem:s14] =	stream.linear.scatter [tilespmem:s22], [sflag:$0x7], $0x4000, $0x38;
	[tilespmem:$0x1C400] =	vst v63  }
0x3e: {  	_ =	swait.ge [sflag:s23], $0x4000  }
0x3f: {  	[sflag:s23] =	ssyncset.done $0x0  }
0x40: {  	s19 =	rddreg [dreg:$0x5];
	[sflag:s23] =	ssyncadd.s32 $0xFFFFC000  }
0x41: {  	[spmem:s19] =	stream.linear.scatter [tilespmem:s22], [sflag:$0x7], $0x4000, $0x38;
	[tilespmem:$0x1C400] =	vst v63  }
0x42: {  	_ =	swait.ge [sflag:s23], $0x4000  }
0x43: {  	[sflag:s23] =	ssyncset.done $0x0  }
0x44: {  	s15 =	rddreg [dreg:$0x6];
	[sflag:s23] =	ssyncadd.s32 $0xFFFFC000  }
0x45: {  	[spmem:s15] =	stream.linear.scatter [tilespmem:s22], [sflag:$0x7], $0x4000, $0x38;
	[tilespmem:$0x1C400] =	vst v63  }
0x46: {  	_ =	swait.ge [sflag:s23], $0x4000  }
0x47: {  	[sflag:s23] =	ssyncset.done $0x0  }
0x48: {  	s16 =	rddreg [dreg:$0x7];
	[sflag:s23] =	ssyncadd.s32 $0xFFFFC000  }
0x49: {  	[spmem:s16] =	stream.linear.scatter [tilespmem:s22], [sflag:$0x7], $0x4000, $0x38;
	[tilespmem:$0x1C400] =	vst v63  }
0x4a: {  	_ =	swait.ge [sflag:s23], $0x4000  }
0x4b: {  	[sflag:s23] =	ssyncset.done $0x0  }
0x4c: {  	[sflag:s23] =	ssyncadd.s32 $0xFFFFC000  }
0x4d: {  	[bflag:$0x0] =	sbarrier.arrive $0xFFFF  }
0x4e: {  	s14 =	simm.s32 $0x0;
	s15 =	rddreg [dreg:$0x8]  }
0x4f: {  	[tilespmem:s24], [sflag:$0x3] =	stream.linear.gather [hbm4b:s15+s14], $0x80, $0x38;
	[tilespmem:$0x1C400] =	vst v63  }
0x50: {  	s17 =	rddreg [dreg:$0x9]  }
0x51: {  	[tilespmem:s25], [sflag:$0x3] =	stream.linear.gather [hbm4b:s17+s14], $0x80, $0x38;
	[tilespmem:$0x1C400] =	vst v63  }
0x52: {  	s18 =	rddreg [dreg:$0xa]  }
0x53: {  	[tilespmem:s26], [sflag:$0x4] =	stream.linear.gather [hbm4b:s18+s14], $0x80, $0x38;
	[tilespmem:$0x1C400] =	vst v63  }
0x54: {  	s19 =	rddreg [dreg:$0xb]  }
0x55: {  	[tilespmem:s28], [sflag:$0x4] =	stream.linear.gather [hbm4b:s19+s14], $0x80, $0x38;
	[tilespmem:$0x1C400] =	vst v63  }
0x56: {  	s16 =	rddreg [dreg:$0xc]  }
0x57: {  	[tilespmem:s29], [sflag:$0x5] =	stream.linear.gather [hbm4b:s16+s14], $0x80, $0x38;
	[tilespmem:$0x1C400] =	vst v63  }
0x58: {  	s17 =	rddreg [dreg:$0xd]  }
0x59: {  	[tilespmem:s30], [sflag:$0x5] =	stream.linear.gather [hbm4b:s17+s14], $0x80, $0x38;
	[tilespmem:$0x1C400] =	vst v63  }
0x5a: {  	s18 =	rddreg [dreg:$0xe]  }
0x5b: {  	[tilespmem:s31], [sflag:$0x6] =	stream.linear.gather [hbm4b:s18+s14], $0x80, $0x38;
	[tilespmem:$0x1C400] =	vst v63  }
0x5c: {  	s19 =	rddreg [dreg:$0xf]  }
0x5d: {  	[tilespmem:s0], [sflag:$0x6] =	stream.linear.gather [hbm4b:s19+s14], $0x80, $0x38;
	[tilespmem:$0x1C400] =	vst v63  }
0x5e: {  	_ =	swait.ge [sflag:s1], $0x80  }
0x5f: {  	[sflag:s1] =	ssyncset.done $0x0  }
0x60: {  	[sflag:s1] =	ssyncadd.s32 $0xFFFFFF80  }
0x61: {  	_ =	swait.ge [sflag:s1], $0x80  }
0x62: {  	[sflag:s1] =	ssyncset.done $0x0  }
0x63: {  	[sflag:s1] =	ssyncadd.s32 $0xFFFFFF80  }
0x64: {  	v2 =	vld [tilespmem:$0x14000]  }
0x65: {  	v3 =	vld [tilespmem:$0x14010]  }
0x66: {  	v4 =	vld [tilespmem:$0x14020]  }
0x67: {  	v5 =	vld [tilespmem:$0x14030]  }
0x68: {  	v6 =	vld [tilespmem:$0x14040]  }
0x69: {  	v7 =	vld [tilespmem:$0x14050];
	v2 =	vadd.s32 v0, v2  }
0x6a: {  	[tilespmem:$0x14000] =	vst v2;
	v2 =	vadd.s32 v0, v3;
	v3 =	vld [tilespmem:$0x14060]  }
0x6b: {  	v58 =	vld [tilespmem:$0x14070];
	[tilespmem:$0x14010] =	vst v2;
	v2 =	vadd.s32 v0, v4  }
0x6c: {  	[tilespmem:$0x14020] =	vst v2;
	v2 =	vadd.s32 v0, v5  }
0x6d: {  	[tilespmem:$0x14030] =	vst v2;
	v2 =	vadd.s32 v0, v6  }
0x6e: {  	[tilespmem:$0x14040] =	vst v2;
	v2 =	vadd.s32 v0, v7  }
0x6f: {  	[tilespmem:$0x14050] =	vst v2;
	v2 =	vadd.s32 v0, v3  }
0x70: {  	[tilespmem:$0x14060] =	vst v2;
	v2 =	vadd.s32 v0, v58  }
0x71: {  	[tilespmem:$0x14070] =	vst v2  }
0x72: {  	[tilespmem:s22], [sflag:$0x1] =	stream.indirect.gather [hbm4b:s4+s6], $0x80, s24, s6, $0xb8;
	[tilespmem:$0x1C400] =	vst v63  }
0x73: {  	_ =	swait.ge [sflag:s7], $0x80  }
0x74: {  	[sflag:s7] =	ssyncset.done $0x0  }
0x75: {  	[sflag:s7] =	ssyncadd.s32 $0xFFFFFF80  }
0x76: {  	_ =	swait.ge [sflag:s7], $0x80  }
0x77: {  	[sflag:s7] =	ssyncset.done $0x0  }
0x78: {  	[sflag:s7] =	ssyncadd.s32 $0xFFFFFF80  }
0x79: {  	v2 =	vld [tilespmem:$0x14080]  }
0x7a: {  	v3 =	vld [tilespmem:$0x14090]  }
0x7b: {  	v59 =	vld [tilespmem:$0x140A0]  }
0x7c: {  	v60 =	vld [tilespmem:$0x140B0]  }
0x7d: {  	v61 =	vld [tilespmem:$0x140C0]  }
0x7e: {  	v62 =	vld [tilespmem:$0x140D0];
	v2 =	vadd.s32 v0, v2  }
0x7f: {  	[tilespmem:$0x14080] =	vst v2;
	v2 =	vadd.s32 v0, v3;
	v3 =	vld [tilespmem:$0x140E0]  }
0x80: {  	v63 =	vld [tilespmem:$0x140F0];
	[tilespmem:$0x14090] =	vst v2;
	v2 =	vadd.s32 v0, v59  }
0x81: {  	[tilespmem:$0x140A0] =	vst v2;
	v2 =	vadd.s32 v0, v60  }
0x82: {  	[tilespmem:$0x140B0] =	vst v2;
	v2 =	vadd.s32 v0, v61  }
0x83: {  	[tilespmem:$0x140C0] =	vst v2;
	v2 =	vadd.s32 v0, v62  }
0x84: {  	[tilespmem:$0x140D0] =	vst v2;
	v2 =	vadd.s32 v0, v3  }
0x85: {  	[tilespmem:$0x140E0] =	vst v2;
	v2 =	vadd.s32 v0, v63  }
0x86: {  	[tilespmem:$0x140F0] =	vst v2  }
0x87: {  	[tilespmem:s8], [sflag:$0x2] =	stream.indirect.gather [hbm4b:s4+s6], $0x80, s26, s6, $0xb8;
	[tilespmem:$0x1C400] =	vst v63  }
.LBB2_4:
0x88: {  	_ =	swait.ge [sflag:s9], $0x4000  }
0x89: {  	[sflag:s9] =	ssyncset.done $0x0  }
0x8a: {  	[sflag:s9] =	ssyncadd.s32 $0xFFFFC000  }
0x8b: {  	[spmem:s2] =	stream.indirect.scatter.add.f32 [tilespmem:s22], [sflag:$0x7], $0x80, s25, s6, $0xb8;
	[tilespmem:$0x1C400] =	vst v63  }
0x8c: {  	p0 =	seq.s32 s14, $0x9C0;
	_ =	swait.ge [sflag:s23], $0x4000  }
0x8d: {  	s15 =	sadd.s32 @!p0 s14, s21;
	s17 =	simm.s32 @!p0 $0x0;
	[sflag:s23] =	ssyncset.done $0x0  }
0x8e: {  	s18 =	simm.s32 @!p0 $0x14000;
	s16 =	sadd.s32 @!p0 $0x40, s15;
	[sflag:s23] =	ssyncadd.s32 $0xFFFFC000  }
0x8f: {  	[tilespmem:s18], [sflag:$0x3] =	stream.linear.gather @!p0 [hbm4b:s16+s17], $0x80, $0x38;
	[tilespmem:$0x1C400] =	vst v63  }
0x90: {  	s16 =	sadd.s32 @!p0 s14, s20  }
0x91: {  	s19 =	simm.s32 @!p0 $0x14200;
	s18 =	sadd.s32 @!p0 $0x40, s16  }
0x92: {  	[tilespmem:s19], [sflag:$0x3] =	stream.linear.gather @!p0 [hbm4b:s18+s17], $0x80, $0x38;
	[tilespmem:$0x1C400] =	vst v63  }
0x93: {  	_ =	swait.ge [sflag:s10], $0x80  }
0x94: {  	[sflag:s10] =	ssyncset.done $0x0  }
0x95: {  	[sflag:s10] =	ssyncadd.s32 $0xFFFFFF80  }
0x96: {  	_ =	swait.ge [sflag:s10], $0x80  }
0x97: {  	[sflag:s10] =	ssyncset.done $0x0  }
0x98: {  	[sflag:s10] =	ssyncadd.s32 $0xFFFFFF80  }
0x99: {  	v2 =	vld [tilespmem:$0x14100]  }
0x9a: {  	v3 =	vld [tilespmem:$0x14110]  }
0x9b: {  	v4 =	vld [tilespmem:$0x14120]  }
0x9c: {  	v5 =	vld [tilespmem:$0x14130]  }
0x9d: {  	v6 =	vld [tilespmem:$0x14140]  }
0x9e: {  	v7 =	vld [tilespmem:$0x14150];
	v2 =	vadd.s32 v0, v2  }
0x9f: {  	[tilespmem:$0x14100] =	vst v2;
	v2 =	vadd.s32 v0, v3;
	v3 =	vld [tilespmem:$0x14160]  }
0xa0: {  	v58 =	vld [tilespmem:$0x14170];
	[tilespmem:$0x14110] =	vst v2;
	v2 =	vadd.s32 v0, v4  }
0xa1: {  	[tilespmem:$0x14120] =	vst v2;
	v2 =	vadd.s32 v0, v5  }
0xa2: {  	[tilespmem:$0x14130] =	vst v2;
	v2 =	vadd.s32 v0, v6  }
0xa3: {  	[tilespmem:$0x14140] =	vst v2;
	v2 =	vadd.s32 v0, v7  }
0xa4: {  	[tilespmem:$0x14150] =	vst v2;
	v2 =	vadd.s32 v0, v3  }
0xa5: {  	[tilespmem:$0x14160] =	vst v2;
	v2 =	vadd.s32 v0, v58  }
0xa6: {  	[tilespmem:$0x14170] =	vst v2  }
0xa7: {  	[tilespmem:s22], [sflag:$0x1] =	stream.indirect.gather [hbm4b:s4+s6], $0x80, s29, s6, $0xb8;
	[tilespmem:$0x1C400] =	vst v63  }
0xa8: {  	_ =	swait.ge [sflag:s11], $0x4000  }
0xa9: {  	[sflag:s11] =	ssyncset.done $0x0  }
0xaa: {  	[sflag:s11] =	ssyncadd.s32 $0xFFFFC000  }
0xab: {  	[spmem:s2] =	stream.indirect.scatter.add.f32 [tilespmem:s8], [sflag:$0x7], $0x80, s28, s6, $0xb8;
	[tilespmem:$0x1C400] =	vst v63  }
0xac: {  	_ =	swait.ge [sflag:s23], $0x4000  }
0xad: {  	[sflag:s23] =	ssyncset.done $0x0  }
0xae: {  	s15 =	sadd.s32 @!p0 $0x50, s15;
	s18 =	simm.s32 @!p0 $0x14080;
	[sflag:s23] =	ssyncadd.s32 $0xFFFFC000  }
0xaf: {  	[tilespmem:s18], [sflag:$0x4] =	stream.linear.gather @!p0 [hbm4b:s15+s17], $0x80, $0x38;
	[tilespmem:$0x1C400] =	vst v63  }
0xb0: {  	s15 =	sadd.s32 @!p0 $0x50, s16;
	s16 =	simm.s32 @!p0 $0x14280  }
0xb1: {  	[tilespmem:s16], [sflag:$0x4] =	stream.linear.gather @!p0 [hbm4b:s15+s17], $0x80, $0x38;
	[tilespmem:$0x1C400] =	vst v63  }
0xb2: {  	_ =	swait.ge [sflag:s12], $0x80  }
0xb3: {  	[sflag:s12] =	ssyncset.done $0x0  }
0xb4: {  	[sflag:s12] =	ssyncadd.s32 $0xFFFFFF80  }
0xb5: {  	_ =	swait.ge [sflag:s12], $0x80  }
0xb6: {  	[sflag:s12] =	ssyncset.done $0x0  }
0xb7: {  	[sflag:s12] =	ssyncadd.s32 $0xFFFFFF80  }
0xb8: {  	v2 =	vld [tilespmem:$0x14180]  }
0xb9: {  	v3 =	vld [tilespmem:$0x14190]  }
0xba: {  	v59 =	vld [tilespmem:$0x141A0]  }
0xbb: {  	v60 =	vld [tilespmem:$0x141B0]  }
0xbc: {  	v61 =	vld [tilespmem:$0x141C0]  }
0xbd: {  	v62 =	vld [tilespmem:$0x141D0];
	v2 =	vadd.s32 v0, v2  }
0xbe: {  	[tilespmem:$0x14180] =	vst v2;
	v2 =	vadd.s32 v0, v3;
	v3 =	vld [tilespmem:$0x141E0]  }
0xbf: {  	v63 =	vld [tilespmem:$0x141F0];
	[tilespmem:$0x14190] =	vst v2;
	v2 =	vadd.s32 v0, v59  }
0xc0: {  	[tilespmem:$0x141A0] =	vst v2;
	v2 =	vadd.s32 v0, v60  }
0xc1: {  	[tilespmem:$0x141B0] =	vst v2;
	v2 =	vadd.s32 v0, v61  }
0xc2: {  	[tilespmem:$0x141C0] =	vst v2;
	v2 =	vadd.s32 v0, v62  }
0xc3: {  	[tilespmem:$0x141D0] =	vst v2;
	v2 =	vadd.s32 v0, v3  }
0xc4: {  	[tilespmem:$0x141E0] =	vst v2;
	v2 =	vadd.s32 v0, v63  }
0xc5: {  	[tilespmem:$0x141F0] =	vst v2  }
0xc6: {  	[tilespmem:s8], [sflag:$0x2] =	stream.indirect.gather [hbm4b:s4+s6], $0x80, s31, s6, $0xb8;
	[tilespmem:$0x1C400] =	vst v63  }
0xc7: {  	_ =	swait.ge [sflag:s9], $0x4000  }
0xc8: {  	[sflag:s9] =	ssyncset.done $0x0  }
.Ltmp3:
0xc9: {  	[sflag:s9] =	ssyncadd.s32 $0xFFFFC000;
	(pc) =	sbr.rel @p0 .LBB2_6-.Ltmp3, $4  }
0xca: {  	[spmem:s2] =	stream.indirect.scatter.add.f32 [tilespmem:s22], [sflag:$0x7], $0x80, s30, s6, $0xb8;
	[tilespmem:$0x1C400] =	vst v63  }
0xcb: {  	_ =	swait.ge [sflag:s23], $0x4000  }
0xcc: {  	[sflag:s23] =	ssyncset.done $0x0  }
0xcd: {  	[sflag:s23] =	ssyncadd.s32 $0xFFFFC000  }
0xce: {  	s15 =	sadd.s32 s14, s21  }
0xcf: {  	s18 =	sadd.s32 s14, s20;
	s16 =	sadd.s32 $0x60, s15  }
0xd0: {  	[tilespmem:s29], [sflag:$0x5] =	stream.linear.gather [hbm4b:s16+s3], $0x80, $0x38;
	[tilespmem:$0x1C400] =	vst v63  }
0xd1: {  	s17 =	sadd.s32 $0x60, s18  }
0xd2: {  	[tilespmem:s30], [sflag:$0x5] =	stream.linear.gather [hbm4b:s17+s3], $0x80, $0x38;
	[tilespmem:$0x1C400] =	vst v63  }
0xd3: {  	_ =	swait.ge [sflag:s1], $0x80  }
0xd4: {  	[sflag:s1] =	ssyncset.done $0x0  }
0xd5: {  	[sflag:s1] =	ssyncadd.s32 $0xFFFFFF80  }
0xd6: {  	_ =	swait.ge [sflag:s1], $0x80  }
0xd7: {  	[sflag:s1] =	ssyncset.done $0x0  }
0xd8: {  	[sflag:s1] =	ssyncadd.s32 $0xFFFFFF80  }
0xd9: {  	v2 =	vld [tilespmem:$0x14000]  }
0xda: {  	v3 =	vld [tilespmem:$0x14010]  }
0xdb: {  	v4 =	vld [tilespmem:$0x14020]  }
0xdc: {  	v5 =	vld [tilespmem:$0x14030]  }
0xdd: {  	v6 =	vld [tilespmem:$0x14040]  }
0xde: {  	v7 =	vld [tilespmem:$0x14050];
	v2 =	vadd.s32 v0, v2  }
0xdf: {  	[tilespmem:$0x14000] =	vst v2;
	v2 =	vadd.s32 v0, v3;
	v3 =	vld [tilespmem:$0x14060]  }
0xe0: {  	v58 =	vld [tilespmem:$0x14070];
	[tilespmem:$0x14010] =	vst v2;
	v2 =	vadd.s32 v0, v4  }
0xe1: {  	[tilespmem:$0x14020] =	vst v2;
	v2 =	vadd.s32 v0, v5  }
0xe2: {  	[tilespmem:$0x14030] =	vst v2;
	v2 =	vadd.s32 v0, v6  }
0xe3: {  	[tilespmem:$0x14040] =	vst v2;
	v2 =	vadd.s32 v0, v7  }
0xe4: {  	[tilespmem:$0x14050] =	vst v2;
	v2 =	vadd.s32 v0, v3  }
0xe5: {  	[tilespmem:$0x14060] =	vst v2;
	v2 =	vadd.s32 v0, v58  }
0xe6: {  	[tilespmem:$0x14070] =	vst v2  }
0xe7: {  	[tilespmem:s22], [sflag:$0x1] =	stream.indirect.gather [hbm4b:s4+s6], $0x80, s24, s6, $0xb8;
	[tilespmem:$0x1C400] =	vst v63  }
0xe8: {  	_ =	swait.ge [sflag:s11], $0x4000  }
0xe9: {  	[sflag:s11] =	ssyncset.done $0x0  }
0xea: {  	[sflag:s11] =	ssyncadd.s32 $0xFFFFC000  }
0xeb: {  	[spmem:s2] =	stream.indirect.scatter.add.f32 [tilespmem:s8], [sflag:$0x7], $0x80, s0, s6, $0xb8;
	[tilespmem:$0x1C400] =	vst v63  }
0xec: {  	_ =	swait.ge [sflag:s23], $0x4000  }
0xed: {  	[sflag:s23] =	ssyncset.done $0x0  }
0xee: {  	s15 =	sadd.s32 $0x70, s15;
	[sflag:s23] =	ssyncadd.s32 $0xFFFFC000  }
0xef: {  	[tilespmem:s31], [sflag:$0x6] =	stream.linear.gather [hbm4b:s15+s3], $0x80, $0x38;
	[tilespmem:$0x1C400] =	vst v63  }
0xf0: {  	s19 =	sadd.s32 $0x70, s18  }
0xf1: {  	[tilespmem:s0], [sflag:$0x6] =	stream.linear.gather [hbm4b:s19+s3], $0x80, $0x38;
	[tilespmem:$0x1C400] =	vst v63  }
0xf2: {  	_ =	swait.ge [sflag:s7], $0x80  }
0xf3: {  	[sflag:s7] =	ssyncset.done $0x0  }
0xf4: {  	[sflag:s7] =	ssyncadd.s32 $0xFFFFFF80  }
0xf5: {  	_ =	swait.ge [sflag:s7], $0x80  }
0xf6: {  	[sflag:s7] =	ssyncset.done $0x0  }
0xf7: {  	[sflag:s7] =	ssyncadd.s32 $0xFFFFFF80  }
0xf8: {  	v2 =	vld [tilespmem:$0x14080]  }
0xf9: {  	v3 =	vld [tilespmem:$0x14090]  }
0xfa: {  	v59 =	vld [tilespmem:$0x140A0]  }
0xfb: {  	v60 =	vld [tilespmem:$0x140B0]  }
0xfc: {  	v61 =	vld [tilespmem:$0x140C0]  }
0xfd: {  	v62 =	vld [tilespmem:$0x140D0];
	v2 =	vadd.s32 v0, v2  }
0xfe: {  	[tilespmem:$0x14080] =	vst v2;
	v2 =	vadd.s32 v0, v3;
	v3 =	vld [tilespmem:$0x140E0]  }
0xff: {  	v63 =	vld [tilespmem:$0x140F0];
	[tilespmem:$0x14090] =	vst v2;
	v2 =	vadd.s32 v0, v59  }
0x100: {  	[tilespmem:$0x140A0] =	vst v2;
	v2 =	vadd.s32 v0, v60  }
0x101: {  	[tilespmem:$0x140B0] =	vst v2;
	v2 =	vadd.s32 v0, v61  }
.Ltmp4:
0x102: {  	[tilespmem:$0x140C0] =	vst v2;
	v2 =	vadd.s32 v0, v62;
	(pc) =	sbr.rel .LBB2_4-.Ltmp4, $4  }
0x103: {  	[tilespmem:$0x140D0] =	vst v2;
	v2 =	vadd.s32 v0, v3  }
0x104: {  	[tilespmem:$0x140E0] =	vst v2;
	v2 =	vadd.s32 v0, v63  }
0x105: {  	s14 =	sadd.s32 $0x40, s14;
	[tilespmem:$0x140F0] =	vst v2  }
0x106: {  	[tilespmem:s8], [sflag:$0x2] =	stream.indirect.gather [hbm4b:s4+s6], $0x80, s26, s6, $0xb8;
	[tilespmem:$0x1C400] =	vst v63  }
.LBB2_7:
0x107: {  	_ =	sfence.sel $0x180000  }
0x108: {  	[bflag:$0x0] =	sbarrier.arrive $0xFFFF  }
0x109: {  	_ =	strace $0x9000004A  }
0x10a: {  	s0 =	stileid.u32;
	[bflag:$0x2] =	sbarrier.arrive $0xFFFF  }
0x10b: {  	p0 =	sne.s32 s0, $0x0;
	s0 =	rddreg [dreg:$0x3]  }
0x10c: {  	s0 =	sadd.s32 @!p0 $0x100000, s0  }
0x10d: {  	[sflag:s0] =	ssyncadd.tile.s32 @!p0 $0x1;
	_ =	shalt  }
.Lfunc_end2:
_tile_overlayer_lowered:
.L_overlay_start_2:
0x10e: {  	(tag) =	ssettag $0x2  }
0x10f: {  	s0 =	rddreg [dreg:$0x0];
	s2 =	stileid.u32  }
0x110: {  	s1 =	rddreg [dreg:$0x1];
	p0 =	sne.s32 s2, $0x0  }
0x111: {  	s3 =	rddreg [dreg:$0x2];
	[bflag:$0x3] =	sbarrier.arrive $0xFFFF;
	s2 =	simm.s32 @!p0 $0x1C07  }
0x112: {  	[timem:s3], [sflag:s2] =	dma.local @!p0 [hbm:s0], s1  }
0x113: {  	s0 =	simm.s32 @!p0 $0x7  }
0x114: {  	_ =	swait.ge @!p0 [sflag:s0], s1  }
0x115: {  	s1 =	ssub.s32 @!p0 $0x0, s1;
	[sflag:s0] =	ssyncset.done @!p0 $0x0  }
0x116: {  	[sflag:s0] =	ssyncadd.s32 @!p0 s1  }
0x117: {  	[bflag:$0x3] =	sbarrier.arrive $0xFFFF  }
0x118: {  	_ =	shalt  }

// kernel: kernel.15.cloned.1.call-start
scs
__scs_entry_jumppad:
0x0: {  	(pc) =	sbr.rel $0x88, $3  }
0x1: {  	(tag) =	ssettag $0x0;
	lr =	simm.s32 $0x1  }
0x2: {  	[smem:$0x3F99] =	sst lr;
	_ =	strace $0xD0000000  }
0x3: {  	_ = 	snop  }
0x4: {  	_ = 	snop  }
0x5: {  	_ = 	snop  }
0x6: {  	_ = 	snop  }
0x7: {  	_ = 	snop  }
__scs_overlays_trampoline_lowered:
0x8: {  	[smem:$0x3FA8] =	sst s0  }
0x9: {  	[smem:$0x3FA9] =	sst s1  }
0xa: {  	[smem:$0x3FAA] =	sst s2  }
0xb: {  	[smem:$0x3FAB] =	sst s3  }
0xc: {  	[smem:$0x3FAC] =	sst s4  }
0xd: {  	[smem:$0x3FAD] =	sst s5  }
0xe: {  	[smem:$0x3FAE] =	sst s6  }
0xf: {  	[smem:$0x3FAF] =	sst s7  }
0x10: {  	[smem:$0x3FB0] =	sst s8  }
0x11: {  	[smem:$0x3FB1] =	sst s9;
	s0 =	simm.s32 @!p0 $0x0  }
0x12: {  	s1 =	sld [smem:$0x3F97];
	s0 =	simm.s32 @p0 $0x1  }
0x13: {  	[smem:$0x3FB2] =	sst s0;
	s0 =	simm.s32 @!p1 $0x0  }
0x14: {  	s2 =	sld [smem:$0x3F96];
	s0 =	simm.s32 @p1 $0x1  }
0x15: {  	[smem:$0x3FB3] =	sst s0;
	s0 =	simm.s32 @!p2 $0x0  }
0x16: {  	s3 =	sld [smem:$0x3FDB];
	s0 =	simm.s32 @p2 $0x1  }
0x17: {  	s4 =	simm.s32 $0x1BF5;
	[smem:$0x3FB5] =	sst s0  }
0x18: {  	s0 =	sld [smem:$0x3F98];
	_ =	swait.ge [sflag:s4], $0x0  }
0x19: {  	s7 =	sld [smem:$0x3F99]  }
0x1a: {  	s8 =	sadd.s32 $0xFFFFE003, lr  }
0x1b: {  	s9 =	sadd.s32 $0xFFFFFEF7, lr;
	s5 =	simm.s32 $0xFFFFFFFF;
	p2 =	slt.u32 s8, $0xFFFFF086  }
0x1c: {  	p1 =	slt.u32 s9, $0xF7A;
	s5 =	simm.s32 @!p2 $0x0  }
0x1d: {  	s5 =	simm.s32 @p1 $0x1;
	p0 =	seq.s32 s7, s2  }
0x1e: {  	s7 =	smul.u32 @!p0 $0xF7A, s2;
	p2 =	seq.s32 @!p0 s5, $0x0  }
0x1f: {  	s9 =	smul.u32 $0xF7A, s1;
	s8 =	simm.s32 @!p0 $0x1BF5;
	p2 =	por !p2, p0  }
0x20: {  	[sflag:s8] =	ssyncset.s32 @!p0 $0xFFFFF086;
	s6 =	sadd.s32 @!p0 s3, s7;
	s7 =	simm.s32 @!p0 $0x108  }
0x21: {  	s3 =	sadd.s32 s3, s9;
	s6 =	sadd.s32 @!p0 $0x88, s6;
	s7 =	simm.s32 @p2 $0x1082  }
0x22: {  	[simem:s7], [sflag:s8] =	dma.local @!p0 [hbm:s6], $0xF7A  }
0x23: {  	s9 =	sor.u32 $0xD0000000, s2;
	s6 =	simm.s32 $0x108;
	_ =	swait.ge @!p0 [sflag:s8], $0x0  }
0x24: {  	s3 =	sadd.s32 $0x88, s3;
	s6 =	simm.s32 @!p1 $0x1082;
	[sflag:s4] =	ssyncset.s32 $0xFFFFF086  }
0x25: {  	[simem:s6], [sflag:s4] =	dma.local [hbm:s3], $0xF7A  }
0x26: {  	[smem:$0x3F99] =	sst s1;
	(tag) =	ssettag s2;
	_ =	strace s9  }
0x27: {  	s1 =	sld [smem:$0x3FA9]  }
0x28: {  	s2 =	sld [smem:$0x3FAA]  }
0x29: {  	s4 =	sld [smem:$0x3FAC]  }
0x2a: {  	p0 =	seq.s32 s5, $0x0;
	s5 =	sld [smem:$0x3FAD]  }
0x2b: {  	s6 =	sld [smem:$0x3FAE]  }
0x2c: {  	s7 =	sld [smem:$0x3FAF]  }
0x2d: {  	s3 =	simm.s32 $0x108;
	s8 =	sld [smem:$0x3FB0]  }
0x2e: {  	s3 =	simm.s32 @!p0 $0x1082;
	s9 =	sld [smem:$0x3FB1]  }
0x2f: {  	lr =	sadd.s32 s0, s3;
	s0 =	sld [smem:$0x3FA8]  }
0x30: {  	s3 =	sld [smem:$0x3FAB]  }
0x31: {  	[smem:$0x3FB4] =	sst s10  }
0x32: {  	s10 =	sld [smem:$0x3FB2];
	_ =	sdelay $0x3  }
0x33: {  	p0 =	seq.s32 s10, $0x1;
	s10 =	sld [smem:$0x3FB4];
	_ =	sdelay $0x3  }
0x34: {  	[smem:$0x3FB4] =	sst s10  }
0x35: {  	s10 =	sld [smem:$0x3FB3];
	_ =	sdelay $0x3  }
0x36: {  	p1 =	seq.s32 s10, $0x1;
	s10 =	sld [smem:$0x3FB4];
	_ =	sdelay $0x3  }
0x37: {  	[smem:$0x3FB4] =	sst s10  }
0x38: {  	s10 =	sld [smem:$0x3FB5]  }
0x39: {  	_ = 	snop;
	(pc) =	sbr.ind lr, $3  }
0x3a: {  	_ = 	snop  }
0x3b: {  	_ = 	snop  }
0x3c: {  	p2 =	seq.s32 s10, $0x1;
	s10 =	sld [smem:$0x3FB4]  }
0x3d: {  	_ =	shalt  }
0x3e: {  	_ =	shalt  }
0x3f: {  	_ =	shalt  }
0x40: {  	_ =	shalt  }
0x41: {  	_ =	shalt  }
0x42: {  	_ =	shalt  }
0x43: {  	_ =	shalt  }
0x44: {  	_ =	shalt  }
0x45: {  	_ =	shalt  }
0x46: {  	_ =	shalt  }
0x47: {  	_ =	shalt  }
0x48: {  	_ =	shalt  }
0x49: {  	_ =	shalt  }
0x4a: {  	_ =	shalt  }
0x4b: {  	_ =	shalt  }
0x4c: {  	_ =	shalt  }
0x4d: {  	_ =	shalt  }
0x4e: {  	_ =	shalt  }
0x4f: {  	_ =	shalt  }
0x50: {  	_ =	shalt  }
0x51: {  	_ =	shalt  }
0x52: {  	_ =	shalt  }
0x53: {  	_ =	shalt  }
0x54: {  	_ =	shalt  }
0x55: {  	_ =	shalt  }
0x56: {  	_ =	shalt  }
0x57: {  	_ =	shalt  }
0x58: {  	_ =	shalt  }
0x59: {  	_ =	shalt  }
0x5a: {  	_ =	shalt  }
0x5b: {  	_ =	shalt  }
0x5c: {  	_ =	shalt  }
0x5d: {  	_ =	shalt  }
0x5e: {  	_ =	shalt  }
0x5f: {  	_ =	shalt  }
0x60: {  	_ =	shalt  }
0x61: {  	_ =	shalt  }
0x62: {  	_ =	shalt  }
0x63: {  	_ =	shalt  }
0x64: {  	_ =	shalt  }
0x65: {  	_ =	shalt  }
0x66: {  	_ =	shalt  }
0x67: {  	_ =	shalt  }
0x68: {  	_ =	shalt  }
0x69: {  	_ =	shalt  }
0x6a: {  	_ =	shalt  }
0x6b: {  	_ =	shalt  }
0x6c: {  	_ =	shalt  }
0x6d: {  	_ =	shalt  }
0x6e: {  	_ =	shalt  }
0x6f: {  	_ =	shalt  }
0x70: {  	_ =	shalt  }
0x71: {  	_ =	shalt  }
0x72: {  	_ =	shalt  }
0x73: {  	_ =	shalt  }
0x74: {  	_ =	shalt  }
0x75: {  	_ =	shalt  }
0x76: {  	_ =	shalt  }
0x77: {  	_ =	shalt  }
0x78: {  	_ =	shalt  }
0x79: {  	_ =	shalt  }
0x7a: {  	_ =	shalt  }
0x7b: {  	_ =	shalt  }
0x7c: {  	_ =	shalt  }
0x7d: {  	_ =	shalt  }
0x7e: {  	_ =	shalt  }
0x7f: {  	_ =	shalt  }
0x80: {  	_ =	shalt  }
0x81: {  	_ =	shalt  }
0x82: {  	_ =	shalt  }
0x83: {  	_ =	shalt  }
0x84: {  	_ =	shalt  }
0x85: {  	_ =	shalt  }
0x86: {  	_ =	shalt  }
0x87: {  	_ =	shalt  }
.Lfunc_end0:
.L_simem_size_0:
called_computation.2_lowered:
.L_overlay_start_0:
0x88: {  	s2 =	sld [smem:$0x3FD9]  }
0x89: {  	s3 =	sld [smem:$0x3FFE];
	_ =	sdelay $0x1  }
0x8a: {  	s1 =	srdreg.scid  }
0x8b: {  	s0 =	sand.u32 $0x1, s1  }
0x8c: {  	s17 =	sshll.u32 s0, $0xA;
	s2 =	sadd.s32 s3, s2  }
0x8d: {  	s2 =	sadd.s32 s2, s17  }
0x8e: {  	[smem:$0x3FC0] =	sst s2  }
0x8f: {  	_ = 	snop  }
0x90: {  	s2 =	sld [smem:$0x3FD0];
	(tm) =	ssettm $0x1  }
0x91: {  	s18 =	sld [smem:$0x3FFB];
	_ =	sdelay $0x3  }
0x92: {  	_ =	strace s18  }
0x93: {  	s3 =	sld [smem:$0x3FFC];
	_ =	sdelay $0x3  }
0x94: {  	_ =	strace s3  }
0x95: {  	s3 =	sld [smem:$0x3FFD];
	_ =	sdelay $0x3  }
0x96: {  	_ =	strace s3  }
0x97: {  	_ =	strace $0x8FFFFFFF  }
0x98: {  	s19 =	sld [smem:$0x3FDB];
	_ =	sdelay $0x1  }
0x99: {  	s4 =	simm.s32 $_scs_section_size  }
0x9a: {  	s5 =	simm.s32 $_size__tile_overlayer_lowered;
	s6 =	simm.s32 $_tile_overlayer_lowered  }
0x9b: {  	s22 =	simm.s32 $0x1BFF;
	s21 =	sshll.u32 s6, $0x1;
	s3 =	sadd.s32 s4, s19  }
0x9c: {  	s7 =	simm.s32 $0x0;
	s20 =	sshll.u32 s5, $0x1;
	s5 =	sadd.s32 s21, s3  }
0x9d: {  	[timem:s7], [sflag:s22] =	dma.local [hbm:s5], s20  }
0x9e: {  	_ =	swait.ge [sflag:s22], s20  }
0x9f: {  	s4 =	ssub.s32 $0x0, s20;
	[sflag:s22] =	ssyncset.done $0x0  }
0xa0: {  	[sflag:s22] =	ssyncadd.s32 s4;
	_ =	sdelay $0x1  }
0xa1: {  	s23 =	simm.s32 $0x1B8B  }
0xa2: {  	_ =	swait.ge [sflag:s23], $0x1  }
0xa3: {  	[sflag:s23] =	ssyncset.done $0x0  }
0xa4: {  	s25 =	simm.s32 $0x1B8E;
	s24 =	sld [smem:$0x3FFE];
	[sflag:s23] =	ssyncadd.s32 $0xFFFFFFFF  }
0xa5: {  	s26 =	simm.s32 $execute0_lowered;
	[smem:$0x3FD2] =	sst s25  }
0xa6: {  	s5 =	sshll.u32 s26, $0x1;
	_ =	strace $0x8000004C;
	[dreg:$0x1] =	wrdreg $0xFFFFFFFF  }
0xa7: {  	s28 =	simm.s32 $_size_execute0_lowered;
	s3 =	sadd.s32 s3, s5;
	[dreg:$0x0] =	wrdreg $0x0  }
0xa8: {  	s5 =	sshll.u32 s28, $0x1;
	[dreg:$0x2] =	wrdreg s3  }
0xa9: {  	[dreg:$0x3] =	wrdreg s5  }
0xaa: {  	[dreg:$0x4] =	wrdreg $0xC0  }
0xab: {  	_ =	task [dreg:s7], $0x5FFFF  }
0xac: {  	[dreg:$0x1] =	wrdreg $0xFFFFFFFF  }
0xad: {  	[dreg:$0x0] =	wrdreg $0x60  }
0xae: {  	[dreg:$0x2] =	wrdreg s24  }
0xaf: {  	[dreg:$0x3] =	wrdreg s2  }
0xb0: {  	[dreg:$0x4] =	wrdreg $0x0  }
0xb1: {  	[dreg:$0x5] =	wrdreg $0x9  }
0xb2: {  	_ =	task.clear_ibuf [dreg:s7], $0x6FFFF;
	_ =	strace $0x9000004C  }
0xb3: {  	s29 =	simm.s32 $0x9;
	_ =	strace $0x8000004E  }
0xb4: {  	_ =	swait.ge [sflag:s29], $0x1  }
0xb5: {  	[sflag:s29] =	ssyncadd.s32 $0xFFFFFFFF  }
0xb6: {  	_ =	strace $0x9000004E  }
0xb7: {  	_ =	sfence  }
0xb8: {  	s30 =	sld [smem:$0x0];
	_ =	sdelay $0x2  }
0xb9: {  	s31 =	sshll.u32 s1, $0xD;
	s1 =	sshrl.u32 s1, $0x2  }
0xba: {  	s3 =	sand.u32 $0x4000, s31;
	s1 =	sadd.s32 s1, s30  }
0xbb: {  	s0 =	sor.u32 s3, s0;
	s1 =	sshll.u32 s1, $0x11  }
0xbc: {  	s0 =	sor.u32 s1, s0  }
0xbd: {  	s0 =	sadd.s32 $0x8F2B, s0  }
0xbe: {  	[sflag:s0] =	ssyncadd.remote.s32 $0x1  }
0xbf: {  	_ =	sfence.sel $0xFFFF  }
0xc0: {  	[dreg:$0x0] =	wrdreg $0xFFFFFFFF;
	(pc) =	sbr.abs _section_cstart, $3  }
0xc1: {  	[dreg:$0x1] =	wrdreg $0xFFFFFFFF  }
0xc2: {  	_ =	task.clear_ibuf [dreg:s7], $0x2FFFF;
	_ =	strace $0x9FFFFFFF  }
0xc3: {  	(tm) =	ssettm $0x7FFFFFFF  }
tec
execute0_lowered:
.L_overlay_start_1:
0x0: {  	(tag) =	ssettag $0x1  }
0x1: {  	s0 =	rddreg [dreg:$0x0]  }
0x2: {  	s1 =	rddreg [dreg:$0x1]  }
0x3: {  	s2 =	rddreg [dreg:$0x2]  }
0x4: {  	s4 =	srdreg.scid;
	s12 =	stileid.u32;
	s3 =	simm.s32 $0x0  }
0x5: {  	s28 =	simm.s32 $0x14280;
	s29 =	simm.s32 $0x14100;
	s5 =	smul.u32 $0x2800, s12  }
0x6: {  	s30 =	simm.s32 $0x14300;
	s31 =	simm.s32 $0x14180;
	s8 =	smul.u32 $0x50000, s12  }
0x7: {  	s6 =	sand.u32 $0x1, s4;
	[smem:$0x7FF] =	sst s3;
	s10 =	smul.u32 $0x5000, s12  }
0x8: {  	s4 =	sadd.s32 $0x17200, s0;
	s9 =	sadd.s32 $0xD200, s0;
	s7 =	smul.u32 $0x28000, s6  }
0x9: {  	_ =	strace $0x8000004D;
	s24 =	ssub.s32 $0x2, s6;
	s25 =	sshrl.u32 s8, $0x2  }
0xa: {  	s26 =	sshrl.u32 s24, $0x1;
	s16 =	sshrl.u32 s10, $0x3;
	s8 =	simm.s32 $0x18400  }
0xb: {  	s5 =	sadd.s32 s5, s7;
	s7 =	ssub.s32 s24, s26;
	s17 =	sadd.s32 s1, s16  }
0xc: {  	s18 =	sor.u32 $0x10, s16;
	s10 =	sadd.s32 s9, s16;
	s20 =	sor.u32 $0x20, s16  }
0xd: {  	s22 =	sor.u32 $0x30, s16;
	s0 =	sadd.s32 s5, s0;
	[dreg:$0x8] =	wrdreg s17  }
0xe: {  	s5 =	sadd.s32 s25, s2;
	[dreg:$0x9] =	wrdreg s10;
	s19 =	sadd.s32 s1, s18  }
0xf: {  	s21 =	sadd.s32 s1, s20;
	s23 =	sadd.s32 s9, s20;
	[dreg:$0xa] =	wrdreg s19  }
0x10: {  	s24 =	sadd.s32 s1, s22;
	s25 =	smul.u32 $0xA00, s12;
	[dreg:$0xc] =	wrdreg s21  }
0x11: {  	s26 =	smax.u32 s7, $0x1;
	s7 =	simm.s32 $0x4;
	[dreg:$0xd] =	wrdreg s23  }
0x12: {  	s10 =	simm.s32 $0x5;
	s12 =	simm.s32 $0x6;
	[dreg:$0xe] =	wrdreg s24  }
0x13: {  	s11 =	sadd.s32 $0x4000, s5;
	s13 =	sadd.s32 $0x8000, s5;
	[dreg:$0x11] =	wrdreg s26  }
0x14: {  	s14 =	sadd.s32 $0xC000, s5;
	s15 =	sadd.s32 $0x10000, s5;
	[dreg:$0x4] =	wrdreg s11  }
0x15: {  	s0 =	sadd.s32 $0x65400, s0;
	s23 =	simm.s32 $0x7;
	[dreg:$0x5] =	wrdreg s13  }
0x16: {  	s24 =	simm.s32 $0x14000;
	s26 =	simm.s32 $0x14080;
	[dreg:$0x6] =	wrdreg s14  }
0x17: {  	[dreg:$0x7] =	wrdreg s15;
	s11 =	smul.u32 $0x2710, s6;
	s6 =	sadd.s32 s9, s18  }
.Ltmp0:
0x18: {  	[dreg:$0x10] =	wrdreg s0;
	s20 =	sadd.s32 s25, s9;
	(pc) =	sbr.rel .LBB2_1-.Ltmp0, $4  }
0x19: {  	s21 =	sadd.s32 s25, s1;
	s25 =	simm.s32 $0x14200;
	s0 =	simm.s32 $0x14380  }
0x1a: {  	s1 =	simm.s32 $0x3;
	s13 =	simm.s32 $0x0;
	[dreg:$0xb] =	wrdreg s6  }
0x1b: {  	s6 =	sadd.s32 s9, s22;
	s22 =	simm.s32 $0x14400;
	s9 =	simm.s32 $0x1  }
0x1c: {  	v1 =	vimm.f32 $0.0e+00;
	[dreg:$0xf] =	wrdreg s6;
	s6 =	simm.s32 $0x80;
	v0 =	vmov s11;
	s11 =	simm.s32 $0x2  }
.LBB2_6:
0x1d: {  	_ =	swait.ge [sflag:s11], $0x4000  }
0x1e: {  	[sflag:s11] =	ssyncset.done $0x0  }
0x1f: {  	[sflag:s11] =	ssyncadd.s32 $0xFFFFC000  }
0x20: {  	[spmem:s2] =	stream.indirect.scatter.add.f32 [tilespmem:s8], [sflag:$0x7], $0x80, s0, s6, $0xb8;
	[tilespmem:$0x1C400] =	vst v63  }
0x21: {  	_ =	swait.ge [sflag:s23], $0x4000  }
0x22: {  	[sflag:s23] =	ssyncset.done $0x0  }
0x23: {  	s14 =	stileid.u32;
	[sflag:s23] =	ssyncadd.s32 $0xFFFFC000  }
0x24: {  	s14 =	sshll.u32 s14, $0x6;
	[bflag:$0x0] =	sbarrier.arrive $0xFFFF  }
0x25: {  	s15 =	sshrl.u32 s5, $0x3;
	s14 =	sor.u32 $0x1C07, s14;
	s16 =	rddreg [dreg:$0x10]  }
0x26: {  	[hbm:s16], [sflag:s14] =	dma.local [spmem:s15], $0x2800  }
0x27: {  	_ =	swait.ge [sflag:s23], $0x2800  }
0x28: {  	s13 =	sadd.s32 $0x1, s13;
	s19 =	rddreg [dreg:$0x11]  }
0x29: {  	p0 =	sne.s32 s13, s19  }
.Ltmp1:
0x2a: {  	_ = 	snop;
	(pc) =	sbr.rel @!p0 .LBB2_7-.Ltmp1, $3  }
0x2b: {  	_ =	sdelay $0x1  }
0x2c: {  	[sflag:s23] =	ssyncset.done $0x0  }
0x2d: {  	[sflag:s23] =	ssyncadd.s32 $0xFFFFD800  }
.LBB2_1:
0x2e: {  	s14 =	sand.u32 $0xFE00, s3  }
0x2f: {  	s15 =	sand.u32 $0x70, s3;
	s16 =	sshrl.u32 s14, $0x2  }
0x30: {  	s14 =	simm.s32 $0x40;
	s16 =	sor.u32 s15, s16;
	s15 =	simm.s32 $0x0  }
.LBB2_2:
0x31: {  	p0 =	sne.s32 s14, $0xFFC0  }
0x32: {  	[tilespmem:s16+$0x14400] =	vst v1;
	s15 =	sadd.s32 $0x10, s15;
	s16 =	smov.u32 s14;
	s14 =	sadd.s32 $0x40, s14  }
.Ltmp2:
0x33: {  	(pc) =	sbr.rel @p0 .LBB2_2-.Ltmp2, $4  }
0x34: {  	_ = 	snop  }
0x35: {  	s16 =	sand.u32 $0xFE00, s16  }
0x36: {  	s17 =	sand.u32 $0x70, s15;
	s16 =	sshrl.u32 s16, $0x2  }
0x37: {  	s16 =	sor.u32 s17, s16  }
0x38: {  	[tilespmem:s16+$0x14400] =	vst v1  }
0x39: {  	[spmem:s5] =	stream.linear.scatter [tilespmem:s22], [sflag:$0x7], $0x4000, $0x38;
	[tilespmem:$0x1C400] =	vst v63  }
0x3a: {  	_ =	swait.ge [sflag:s23], $0x4000  }
0x3b: {  	[sflag:s23] =	ssyncset.done $0x0  }
0x3c: {  	s14 =	rddreg [dreg:$0x4];
	[sflag:s23] =	ssyncadd.s32 $0xFFFFC000  }
0x3d: {  	[spmem:s14] =	stream.linear.scatter [tilespmem:s22], [sflag:$0x7], $0x4000, $0x38;
	[tilespmem:$0x1C400] =	vst v63  }
0x3e: {  	_ =	swait.ge [sflag:s23], $0x4000  }
0x3f: {  	[sflag:s23] =	ssyncset.done $0x0  }
0x40: {  	s19 =	rddreg [dreg:$0x5];
	[sflag:s23] =	ssyncadd.s32 $0xFFFFC000  }
0x41: {  	[spmem:s19] =	stream.linear.scatter [tilespmem:s22], [sflag:$0x7], $0x4000, $0x38;
	[tilespmem:$0x1C400] =	vst v63  }
0x42: {  	_ =	swait.ge [sflag:s23], $0x4000  }
0x43: {  	[sflag:s23] =	ssyncset.done $0x0  }
0x44: {  	s15 =	rddreg [dreg:$0x6];
	[sflag:s23] =	ssyncadd.s32 $0xFFFFC000  }
0x45: {  	[spmem:s15] =	stream.linear.scatter [tilespmem:s22], [sflag:$0x7], $0x4000, $0x38;
	[tilespmem:$0x1C400] =	vst v63  }
0x46: {  	_ =	swait.ge [sflag:s23], $0x4000  }
0x47: {  	[sflag:s23] =	ssyncset.done $0x0  }
0x48: {  	s16 =	rddreg [dreg:$0x7];
	[sflag:s23] =	ssyncadd.s32 $0xFFFFC000  }
0x49: {  	[spmem:s16] =	stream.linear.scatter [tilespmem:s22], [sflag:$0x7], $0x4000, $0x38;
	[tilespmem:$0x1C400] =	vst v63  }
0x4a: {  	_ =	swait.ge [sflag:s23], $0x4000  }
0x4b: {  	[sflag:s23] =	ssyncset.done $0x0  }
0x4c: {  	[sflag:s23] =	ssyncadd.s32 $0xFFFFC000  }
0x4d: {  	[bflag:$0x0] =	sbarrier.arrive $0xFFFF  }
0x4e: {  	s14 =	simm.s32 $0x0;
	s15 =	rddreg [dreg:$0x8]  }
0x4f: {  	[tilespmem:s24], [sflag:$0x3] =	stream.linear.gather [hbm4b:s15+s14], $0x80, $0x38;
	[tilespmem:$0x1C400] =	vst v63  }
0x50: {  	s17 =	rddreg [dreg:$0x9]  }
0x51: {  	[tilespmem:s25], [sflag:$0x3] =	stream.linear.gather [hbm4b:s17+s14], $0x80, $0x38;
	[tilespmem:$0x1C400] =	vst v63  }
0x52: {  	s18 =	rddreg [dreg:$0xa]  }
0x53: {  	[tilespmem:s26], [sflag:$0x4] =	stream.linear.gather [hbm4b:s18+s14], $0x80, $0x38;
	[tilespmem:$0x1C400] =	vst v63  }
0x54: {  	s19 =	rddreg [dreg:$0xb]  }
0x55: {  	[tilespmem:s28], [sflag:$0x4] =	stream.linear.gather [hbm4b:s19+s14], $0x80, $0x38;
	[tilespmem:$0x1C400] =	vst v63  }
0x56: {  	s16 =	rddreg [dreg:$0xc]  }
0x57: {  	[tilespmem:s29], [sflag:$0x5] =	stream.linear.gather [hbm4b:s16+s14], $0x80, $0x38;
	[tilespmem:$0x1C400] =	vst v63  }
0x58: {  	s17 =	rddreg [dreg:$0xd]  }
0x59: {  	[tilespmem:s30], [sflag:$0x5] =	stream.linear.gather [hbm4b:s17+s14], $0x80, $0x38;
	[tilespmem:$0x1C400] =	vst v63  }
0x5a: {  	s18 =	rddreg [dreg:$0xe]  }
0x5b: {  	[tilespmem:s31], [sflag:$0x6] =	stream.linear.gather [hbm4b:s18+s14], $0x80, $0x38;
	[tilespmem:$0x1C400] =	vst v63  }
0x5c: {  	s19 =	rddreg [dreg:$0xf]  }
0x5d: {  	[tilespmem:s0], [sflag:$0x6] =	stream.linear.gather [hbm4b:s19+s14], $0x80, $0x38;
	[tilespmem:$0x1C400] =	vst v63  }
0x5e: {  	_ =	swait.ge [sflag:s1], $0x80  }
0x5f: {  	[sflag:s1] =	ssyncset.done $0x0  }
0x60: {  	[sflag:s1] =	ssyncadd.s32 $0xFFFFFF80  }
0x61: {  	_ =	swait.ge [sflag:s1], $0x80  }
0x62: {  	[sflag:s1] =	ssyncset.done $0x0  }
0x63: {  	[sflag:s1] =	ssyncadd.s32 $0xFFFFFF80  }
0x64: {  	v2 =	vld [tilespmem:$0x14000]  }
0x65: {  	v3 =	vld [tilespmem:$0x14010]  }
0x66: {  	v4 =	vld [tilespmem:$0x14020]  }
0x67: {  	v5 =	vld [tilespmem:$0x14030]  }
0x68: {  	v6 =	vld [tilespmem:$0x14040]  }
0x69: {  	v7 =	vld [tilespmem:$0x14050];
	v2 =	vadd.s32 v0, v2  }
0x6a: {  	[tilespmem:$0x14000] =	vst v2;
	v2 =	vadd.s32 v0, v3;
	v3 =	vld [tilespmem:$0x14060]  }
0x6b: {  	v58 =	vld [tilespmem:$0x14070];
	[tilespmem:$0x14010] =	vst v2;
	v2 =	vadd.s32 v0, v4  }
0x6c: {  	[tilespmem:$0x14020] =	vst v2;
	v2 =	vadd.s32 v0, v5  }
0x6d: {  	[tilespmem:$0x14030] =	vst v2;
	v2 =	vadd.s32 v0, v6  }
0x6e: {  	[tilespmem:$0x14040] =	vst v2;
	v2 =	vadd.s32 v0, v7  }
0x6f: {  	[tilespmem:$0x14050] =	vst v2;
	v2 =	vadd.s32 v0, v3  }
0x70: {  	[tilespmem:$0x14060] =	vst v2;
	v2 =	vadd.s32 v0, v58  }
0x71: {  	[tilespmem:$0x14070] =	vst v2  }
0x72: {  	[tilespmem:s22], [sflag:$0x1] =	stream.indirect.gather [hbm4b:s4+s6], $0x80, s24, s6, $0xb8;
	[tilespmem:$0x1C400] =	vst v63  }
0x73: {  	_ =	swait.ge [sflag:s7], $0x80  }
0x74: {  	[sflag:s7] =	ssyncset.done $0x0  }
0x75: {  	[sflag:s7] =	ssyncadd.s32 $0xFFFFFF80  }
0x76: {  	_ =	swait.ge [sflag:s7], $0x80  }
0x77: {  	[sflag:s7] =	ssyncset.done $0x0  }
0x78: {  	[sflag:s7] =	ssyncadd.s32 $0xFFFFFF80  }
0x79: {  	v2 =	vld [tilespmem:$0x14080]  }
0x7a: {  	v3 =	vld [tilespmem:$0x14090]  }
0x7b: {  	v59 =	vld [tilespmem:$0x140A0]  }
0x7c: {  	v60 =	vld [tilespmem:$0x140B0]  }
0x7d: {  	v61 =	vld [tilespmem:$0x140C0]  }
0x7e: {  	v62 =	vld [tilespmem:$0x140D0];
	v2 =	vadd.s32 v0, v2  }
0x7f: {  	[tilespmem:$0x14080] =	vst v2;
	v2 =	vadd.s32 v0, v3;
	v3 =	vld [tilespmem:$0x140E0]  }
0x80: {  	v63 =	vld [tilespmem:$0x140F0];
	[tilespmem:$0x14090] =	vst v2;
	v2 =	vadd.s32 v0, v59  }
0x81: {  	[tilespmem:$0x140A0] =	vst v2;
	v2 =	vadd.s32 v0, v60  }
0x82: {  	[tilespmem:$0x140B0] =	vst v2;
	v2 =	vadd.s32 v0, v61  }
0x83: {  	[tilespmem:$0x140C0] =	vst v2;
	v2 =	vadd.s32 v0, v62  }
0x84: {  	[tilespmem:$0x140D0] =	vst v2;
	v2 =	vadd.s32 v0, v3  }
0x85: {  	[tilespmem:$0x140E0] =	vst v2;
	v2 =	vadd.s32 v0, v63  }
0x86: {  	[tilespmem:$0x140F0] =	vst v2  }
0x87: {  	[tilespmem:s8], [sflag:$0x2] =	stream.indirect.gather [hbm4b:s4+s6], $0x80, s26, s6, $0xb8;
	[tilespmem:$0x1C400] =	vst v63  }
.LBB2_4:
0x88: {  	_ =	swait.ge [sflag:s9], $0x4000  }
0x89: {  	[sflag:s9] =	ssyncset.done $0x0  }
0x8a: {  	[sflag:s9] =	ssyncadd.s32 $0xFFFFC000  }
0x8b: {  	[spmem:s2] =	stream.indirect.scatter.add.f32 [tilespmem:s22], [sflag:$0x7], $0x80, s25, s6, $0xb8;
	[tilespmem:$0x1C400] =	vst v63  }
0x8c: {  	p0 =	seq.s32 s14, $0x9C0;
	_ =	swait.ge [sflag:s23], $0x4000  }
0x8d: {  	s15 =	sadd.s32 @!p0 s14, s21;
	s17 =	simm.s32 @!p0 $0x0;
	[sflag:s23] =	ssyncset.done $0x0  }
0x8e: {  	s18 =	simm.s32 @!p0 $0x14000;
	s16 =	sadd.s32 @!p0 $0x40, s15;
	[sflag:s23] =	ssyncadd.s32 $0xFFFFC000  }
0x8f: {  	[tilespmem:s18], [sflag:$0x3] =	stream.linear.gather @!p0 [hbm4b:s16+s17], $0x80, $0x38;
	[tilespmem:$0x1C400] =	vst v63  }
0x90: {  	s16 =	sadd.s32 @!p0 s14, s20  }
0x91: {  	s19 =	simm.s32 @!p0 $0x14200;
	s18 =	sadd.s32 @!p0 $0x40, s16  }
0x92: {  	[tilespmem:s19], [sflag:$0x3] =	stream.linear.gather @!p0 [hbm4b:s18+s17], $0x80, $0x38;
	[tilespmem:$0x1C400] =	vst v63  }
0x93: {  	_ =	swait.ge [sflag:s10], $0x80  }
0x94: {  	[sflag:s10] =	ssyncset.done $0x0  }
0x95: {  	[sflag:s10] =	ssyncadd.s32 $0xFFFFFF80  }
0x96: {  	_ =	swait.ge [sflag:s10], $0x80  }
0x97: {  	[sflag:s10] =	ssyncset.done $0x0  }
0x98: {  	[sflag:s10] =	ssyncadd.s32 $0xFFFFFF80  }
0x99: {  	v2 =	vld [tilespmem:$0x14100]  }
0x9a: {  	v3 =	vld [tilespmem:$0x14110]  }
0x9b: {  	v4 =	vld [tilespmem:$0x14120]  }
0x9c: {  	v5 =	vld [tilespmem:$0x14130]  }
0x9d: {  	v6 =	vld [tilespmem:$0x14140]  }
0x9e: {  	v7 =	vld [tilespmem:$0x14150];
	v2 =	vadd.s32 v0, v2  }
0x9f: {  	[tilespmem:$0x14100] =	vst v2;
	v2 =	vadd.s32 v0, v3;
	v3 =	vld [tilespmem:$0x14160]  }
0xa0: {  	v58 =	vld [tilespmem:$0x14170];
	[tilespmem:$0x14110] =	vst v2;
	v2 =	vadd.s32 v0, v4  }
0xa1: {  	[tilespmem:$0x14120] =	vst v2;
	v2 =	vadd.s32 v0, v5  }
0xa2: {  	[tilespmem:$0x14130] =	vst v2;
	v2 =	vadd.s32 v0, v6  }
0xa3: {  	[tilespmem:$0x14140] =	vst v2;
	v2 =	vadd.s32 v0, v7  }
0xa4: {  	[tilespmem:$0x14150] =	vst v2;
	v2 =	vadd.s32 v0, v3  }
0xa5: {  	[tilespmem:$0x14160] =	vst v2;
	v2 =	vadd.s32 v0, v58  }
0xa6: {  	[tilespmem:$0x14170] =	vst v2  }
0xa7: {  	[tilespmem:s22], [sflag:$0x1] =	stream.indirect.gather [hbm4b:s4+s6], $0x80, s29, s6, $0xb8;
	[tilespmem:$0x1C400] =	vst v63  }
0xa8: {  	_ =	swait.ge [sflag:s11], $0x4000  }
0xa9: {  	[sflag:s11] =	ssyncset.done $0x0  }
0xaa: {  	[sflag:s11] =	ssyncadd.s32 $0xFFFFC000  }
0xab: {  	[spmem:s2] =	stream.indirect.scatter.add.f32 [tilespmem:s8], [sflag:$0x7], $0x80, s28, s6, $0xb8;
	[tilespmem:$0x1C400] =	vst v63  }
0xac: {  	_ =	swait.ge [sflag:s23], $0x4000  }
0xad: {  	[sflag:s23] =	ssyncset.done $0x0  }
0xae: {  	s15 =	sadd.s32 @!p0 $0x50, s15;
	s18 =	simm.s32 @!p0 $0x14080;
	[sflag:s23] =	ssyncadd.s32 $0xFFFFC000  }
0xaf: {  	[tilespmem:s18], [sflag:$0x4] =	stream.linear.gather @!p0 [hbm4b:s15+s17], $0x80, $0x38;
	[tilespmem:$0x1C400] =	vst v63  }
0xb0: {  	s15 =	sadd.s32 @!p0 $0x50, s16;
	s16 =	simm.s32 @!p0 $0x14280  }
0xb1: {  	[tilespmem:s16], [sflag:$0x4] =	stream.linear.gather @!p0 [hbm4b:s15+s17], $0x80, $0x38;
	[tilespmem:$0x1C400] =	vst v63  }
0xb2: {  	_ =	swait.ge [sflag:s12], $0x80  }
0xb3: {  	[sflag:s12] =	ssyncset.done $0x0  }
0xb4: {  	[sflag:s12] =	ssyncadd.s32 $0xFFFFFF80  }
0xb5: {  	_ =	swait.ge [sflag:s12], $0x80  }
0xb6: {  	[sflag:s12] =	ssyncset.done $0x0  }
0xb7: {  	[sflag:s12] =	ssyncadd.s32 $0xFFFFFF80  }
0xb8: {  	v2 =	vld [tilespmem:$0x14180]  }
0xb9: {  	v3 =	vld [tilespmem:$0x14190]  }
0xba: {  	v59 =	vld [tilespmem:$0x141A0]  }
0xbb: {  	v60 =	vld [tilespmem:$0x141B0]  }
0xbc: {  	v61 =	vld [tilespmem:$0x141C0]  }
0xbd: {  	v62 =	vld [tilespmem:$0x141D0];
	v2 =	vadd.s32 v0, v2  }
0xbe: {  	[tilespmem:$0x14180] =	vst v2;
	v2 =	vadd.s32 v0, v3;
	v3 =	vld [tilespmem:$0x141E0]  }
0xbf: {  	v63 =	vld [tilespmem:$0x141F0];
	[tilespmem:$0x14190] =	vst v2;
	v2 =	vadd.s32 v0, v59  }
0xc0: {  	[tilespmem:$0x141A0] =	vst v2;
	v2 =	vadd.s32 v0, v60  }
0xc1: {  	[tilespmem:$0x141B0] =	vst v2;
	v2 =	vadd.s32 v0, v61  }
0xc2: {  	[tilespmem:$0x141C0] =	vst v2;
	v2 =	vadd.s32 v0, v62  }
0xc3: {  	[tilespmem:$0x141D0] =	vst v2;
	v2 =	vadd.s32 v0, v3  }
0xc4: {  	[tilespmem:$0x141E0] =	vst v2;
	v2 =	vadd.s32 v0, v63  }
0xc5: {  	[tilespmem:$0x141F0] =	vst v2  }
0xc6: {  	[tilespmem:s8], [sflag:$0x2] =	stream.indirect.gather [hbm4b:s4+s6], $0x80, s31, s6, $0xb8;
	[tilespmem:$0x1C400] =	vst v63  }
0xc7: {  	_ =	swait.ge [sflag:s9], $0x4000  }
0xc8: {  	[sflag:s9] =	ssyncset.done $0x0  }
.Ltmp3:
0xc9: {  	[sflag:s9] =	ssyncadd.s32 $0xFFFFC000;
	(pc) =	sbr.rel @p0 .LBB2_6-.Ltmp3, $4  }
0xca: {  	[spmem:s2] =	stream.indirect.scatter.add.f32 [tilespmem:s22], [sflag:$0x7], $0x80, s30, s6, $0xb8;
	[tilespmem:$0x1C400] =	vst v63  }
0xcb: {  	_ =	swait.ge [sflag:s23], $0x4000  }
0xcc: {  	[sflag:s23] =	ssyncset.done $0x0  }
0xcd: {  	[sflag:s23] =	ssyncadd.s32 $0xFFFFC000  }
0xce: {  	s15 =	sadd.s32 s14, s21  }
0xcf: {  	s18 =	sadd.s32 s14, s20;
	s16 =	sadd.s32 $0x60, s15  }
0xd0: {  	[tilespmem:s29], [sflag:$0x5] =	stream.linear.gather [hbm4b:s16+s3], $0x80, $0x38;
	[tilespmem:$0x1C400] =	vst v63  }
0xd1: {  	s17 =	sadd.s32 $0x60, s18  }
0xd2: {  	[tilespmem:s30], [sflag:$0x5] =	stream.linear.gather [hbm4b:s17+s3], $0x80, $0x38;
	[tilespmem:$0x1C400] =	vst v63  }
0xd3: {  	_ =	swait.ge [sflag:s1], $0x80  }
0xd4: {  	[sflag:s1] =	ssyncset.done $0x0  }
0xd5: {  	[sflag:s1] =	ssyncadd.s32 $0xFFFFFF80  }
0xd6: {  	_ =	swait.ge [sflag:s1], $0x80  }
0xd7: {  	[sflag:s1] =	ssyncset.done $0x0  }
0xd8: {  	[sflag:s1] =	ssyncadd.s32 $0xFFFFFF80  }
0xd9: {  	v2 =	vld [tilespmem:$0x14000]  }
0xda: {  	v3 =	vld [tilespmem:$0x14010]  }
0xdb: {  	v4 =	vld [tilespmem:$0x14020]  }
0xdc: {  	v5 =	vld [tilespmem:$0x14030]  }
0xdd: {  	v6 =	vld [tilespmem:$0x14040]  }
0xde: {  	v7 =	vld [tilespmem:$0x14050];
	v2 =	vadd.s32 v0, v2  }
0xdf: {  	[tilespmem:$0x14000] =	vst v2;
	v2 =	vadd.s32 v0, v3;
	v3 =	vld [tilespmem:$0x14060]  }
0xe0: {  	v58 =	vld [tilespmem:$0x14070];
	[tilespmem:$0x14010] =	vst v2;
	v2 =	vadd.s32 v0, v4  }
0xe1: {  	[tilespmem:$0x14020] =	vst v2;
	v2 =	vadd.s32 v0, v5  }
0xe2: {  	[tilespmem:$0x14030] =	vst v2;
	v2 =	vadd.s32 v0, v6  }
0xe3: {  	[tilespmem:$0x14040] =	vst v2;
	v2 =	vadd.s32 v0, v7  }
0xe4: {  	[tilespmem:$0x14050] =	vst v2;
	v2 =	vadd.s32 v0, v3  }
0xe5: {  	[tilespmem:$0x14060] =	vst v2;
	v2 =	vadd.s32 v0, v58  }
0xe6: {  	[tilespmem:$0x14070] =	vst v2  }
0xe7: {  	[tilespmem:s22], [sflag:$0x1] =	stream.indirect.gather [hbm4b:s4+s6], $0x80, s24, s6, $0xb8;
	[tilespmem:$0x1C400] =	vst v63  }
0xe8: {  	_ =	swait.ge [sflag:s11], $0x4000  }
0xe9: {  	[sflag:s11] =	ssyncset.done $0x0  }
0xea: {  	[sflag:s11] =	ssyncadd.s32 $0xFFFFC000  }
0xeb: {  	[spmem:s2] =	stream.indirect.scatter.add.f32 [tilespmem:s8], [sflag:$0x7], $0x80, s0, s6, $0xb8;
	[tilespmem:$0x1C400] =	vst v63  }
0xec: {  	_ =	swait.ge [sflag:s23], $0x4000  }
0xed: {  	[sflag:s23] =	ssyncset.done $0x0  }
0xee: {  	s15 =	sadd.s32 $0x70, s15;
	[sflag:s23] =	ssyncadd.s32 $0xFFFFC000  }
0xef: {  	[tilespmem:s31], [sflag:$0x6] =	stream.linear.gather [hbm4b:s15+s3], $0x80, $0x38;
	[tilespmem:$0x1C400] =	vst v63  }
0xf0: {  	s19 =	sadd.s32 $0x70, s18  }
0xf1: {  	[tilespmem:s0], [sflag:$0x6] =	stream.linear.gather [hbm4b:s19+s3], $0x80, $0x38;
	[tilespmem:$0x1C400] =	vst v63  }
0xf2: {  	_ =	swait.ge [sflag:s7], $0x80  }
0xf3: {  	[sflag:s7] =	ssyncset.done $0x0  }
0xf4: {  	[sflag:s7] =	ssyncadd.s32 $0xFFFFFF80  }
0xf5: {  	_ =	swait.ge [sflag:s7], $0x80  }
0xf6: {  	[sflag:s7] =	ssyncset.done $0x0  }
0xf7: {  	[sflag:s7] =	ssyncadd.s32 $0xFFFFFF80  }
0xf8: {  	v2 =	vld [tilespmem:$0x14080]  }
0xf9: {  	v3 =	vld [tilespmem:$0x14090]  }
0xfa: {  	v59 =	vld [tilespmem:$0x140A0]  }
0xfb: {  	v60 =	vld [tilespmem:$0x140B0]  }
0xfc: {  	v61 =	vld [tilespmem:$0x140C0]  }
0xfd: {  	v62 =	vld [tilespmem:$0x140D0];
	v2 =	vadd.s32 v0, v2  }
0xfe: {  	[tilespmem:$0x14080] =	vst v2;
	v2 =	vadd.s32 v0, v3;
	v3 =	vld [tilespmem:$0x140E0]  }
0xff: {  	v63 =	vld [tilespmem:$0x140F0];
	[tilespmem:$0x14090] =	vst v2;
	v2 =	vadd.s32 v0, v59  }
0x100: {  	[tilespmem:$0x140A0] =	vst v2;
	v2 =	vadd.s32 v0, v60  }
0x101: {  	[tilespmem:$0x140B0] =	vst v2;
	v2 =	vadd.s32 v0, v61  }
.Ltmp4:
0x102: {  	[tilespmem:$0x140C0] =	vst v2;
	v2 =	vadd.s32 v0, v62;
	(pc) =	sbr.rel .LBB2_4-.Ltmp4, $4  }
0x103: {  	[tilespmem:$0x140D0] =	vst v2;
	v2 =	vadd.s32 v0, v3  }
0x104: {  	[tilespmem:$0x140E0] =	vst v2;
	v2 =	vadd.s32 v0, v63  }
0x105: {  	s14 =	sadd.s32 $0x40, s14;
	[tilespmem:$0x140F0] =	vst v2  }
0x106: {  	[tilespmem:s8], [sflag:$0x2] =	stream.indirect.gather [hbm4b:s4+s6], $0x80, s26, s6, $0xb8;
	[tilespmem:$0x1C400] =	vst v63  }
.LBB2_7:
0x107: {  	_ =	sfence.sel $0x180000  }
0x108: {  	[bflag:$0x0] =	sbarrier.arrive $0xFFFF  }
0x109: {  	_ =	strace $0x9000004D  }
0x10a: {  	s0 =	stileid.u32;
	[bflag:$0x2] =	sbarrier.arrive $0xFFFF  }
0x10b: {  	p0 =	sne.s32 s0, $0x0;
	s0 =	rddreg [dreg:$0x3]  }
0x10c: {  	s0 =	sadd.s32 @!p0 $0x100000, s0  }
0x10d: {  	[sflag:s0] =	ssyncadd.tile.s32 @!p0 $0x1;
	_ =	shalt  }
.Lfunc_end2:
_tile_overlayer_lowered:
.L_overlay_start_2:
0x10e: {  	(tag) =	ssettag $0x2  }
0x10f: {  	s0 =	rddreg [dreg:$0x0];
	s2 =	stileid.u32  }
0x110: {  	s1 =	rddreg [dreg:$0x1];
	p0 =	sne.s32 s2, $0x0  }
0x111: {  	s3 =	rddreg [dreg:$0x2];
	[bflag:$0x3] =	sbarrier.arrive $0xFFFF;
	s2 =	simm.s32 @!p0 $0x1C07  }
0x112: {  	[timem:s3], [sflag:s2] =	dma.local @!p0 [hbm:s0], s1  }
0x113: {  	s0 =	simm.s32 @!p0 $0x7  }
0x114: {  	_ =	swait.ge @!p0 [sflag:s0], s1  }
0x115: {  	s1 =	ssub.s32 @!p0 $0x0, s1;
	[sflag:s0] =	ssyncset.done @!p0 $0x0  }
0x116: {  	[sflag:s0] =	ssyncadd.s32 @!p0 s1  }
0x117: {  	[bflag:$0x3] =	sbarrier.arrive $0xFFFF  }
0x118: {  	_ =	shalt  }

// kernel: kernel.9.cloned.1.call-start
scs
__scs_entry_jumppad:
0x0: {  	(pc) =	sbr.rel $0x88, $3  }
0x1: {  	(tag) =	ssettag $0x0;
	lr =	simm.s32 $0x1  }
0x2: {  	[smem:$0x3F99] =	sst lr;
	_ =	strace $0xD0000000  }
0x3: {  	_ = 	snop  }
0x4: {  	_ = 	snop  }
0x5: {  	_ = 	snop  }
0x6: {  	_ = 	snop  }
0x7: {  	_ = 	snop  }
__scs_overlays_trampoline_lowered:
0x8: {  	[smem:$0x3FA8] =	sst s0  }
0x9: {  	[smem:$0x3FA9] =	sst s1  }
0xa: {  	[smem:$0x3FAA] =	sst s2  }
0xb: {  	[smem:$0x3FAB] =	sst s3  }
0xc: {  	[smem:$0x3FAC] =	sst s4  }
0xd: {  	[smem:$0x3FAD] =	sst s5  }
0xe: {  	[smem:$0x3FAE] =	sst s6  }
0xf: {  	[smem:$0x3FAF] =	sst s7  }
0x10: {  	[smem:$0x3FB0] =	sst s8  }
0x11: {  	[smem:$0x3FB1] =	sst s9;
	s0 =	simm.s32 @!p0 $0x0  }
0x12: {  	s1 =	sld [smem:$0x3F97];
	s0 =	simm.s32 @p0 $0x1  }
0x13: {  	[smem:$0x3FB2] =	sst s0;
	s0 =	simm.s32 @!p1 $0x0  }
0x14: {  	s2 =	sld [smem:$0x3F96];
	s0 =	simm.s32 @p1 $0x1  }
0x15: {  	[smem:$0x3FB3] =	sst s0;
	s0 =	simm.s32 @!p2 $0x0  }
0x16: {  	s3 =	sld [smem:$0x3FDB];
	s0 =	simm.s32 @p2 $0x1  }
0x17: {  	s4 =	simm.s32 $0x1BF5;
	[smem:$0x3FB5] =	sst s0  }
0x18: {  	s0 =	sld [smem:$0x3F98];
	_ =	swait.ge [sflag:s4], $0x0  }
0x19: {  	s7 =	sld [smem:$0x3F99]  }
0x1a: {  	s8 =	sadd.s32 $0xFFFFE003, lr  }
0x1b: {  	s9 =	sadd.s32 $0xFFFFFEF7, lr;
	s5 =	simm.s32 $0xFFFFFFFF;
	p2 =	slt.u32 s8, $0xFFFFF086  }
0x1c: {  	p1 =	slt.u32 s9, $0xF7A;
	s5 =	simm.s32 @!p2 $0x0  }
0x1d: {  	s5 =	simm.s32 @p1 $0x1;
	p0 =	seq.s32 s7, s2  }
0x1e: {  	s7 =	smul.u32 @!p0 $0xF7A, s2;
	p2 =	seq.s32 @!p0 s5, $0x0  }
0x1f: {  	s9 =	smul.u32 $0xF7A, s1;
	s8 =	simm.s32 @!p0 $0x1BF5;
	p2 =	por !p2, p0  }
0x20: {  	[sflag:s8] =	ssyncset.s32 @!p0 $0xFFFFF086;
	s6 =	sadd.s32 @!p0 s3, s7;
	s7 =	simm.s32 @!p0 $0x108  }
0x21: {  	s3 =	sadd.s32 s3, s9;
	s6 =	sadd.s32 @!p0 $0x88, s6;
	s7 =	simm.s32 @p2 $0x1082  }
0x22: {  	[simem:s7], [sflag:s8] =	dma.local @!p0 [hbm:s6], $0xF7A  }
0x23: {  	s9 =	sor.u32 $0xD0000000, s2;
	s6 =	simm.s32 $0x108;
	_ =	swait.ge @!p0 [sflag:s8], $0x0  }
0x24: {  	s3 =	sadd.s32 $0x88, s3;
	s6 =	simm.s32 @!p1 $0x1082;
	[sflag:s4] =	ssyncset.s32 $0xFFFFF086  }
0x25: {  	[simem:s6], [sflag:s4] =	dma.local [hbm:s3], $0xF7A  }
0x26: {  	[smem:$0x3F99] =	sst s1;
	(tag) =	ssettag s2;
	_ =	strace s9  }
0x27: {  	s1 =	sld [smem:$0x3FA9]  }
0x28: {  	s2 =	sld [smem:$0x3FAA]  }
0x29: {  	s4 =	sld [smem:$0x3FAC]  }
0x2a: {  	p0 =	seq.s32 s5, $0x0;
	s5 =	sld [smem:$0x3FAD]  }
0x2b: {  	s6 =	sld [smem:$0x3FAE]  }
0x2c: {  	s7 =	sld [smem:$0x3FAF]  }
0x2d: {  	s3 =	simm.s32 $0x108;
	s8 =	sld [smem:$0x3FB0]  }
0x2e: {  	s3 =	simm.s32 @!p0 $0x1082;
	s9 =	sld [smem:$0x3FB1]  }
0x2f: {  	lr =	sadd.s32 s0, s3;
	s0 =	sld [smem:$0x3FA8]  }
0x30: {  	s3 =	sld [smem:$0x3FAB]  }
0x31: {  	[smem:$0x3FB4] =	sst s10  }
0x32: {  	s10 =	sld [smem:$0x3FB2];
	_ =	sdelay $0x3  }
0x33: {  	p0 =	seq.s32 s10, $0x1;
	s10 =	sld [smem:$0x3FB4];
	_ =	sdelay $0x3  }
0x34: {  	[smem:$0x3FB4] =	sst s10  }
0x35: {  	s10 =	sld [smem:$0x3FB3];
	_ =	sdelay $0x3  }
0x36: {  	p1 =	seq.s32 s10, $0x1;
	s10 =	sld [smem:$0x3FB4];
	_ =	sdelay $0x3  }
0x37: {  	[smem:$0x3FB4] =	sst s10  }
0x38: {  	s10 =	sld [smem:$0x3FB5]  }
0x39: {  	_ = 	snop;
	(pc) =	sbr.ind lr, $3  }
0x3a: {  	_ = 	snop  }
0x3b: {  	_ = 	snop  }
0x3c: {  	p2 =	seq.s32 s10, $0x1;
	s10 =	sld [smem:$0x3FB4]  }
0x3d: {  	_ =	shalt  }
0x3e: {  	_ =	shalt  }
0x3f: {  	_ =	shalt  }
0x40: {  	_ =	shalt  }
0x41: {  	_ =	shalt  }
0x42: {  	_ =	shalt  }
0x43: {  	_ =	shalt  }
0x44: {  	_ =	shalt  }
0x45: {  	_ =	shalt  }
0x46: {  	_ =	shalt  }
0x47: {  	_ =	shalt  }
0x48: {  	_ =	shalt  }
0x49: {  	_ =	shalt  }
0x4a: {  	_ =	shalt  }
0x4b: {  	_ =	shalt  }
0x4c: {  	_ =	shalt  }
0x4d: {  	_ =	shalt  }
0x4e: {  	_ =	shalt  }
0x4f: {  	_ =	shalt  }
0x50: {  	_ =	shalt  }
0x51: {  	_ =	shalt  }
0x52: {  	_ =	shalt  }
0x53: {  	_ =	shalt  }
0x54: {  	_ =	shalt  }
0x55: {  	_ =	shalt  }
0x56: {  	_ =	shalt  }
0x57: {  	_ =	shalt  }
0x58: {  	_ =	shalt  }
0x59: {  	_ =	shalt  }
0x5a: {  	_ =	shalt  }
0x5b: {  	_ =	shalt  }
0x5c: {  	_ =	shalt  }
0x5d: {  	_ =	shalt  }
0x5e: {  	_ =	shalt  }
0x5f: {  	_ =	shalt  }
0x60: {  	_ =	shalt  }
0x61: {  	_ =	shalt  }
0x62: {  	_ =	shalt  }
0x63: {  	_ =	shalt  }
0x64: {  	_ =	shalt  }
0x65: {  	_ =	shalt  }
0x66: {  	_ =	shalt  }
0x67: {  	_ =	shalt  }
0x68: {  	_ =	shalt  }
0x69: {  	_ =	shalt  }
0x6a: {  	_ =	shalt  }
0x6b: {  	_ =	shalt  }
0x6c: {  	_ =	shalt  }
0x6d: {  	_ =	shalt  }
0x6e: {  	_ =	shalt  }
0x6f: {  	_ =	shalt  }
0x70: {  	_ =	shalt  }
0x71: {  	_ =	shalt  }
0x72: {  	_ =	shalt  }
0x73: {  	_ =	shalt  }
0x74: {  	_ =	shalt  }
0x75: {  	_ =	shalt  }
0x76: {  	_ =	shalt  }
0x77: {  	_ =	shalt  }
0x78: {  	_ =	shalt  }
0x79: {  	_ =	shalt  }
0x7a: {  	_ =	shalt  }
0x7b: {  	_ =	shalt  }
0x7c: {  	_ =	shalt  }
0x7d: {  	_ =	shalt  }
0x7e: {  	_ =	shalt  }
0x7f: {  	_ =	shalt  }
0x80: {  	_ =	shalt  }
0x81: {  	_ =	shalt  }
0x82: {  	_ =	shalt  }
0x83: {  	_ =	shalt  }
0x84: {  	_ =	shalt  }
0x85: {  	_ =	shalt  }
0x86: {  	_ =	shalt  }
0x87: {  	_ =	shalt  }
.Lfunc_end0:
.L_simem_size_0:
called_computation_lowered:
.L_overlay_start_0:
0x88: {  	s2 =	sld [smem:$0x3FD9]  }
0x89: {  	s3 =	sld [smem:$0x3FFE];
	_ =	sdelay $0x1  }
0x8a: {  	s1 =	srdreg.scid  }
0x8b: {  	s0 =	sand.u32 $0x1, s1  }
0x8c: {  	s16 =	sshll.u32 s0, $0xA;
	s2 =	sadd.s32 s3, s2  }
0x8d: {  	s2 =	sadd.s32 s2, s16  }
0x8e: {  	[smem:$0x3FC0] =	sst s2  }
0x8f: {  	_ = 	snop  }
0x90: {  	(tm) =	ssettm $0x1  }
0x91: {  	s17 =	sld [smem:$0x3FFB];
	_ =	sdelay $0x3  }
0x92: {  	_ =	strace s17  }
0x93: {  	s2 =	sld [smem:$0x3FFC];
	_ =	sdelay $0x3  }
0x94: {  	_ =	strace s2  }
0x95: {  	s2 =	sld [smem:$0x3FFD];
	_ =	sdelay $0x3  }
0x96: {  	_ =	strace s2  }
0x97: {  	_ =	strace $0x8FFFFFFF  }
0x98: {  	s18 =	sld [smem:$0x3FDB];
	_ =	sdelay $0x1  }
0x99: {  	s19 =	simm.s32 $_scs_section_size  }
0x9a: {  	s4 =	simm.s32 $_size__tile_overlayer_lowered;
	s5 =	simm.s32 $_tile_overlayer_lowered  }
0x9b: {  	s22 =	simm.s32 $0x1BFF;
	s21 =	sshll.u32 s5, $0x1;
	s2 =	sadd.s32 s19, s18  }
0x9c: {  	s6 =	simm.s32 $0x0;
	s20 =	sshll.u32 s4, $0x1;
	s4 =	sadd.s32 s21, s2  }
0x9d: {  	[timem:s6], [sflag:s22] =	dma.local [hbm:s4], s20  }
0x9e: {  	_ =	swait.ge [sflag:s22], s20  }
0x9f: {  	s3 =	ssub.s32 $0x0, s20;
	[sflag:s22] =	ssyncset.done $0x0  }
0xa0: {  	[sflag:s22] =	ssyncadd.s32 s3;
	_ =	sdelay $0x1  }
0xa1: {  	s23 =	simm.s32 $0x1B8B  }
0xa2: {  	_ =	swait.ge [sflag:s23], $0x1  }
0xa3: {  	[sflag:s23] =	ssyncset.done $0x0  }
0xa4: {  	s25 =	simm.s32 $0x1B8E;
	s24 =	sld [smem:$0x3FFE];
	[sflag:s23] =	ssyncadd.s32 $0xFFFFFFFF  }
0xa5: {  	s26 =	simm.s32 $execute0_lowered;
	[smem:$0x3FD2] =	sst s25  }
0xa6: {  	s4 =	sshll.u32 s26, $0x1;
	_ =	strace $0x80000046;
	[dreg:$0x1] =	wrdreg $0xFFFFFFFF  }
0xa7: {  	s28 =	simm.s32 $_size_execute0_lowered;
	s2 =	sadd.s32 s2, s4;
	[dreg:$0x0] =	wrdreg $0x0  }
0xa8: {  	s4 =	sshll.u32 s28, $0x1;
	[dreg:$0x2] =	wrdreg s2  }
0xa9: {  	[dreg:$0x3] =	wrdreg s4  }
0xaa: {  	[dreg:$0x4] =	wrdreg $0xC0  }
0xab: {  	_ =	task [dreg:s6], $0x5FFFF  }
0xac: {  	[dreg:$0x1] =	wrdreg $0xFFFFFFFF  }
0xad: {  	[dreg:$0x0] =	wrdreg $0x60  }
0xae: {  	[dreg:$0x2] =	wrdreg s24  }
0xaf: {  	[dreg:$0x3] =	wrdreg $0x0  }
0xb0: {  	[dreg:$0x4] =	wrdreg $0x9  }
0xb1: {  	_ =	task.clear_ibuf [dreg:s6], $0x5FFFF;
	_ =	strace $0x90000046  }
0xb2: {  	s29 =	simm.s32 $0x9;
	_ =	strace $0x80000048  }
0xb3: {  	_ =	swait.ge [sflag:s29], $0x1  }
0xb4: {  	[sflag:s29] =	ssyncadd.s32 $0xFFFFFFFF  }
0xb5: {  	_ =	strace $0x90000048  }
0xb6: {  	_ =	sfence  }
0xb7: {  	s30 =	sld [smem:$0x0];
	_ =	sdelay $0x2  }
0xb8: {  	s31 =	sshll.u32 s1, $0xD;
	s1 =	sshrl.u32 s1, $0x2  }
0xb9: {  	s3 =	sand.u32 $0x4000, s31;
	s1 =	sadd.s32 s1, s30  }
0xba: {  	s0 =	sor.u32 s3, s0;
	s1 =	sshll.u32 s1, $0x11  }
0xbb: {  	s0 =	sor.u32 s1, s0  }
0xbc: {  	s0 =	sadd.s32 $0x8F2B, s0  }
0xbd: {  	[sflag:s0] =	ssyncadd.remote.s32 $0x1  }
0xbe: {  	_ =	sfence.sel $0xFFFF  }
0xbf: {  	[dreg:$0x0] =	wrdreg $0xFFFFFFFF;
	(pc) =	sbr.abs _section_cstart, $3  }
0xc0: {  	[dreg:$0x1] =	wrdreg $0xFFFFFFFF  }
0xc1: {  	_ =	task.clear_ibuf [dreg:s6], $0x2FFFF;
	_ =	strace $0x9FFFFFFF  }
0xc2: {  	(tm) =	ssettm $0x7FFFFFFF  }
0xc3: {  	_ =	shalt  }
tec
execute0_lowered:
.L_overlay_start_1:
0x0: {  	(tag) =	ssettag $0x1  }
0x1: {  	s0 =	rddreg [dreg:$0x0]  }
0x2: {  	s2 =	rddreg [dreg:$0x1];
	s3 =	simm.s32 $0x0;
	s1 =	srdreg.scid  }
0x3: {  	s9 =	stileid.u32;
	s28 =	simm.s32 $0x500;
	s29 =	simm.s32 $0x3  }
0x4: {  	s30 =	simm.s32 $0x5;
	[smem:$0x7FF] =	sst s3;
	s4 =	smul.u32 $0x500, s9  }
0x5: {  	s1 =	sand.u32 $0x1, s1;
	s7 =	smul.u32 $0xA00, s9;
	_ =	strace $0x80000047  }
0x6: {  	s5 =	sshll.u32 s1, $0x7;
	s6 =	sshll.u32 s1, $0x4;
	s19 =	ssub.s32 $0x2, s1  }
0x7: {  	s1 =	smul.u32 $0x27100, s1;
	s5 =	sor.u32 s5, s4;
	s6 =	sor.u32 s9, s6  }
0x8: {  	s4 =	sadd.s32 $0x2A00, s0;
	s8 =	sshrl.u32 s19, $0x1;
	s9 =	smul.u32 $0x2710, s9  }
0x9: {  	s7 =	sshrl.u32 s7, $0x2;
	s5 =	sshrl.u32 s5, $0x3;
	s6 =	smul.u32 $0x2710, s6  }
0xa: {  	s12 =	ssub.s32 s19, s8;
	s19 =	simm.s32 $0x6;
	s0 =	sadd.s32 s5, s0  }
0xb: {  	s1 =	sadd.s32 s9, s1;
	s25 =	smax.u32 s12, $0x1;
	s6 =	sshrl.u32 s6, $0x3  }
0xc: {  	s13 =	sadd.s32 $0x2D0, s1;
	s0 =	sadd.s32 $0xC800, s0;
	[dreg:$0x8] =	wrdreg s25  }
0xd: {  	s26 =	sadd.s32 $0x280, s1;
	s15 =	sadd.s32 $0x230, s1;
	s16 =	sadd.s32 $0x1E0, s1  }
0xe: {  	s18 =	sadd.s32 $0x190, s1;
	s25 =	simm.s32 $0x1;
	s1 =	simm.s32 $0x0  }
0xf: {  	s5 =	sadd.s32 s4, s6;
	s6 =	sadd.s32 s7, s2;
	[dreg:$0x7] =	wrdreg s0  }
0x10: {  	s24 =	sshrl.u32 s13, $0x3;
	s0 =	sshrl.u32 s26, $0x3;
	s31 =	sshrl.u32 s15, $0x3  }
0x11: {  	s16 =	sshrl.u32 s16, $0x3;
	s26 =	simm.s32 $0x50;
	s20 =	sadd.s32 $0xA, s5  }
.Ltmp0:
0x12: {  	s21 =	sadd.s32 $0x14, s5;
	s22 =	sadd.s32 $0x1E, s5;
	(pc) =	sbr.rel .LBB2_1-.Ltmp0, $4  }
0x13: {  	s23 =	sadd.s32 $0x28, s5;
	s13 =	sadd.s32 s24, s4;
	[dreg:$0x3] =	wrdreg s20  }
0x14: {  	s14 =	sadd.s32 s0, s4;
	s15 =	sadd.s32 s31, s4;
	[dreg:$0x4] =	wrdreg s21  }
0x15: {  	s16 =	sadd.s32 s16, s4;
	s24 =	simm.s32 $0x480;
	[dreg:$0x5] =	wrdreg s22  }
0x16: {  	v0 =	vimm.f32 $0.0e+00;
	v1 =	vimm.f32 $1.000000000e+00;
	[dreg:$0x6] =	wrdreg s23;
	s20 =	simm.s32 $0x280;
	s22 =	simm.s32 $0x380  }
.LBB2_4:
0x17: {  	s0 =	stileid.u32;
	[bflag:$0x0] =	sbarrier.arrive $0xFFFF  }
0x18: {  	s7 =	sshrl.u32 s6, $0x3;
	s9 =	simm.s32 $0x20;
	s0 =	sshll.u32 s0, $0x6  }
0x19: {  	s10 =	simm.s32 $0x10;
	s8 =	rddreg [dreg:$0x7];
	s0 =	sor.u32 $0x1C06, s0  }
0x1a: {  	[hbm:s8@s9], [sflag:s0] =	dma.strided [spmem:s7@s10], $0x50, s25, $0x10   }
0x1b: {  	_ =	swait.ge [sflag:s19], $0x50  }
0x1c: {  	s1 =	sadd.s32 $0x1, s1;
	s31 =	rddreg [dreg:$0x8]  }
0x1d: {  	p0 =	sne.s32 s1, s31  }
.Ltmp1:
0x1e: {  	_ = 	snop;
	(pc) =	sbr.rel @!p0 .LBB2_5-.Ltmp1, $3  }
0x1f: {  	_ =	sdelay $0x1  }
0x20: {  	[sflag:s19] =	ssyncset.done $0x0  }
0x21: {  	[sflag:s19] =	ssyncadd.s32 $0xFFFFFFB0  }
.LBB2_1:
0x22: {  	[tilespmem:$0x580] =	vst v0  }
0x23: {  	[tilespmem:$0x590] =	vst v0  }
0x24: {  	[tilespmem:$0x5A0] =	vst v0  }
0x25: {  	[tilespmem:$0x5B0] =	vst v0  }
0x26: {  	[tilespmem:$0x5C0] =	vst v0  }
0x27: {  	[tilespmem:$0x5D0] =	vst v0  }
0x28: {  	[tilespmem:$0x5E0] =	vst v0  }
0x29: {  	[tilespmem:$0x5F0] =	vst v0  }
0x2a: {  	[tilespmem:$0x600] =	vst v0  }
0x2b: {  	[tilespmem:$0x610] =	vst v0  }
0x2c: {  	[tilespmem:$0x620] =	vst v0  }
0x2d: {  	[tilespmem:$0x630] =	vst v0  }
0x2e: {  	[tilespmem:$0x640] =	vst v0  }
0x2f: {  	[tilespmem:$0x650] =	vst v0  }
0x30: {  	[tilespmem:$0x660] =	vst v0  }
0x31: {  	[tilespmem:$0x670] =	vst v0  }
0x32: {  	[tilespmem:$0x680] =	vst v0  }
0x33: {  	[tilespmem:$0x690] =	vst v0  }
0x34: {  	[tilespmem:$0x6A0] =	vst v0  }
0x35: {  	[tilespmem:$0x6B0] =	vst v0  }
0x36: {  	[tilespmem:$0x6C0] =	vst v0  }
0x37: {  	[tilespmem:$0x6D0] =	vst v0  }
0x38: {  	[tilespmem:$0x6E0] =	vst v0  }
0x39: {  	[tilespmem:$0x6F0] =	vst v0  }
0x3a: {  	[tilespmem:$0x700] =	vst v0  }
0x3b: {  	[tilespmem:$0x710] =	vst v0  }
0x3c: {  	[tilespmem:$0x720] =	vst v0  }
0x3d: {  	[tilespmem:$0x730] =	vst v0  }
0x3e: {  	[tilespmem:$0x740] =	vst v0  }
0x3f: {  	[tilespmem:$0x750] =	vst v0  }
0x40: {  	[tilespmem:$0x760] =	vst v0  }
0x41: {  	[tilespmem:$0x770] =	vst v0  }
0x42: {  	[tilespmem:$0x780] =	vst v0  }
0x43: {  	[tilespmem:$0x790] =	vst v0  }
0x44: {  	[tilespmem:$0x7A0] =	vst v0  }
0x45: {  	[tilespmem:$0x7B0] =	vst v0  }
0x46: {  	[tilespmem:$0x7C0] =	vst v0  }
0x47: {  	[tilespmem:$0x7D0] =	vst v0  }
0x48: {  	[tilespmem:$0x7E0] =	vst v0  }
0x49: {  	[tilespmem:$0x7F0] =	vst v0;
	s0 =	simm.s32 $0x580  }
0x4a: {  	[spmem:s6] =	stream.linear.scatter [tilespmem:s0], [sflag:$0x6], $0x280, $0x38;
	[tilespmem:$0x800] =	vst v63  }
0x4b: {  	_ =	swait.ge [sflag:s19], $0x280  }
0x4c: {  	[sflag:s19] =	ssyncset.done $0x0  }
0x4d: {  	[sflag:s19] =	ssyncadd.s32 $0xFFFFFD80  }
0x4e: {  	[tilespmem:$0x500] =	vst v1  }
0x4f: {  	[tilespmem:$0x510] =	vst v1  }
0x50: {  	[tilespmem:$0x520] =	vst v1  }
0x51: {  	[tilespmem:$0x530] =	vst v1  }
0x52: {  	[tilespmem:$0x540] =	vst v1  }
0x53: {  	[bflag:$0x0] =	sbarrier.arrive $0xFFFF  }
0x54: {  	[tilespmem:s20], [sflag:$0x1] =	stream.linear.gather [hbm4b:s5+s3], $0x50, $0x38;
	[tilespmem:$0x800] =	vst v63  }
0x55: {  	s7 =	simm.s32 $0x300;
	s12 =	rddreg [dreg:$0x3]  }
0x56: {  	[tilespmem:s7], [sflag:$0x2] =	stream.linear.gather [hbm4b:s12+s3], $0x50, $0x38;
	[tilespmem:$0x800] =	vst v63  }
0x57: {  	s17 =	rddreg [dreg:$0x4]  }
0x58: {  	[tilespmem:s22], [sflag:$0x3] =	stream.linear.gather [hbm4b:s17+s3], $0x50, $0x38;
	[tilespmem:$0x800] =	vst v63  }
0x59: {  	s23 =	simm.s32 $0x400;
	s21 =	rddreg [dreg:$0x5]  }
0x5a: {  	[tilespmem:s23], [sflag:$0x4] =	stream.linear.gather [hbm4b:s21+s3], $0x50, $0x38;
	[tilespmem:$0x800] =	vst v63  }
0x5b: {  	s31 =	rddreg [dreg:$0x6];
	s17 =	smov.u32 s18;
	s21 =	simm.s32 $0x0  }
0x5c: {  	[tilespmem:s24], [sflag:$0x5] =	stream.linear.gather [hbm4b:s31+s3], $0x50, $0x38;
	[tilespmem:$0x800] =	vst v63  }
.LBB2_2:
0x5d: {  	_ =	swait.ge [sflag:s25], $0x50  }
0x5e: {  	[sflag:s25] =	ssyncset.done $0x0  }
0x5f: {  	[sflag:s25] =	ssyncadd.s32 $0xFFFFFFB0  }
0x60: {  	[spmem:s2] =	stream.indirect.scatter.add.f32 [tilespmem:s28], [sflag:$0x6], $0x1, s20, s26, $0xb8;
	[tilespmem:$0x800] =	vst v63  }
0x61: {  	_ =	swait.ge [sflag:s19], $0x50  }
0x62: {  	p0 =	seq.s32 s21, $0x4B0;
	[sflag:s19] =	ssyncset.done $0x0  }
0x63: {  	s23 =	simm.s32 @p0 $0x2;
	[sflag:s19] =	ssyncadd.s32 $0xFFFFFFB0  }
0x64: {  	_ =	swait.ge @p0 [sflag:s23], $0x50  }
0x65: {  	s31 =	simm.s32 @p0 $0x300;
	[sflag:s23] =	ssyncset.done @p0 $0x0  }
0x66: {  	s0 =	simm.s32 @p0 $0x500;
	[sflag:s23] =	ssyncadd.s32 @p0 $0xFFFFFFB0;
	s23 =	simm.s32 @p0 $0x50  }
0x67: {  	[spmem:s2] =	stream.indirect.scatter.add.f32 @p0 [tilespmem:s0], [sflag:$0x6], $0x1, s31, s23, $0xb8;
	[tilespmem:$0x800] =	vst v63  }
0x68: {  	s31 =	simm.s32 @p0 $0x6  }
0x69: {  	_ =	swait.ge @p0 [sflag:s31], $0x50  }
0x6a: {  	s7 =	sshrl.u32 @!p0 s17, $0x3;
	s8 =	simm.s32 @!p0 $0x0;
	[sflag:s31] =	ssyncset.done @p0 $0x0  }
0x6b: {  	s9 =	simm.s32 @!p0 $0x280;
	s7 =	sadd.s32 @!p0 s4, s7;
	[sflag:s31] =	ssyncadd.s32 @p0 $0xFFFFFFB0  }
0x6c: {  	[tilespmem:s9], [sflag:$0x1] =	stream.linear.gather @!p0 [hbm4b:s7+s8], $0x50, $0x38;
	[tilespmem:$0x800] =	vst v63  }
0x6d: {  	s7 =	simm.s32 @!p0 $0x2  }
0x6e: {  	_ =	swait.ge @!p0 [sflag:s7], $0x50  }
0x6f: {  	s10 =	simm.s32 @!p0 $0x500;
	s11 =	simm.s32 @!p0 $0x6;
	[sflag:s7] =	ssyncset.done @!p0 $0x0  }
0x70: {  	s9 =	simm.s32 @!p0 $0x300;
	[sflag:s7] =	ssyncadd.s32 @!p0 $0xFFFFFFB0;
	s7 =	simm.s32 @!p0 $0x50  }
0x71: {  	[spmem:s2] =	stream.indirect.scatter.add.f32 @!p0 [tilespmem:s10], [sflag:$0x6], $0x1, s9, s7, $0xb8;
	[tilespmem:$0x800] =	vst v63  }
0x72: {  	_ =	swait.ge @!p0 [sflag:s11], $0x50  }
0x73: {  	[sflag:s11] =	ssyncset.done @!p0 $0x0  }
0x74: {  	s12 =	sadd.s32 @!p0 s21, s16;
	[sflag:s11] =	ssyncadd.s32 @!p0 $0xFFFFFFB0  }
0x75: {  	[tilespmem:s9], [sflag:$0x2] =	stream.linear.gather @!p0 [hbm4b:s12+s8], $0x50, $0x38;
	[tilespmem:$0x800] =	vst v63  }
0x76: {  	_ =	swait.ge [sflag:s29], $0x50  }
0x77: {  	[sflag:s29] =	ssyncset.done $0x0  }
0x78: {  	[sflag:s29] =	ssyncadd.s32 $0xFFFFFFB0  }
0x79: {  	[spmem:s2] =	stream.indirect.scatter.add.f32 [tilespmem:s28], [sflag:$0x6], $0x1, s22, s26, $0xb8;
	[tilespmem:$0x800] =	vst v63  }
0x7a: {  	_ =	swait.ge [sflag:s19], $0x50  }
0x7b: {  	[sflag:s19] =	ssyncset.done $0x0  }
0x7c: {  	s9 =	simm.s32 @p0 $0x4;
	[sflag:s19] =	ssyncadd.s32 $0xFFFFFFB0  }
0x7d: {  	_ =	swait.ge @p0 [sflag:s9], $0x50  }
0x7e: {  	[sflag:s9] =	ssyncset.done @p0 $0x0  }
0x7f: {  	[sflag:s9] =	ssyncadd.s32 @p0 $0xFFFFFFB0;
	s9 =	simm.s32 @p0 $0x400  }
0x80: {  	[spmem:s2] =	stream.indirect.scatter.add.f32 @p0 [tilespmem:s0], [sflag:$0x6], $0x1, s9, s23, $0xb8;
	[tilespmem:$0x800] =	vst v63  }
0x81: {  	_ =	swait.ge @p0 [sflag:s31], $0x50  }
0x82: {  	[sflag:s31] =	ssyncset.done @p0 $0x0  }
0x83: {  	s0 =	sadd.s32 @!p0 s21, s15;
	s9 =	simm.s32 @!p0 $0x380;
	[sflag:s31] =	ssyncadd.s32 @p0 $0xFFFFFFB0  }
0x84: {  	[tilespmem:s9], [sflag:$0x3] =	stream.linear.gather @!p0 [hbm4b:s0+s8], $0x50, $0x38;
	[tilespmem:$0x800] =	vst v63  }
0x85: {  	s0 =	simm.s32 @!p0 $0x4  }
0x86: {  	_ =	swait.ge @!p0 [sflag:s0], $0x50  }
0x87: {  	[sflag:s0] =	ssyncset.done @!p0 $0x0  }
0x88: {  	[sflag:s0] =	ssyncadd.s32 @!p0 $0xFFFFFFB0;
	s0 =	simm.s32 @!p0 $0x400  }
0x89: {  	[spmem:s2] =	stream.indirect.scatter.add.f32 @!p0 [tilespmem:s10], [sflag:$0x6], $0x1, s0, s7, $0xb8;
	[tilespmem:$0x800] =	vst v63  }
0x8a: {  	_ =	swait.ge @!p0 [sflag:s11], $0x50  }
0x8b: {  	[sflag:s11] =	ssyncset.done @!p0 $0x0  }
0x8c: {  	s7 =	sadd.s32 @!p0 s21, s14;
	[sflag:s11] =	ssyncadd.s32 @!p0 $0xFFFFFFB0  }
0x8d: {  	[tilespmem:s0], [sflag:$0x4] =	stream.linear.gather @!p0 [hbm4b:s7+s8], $0x50, $0x38;
	[tilespmem:$0x800] =	vst v63  }
0x8e: {  	_ =	swait.ge [sflag:s30], $0x50  }
0x8f: {  	[sflag:s30] =	ssyncset.done $0x0  }
.Ltmp2:
0x90: {  	[sflag:s30] =	ssyncadd.s32 $0xFFFFFFB0;
	(pc) =	sbr.rel @p0 .LBB2_4-.Ltmp2, $4  }
0x91: {  	[spmem:s2] =	stream.indirect.scatter.add.f32 [tilespmem:s28], [sflag:$0x6], $0x1, s24, s26, $0xb8;
	[tilespmem:$0x800] =	vst v63  }
0x92: {  	_ =	swait.ge [sflag:s19], $0x50  }
0x93: {  	[sflag:s19] =	ssyncset.done $0x0  }
0x94: {  	[sflag:s19] =	ssyncadd.s32 $0xFFFFFFB0  }
.Ltmp3:
0x95: {  	(pc) =	sbr.rel .LBB2_2-.Ltmp3, $3  }
0x96: {  	_ =	sdelay $0x1  }
0x97: {  	s0 =	sadd.s32 s21, s13;
	s21 =	sadd.s32 $0x32, s21;
	s17 =	sadd.s32 $0x190, s17  }
0x98: {  	[tilespmem:s24], [sflag:$0x5] =	stream.linear.gather [hbm4b:s0+s3], $0x50, $0x38;
	[tilespmem:$0x800] =	vst v63  }
.LBB2_5:
0x99: {  	_ =	sfence.sel $0x180000  }
0x9a: {  	[bflag:$0x0] =	sbarrier.arrive $0xFFFF  }
0x9b: {  	_ =	strace $0x90000047  }
0x9c: {  	s0 =	stileid.u32;
	[bflag:$0x2] =	sbarrier.arrive $0xFFFF  }
0x9d: {  	p0 =	sne.s32 s0, $0x0;
	s0 =	rddreg [dreg:$0x2]  }
0x9e: {  	s0 =	sadd.s32 @!p0 $0x100000, s0  }
0x9f: {  	[sflag:s0] =	ssyncadd.tile.s32 @!p0 $0x1;
	_ =	shalt  }
.Lfunc_end2:
_tile_overlayer_lowered:
.L_overlay_start_2:
0xa0: {  	(tag) =	ssettag $0x2  }
0xa1: {  	s0 =	rddreg [dreg:$0x0];
	s2 =	stileid.u32  }
0xa2: {  	s1 =	rddreg [dreg:$0x1];
	p0 =	sne.s32 s2, $0x0  }
0xa3: {  	s3 =	rddreg [dreg:$0x2];
	[bflag:$0x3] =	sbarrier.arrive $0xFFFF;
	s2 =	simm.s32 @!p0 $0x1C06  }
0xa4: {  	[timem:s3], [sflag:s2] =	dma.local @!p0 [hbm:s0], s1  }
0xa5: {  	s0 =	simm.s32 @!p0 $0x6  }
0xa6: {  	_ =	swait.ge @!p0 [sflag:s0], s1  }
0xa7: {  	s1 =	ssub.s32 @!p0 $0x0, s1;
	[sflag:s0] =	ssyncset.done @!p0 $0x0  }
0xa8: {  	[sflag:s0] =	ssyncadd.s32 @!p0 s1  }
0xa9: {  	[bflag:$0x3] =	sbarrier.arrive $0xFFFF  }
0xaa: {  	_ =	shalt  }

</sc_bundles>
